<compile_context>
chip_gen: v7x
topology: tpu7x:2x2x1
jax: 0.10.2.dev20260603
libtpu: 0.0.44.dev20260713+nightly
codegen_flags: <defaults>
</compile_context>

<pallas_src>
import functools

import jax
import jax.numpy as jnp
from jax import lax
from jax.experimental import pallas as pl
from jax.experimental.pallas import tpu as pltpu
from jax.experimental.pallas import tpu_sc as plsc

LANES = 128


def _shuffle_body(hid, nw, dpad, t_ref, o_ref):
    vb = t_ref.shape[0]
    half = hid // 2
    npk = nw * half
    x = t_ref[...]
    lo = lax.bitcast_convert_type(x[:, :npk], jnp.uint32)
    hi = lax.bitcast_convert_type(x[:, npk : 2 * npk], jnp.uint32)
    lo_r = (lo + 0x7FFF + ((lo >> 16) & 1)) >> 16
    hi_r = (hi + 0x7FFF + ((hi >> 16) & 1)) >> 16
    packed = (lo_r | (hi_r << 16)).reshape(vb, half, nw)
    pt = jnp.transpose(packed, (0, 2, 1)).reshape(vb, npk)
    o_ref[:, :npk] = lax.bitcast_convert_type(pt, jnp.float32)
    o_ref[:, npk:] = jnp.zeros((vb, dpad - npk), jnp.float32)


def _shuffle_table(table, hid, nw, dpad):
    v1, emb = table.shape
    vb = 96
    return pl.pallas_call(
        functools.partial(_shuffle_body, hid, nw, dpad),
        grid=((v1 + vb - 1) // vb,),
        in_specs=[pl.BlockSpec((vb, emb), lambda i: (i, 0))],
        out_specs=pl.BlockSpec((vb, dpad), lambda i: (i, 0)),
        out_shape=jax.ShapeDtypeStruct((v1, dpad), jnp.float32),
    )(table)


def _sc_gather(tsh, tok):
    n, d = tok.shape[0], tsh.shape[1]
    info = plsc.get_sparse_core_info()
    nworkers = info.num_cores * info.num_subcores
    span = -(-n // (nworkers * 8)) * 8
    c1 = (span // 2 + 7) // 8 * 8
    c2 = span - c1
    assert n % 8 == 0 and span >= 8 and c2 >= 8

    mesh = plsc.VectorSubcoreMesh(core_axis_name="c", subcore_axis_name="s")

    @functools.partial(
        pl.kernel,
        mesh=mesh,
        out_type=jax.ShapeDtypeStruct((n, d), jnp.float32),
        scratch_types=[
            pltpu.VMEM((c1,), jnp.int32),
            pltpu.VMEM((c2,), jnp.int32),
            pltpu.VMEM((c1, d), jnp.float32),
            pltpu.VMEM((c2, d), jnp.float32),
            pltpu.SemaphoreType.DMA,
            pltpu.SemaphoreType.DMA,
            pltpu.SemaphoreType.DMA,
        ],
    )
    def k(tsh_hbm, tok_hbm, out_hbm, idx1, idx2, buf1, buf2, sg1, sg2, sw):
        wid = lax.axis_index("s") * info.num_cores + lax.axis_index("c")
        start = pl.multiple_of(jnp.minimum(wid * span, n - span), 8)
        pltpu.sync_copy(tok_hbm.at[pl.ds(start, c1)], idx1)
        pltpu.sync_copy(tok_hbm.at[pl.ds(start + c1, c2)], idx2)
        g1 = pltpu.async_copy(tsh_hbm.at[idx1], buf1, sg1)
        g2 = pltpu.async_copy(tsh_hbm.at[idx2], buf2, sg2)
        g1.wait()
        w1 = pltpu.async_copy(buf1, out_hbm.at[pl.ds(start, c1)], sw)
        g2.wait()
        w2 = pltpu.async_copy(buf2, out_hbm.at[pl.ds(start + c1, c2)], sw)
        w1.wait()
        w2.wait()

    return k(tsh, tok)


def _proj_body(hid, nw, g_ref, wlo_ref, whi_ref, b_ref, *rest):
    o_ref = rest[-1]
    wlo = wlo_ref[...]
    whi = whi_ref[...]
    bias = b_ref[...]
    out_d = bias.shape[0]
    ngroups = -(-nw // 4)
    for p in range(ngroups):
        u = lax.bitcast_convert_type(g_ref[:, p * 128 : (p + 1) * 128], jnp.uint32)
        a_lo = lax.bitcast_convert_type(u << 16, jnp.float32)
        a_hi = lax.bitcast_convert_type(u & jnp.uint32(0xFFFF0000), jnp.float32)
        o4 = lax.dot_general(wlo, a_lo, (((1,), (1,)), ((), ())),
                             preferred_element_type=jnp.float32)
        o4 = o4 + lax.dot_general(whi, a_hi, (((1,), (1,)), ((), ())),
                                  preferred_element_type=jnp.float32)
        for k in range(min(4, nw - 4 * p)):
            o_ref[0, 4 * p + k, :, :] = o4[k * out_d : (k + 1) * out_d, :] + bias


def _project_slice(g_slice, Wlo4, Whi4, bias2, prev_out, b0, nb, bb, ll, nw,
                   hid, out_d, dpad):
    in_specs = [
        pl.BlockSpec((ll, dpad), lambda i: (i, 0)),
        pl.BlockSpec(Wlo4.shape, lambda i: (0, 0)),
        pl.BlockSpec(Whi4.shape, lambda i: (0, 0)),
        pl.BlockSpec((out_d, 1), lambda i: (0, 0)),
    ]
    args = [g_slice, Wlo4, Whi4, bias2]
    aliases = {}
    if prev_out is not None:
        in_specs.append(pl.BlockSpec(memory_space=pl.ANY))
        args.append(prev_out)
        aliases = {4: 0}
    return pl.pallas_call(
        functools.partial(_proj_body, hid, nw),
        grid=(nb,),
        in_specs=in_specs,
        out_specs=pl.BlockSpec((1, nw, out_d, ll), lambda i, b0=b0: (b0 + i, 0, 0, 0)),
        out_shape=jax.ShapeDtypeStruct((bb, nw, out_d, ll), jnp.float32),
        input_output_aliases=aliases,
    )(*args)


def _blockdiag4(Wh):
    out_d, half = Wh.shape
    z = jnp.zeros((out_d, half), jnp.float32)
    rows = []
    for i in range(4):
        rows.append(jnp.concatenate([Wh if j == i else z for j in range(4)], axis=1))
    return jnp.concatenate(rows, axis=0)


def kernel(batchTokens, table, W, b):
    bb, ll = batchTokens.shape
    v1, emb = table.shape
    out_d, hid = W.shape
    nw = emb // hid
    half = hid // 2
    npk = nw * half
    dpad = ((npk + LANES - 1) // LANES) * LANES

    tsh = _shuffle_table(table, hid, nw, dpad)
    tok = batchTokens.reshape(-1)
    Wlo4 = _blockdiag4(W[:, :half])
    Whi4 = _blockdiag4(W[:, half:])
    bias2 = b.reshape(out_d, 1)

    slice_nb = [bb // 8, bb // 8, bb // 4, bb // 4, bb // 4]
    out = None
    b0 = 0
    for nb in slice_nb:
        g_s = _sc_gather(tsh, tok[b0 * ll : (b0 + nb) * ll])
        out = _project_slice(g_s, Wlo4, Whi4, bias2, out, b0, nb, bb, ll,
                             nw, hid, out_d, dpad)
        b0 += nb
    return jnp.transpose(out, (0, 2, 1, 3))

# --- scband reference (transcript-rebuilt; emitter-appended) ---
"""Pipeline reference for scband-word-trfembed-gen-27135603376405 (READ-ONLY COPY).

The authoritative reference and input builder live on the scoring server;
editing this copy changes nothing except your own understanding.
"""

import math
import jax
import jax.numpy as jnp
import numpy as np

OUT_DIM = 64
HIDDEN_DIM = 64
FS = 64
TMIN_MS = 0
TMAX_MS = 500
# msec2Idxs([tmin,tmax], fs) = range(floor(tmin/1e3*fs), ceil(tmax/1e3*fs)+1)
LAG_IDXS = list(range(int(np.floor(TMIN_MS / 1e3 * FS)), int(np.ceil(TMAX_MS / 1e3 * FS)) + 1))
NWIN = len(LAG_IDXS)  # 33 (tmax*fs/1000 = 32 exactly, so no floor/ceil ambiguity)
VOCAB = 1000  # len(wordsDict); embedding has VOCAB+1 rows, padding_idx=0
EMBED_DIM = NWIN * HIDDEN_DIM  # 2112
B, L = 64, 200


def setup_inputs(seed: int = 0) -> dict:
    key = jax.random.key(seed)
    k1, k2, k3, k4 = jax.random.split(key, 4)
    batchTokens = jax.random.randint(k1, (B, L), 0, VOCAB, dtype=jnp.int32)
    table = jax.random.normal(k2, (VOCAB + 1, EMBED_DIM), dtype=jnp.float32)
    table = table.at[0].set(0.0)  # padding_idx=0 row is zeros
    bound = 1.0 / math.sqrt(HIDDEN_DIM)
    W = jax.random.uniform(k3, (OUT_DIM, HIDDEN_DIM), minval=-bound, maxval=bound, dtype=jnp.float32)
    b = jax.random.uniform(k4, (OUT_DIM,), minval=-bound, maxval=bound, dtype=jnp.float32)
    return {"batchTokens": batchTokens, "table": table, "W": W, "b": b}


def reference(batchTokens, table, W, b):
    # seqLast_pad_zero is a no-op for an already-rectangular batch of token ids
    trfs = jnp.take(table, batchTokens, axis=0)            # [B, L, EMBED_DIM]
    Bb, Ll = batchTokens.shape
    trfs = trfs.reshape(Bb, Ll, HIDDEN_DIM, NWIN)          # [B, L, H, W]
    trfs = jnp.transpose(trfs, (0, 1, 3, 2))               # [B, L, W, H]
    trfs = jnp.einsum('blwh,oh->blwo', trfs, W) + b        # Linear(H -> OUT)
    trfs = jnp.transpose(trfs, (0, 3, 2, 1))               # [B, OUT, W, L]
    return trfs

if __name__ == "__main__":
    import jax
    _d = setup_inputs()
    print(jax.jit(kernel)(*tuple(_d.values())))

</pallas_src>

<mosaic_0001>
#map = affine_map<(d0, d1) -> (0, 0)>
#map1 = affine_map<(d0, d1) -> (0)>
module attributes {stable_mosaic.version = 14 : i64} {
  func.func @k(%arg0: i32, %arg1: i32, %arg2: memref<1001x1152xf32, #tpu.memory_space<hbm>>, %arg3: memref<3200xi32, #tpu.memory_space<hbm>>, %arg4: memref<3200x1152xf32, #tpu.memory_space<hbm>>, %arg5: memref<56xi32, #tpu.memory_space<vmem>>, %arg6: memref<48xi32, #tpu.memory_space<vmem>>, %arg7: memref<56x1152xf32, #tpu.memory_space<vmem>>, %arg8: memref<48x1152xf32, #tpu.memory_space<vmem>>, %arg9: memref<!tpu.dma_semaphore, #tpu.memory_space<semaphore_mem>>, %arg10: memref<!tpu.dma_semaphore, #tpu.memory_space<semaphore_mem>>, %arg11: memref<!tpu.dma_semaphore, #tpu.memory_space<semaphore_mem>>) attributes {dimension_semantics = [#tpu.dimension_semantics<core_parallel>, #tpu.dimension_semantics<subcore_parallel>], iteration_bounds = array<i64: 2, 16>, scalar_prefetch = 0 : i64, scratch_operands = 7 : i64, tpu.core_type = #tpu.core_type<sc_vector_subcore>, window_params = [{transform_indices = #map}, {transform_indices = #map1}, {transform_indices = #map}]} {
    %mul3A = arith.constant 2 : i32
    %mul3A_0 = arith.muli %arg1, %mul3A : i32
    %add3A = arith.addi %mul3A_0, %arg0 : i32
    %mul3A_1 = arith.constant 104 : i32
    %mul3A_2 = arith.muli %add3A, %mul3A_1 : i32
    %min3A = arith.constant 3096 : i32
    %min3A_3 = arith.minsi %mul3A_2, %min3A : i32
    %multiple_of3A = tpu.assume_multiple %min3A_3, 8 : i32
    "tpu.region"() ({
      %run_scoped3A = tpu.sem_alloc : memref<!tpu.dma_semaphore, #tpu.memory_space<semaphore_mem>>
      %dma_start3A_34 = tpu.memref_slice %arg3[%multiple_of3A] : memref<3200xi32, #tpu.memory_space<hbm>> -> memref<56xi32, #tpu.memory_space<hbm>>
      %dma_start3A_35 = tpu.memref_slice %arg3[%multiple_of3A] : memref<3200xi32, #tpu.memory_space<hbm>> -> memref<56xi32, #tpu.memory_space<hbm>>
      tpu.enqueue_dma source(%dma_start3A_35 : memref<56xi32, #tpu.memory_space<hbm>>) target(%arg5 : memref<56xi32, #tpu.memory_space<vmem>>) target_semaphore(%run_scoped3A : memref<!tpu.dma_semaphore, #tpu.memory_space<semaphore_mem>>)
      %dma_wait3A_36 = tpu.memref_slice %arg3[%multiple_of3A] : memref<3200xi32, #tpu.memory_space<hbm>> -> memref<56xi32, #tpu.memory_space<hbm>>
      %dma_wait3A_37 = tpu.memref_slice %arg3[%multiple_of3A] : memref<3200xi32, #tpu.memory_space<hbm>> -> memref<56xi32, #tpu.memory_space<hbm>>
      tpu.wait_dma2 semaphore(%run_scoped3A : memref<!tpu.dma_semaphore, #tpu.memory_space<semaphore_mem>>) src(%dma_wait3A_37 : memref<56xi32, #tpu.memory_space<hbm>>) dst(%arg5 : memref<56xi32, #tpu.memory_space<vmem>>)
      tpu.yield
    }) : () -> ()
    %add3A_4 = arith.constant 56 : i32
    %add3A_5 = arith.addi %multiple_of3A, %add3A_4 : i32
    "tpu.region"() ({
      %run_scoped3A = tpu.sem_alloc : memref<!tpu.dma_semaphore, #tpu.memory_space<semaphore_mem>>
      %dma_start3A_34 = tpu.memref_slice %arg3[%add3A_5] : memref<3200xi32, #tpu.memory_space<hbm>> -> memref<48xi32, #tpu.memory_space<hbm>>
      %dma_start3A_35 = tpu.memref_slice %arg3[%add3A_5] : memref<3200xi32, #tpu.memory_space<hbm>> -> memref<48xi32, #tpu.memory_space<hbm>>
      tpu.enqueue_dma source(%dma_start3A_35 : memref<48xi32, #tpu.memory_space<hbm>>) target(%arg6 : memref<48xi32, #tpu.memory_space<vmem>>) target_semaphore(%run_scoped3A : memref<!tpu.dma_semaphore, #tpu.memory_space<semaphore_mem>>)
      %dma_wait3A_36 = tpu.memref_slice %arg3[%add3A_5] : memref<3200xi32, #tpu.memory_space<hbm>> -> memref<48xi32, #tpu.memory_space<hbm>>
      %dma_wait3A_37 = tpu.memref_slice %arg3[%add3A_5] : memref<3200xi32, #tpu.memory_space<hbm>> -> memref<48xi32, #tpu.memory_space<hbm>>
      tpu.wait_dma2 semaphore(%run_scoped3A : memref<!tpu.dma_semaphore, #tpu.memory_space<semaphore_mem>>) src(%dma_wait3A_37 : memref<48xi32, #tpu.memory_space<hbm>>) dst(%arg6 : memref<48xi32, #tpu.memory_space<vmem>>)
      tpu.yield
    }) : () -> ()
    %dma_start3A = arith.constant 0 : i32
    %dma_start3A_6 = arith.constant 0 : i32
    %dma_start3A_7 = tpu.memref_slice %arg2[%dma_start3A, %dma_start3A_6] : memref<1001x1152xf32, #tpu.memory_space<hbm>> -> memref<1001x1152xf32, #tpu.memory_space<hbm>>
    tpu.enqueue_indirect_dma source(%dma_start3A_7 : memref<1001x1152xf32, #tpu.memory_space<hbm>>) target(%arg7 : memref<56x1152xf32, #tpu.memory_space<vmem>>) offsets(%arg5 : memref<56xi32, #tpu.memory_space<vmem>>) semaphore(%arg9 : memref<!tpu.dma_semaphore, #tpu.memory_space<semaphore_mem>>)
    %dma_start3A_8 = arith.constant 0 : i32
    %dma_start3A_9 = arith.constant 0 : i32
    %dma_start3A_10 = tpu.memref_slice %arg2[%dma_start3A_8, %dma_start3A_9] : memref<1001x1152xf32, #tpu.memory_space<hbm>> -> memref<1001x1152xf32, #tpu.memory_space<hbm>>
    tpu.enqueue_indirect_dma source(%dma_start3A_10 : memref<1001x1152xf32, #tpu.memory_space<hbm>>) target(%arg8 : memref<48x1152xf32, #tpu.memory_space<vmem>>) offsets(%arg6 : memref<48xi32, #tpu.memory_space<vmem>>) semaphore(%arg10 : memref<!tpu.dma_semaphore, #tpu.memory_space<semaphore_mem>>)
    %dma_wait3A = arith.constant 0 : i32
    %dma_wait3A_11 = arith.constant 0 : i32
    %dma_wait3A_12 = tpu.memref_slice %arg2[%dma_wait3A, %dma_wait3A_11] : memref<1001x1152xf32, #tpu.memory_space<hbm>> -> memref<1001x1152xf32, #tpu.memory_space<hbm>>
    tpu.wait_indirect_dma semaphore(%arg9 : memref<!tpu.dma_semaphore, #tpu.memory_space<semaphore_mem>>) src(%dma_wait3A_12 : memref<1001x1152xf32, #tpu.memory_space<hbm>>) dst(%arg7 : memref<56x1152xf32, #tpu.memory_space<vmem>>)
    %dma_start3A_13 = arith.constant 0 : i32
    %dma_start3A_14 = tpu.memref_slice %arg4[%multiple_of3A, %dma_start3A_13] : memref<3200x1152xf32, #tpu.memory_space<hbm>> -> memref<56x1152xf32, #tpu.memory_space<hbm>>
    %dma_start3A_15 = arith.constant 0 : i32
    %dma_start3A_16 = tpu.memref_slice %arg4[%multiple_of3A, %dma_start3A_15] : memref<3200x1152xf32, #tpu.memory_space<hbm>> -> memref<56x1152xf32, #tpu.memory_space<hbm>>
    tpu.enqueue_dma source(%arg7 : memref<56x1152xf32, #tpu.memory_space<vmem>>) target(%dma_start3A_16 : memref<56x1152xf32, #tpu.memory_space<hbm>>) target_semaphore(%arg11 : memref<!tpu.dma_semaphore, #tpu.memory_space<semaphore_mem>>)
    %dma_wait3A_17 = arith.constant 0 : i32
    %dma_wait3A_18 = arith.constant 0 : i32
    %dma_wait3A_19 = tpu.memref_slice %arg2[%dma_wait3A_17, %dma_wait3A_18] : memref<1001x1152xf32, #tpu.memory_space<hbm>> -> memref<1001x1152xf32, #tpu.memory_space<hbm>>
    tpu.wait_indirect_dma semaphore(%arg10 : memref<!tpu.dma_semaphore, #tpu.memory_space<semaphore_mem>>) src(%dma_wait3A_19 : memref<1001x1152xf32, #tpu.memory_space<hbm>>) dst(%arg8 : memref<48x1152xf32, #tpu.memory_space<vmem>>)
    %add3A_20 = arith.constant 56 : i32
    %add3A_21 = arith.addi %multiple_of3A, %add3A_20 : i32
    %dma_start3A_22 = arith.constant 0 : i32
    %dma_start3A_23 = tpu.memref_slice %arg4[%add3A_21, %dma_start3A_22] : memref<3200x1152xf32, #tpu.memory_space<hbm>> -> memref<48x1152xf32, #tpu.memory_space<hbm>>
    %dma_start3A_24 = arith.constant 0 : i32
    %dma_start3A_25 = tpu.memref_slice %arg4[%add3A_21, %dma_start3A_24] : memref<3200x1152xf32, #tpu.memory_space<hbm>> -> memref<48x1152xf32, #tpu.memory_space<hbm>>
    tpu.enqueue_dma source(%arg8 : memref<48x1152xf32, #tpu.memory_space<vmem>>) target(%dma_start3A_25 : memref<48x1152xf32, #tpu.memory_space<hbm>>) target_semaphore(%arg11 : memref<!tpu.dma_semaphore, #tpu.memory_space<semaphore_mem>>)
    %dma_wait3A_26 = arith.constant 0 : i32
    %dma_wait3A_27 = tpu.memref_slice %arg4[%multiple_of3A, %dma_wait3A_26] : memref<3200x1152xf32, #tpu.memory_space<hbm>> -> memref<56x1152xf32, #tpu.memory_space<hbm>>
    %dma_wait3A_28 = arith.constant 0 : i32
    %dma_wait3A_29 = tpu.memref_slice %arg4[%multiple_of3A, %dma_wait3A_28] : memref<3200x1152xf32, #tpu.memory_space<hbm>> -> memref<56x1152xf32, #tpu.memory_space<hbm>>
    tpu.wait_dma2 semaphore(%arg11 : memref<!tpu.dma_semaphore, #tpu.memory_space<semaphore_mem>>) src(%arg7 : memref<56x1152xf32, #tpu.memory_space<vmem>>) dst(%dma_wait3A_29 : memref<56x1152xf32, #tpu.memory_space<hbm>>)
    %dma_wait3A_30 = arith.constant 0 : i32
    %dma_wait3A_31 = tpu.memref_slice %arg4[%add3A_21, %dma_wait3A_30] : memref<3200x1152xf32, #tpu.memory_space<hbm>> -> memref<48x1152xf32, #tpu.memory_space<hbm>>
    %dma_wait3A_32 = arith.constant 0 : i32
    %dma_wait3A_33 = tpu.memref_slice %arg4[%add3A_21, %dma_wait3A_32] : memref<3200x1152xf32, #tpu.memory_space<hbm>> -> memref<48x1152xf32, #tpu.memory_space<hbm>>
    tpu.wait_dma2 semaphore(%arg11 : memref<!tpu.dma_semaphore, #tpu.memory_space<semaphore_mem>>) src(%arg8 : memref<48x1152xf32, #tpu.memory_space<vmem>>) dst(%dma_wait3A_33 : memref<48x1152xf32, #tpu.memory_space<hbm>>)
    return
  }
}

#map = affine_map<(d0, d1) -> (0, 0)>
#map1 = affine_map<(d0, d1) -> (0)>
module attributes {stable_mosaic.version = 14 : i64} {
  func.func @k(%arg0: i32, %arg1: i32, %arg2: memref<1001x1152xf32, #tpu.memory_space<hbm>>, %arg3: memref<1600xi32, #tpu.memory_space<hbm>>, %arg4: memref<1600x1152xf32, #tpu.memory_space<hbm>>, %arg5: memref<32xi32, #tpu.memory_space<vmem>>, %arg6: memref<24xi32, #tpu.memory_space<vmem>>, %arg7: memref<32x1152xf32, #tpu.memory_space<vmem>>, %arg8: memref<24x1152xf32, #tpu.memory_space<vmem>>, %arg9: memref<!tpu.dma_semaphore, #tpu.memory_space<semaphore_mem>>, %arg10: memref<!tpu.dma_semaphore, #tpu.memory_space<semaphore_mem>>, %arg11: memref<!tpu.dma_semaphore, #tpu.memory_space<semaphore_mem>>) attributes {dimension_semantics = [#tpu.dimension_semantics<core_parallel>, #tpu.dimension_semantics<subcore_parallel>], iteration_bounds = array<i64: 2, 16>, scalar_prefetch = 0 : i64, scratch_operands = 7 : i64, tpu.core_type = #tpu.core_type<sc_vector_subcore>, window_params = [{transform_indices = #map}, {transform_indices = #map1}, {transform_indices = #map}]} {
    %mul3A = arith.constant 2 : i32
    %mul3A_0 = arith.muli %arg1, %mul3A : i32
    %add3A = arith.addi %mul3A_0, %arg0 : i32
    %mul3A_1 = arith.constant 56 : i32
    %mul3A_2 = arith.muli %add3A, %mul3A_1 : i32
    %min3A = arith.constant 1544 : i32
    %min3A_3 = arith.minsi %mul3A_2, %min3A : i32
    %multiple_of3A = tpu.assume_multiple %min3A_3, 8 : i32
    "tpu.region"() ({
      %run_scoped3A = tpu.sem_alloc : memref<!tpu.dma_semaphore, #tpu.memory_space<semaphore_mem>>
      %dma_start3A_34 = tpu.memref_slice %arg3[%multiple_of3A] : memref<1600xi32, #tpu.memory_space<hbm>> -> memref<32xi32, #tpu.memory_space<hbm>>
      %dma_start3A_35 = tpu.memref_slice %arg3[%multiple_of3A] : memref<1600xi32, #tpu.memory_space<hbm>> -> memref<32xi32, #tpu.memory_space<hbm>>
      tpu.enqueue_dma source(%dma_start3A_35 : memref<32xi32, #tpu.memory_space<hbm>>) target(%arg5 : memref<32xi32, #tpu.memory_space<vmem>>) target_semaphore(%run_scoped3A : memref<!tpu.dma_semaphore, #tpu.memory_space<semaphore_mem>>)
      %dma_wait3A_36 = tpu.memref_slice %arg3[%multiple_of3A] : memref<1600xi32, #tpu.memory_space<hbm>> -> memref<32xi32, #tpu.memory_space<hbm>>
      %dma_wait3A_37 = tpu.memref_slice %arg3[%multiple_of3A] : memref<1600xi32, #tpu.memory_space<hbm>> -> memref<32xi32, #tpu.memory_space<hbm>>
      tpu.wait_dma2 semaphore(%run_scoped3A : memref<!tpu.dma_semaphore, #tpu.memory_space<semaphore_mem>>) src(%dma_wait3A_37 : memref<32xi32, #tpu.memory_space<hbm>>) dst(%arg5 : memref<32xi32, #tpu.memory_space<vmem>>)
      tpu.yield
    }) : () -> ()
    %add3A_4 = arith.constant 32 : i32
    %add3A_5 = arith.addi %multiple_of3A, %add3A_4 : i32
    "tpu.region"() ({
      %run_scoped3A = tpu.sem_alloc : memref<!tpu.dma_semaphore, #tpu.memory_space<semaphore_mem>>
      %dma_start3A_34 = tpu.memref_slice %arg3[%add3A_5] : memref<1600xi32, #tpu.memory_space<hbm>> -> memref<24xi32, #tpu.memory_space<hbm>>
      %dma_start3A_35 = tpu.memref_slice %arg3[%add3A_5] : memref<1600xi32, #tpu.memory_space<hbm>> -> memref<24xi32, #tpu.memory_space<hbm>>
      tpu.enqueue_dma source(%dma_start3A_35 : memref<24xi32, #tpu.memory_space<hbm>>) target(%arg6 : memref<24xi32, #tpu.memory_space<vmem>>) target_semaphore(%run_scoped3A : memref<!tpu.dma_semaphore, #tpu.memory_space<semaphore_mem>>)
      %dma_wait3A_36 = tpu.memref_slice %arg3[%add3A_5] : memref<1600xi32, #tpu.memory_space<hbm>> -> memref<24xi32, #tpu.memory_space<hbm>>
      %dma_wait3A_37 = tpu.memref_slice %arg3[%add3A_5] : memref<1600xi32, #tpu.memory_space<hbm>> -> memref<24xi32, #tpu.memory_space<hbm>>
      tpu.wait_dma2 semaphore(%run_scoped3A : memref<!tpu.dma_semaphore, #tpu.memory_space<semaphore_mem>>) src(%dma_wait3A_37 : memref<24xi32, #tpu.memory_space<hbm>>) dst(%arg6 : memref<24xi32, #tpu.memory_space<vmem>>)
      tpu.yield
    }) : () -> ()
    %dma_start3A = arith.constant 0 : i32
    %dma_start3A_6 = arith.constant 0 : i32
    %dma_start3A_7 = tpu.memref_slice %arg2[%dma_start3A, %dma_start3A_6] : memref<1001x1152xf32, #tpu.memory_space<hbm>> -> memref<1001x1152xf32, #tpu.memory_space<hbm>>
    tpu.enqueue_indirect_dma source(%dma_start3A_7 : memref<1001x1152xf32, #tpu.memory_space<hbm>>) target(%arg7 : memref<32x1152xf32, #tpu.memory_space<vmem>>) offsets(%arg5 : memref<32xi32, #tpu.memory_space<vmem>>) semaphore(%arg9 : memref<!tpu.dma_semaphore, #tpu.memory_space<semaphore_mem>>)
    %dma_start3A_8 = arith.constant 0 : i32
    %dma_start3A_9 = arith.constant 0 : i32
    %dma_start3A_10 = tpu.memref_slice %arg2[%dma_start3A_8, %dma_start3A_9] : memref<1001x1152xf32, #tpu.memory_space<hbm>> -> memref<1001x1152xf32, #tpu.memory_space<hbm>>
    tpu.enqueue_indirect_dma source(%dma_start3A_10 : memref<1001x1152xf32, #tpu.memory_space<hbm>>) target(%arg8 : memref<24x1152xf32, #tpu.memory_space<vmem>>) offsets(%arg6 : memref<24xi32, #tpu.memory_space<vmem>>) semaphore(%arg10 : memref<!tpu.dma_semaphore, #tpu.memory_space<semaphore_mem>>)
    %dma_wait3A = arith.constant 0 : i32
    %dma_wait3A_11 = arith.constant 0 : i32
    %dma_wait3A_12 = tpu.memref_slice %arg2[%dma_wait3A, %dma_wait3A_11] : memref<1001x1152xf32, #tpu.memory_space<hbm>> -> memref<1001x1152xf32, #tpu.memory_space<hbm>>
    tpu.wait_indirect_dma semaphore(%arg9 : memref<!tpu.dma_semaphore, #tpu.memory_space<semaphore_mem>>) src(%dma_wait3A_12 : memref<1001x1152xf32, #tpu.memory_space<hbm>>) dst(%arg7 : memref<32x1152xf32, #tpu.memory_space<vmem>>)
    %dma_start3A_13 = arith.constant 0 : i32
    %dma_start3A_14 = tpu.memref_slice %arg4[%multiple_of3A, %dma_start3A_13] : memref<1600x1152xf32, #tpu.memory_space<hbm>> -> memref<32x1152xf32, #tpu.memory_space<hbm>>
    %dma_start3A_15 = arith.constant 0 : i32
    %dma_start3A_16 = tpu.memref_slice %arg4[%multiple_of3A, %dma_start3A_15] : memref<1600x1152xf32, #tpu.memory_space<hbm>> -> memref<32x1152xf32, #tpu.memory_space<hbm>>
    tpu.enqueue_dma source(%arg7 : memref<32x1152xf32, #tpu.memory_space<vmem>>) target(%dma_start3A_16 : memref<32x1152xf32, #tpu.memory_space<hbm>>) target_semaphore(%arg11 : memref<!tpu.dma_semaphore, #tpu.memory_space<semaphore_mem>>)
    %dma_wait3A_17 = arith.constant 0 : i32
    %dma_wait3A_18 = arith.constant 0 : i32
    %dma_wait3A_19 = tpu.memref_slice %arg2[%dma_wait3A_17, %dma_wait3A_18] : memref<1001x1152xf32, #tpu.memory_space<hbm>> -> memref<1001x1152xf32, #tpu.memory_space<hbm>>
    tpu.wait_indirect_dma semaphore(%arg10 : memref<!tpu.dma_semaphore, #tpu.memory_space<semaphore_mem>>) src(%dma_wait3A_19 : memref<1001x1152xf32, #tpu.memory_space<hbm>>) dst(%arg8 : memref<24x1152xf32, #tpu.memory_space<vmem>>)
    %add3A_20 = arith.constant 32 : i32
    %add3A_21 = arith.addi %multiple_of3A, %add3A_20 : i32
    %dma_start3A_22 = arith.constant 0 : i32
    %dma_start3A_23 = tpu.memref_slice %arg4[%add3A_21, %dma_start3A_22] : memref<1600x1152xf32, #tpu.memory_space<hbm>> -> memref<24x1152xf32, #tpu.memory_space<hbm>>
    %dma_start3A_24 = arith.constant 0 : i32
    %dma_start3A_25 = tpu.memref_slice %arg4[%add3A_21, %dma_start3A_24] : memref<1600x1152xf32, #tpu.memory_space<hbm>> -> memref<24x1152xf32, #tpu.memory_space<hbm>>
    tpu.enqueue_dma source(%arg8 : memref<24x1152xf32, #tpu.memory_space<vmem>>) target(%dma_start3A_25 : memref<24x1152xf32, #tpu.memory_space<hbm>>) target_semaphore(%arg11 : memref<!tpu.dma_semaphore, #tpu.memory_space<semaphore_mem>>)
    %dma_wait3A_26 = arith.constant 0 : i32
    %dma_wait3A_27 = tpu.memref_slice %arg4[%multiple_of3A, %dma_wait3A_26] : memref<1600x1152xf32, #tpu.memory_space<hbm>> -> memref<32x1152xf32, #tpu.memory_space<hbm>>
    %dma_wait3A_28 = arith.constant 0 : i32
    %dma_wait3A_29 = tpu.memref_slice %arg4[%multiple_of3A, %dma_wait3A_28] : memref<1600x1152xf32, #tpu.memory_space<hbm>> -> memref<32x1152xf32, #tpu.memory_space<hbm>>
    tpu.wait_dma2 semaphore(%arg11 : memref<!tpu.dma_semaphore, #tpu.memory_space<semaphore_mem>>) src(%arg7 : memref<32x1152xf32, #tpu.memory_space<vmem>>) dst(%dma_wait3A_29 : memref<32x1152xf32, #tpu.memory_space<hbm>>)
    %dma_wait3A_30 = arith.constant 0 : i32
    %dma_wait3A_31 = tpu.memref_slice %arg4[%add3A_21, %dma_wait3A_30] : memref<1600x1152xf32, #tpu.memory_space<hbm>> -> memref<24x1152xf32, #tpu.memory_space<hbm>>
    %dma_wait3A_32 = arith.constant 0 : i32
    %dma_wait3A_33 = tpu.memref_slice %arg4[%add3A_21, %dma_wait3A_32] : memref<1600x1152xf32, #tpu.memory_space<hbm>> -> memref<24x1152xf32, #tpu.memory_space<hbm>>
    tpu.wait_dma2 semaphore(%arg11 : memref<!tpu.dma_semaphore, #tpu.memory_space<semaphore_mem>>) src(%arg8 : memref<24x1152xf32, #tpu.memory_space<vmem>>) dst(%dma_wait3A_33 : memref<24x1152xf32, #tpu.memory_space<hbm>>)
    return
  }
}

#map = affine_map<(d0, d1) -> (0, 0)>
#map1 = affine_map<(d0, d1) -> (0)>
module attributes {stable_mosaic.version = 14 : i64} {
  func.func @k(%arg0: i32, %arg1: i32, %arg2: memref<1001x1152xf32, #tpu.memory_space<hbm>>, %arg3: memref<3200xi32, #tpu.memory_space<hbm>>, %arg4: memref<3200x1152xf32, #tpu.memory_space<hbm>>, %arg5: memref<56xi32, #tpu.memory_space<vmem>>, %arg6: memref<48xi32, #tpu.memory_space<vmem>>, %arg7: memref<56x1152xf32, #tpu.memory_space<vmem>>, %arg8: memref<48x1152xf32, #tpu.memory_space<vmem>>, %arg9: memref<!tpu.dma_semaphore, #tpu.memory_space<semaphore_mem>>, %arg10: memref<!tpu.dma_semaphore, #tpu.memory_space<semaphore_mem>>, %arg11: memref<!tpu.dma_semaphore, #tpu.memory_space<semaphore_mem>>) attributes {dimension_semantics = [#tpu.dimension_semantics<core_parallel>, #tpu.dimension_semantics<subcore_parallel>], iteration_bounds = array<i64: 2, 16>, scalar_prefetch = 0 : i64, scratch_operands = 7 : i64, tpu.core_type = #tpu.core_type<sc_vector_subcore>, window_params = [{transform_indices = #map}, {transform_indices = #map1}, {transform_indices = #map}]} {
    %mul3A = arith.constant 2 : i32
    %mul3A_0 = arith.muli %arg1, %mul3A : i32
    %add3A = arith.addi %mul3A_0, %arg0 : i32
    %mul3A_1 = arith.constant 104 : i32
    %mul3A_2 = arith.muli %add3A, %mul3A_1 : i32
    %min3A = arith.constant 3096 : i32
    %min3A_3 = arith.minsi %mul3A_2, %min3A : i32
    %multiple_of3A = tpu.assume_multiple %min3A_3, 8 : i32
    "tpu.region"() ({
      %run_scoped3A = tpu.sem_alloc : memref<!tpu.dma_semaphore, #tpu.memory_space<semaphore_mem>>
      %dma_start3A_34 = tpu.memref_slice %arg3[%multiple_of3A] : memref<3200xi32, #tpu.memory_space<hbm>> -> memref<56xi32, #tpu.memory_space<hbm>>
      %dma_start3A_35 = tpu.memref_slice %arg3[%multiple_of3A] : memref<3200xi32, #tpu.memory_space<hbm>> -> memref<56xi32, #tpu.memory_space<hbm>>
      tpu.enqueue_dma source(%dma_start3A_35 : memref<56xi32, #tpu.memory_space<hbm>>) target(%arg5 : memref<56xi32, #tpu.memory_space<vmem>>) target_semaphore(%run_scoped3A : memref<!tpu.dma_semaphore, #tpu.memory_space<semaphore_mem>>)
      %dma_wait3A_36 = tpu.memref_slice %arg3[%multiple_of3A] : memref<3200xi32, #tpu.memory_space<hbm>> -> memref<56xi32, #tpu.memory_space<hbm>>
      %dma_wait3A_37 = tpu.memref_slice %arg3[%multiple_of3A] : memref<3200xi32, #tpu.memory_space<hbm>> -> memref<56xi32, #tpu.memory_space<hbm>>
      tpu.wait_dma2 semaphore(%run_scoped3A : memref<!tpu.dma_semaphore, #tpu.memory_space<semaphore_mem>>) src(%dma_wait3A_37 : memref<56xi32, #tpu.memory_space<hbm>>) dst(%arg5 : memref<56xi32, #tpu.memory_space<vmem>>)
      tpu.yield
    }) : () -> ()
    %add3A_4 = arith.constant 56 : i32
    %add3A_5 = arith.addi %multiple_of3A, %add3A_4 : i32
    "tpu.region"() ({
      %run_scoped3A = tpu.sem_alloc : memref<!tpu.dma_semaphore, #tpu.memory_space<semaphore_mem>>
      %dma_start3A_34 = tpu.memref_slice %arg3[%add3A_5] : memref<3200xi32, #tpu.memory_space<hbm>> -> memref<48xi32, #tpu.memory_space<hbm>>
      %dma_start3A_35 = tpu.memref_slice %arg3[%add3A_5] : memref<3200xi32, #tpu.memory_space<hbm>> -> memref<48xi32, #tpu.memory_space<hbm>>
      tpu.enqueue_dma source(%dma_start3A_35 : memref<48xi32, #tpu.memory_space<hbm>>) target(%arg6 : memref<48xi32, #tpu.memory_space<vmem>>) target_semaphore(%run_scoped3A : memref<!tpu.dma_semaphore, #tpu.memory_space<semaphore_mem>>)
      %dma_wait3A_36 = tpu.memref_slice %arg3[%add3A_5] : memref<3200xi32, #tpu.memory_space<hbm>> -> memref<48xi32, #tpu.memory_space<hbm>>
      %dma_wait3A_37 = tpu.memref_slice %arg3[%add3A_5] : memref<3200xi32, #tpu.memory_space<hbm>> -> memref<48xi32, #tpu.memory_space<hbm>>
      tpu.wait_dma2 semaphore(%run_scoped3A : memref<!tpu.dma_semaphore, #tpu.memory_space<semaphore_mem>>) src(%dma_wait3A_37 : memref<48xi32, #tpu.memory_space<hbm>>) dst(%arg6 : memref<48xi32, #tpu.memory_space<vmem>>)
      tpu.yield
    }) : () -> ()
    %dma_start3A = arith.constant 0 : i32
    %dma_start3A_6 = arith.constant 0 : i32
    %dma_start3A_7 = tpu.memref_slice %arg2[%dma_start3A, %dma_start3A_6] : memref<1001x1152xf32, #tpu.memory_space<hbm>> -> memref<1001x1152xf32, #tpu.memory_space<hbm>>
    tpu.enqueue_indirect_dma source(%dma_start3A_7 : memref<1001x1152xf32, #tpu.memory_space<hbm>>) target(%arg7 : memref<56x1152xf32, #tpu.memory_space<vmem>>) offsets(%arg5 : memref<56xi32, #tpu.memory_space<vmem>>) semaphore(%arg9 : memref<!tpu.dma_semaphore, #tpu.memory_space<semaphore_mem>>)
    %dma_start3A_8 = arith.constant 0 : i32
    %dma_start3A_9 = arith.constant 0 : i32
    %dma_start3A_10 = tpu.memref_slice %arg2[%dma_start3A_8, %dma_start3A_9] : memref<1001x1152xf32, #tpu.memory_space<hbm>> -> memref<1001x1152xf32, #tpu.memory_space<hbm>>
    tpu.enqueue_indirect_dma source(%dma_start3A_10 : memref<1001x1152xf32, #tpu.memory_space<hbm>>) target(%arg8 : memref<48x1152xf32, #tpu.memory_space<vmem>>) offsets(%arg6 : memref<48xi32, #tpu.memory_space<vmem>>) semaphore(%arg10 : memref<!tpu.dma_semaphore, #tpu.memory_space<semaphore_mem>>)
    %dma_wait3A = arith.constant 0 : i32
    %dma_wait3A_11 = arith.constant 0 : i32
    %dma_wait3A_12 = tpu.memref_slice %arg2[%dma_wait3A, %dma_wait3A_11] : memref<1001x1152xf32, #tpu.memory_space<hbm>> -> memref<1001x1152xf32, #tpu.memory_space<hbm>>
    tpu.wait_indirect_dma semaphore(%arg9 : memref<!tpu.dma_semaphore, #tpu.memory_space<semaphore_mem>>) src(%dma_wait3A_12 : memref<1001x1152xf32, #tpu.memory_space<hbm>>) dst(%arg7 : memref<56x1152xf32, #tpu.memory_space<vmem>>)
    %dma_start3A_13 = arith.constant 0 : i32
    %dma_start3A_14 = tpu.memref_slice %arg4[%multiple_of3A, %dma_start3A_13] : memref<3200x1152xf32, #tpu.memory_space<hbm>> -> memref<56x1152xf32, #tpu.memory_space<hbm>>
    %dma_start3A_15 = arith.constant 0 : i32
    %dma_start3A_16 = tpu.memref_slice %arg4[%multiple_of3A, %dma_start3A_15] : memref<3200x1152xf32, #tpu.memory_space<hbm>> -> memref<56x1152xf32, #tpu.memory_space<hbm>>
    tpu.enqueue_dma source(%arg7 : memref<56x1152xf32, #tpu.memory_space<vmem>>) target(%dma_start3A_16 : memref<56x1152xf32, #tpu.memory_space<hbm>>) target_semaphore(%arg11 : memref<!tpu.dma_semaphore, #tpu.memory_space<semaphore_mem>>)
    %dma_wait3A_17 = arith.constant 0 : i32
    %dma_wait3A_18 = arith.constant 0 : i32
    %dma_wait3A_19 = tpu.memref_slice %arg2[%dma_wait3A_17, %dma_wait3A_18] : memref<1001x1152xf32, #tpu.memory_space<hbm>> -> memref<1001x1152xf32, #tpu.memory_space<hbm>>
    tpu.wait_indirect_dma semaphore(%arg10 : memref<!tpu.dma_semaphore, #tpu.memory_space<semaphore_mem>>) src(%dma_wait3A_19 : memref<1001x1152xf32, #tpu.memory_space<hbm>>) dst(%arg8 : memref<48x1152xf32, #tpu.memory_space<vmem>>)
    %add3A_20 = arith.constant 56 : i32
    %add3A_21 = arith.addi %multiple_of3A, %add3A_20 : i32
    %dma_start3A_22 = arith.constant 0 : i32
    %dma_start3A_23 = tpu.memref_slice %arg4[%add3A_21, %dma_start3A_22] : memref<3200x1152xf32, #tpu.memory_space<hbm>> -> memref<48x1152xf32, #tpu.memory_space<hbm>>
    %dma_start3A_24 = arith.constant 0 : i32
    %dma_start3A_25 = tpu.memref_slice %arg4[%add3A_21, %dma_start3A_24] : memref<3200x1152xf32, #tpu.memory_space<hbm>> -> memref<48x1152xf32, #tpu.memory_space<hbm>>
    tpu.enqueue_dma source(%arg8 : memref<48x1152xf32, #tpu.memory_space<vmem>>) target(%dma_start3A_25 : memref<48x1152xf32, #tpu.memory_space<hbm>>) target_semaphore(%arg11 : memref<!tpu.dma_semaphore, #tpu.memory_space<semaphore_mem>>)
    %dma_wait3A_26 = arith.constant 0 : i32
    %dma_wait3A_27 = tpu.memref_slice %arg4[%multiple_of3A, %dma_wait3A_26] : memref<3200x1152xf32, #tpu.memory_space<hbm>> -> memref<56x1152xf32, #tpu.memory_space<hbm>>
    %dma_wait3A_28 = arith.constant 0 : i32
    %dma_wait3A_29 = tpu.memref_slice %arg4[%multiple_of3A, %dma_wait3A_28] : memref<3200x1152xf32, #tpu.memory_space<hbm>> -> memref<56x1152xf32, #tpu.memory_space<hbm>>
    tpu.wait_dma2 semaphore(%arg11 : memref<!tpu.dma_semaphore, #tpu.memory_space<semaphore_mem>>) src(%arg7 : memref<56x1152xf32, #tpu.memory_space<vmem>>) dst(%dma_wait3A_29 : memref<56x1152xf32, #tpu.memory_space<hbm>>)
    %dma_wait3A_30 = arith.constant 0 : i32
    %dma_wait3A_31 = tpu.memref_slice %arg4[%add3A_21, %dma_wait3A_30] : memref<3200x1152xf32, #tpu.memory_space<hbm>> -> memref<48x1152xf32, #tpu.memory_space<hbm>>
    %dma_wait3A_32 = arith.constant 0 : i32
    %dma_wait3A_33 = tpu.memref_slice %arg4[%add3A_21, %dma_wait3A_32] : memref<3200x1152xf32, #tpu.memory_space<hbm>> -> memref<48x1152xf32, #tpu.memory_space<hbm>>
    tpu.wait_dma2 semaphore(%arg11 : memref<!tpu.dma_semaphore, #tpu.memory_space<semaphore_mem>>) src(%arg8 : memref<48x1152xf32, #tpu.memory_space<vmem>>) dst(%dma_wait3A_33 : memref<48x1152xf32, #tpu.memory_space<hbm>>)
    return
  }
}

#map = affine_map<(d0, d1) -> (0, 0)>
#map1 = affine_map<(d0, d1) -> (0)>
module attributes {stable_mosaic.version = 14 : i64} {
  func.func @k(%arg0: i32, %arg1: i32, %arg2: memref<1001x1152xf32, #tpu.memory_space<hbm>>, %arg3: memref<1600xi32, #tpu.memory_space<hbm>>, %arg4: memref<1600x1152xf32, #tpu.memory_space<hbm>>, %arg5: memref<32xi32, #tpu.memory_space<vmem>>, %arg6: memref<24xi32, #tpu.memory_space<vmem>>, %arg7: memref<32x1152xf32, #tpu.memory_space<vmem>>, %arg8: memref<24x1152xf32, #tpu.memory_space<vmem>>, %arg9: memref<!tpu.dma_semaphore, #tpu.memory_space<semaphore_mem>>, %arg10: memref<!tpu.dma_semaphore, #tpu.memory_space<semaphore_mem>>, %arg11: memref<!tpu.dma_semaphore, #tpu.memory_space<semaphore_mem>>) attributes {dimension_semantics = [#tpu.dimension_semantics<core_parallel>, #tpu.dimension_semantics<subcore_parallel>], iteration_bounds = array<i64: 2, 16>, scalar_prefetch = 0 : i64, scratch_operands = 7 : i64, tpu.core_type = #tpu.core_type<sc_vector_subcore>, window_params = [{transform_indices = #map}, {transform_indices = #map1}, {transform_indices = #map}]} {
    %mul3A = arith.constant 2 : i32
    %mul3A_0 = arith.muli %arg1, %mul3A : i32
    %add3A = arith.addi %mul3A_0, %arg0 : i32
    %mul3A_1 = arith.constant 56 : i32
    %mul3A_2 = arith.muli %add3A, %mul3A_1 : i32
    %min3A = arith.constant 1544 : i32
    %min3A_3 = arith.minsi %mul3A_2, %min3A : i32
    %multiple_of3A = tpu.assume_multiple %min3A_3, 8 : i32
    "tpu.region"() ({
      %run_scoped3A = tpu.sem_alloc : memref<!tpu.dma_semaphore, #tpu.memory_space<semaphore_mem>>
      %dma_start3A_34 = tpu.memref_slice %arg3[%multiple_of3A] : memref<1600xi32, #tpu.memory_space<hbm>> -> memref<32xi32, #tpu.memory_space<hbm>>
      %dma_start3A_35 = tpu.memref_slice %arg3[%multiple_of3A] : memref<1600xi32, #tpu.memory_space<hbm>> -> memref<32xi32, #tpu.memory_space<hbm>>
      tpu.enqueue_dma source(%dma_start3A_35 : memref<32xi32, #tpu.memory_space<hbm>>) target(%arg5 : memref<32xi32, #tpu.memory_space<vmem>>) target_semaphore(%run_scoped3A : memref<!tpu.dma_semaphore, #tpu.memory_space<semaphore_mem>>)
      %dma_wait3A_36 = tpu.memref_slice %arg3[%multiple_of3A] : memref<1600xi32, #tpu.memory_space<hbm>> -> memref<32xi32, #tpu.memory_space<hbm>>
      %dma_wait3A_37 = tpu.memref_slice %arg3[%multiple_of3A] : memref<1600xi32, #tpu.memory_space<hbm>> -> memref<32xi32, #tpu.memory_space<hbm>>
      tpu.wait_dma2 semaphore(%run_scoped3A : memref<!tpu.dma_semaphore, #tpu.memory_space<semaphore_mem>>) src(%dma_wait3A_37 : memref<32xi32, #tpu.memory_space<hbm>>) dst(%arg5 : memref<32xi32, #tpu.memory_space<vmem>>)
      tpu.yield
    }) : () -> ()
    %add3A_4 = arith.constant 32 : i32
    %add3A_5 = arith.addi %multiple_of3A, %add3A_4 : i32
    "tpu.region"() ({
      %run_scoped3A = tpu.sem_alloc : memref<!tpu.dma_semaphore, #tpu.memory_space<semaphore_mem>>
      %dma_start3A_34 = tpu.memref_slice %arg3[%add3A_5] : memref<1600xi32, #tpu.memory_space<hbm>> -> memref<24xi32, #tpu.memory_space<hbm>>
      %dma_start3A_35 = tpu.memref_slice %arg3[%add3A_5] : memref<1600xi32, #tpu.memory_space<hbm>> -> memref<24xi32, #tpu.memory_space<hbm>>
      tpu.enqueue_dma source(%dma_start3A_35 : memref<24xi32, #tpu.memory_space<hbm>>) target(%arg6 : memref<24xi32, #tpu.memory_space<vmem>>) target_semaphore(%run_scoped3A : memref<!tpu.dma_semaphore, #tpu.memory_space<semaphore_mem>>)
      %dma_wait3A_36 = tpu.memref_slice %arg3[%add3A_5] : memref<1600xi32, #tpu.memory_space<hbm>> -> memref<24xi32, #tpu.memory_space<hbm>>
      %dma_wait3A_37 = tpu.memref_slice %arg3[%add3A_5] : memref<1600xi32, #tpu.memory_space<hbm>> -> memref<24xi32, #tpu.memory_space<hbm>>
      tpu.wait_dma2 semaphore(%run_scoped3A : memref<!tpu.dma_semaphore, #tpu.memory_space<semaphore_mem>>) src(%dma_wait3A_37 : memref<24xi32, #tpu.memory_space<hbm>>) dst(%arg6 : memref<24xi32, #tpu.memory_space<vmem>>)
      tpu.yield
    }) : () -> ()
    %dma_start3A = arith.constant 0 : i32
    %dma_start3A_6 = arith.constant 0 : i32
    %dma_start3A_7 = tpu.memref_slice %arg2[%dma_start3A, %dma_start3A_6] : memref<1001x1152xf32, #tpu.memory_space<hbm>> -> memref<1001x1152xf32, #tpu.memory_space<hbm>>
    tpu.enqueue_indirect_dma source(%dma_start3A_7 : memref<1001x1152xf32, #tpu.memory_space<hbm>>) target(%arg7 : memref<32x1152xf32, #tpu.memory_space<vmem>>) offsets(%arg5 : memref<32xi32, #tpu.memory_space<vmem>>) semaphore(%arg9 : memref<!tpu.dma_semaphore, #tpu.memory_space<semaphore_mem>>)
    %dma_start3A_8 = arith.constant 0 : i32
    %dma_start3A_9 = arith.constant 0 : i32
    %dma_start3A_10 = tpu.memref_slice %arg2[%dma_start3A_8, %dma_start3A_9] : memref<1001x1152xf32, #tpu.memory_space<hbm>> -> memref<1001x1152xf32, #tpu.memory_space<hbm>>
    tpu.enqueue_indirect_dma source(%dma_start3A_10 : memref<1001x1152xf32, #tpu.memory_space<hbm>>) target(%arg8 : memref<24x1152xf32, #tpu.memory_space<vmem>>) offsets(%arg6 : memref<24xi32, #tpu.memory_space<vmem>>) semaphore(%arg10 : memref<!tpu.dma_semaphore, #tpu.memory_space<semaphore_mem>>)
    %dma_wait3A = arith.constant 0 : i32
    %dma_wait3A_11 = arith.constant 0 : i32
    %dma_wait3A_12 = tpu.memref_slice %arg2[%dma_wait3A, %dma_wait3A_11] : memref<1001x1152xf32, #tpu.memory_space<hbm>> -> memref<1001x1152xf32, #tpu.memory_space<hbm>>
    tpu.wait_indirect_dma semaphore(%arg9 : memref<!tpu.dma_semaphore, #tpu.memory_space<semaphore_mem>>) src(%dma_wait3A_12 : memref<1001x1152xf32, #tpu.memory_space<hbm>>) dst(%arg7 : memref<32x1152xf32, #tpu.memory_space<vmem>>)
    %dma_start3A_13 = arith.constant 0 : i32
    %dma_start3A_14 = tpu.memref_slice %arg4[%multiple_of3A, %dma_start3A_13] : memref<1600x1152xf32, #tpu.memory_space<hbm>> -> memref<32x1152xf32, #tpu.memory_space<hbm>>
    %dma_start3A_15 = arith.constant 0 : i32
    %dma_start3A_16 = tpu.memref_slice %arg4[%multiple_of3A, %dma_start3A_15] : memref<1600x1152xf32, #tpu.memory_space<hbm>> -> memref<32x1152xf32, #tpu.memory_space<hbm>>
    tpu.enqueue_dma source(%arg7 : memref<32x1152xf32, #tpu.memory_space<vmem>>) target(%dma_start3A_16 : memref<32x1152xf32, #tpu.memory_space<hbm>>) target_semaphore(%arg11 : memref<!tpu.dma_semaphore, #tpu.memory_space<semaphore_mem>>)
    %dma_wait3A_17 = arith.constant 0 : i32
    %dma_wait3A_18 = arith.constant 0 : i32
    %dma_wait3A_19 = tpu.memref_slice %arg2[%dma_wait3A_17, %dma_wait3A_18] : memref<1001x1152xf32, #tpu.memory_space<hbm>> -> memref<1001x1152xf32, #tpu.memory_space<hbm>>
    tpu.wait_indirect_dma semaphore(%arg10 : memref<!tpu.dma_semaphore, #tpu.memory_space<semaphore_mem>>) src(%dma_wait3A_19 : memref<1001x1152xf32, #tpu.memory_space<hbm>>) dst(%arg8 : memref<24x1152xf32, #tpu.memory_space<vmem>>)
    %add3A_20 = arith.constant 32 : i32
    %add3A_21 = arith.addi %multiple_of3A, %add3A_20 : i32
    %dma_start3A_22 = arith.constant 0 : i32
    %dma_start3A_23 = tpu.memref_slice %arg4[%add3A_21, %dma_start3A_22] : memref<1600x1152xf32, #tpu.memory_space<hbm>> -> memref<24x1152xf32, #tpu.memory_space<hbm>>
    %dma_start3A_24 = arith.constant 0 : i32
    %dma_start3A_25 = tpu.memref_slice %arg4[%add3A_21, %dma_start3A_24] : memref<1600x1152xf32, #tpu.memory_space<hbm>> -> memref<24x1152xf32, #tpu.memory_space<hbm>>
    tpu.enqueue_dma source(%arg8 : memref<24x1152xf32, #tpu.memory_space<vmem>>) target(%dma_start3A_25 : memref<24x1152xf32, #tpu.memory_space<hbm>>) target_semaphore(%arg11 : memref<!tpu.dma_semaphore, #tpu.memory_space<semaphore_mem>>)
    %dma_wait3A_26 = arith.constant 0 : i32
    %dma_wait3A_27 = tpu.memref_slice %arg4[%multiple_of3A, %dma_wait3A_26] : memref<1600x1152xf32, #tpu.memory_space<hbm>> -> memref<32x1152xf32, #tpu.memory_space<hbm>>
    %dma_wait3A_28 = arith.constant 0 : i32
    %dma_wait3A_29 = tpu.memref_slice %arg4[%multiple_of3A, %dma_wait3A_28] : memref<1600x1152xf32, #tpu.memory_space<hbm>> -> memref<32x1152xf32, #tpu.memory_space<hbm>>
    tpu.wait_dma2 semaphore(%arg11 : memref<!tpu.dma_semaphore, #tpu.memory_space<semaphore_mem>>) src(%arg7 : memref<32x1152xf32, #tpu.memory_space<vmem>>) dst(%dma_wait3A_29 : memref<32x1152xf32, #tpu.memory_space<hbm>>)
    %dma_wait3A_30 = arith.constant 0 : i32
    %dma_wait3A_31 = tpu.memref_slice %arg4[%add3A_21, %dma_wait3A_30] : memref<1600x1152xf32, #tpu.memory_space<hbm>> -> memref<24x1152xf32, #tpu.memory_space<hbm>>
    %dma_wait3A_32 = arith.constant 0 : i32
    %dma_wait3A_33 = tpu.memref_slice %arg4[%add3A_21, %dma_wait3A_32] : memref<1600x1152xf32, #tpu.memory_space<hbm>> -> memref<24x1152xf32, #tpu.memory_space<hbm>>
    tpu.wait_dma2 semaphore(%arg11 : memref<!tpu.dma_semaphore, #tpu.memory_space<semaphore_mem>>) src(%arg8 : memref<24x1152xf32, #tpu.memory_space<vmem>>) dst(%dma_wait3A_33 : memref<24x1152xf32, #tpu.memory_space<hbm>>)
    return
  }
}

#map = affine_map<(d0, d1) -> (0, 0)>
#map1 = affine_map<(d0, d1) -> (0)>
module attributes {stable_mosaic.version = 14 : i64} {
  func.func @k(%arg0: i32, %arg1: i32, %arg2: memref<1001x1152xf32, #tpu.memory_space<hbm>>, %arg3: memref<3200xi32, #tpu.memory_space<hbm>>, %arg4: memref<3200x1152xf32, #tpu.memory_space<hbm>>, %arg5: memref<56xi32, #tpu.memory_space<vmem>>, %arg6: memref<48xi32, #tpu.memory_space<vmem>>, %arg7: memref<56x1152xf32, #tpu.memory_space<vmem>>, %arg8: memref<48x1152xf32, #tpu.memory_space<vmem>>, %arg9: memref<!tpu.dma_semaphore, #tpu.memory_space<semaphore_mem>>, %arg10: memref<!tpu.dma_semaphore, #tpu.memory_space<semaphore_mem>>, %arg11: memref<!tpu.dma_semaphore, #tpu.memory_space<semaphore_mem>>) attributes {dimension_semantics = [#tpu.dimension_semantics<core_parallel>, #tpu.dimension_semantics<subcore_parallel>], iteration_bounds = array<i64: 2, 16>, scalar_prefetch = 0 : i64, scratch_operands = 7 : i64, tpu.core_type = #tpu.core_type<sc_vector_subcore>, window_params = [{transform_indices = #map}, {transform_indices = #map1}, {transform_indices = #map}]} {
    %mul3A = arith.constant 2 : i32
    %mul3A_0 = arith.muli %arg1, %mul3A : i32
    %add3A = arith.addi %mul3A_0, %arg0 : i32
    %mul3A_1 = arith.constant 104 : i32
    %mul3A_2 = arith.muli %add3A, %mul3A_1 : i32
    %min3A = arith.constant 3096 : i32
    %min3A_3 = arith.minsi %mul3A_2, %min3A : i32
    %multiple_of3A = tpu.assume_multiple %min3A_3, 8 : i32
    "tpu.region"() ({
      %run_scoped3A = tpu.sem_alloc : memref<!tpu.dma_semaphore, #tpu.memory_space<semaphore_mem>>
      %dma_start3A_34 = tpu.memref_slice %arg3[%multiple_of3A] : memref<3200xi32, #tpu.memory_space<hbm>> -> memref<56xi32, #tpu.memory_space<hbm>>
      %dma_start3A_35 = tpu.memref_slice %arg3[%multiple_of3A] : memref<3200xi32, #tpu.memory_space<hbm>> -> memref<56xi32, #tpu.memory_space<hbm>>
      tpu.enqueue_dma source(%dma_start3A_35 : memref<56xi32, #tpu.memory_space<hbm>>) target(%arg5 : memref<56xi32, #tpu.memory_space<vmem>>) target_semaphore(%run_scoped3A : memref<!tpu.dma_semaphore, #tpu.memory_space<semaphore_mem>>)
      %dma_wait3A_36 = tpu.memref_slice %arg3[%multiple_of3A] : memref<3200xi32, #tpu.memory_space<hbm>> -> memref<56xi32, #tpu.memory_space<hbm>>
      %dma_wait3A_37 = tpu.memref_slice %arg3[%multiple_of3A] : memref<3200xi32, #tpu.memory_space<hbm>> -> memref<56xi32, #tpu.memory_space<hbm>>
      tpu.wait_dma2 semaphore(%run_scoped3A : memref<!tpu.dma_semaphore, #tpu.memory_space<semaphore_mem>>) src(%dma_wait3A_37 : memref<56xi32, #tpu.memory_space<hbm>>) dst(%arg5 : memref<56xi32, #tpu.memory_space<vmem>>)
      tpu.yield
    }) : () -> ()
    %add3A_4 = arith.constant 56 : i32
    %add3A_5 = arith.addi %multiple_of3A, %add3A_4 : i32
    "tpu.region"() ({
      %run_scoped3A = tpu.sem_alloc : memref<!tpu.dma_semaphore, #tpu.memory_space<semaphore_mem>>
      %dma_start3A_34 = tpu.memref_slice %arg3[%add3A_5] : memref<3200xi32, #tpu.memory_space<hbm>> -> memref<48xi32, #tpu.memory_space<hbm>>
      %dma_start3A_35 = tpu.memref_slice %arg3[%add3A_5] : memref<3200xi32, #tpu.memory_space<hbm>> -> memref<48xi32, #tpu.memory_space<hbm>>
      tpu.enqueue_dma source(%dma_start3A_35 : memref<48xi32, #tpu.memory_space<hbm>>) target(%arg6 : memref<48xi32, #tpu.memory_space<vmem>>) target_semaphore(%run_scoped3A : memref<!tpu.dma_semaphore, #tpu.memory_space<semaphore_mem>>)
      %dma_wait3A_36 = tpu.memref_slice %arg3[%add3A_5] : memref<3200xi32, #tpu.memory_space<hbm>> -> memref<48xi32, #tpu.memory_space<hbm>>
      %dma_wait3A_37 = tpu.memref_slice %arg3[%add3A_5] : memref<3200xi32, #tpu.memory_space<hbm>> -> memref<48xi32, #tpu.memory_space<hbm>>
      tpu.wait_dma2 semaphore(%run_scoped3A : memref<!tpu.dma_semaphore, #tpu.memory_space<semaphore_mem>>) src(%dma_wait3A_37 : memref<48xi32, #tpu.memory_space<hbm>>) dst(%arg6 : memref<48xi32, #tpu.memory_space<vmem>>)
      tpu.yield
    }) : () -> ()
    %dma_start3A = arith.constant 0 : i32
    %dma_start3A_6 = arith.constant 0 : i32
    %dma_start3A_7 = tpu.memref_slice %arg2[%dma_start3A, %dma_start3A_6] : memref<1001x1152xf32, #tpu.memory_space<hbm>> -> memref<1001x1152xf32, #tpu.memory_space<hbm>>
    tpu.enqueue_indirect_dma source(%dma_start3A_7 : memref<1001x1152xf32, #tpu.memory_space<hbm>>) target(%arg7 : memref<56x1152xf32, #tpu.memory_space<vmem>>) offsets(%arg5 : memref<56xi32, #tpu.memory_space<vmem>>) semaphore(%arg9 : memref<!tpu.dma_semaphore, #tpu.memory_space<semaphore_mem>>)
    %dma_start3A_8 = arith.constant 0 : i32
    %dma_start3A_9 = arith.constant 0 : i32
    %dma_start3A_10 = tpu.memref_slice %arg2[%dma_start3A_8, %dma_start3A_9] : memref<1001x1152xf32, #tpu.memory_space<hbm>> -> memref<1001x1152xf32, #tpu.memory_space<hbm>>
    tpu.enqueue_indirect_dma source(%dma_start3A_10 : memref<1001x1152xf32, #tpu.memory_space<hbm>>) target(%arg8 : memref<48x1152xf32, #tpu.memory_space<vmem>>) offsets(%arg6 : memref<48xi32, #tpu.memory_space<vmem>>) semaphore(%arg10 : memref<!tpu.dma_semaphore, #tpu.memory_space<semaphore_mem>>)
    %dma_wait3A = arith.constant 0 : i32
    %dma_wait3A_11 = arith.constant 0 : i32
    %dma_wait3A_12 = tpu.memref_slice %arg2[%dma_wait3A, %dma_wait3A_11] : memref<1001x1152xf32, #tpu.memory_space<hbm>> -> memref<1001x1152xf32, #tpu.memory_space<hbm>>
    tpu.wait_indirect_dma semaphore(%arg9 : memref<!tpu.dma_semaphore, #tpu.memory_space<semaphore_mem>>) src(%dma_wait3A_12 : memref<1001x1152xf32, #tpu.memory_space<hbm>>) dst(%arg7 : memref<56x1152xf32, #tpu.memory_space<vmem>>)
    %dma_start3A_13 = arith.constant 0 : i32
    %dma_start3A_14 = tpu.memref_slice %arg4[%multiple_of3A, %dma_start3A_13] : memref<3200x1152xf32, #tpu.memory_space<hbm>> -> memref<56x1152xf32, #tpu.memory_space<hbm>>
    %dma_start3A_15 = arith.constant 0 : i32
    %dma_start3A_16 = tpu.memref_slice %arg4[%multiple_of3A, %dma_start3A_15] : memref<3200x1152xf32, #tpu.memory_space<hbm>> -> memref<56x1152xf32, #tpu.memory_space<hbm>>
    tpu.enqueue_dma source(%arg7 : memref<56x1152xf32, #tpu.memory_space<vmem>>) target(%dma_start3A_16 : memref<56x1152xf32, #tpu.memory_space<hbm>>) target_semaphore(%arg11 : memref<!tpu.dma_semaphore, #tpu.memory_space<semaphore_mem>>)
    %dma_wait3A_17 = arith.constant 0 : i32
    %dma_wait3A_18 = arith.constant 0 : i32
    %dma_wait3A_19 = tpu.memref_slice %arg2[%dma_wait3A_17, %dma_wait3A_18] : memref<1001x1152xf32, #tpu.memory_space<hbm>> -> memref<1001x1152xf32, #tpu.memory_space<hbm>>
    tpu.wait_indirect_dma semaphore(%arg10 : memref<!tpu.dma_semaphore, #tpu.memory_space<semaphore_mem>>) src(%dma_wait3A_19 : memref<1001x1152xf32, #tpu.memory_space<hbm>>) dst(%arg8 : memref<48x1152xf32, #tpu.memory_space<vmem>>)
    %add3A_20 = arith.constant 56 : i32
    %add3A_21 = arith.addi %multiple_of3A, %add3A_20 : i32
    %dma_start3A_22 = arith.constant 0 : i32
    %dma_start3A_23 = tpu.memref_slice %arg4[%add3A_21, %dma_start3A_22] : memref<3200x1152xf32, #tpu.memory_space<hbm>> -> memref<48x1152xf32, #tpu.memory_space<hbm>>
    %dma_start3A_24 = arith.constant 0 : i32
    %dma_start3A_25 = tpu.memref_slice %arg4[%add3A_21, %dma_start3A_24] : memref<3200x1152xf32, #tpu.memory_space<hbm>> -> memref<48x1152xf32, #tpu.memory_space<hbm>>
    tpu.enqueue_dma source(%arg8 : memref<48x1152xf32, #tpu.memory_space<vmem>>) target(%dma_start3A_25 : memref<48x1152xf32, #tpu.memory_space<hbm>>) target_semaphore(%arg11 : memref<!tpu.dma_semaphore, #tpu.memory_space<semaphore_mem>>)
    %dma_wait3A_26 = arith.constant 0 : i32
    %dma_wait3A_27 = tpu.memref_slice %arg4[%multiple_of3A, %dma_wait3A_26] : memref<3200x1152xf32, #tpu.memory_space<hbm>> -> memref<56x1152xf32, #tpu.memory_space<hbm>>
    %dma_wait3A_28 = arith.constant 0 : i32
    %dma_wait3A_29 = tpu.memref_slice %arg4[%multiple_of3A, %dma_wait3A_28] : memref<3200x1152xf32, #tpu.memory_space<hbm>> -> memref<56x1152xf32, #tpu.memory_space<hbm>>
    tpu.wait_dma2 semaphore(%arg11 : memref<!tpu.dma_semaphore, #tpu.memory_space<semaphore_mem>>) src(%arg7 : memref<56x1152xf32, #tpu.memory_space<vmem>>) dst(%dma_wait3A_29 : memref<56x1152xf32, #tpu.memory_space<hbm>>)
    %dma_wait3A_30 = arith.constant 0 : i32
    %dma_wait3A_31 = tpu.memref_slice %arg4[%add3A_21, %dma_wait3A_30] : memref<3200x1152xf32, #tpu.memory_space<hbm>> -> memref<48x1152xf32, #tpu.memory_space<hbm>>
    %dma_wait3A_32 = arith.constant 0 : i32
    %dma_wait3A_33 = tpu.memref_slice %arg4[%add3A_21, %dma_wait3A_32] : memref<3200x1152xf32, #tpu.memory_space<hbm>> -> memref<48x1152xf32, #tpu.memory_space<hbm>>
    tpu.wait_dma2 semaphore(%arg11 : memref<!tpu.dma_semaphore, #tpu.memory_space<semaphore_mem>>) src(%arg8 : memref<48x1152xf32, #tpu.memory_space<vmem>>) dst(%dma_wait3A_33 : memref<48x1152xf32, #tpu.memory_space<hbm>>)
    return
  }
}

module attributes {stable_mosaic.version = 14 : i64} {
  func.func @_proj_body(%arg0: i32, %arg1: memref<200x1152xf32, #tpu.memory_space<vmem>>, %arg2: memref<256x128xf32, #tpu.memory_space<vmem>>, %arg3: memref<256x128xf32, #tpu.memory_space<vmem>>, %arg4: memref<64x1xf32, #tpu.memory_space<vmem>>, %arg5: memref<1x33x64x200xf32, #tpu.memory_space<vmem>>) attributes {dimension_semantics = [#tpu.dimension_semantics<arbitrary>], iteration_bounds = array<i64: 8>, scalar_prefetch = 0 : i64, scratch_operands = 0 : i64, tpu.core_type = #tpu.core_type<tc>, window_params = [{transform_indices = @transform_0, window_bounds = array<i64: 200, 1152>}, {pipeline_mode = #tpu.pipeline_mode<synchronous>, transform_indices = @transform_1, window_bounds = array<i64: 256, 128>}, {pipeline_mode = #tpu.pipeline_mode<synchronous>, transform_indices = @transform_2, window_bounds = array<i64: 256, 128>}, {pipeline_mode = #tpu.pipeline_mode<synchronous>, transform_indices = @transform_3, window_bounds = array<i64: 64, 1>}, {transform_indices = @transform_4, window_bounds = array<i64: 1, 33, 64, 200>}]} {
    %get3A = arith.constant 0 : index
    %get3A_0 = arith.constant 0 : index
    %get3A_1 = vector.load %arg2[%get3A, %get3A_0] : memref<256x128xf32, #tpu.memory_space<vmem>>, vector<256x128xf32>
    %get3A_2 = arith.constant 0 : index
    %get3A_3 = arith.constant 0 : index
    %get3A_4 = vector.load %arg3[%get3A_2, %get3A_3] : memref<256x128xf32, #tpu.memory_space<vmem>>, vector<256x128xf32>
    %get3A_5 = arith.constant 0 : index
    %get3A_6 = arith.constant 0 : index
    %get3A_7 = vector.load %arg4[%get3A_5, %get3A_6] : memref<64x1xf32, #tpu.memory_space<vmem>>, vector<64x1xf32>
    %get3A_8 = arith.constant 0 : index
    %get3A_9 = arith.constant 0 : index
    %get3A_10 = vector.load %arg1[%get3A_8, %get3A_9] : memref<200x1152xf32, #tpu.memory_space<vmem>>, vector<200x128xf32>
    %bitcast_convert_type3A = tpu.bitcast %get3A_10 : vector<200x128xf32> -> vector<200x128xi32>
    %shift_left3A = arith.constant 16 : i32
    %shift_left3A_11 = vector.broadcast %shift_left3A : i32 to vector<200x128xi32>
    %shift_left3A_12 = arith.shli %bitcast_convert_type3A, %shift_left3A_11 : vector<200x128xi32>
    %bitcast_convert_type3A_13 = tpu.bitcast %shift_left3A_12 : vector<200x128xi32> -> vector<200x128xf32>
    %and3A = arith.constant -65536 : i32
    %and3A_14 = vector.broadcast %and3A : i32 to vector<200x128xi32>
    %and3A_15 = arith.andi %bitcast_convert_type3A, %and3A_14 : vector<200x128xi32>
    %bitcast_convert_type3A_16 = tpu.bitcast %and3A_15 : vector<200x128xi32> -> vector<200x128xf32>
    %dot_general3A = arith.constant dense<0.000000e+00> : vector<256x200xf32>
    %dot_general3A_17 = tpu.matmul %get3A_1, %bitcast_convert_type3A_13, %dot_general3A {dimension_numbers = #tpu.dot_dimension_numbers<[1], [1], [0], [0], [0, 0, 1, 0], [], []>, transpose_lhs_hint = false} : vector<256x128xf32>, vector<200x128xf32>, vector<256x200xf32> -> vector<256x200xf32>
    %dot_general3A_18 = arith.constant dense<0.000000e+00> : vector<256x200xf32>
    %dot_general3A_19 = tpu.matmul %get3A_4, %bitcast_convert_type3A_16, %dot_general3A_18 {dimension_numbers = #tpu.dot_dimension_numbers<[1], [1], [0], [0], [0, 0, 1, 0], [], []>, transpose_lhs_hint = false} : vector<256x128xf32>, vector<200x128xf32>, vector<256x200xf32> -> vector<256x200xf32>
    %add3A = arith.addf %dot_general3A_17, %dot_general3A_19 : vector<256x200xf32>
    %slice3A = vector.extract_strided_slice %add3A {offsets = [0, 0], sizes = [64, 200], strides = [1, 1]} : vector<256x200xf32> to vector<64x200xf32>
    %add3A_20 = vector.broadcast %get3A_7 : vector<64x1xf32> to vector<64x200xf32>
    %add3A_21 = arith.addf %slice3A, %add3A_20 : vector<64x200xf32>
    %swap3A = arith.constant 0 : index
    %swap3A_22 = arith.constant 0 : index
    %swap3A_23 = arith.constant 0 : index
    %swap3A_24 = arith.constant 0 : index
    %swap3A_25 = vector.load %arg5[%swap3A, %swap3A_22, %swap3A_23, %swap3A_24] : memref<1x33x64x200xf32, #tpu.memory_space<vmem>>, vector<1x1x64x200xf32>
    %swap3A_26 = vector.shape_cast %swap3A_25 : vector<1x1x64x200xf32> to vector<64x200xf32>
    %swap3A_27 = vector.shape_cast %add3A_21 : vector<64x200xf32> to vector<1x1x64x200xf32>
    tpu.vector_store %arg5[%swap3A, %swap3A_22, %swap3A_23, %swap3A_24], %swap3A_27 {strides = array<i32>} : memref<1x33x64x200xf32, #tpu.memory_space<vmem>>, vector<1x1x64x200xf32>,
    %slice3A_28 = vector.extract_strided_slice %add3A {offsets = [64, 0], sizes = [64, 200], strides = [1, 1]} : vector<256x200xf32> to vector<64x200xf32>
    %add3A_29 = vector.broadcast %get3A_7 : vector<64x1xf32> to vector<64x200xf32>
    %add3A_30 = arith.addf %slice3A_28, %add3A_29 : vector<64x200xf32>
    %swap3A_31 = arith.constant 0 : index
    %swap3A_32 = arith.constant 1 : index
    %swap3A_33 = arith.constant 0 : index
    %swap3A_34 = arith.constant 0 : index
    %swap3A_35 = vector.load %arg5[%swap3A_31, %swap3A_32, %swap3A_33, %swap3A_34] : memref<1x33x64x200xf32, #tpu.memory_space<vmem>>, vector<1x1x64x200xf32>
    %swap3A_36 = vector.shape_cast %swap3A_35 : vector<1x1x64x200xf32> to vector<64x200xf32>
    %swap3A_37 = vector.shape_cast %add3A_30 : vector<64x200xf32> to vector<1x1x64x200xf32>
    tpu.vector_store %arg5[%swap3A_31, %swap3A_32, %swap3A_33, %swap3A_34], %swap3A_37 {strides = array<i32>} : memref<1x33x64x200xf32, #tpu.memory_space<vmem>>, vector<1x1x64x200xf32>,
    %slice3A_38 = vector.extract_strided_slice %add3A {offsets = [128, 0], sizes = [64, 200], strides = [1, 1]} : vector<256x200xf32> to vector<64x200xf32>
    %add3A_39 = vector.broadcast %get3A_7 : vector<64x1xf32> to vector<64x200xf32>
    %add3A_40 = arith.addf %slice3A_38, %add3A_39 : vector<64x200xf32>
    %swap3A_41 = arith.constant 0 : index
    %swap3A_42 = arith.constant 2 : index
    %swap3A_43 = arith.constant 0 : index
    %swap3A_44 = arith.constant 0 : index
    %swap3A_45 = vector.load %arg5[%swap3A_41, %swap3A_42, %swap3A_43, %swap3A_44] : memref<1x33x64x200xf32, #tpu.memory_space<vmem>>, vector<1x1x64x200xf32>
    %swap3A_46 = vector.shape_cast %swap3A_45 : vector<1x1x64x200xf32> to vector<64x200xf32>
    %swap3A_47 = vector.shape_cast %add3A_40 : vector<64x200xf32> to vector<1x1x64x200xf32>
    tpu.vector_store %arg5[%swap3A_41, %swap3A_42, %swap3A_43, %swap3A_44], %swap3A_47 {strides = array<i32>} : memref<1x33x64x200xf32, #tpu.memory_space<vmem>>, vector<1x1x64x200xf32>,
    %slice3A_48 = vector.extract_strided_slice %add3A {offsets = [192, 0], sizes = [64, 200], strides = [1, 1]} : vector<256x200xf32> to vector<64x200xf32>
    %add3A_49 = vector.broadcast %get3A_7 : vector<64x1xf32> to vector<64x200xf32>
    %add3A_50 = arith.addf %slice3A_48, %add3A_49 : vector<64x200xf32>
    %swap3A_51 = arith.constant 0 : index
    %swap3A_52 = arith.constant 3 : index
    %swap3A_53 = arith.constant 0 : index
    %swap3A_54 = arith.constant 0 : index
    %swap3A_55 = vector.load %arg5[%swap3A_51, %swap3A_52, %swap3A_53, %swap3A_54] : memref<1x33x64x200xf32, #tpu.memory_space<vmem>>, vector<1x1x64x200xf32>
    %swap3A_56 = vector.shape_cast %swap3A_55 : vector<1x1x64x200xf32> to vector<64x200xf32>
    %swap3A_57 = vector.shape_cast %add3A_50 : vector<64x200xf32> to vector<1x1x64x200xf32>
    tpu.vector_store %arg5[%swap3A_51, %swap3A_52, %swap3A_53, %swap3A_54], %swap3A_57 {strides = array<i32>} : memref<1x33x64x200xf32, #tpu.memory_space<vmem>>, vector<1x1x64x200xf32>,
    %get3A_58 = arith.constant 0 : index
    %get3A_59 = arith.constant 128 : index
    %get3A_60 = vector.load %arg1[%get3A_58, %get3A_59] : memref<200x1152xf32, #tpu.memory_space<vmem>>, vector<200x128xf32>
    %bitcast_convert_type3A_61 = tpu.bitcast %get3A_60 : vector<200x128xf32> -> vector<200x128xi32>
    %shift_left3A_62 = arith.constant 16 : i32
    %shift_left3A_63 = vector.broadcast %shift_left3A_62 : i32 to vector<200x128xi32>
    %shift_left3A_64 = arith.shli %bitcast_convert_type3A_61, %shift_left3A_63 : vector<200x128xi32>
    %bitcast_convert_type3A_65 = tpu.bitcast %shift_left3A_64 : vector<200x128xi32> -> vector<200x128xf32>
    %and3A_66 = arith.constant -65536 : i32
    %and3A_67 = vector.broadcast %and3A_66 : i32 to vector<200x128xi32>
    %and3A_68 = arith.andi %bitcast_convert_type3A_61, %and3A_67 : vector<200x128xi32>
    %bitcast_convert_type3A_69 = tpu.bitcast %and3A_68 : vector<200x128xi32> -> vector<200x128xf32>
    %dot_general3A_70 = arith.constant dense<0.000000e+00> : vector<256x200xf32>
    %dot_general3A_71 = tpu.matmul %get3A_1, %bitcast_convert_type3A_65, %dot_general3A_70 {dimension_numbers = #tpu.dot_dimension_numbers<[1], [1], [0], [0], [0, 0, 1, 0], [], []>, transpose_lhs_hint = false} : vector<256x128xf32>, vector<200x128xf32>, vector<256x200xf32> -> vector<256x200xf32>
    %dot_general3A_72 = arith.constant dense<0.000000e+00> : vector<256x200xf32>
    %dot_general3A_73 = tpu.matmul %get3A_4, %bitcast_convert_type3A_69, %dot_general3A_72 {dimension_numbers = #tpu.dot_dimension_numbers<[1], [1], [0], [0], [0, 0, 1, 0], [], []>, transpose_lhs_hint = false} : vector<256x128xf32>, vector<200x128xf32>, vector<256x200xf32> -> vector<256x200xf32>
    %add3A_74 = arith.addf %dot_general3A_71, %dot_general3A_73 : vector<256x200xf32>
    %slice3A_75 = vector.extract_strided_slice %add3A_74 {offsets = [0, 0], sizes = [64, 200], strides = [1, 1]} : vector<256x200xf32> to vector<64x200xf32>
    %add3A_76 = vector.broadcast %get3A_7 : vector<64x1xf32> to vector<64x200xf32>
    %add3A_77 = arith.addf %slice3A_75, %add3A_76 : vector<64x200xf32>
    %swap3A_78 = arith.constant 0 : index
    %swap3A_79 = arith.constant 4 : index
    %swap3A_80 = arith.constant 0 : index
    %swap3A_81 = arith.constant 0 : index
    %swap3A_82 = vector.load %arg5[%swap3A_78, %swap3A_79, %swap3A_80, %swap3A_81] : memref<1x33x64x200xf32, #tpu.memory_space<vmem>>, vector<1x1x64x200xf32>
    %swap3A_83 = vector.shape_cast %swap3A_82 : vector<1x1x64x200xf32> to vector<64x200xf32>
    %swap3A_84 = vector.shape_cast %add3A_77 : vector<64x200xf32> to vector<1x1x64x200xf32>
    tpu.vector_store %arg5[%swap3A_78, %swap3A_79, %swap3A_80, %swap3A_81], %swap3A_84 {strides = array<i32>} : memref<1x33x64x200xf32, #tpu.memory_space<vmem>>, vector<1x1x64x200xf32>,
    %slice3A_85 = vector.extract_strided_slice %add3A_74 {offsets = [64, 0], sizes = [64, 200], strides = [1, 1]} : vector<256x200xf32> to vector<64x200xf32>
    %add3A_86 = vector.broadcast %get3A_7 : vector<64x1xf32> to vector<64x200xf32>
    %add3A_87 = arith.addf %slice3A_85, %add3A_86 : vector<64x200xf32>
    %swap3A_88 = arith.constant 0 : index
    %swap3A_89 = arith.constant 5 : index
    %swap3A_90 = arith.constant 0 : index
    %swap3A_91 = arith.constant 0 : index
    %swap3A_92 = vector.load %arg5[%swap3A_88, %swap3A_89, %swap3A_90, %swap3A_91] : memref<1x33x64x200xf32, #tpu.memory_space<vmem>>, vector<1x1x64x200xf32>
    %swap3A_93 = vector.shape_cast %swap3A_92 : vector<1x1x64x200xf32> to vector<64x200xf32>
    %swap3A_94 = vector.shape_cast %add3A_87 : vector<64x200xf32> to vector<1x1x64x200xf32>
    tpu.vector_store %arg5[%swap3A_88, %swap3A_89, %swap3A_90, %swap3A_91], %swap3A_94 {strides = array<i32>} : memref<1x33x64x200xf32, #tpu.memory_space<vmem>>, vector<1x1x64x200xf32>,
    %slice3A_95 = vector.extract_strided_slice %add3A_74 {offsets = [128, 0], sizes = [64, 200], strides = [1, 1]} : vector<256x200xf32> to vector<64x200xf32>
    %add3A_96 = vector.broadcast %get3A_7 : vector<64x1xf32> to vector<64x200xf32>
    %add3A_97 = arith.addf %slice3A_95, %add3A_96 : vector<64x200xf32>
    %swap3A_98 = arith.constant 0 : index
    %swap3A_99 = arith.constant 6 : index
    %swap3A_100 = arith.constant 0 : index
    %swap3A_101 = arith.constant 0 : index
    %swap3A_102 = vector.load %arg5[%swap3A_98, %swap3A_99, %swap3A_100, %swap3A_101] : memref<1x33x64x200xf32, #tpu.memory_space<vmem>>, vector<1x1x64x200xf32>
    %swap3A_103 = vector.shape_cast %swap3A_102 : vector<1x1x64x200xf32> to vector<64x200xf32>
    %swap3A_104 = vector.shape_cast %add3A_97 : vector<64x200xf32> to vector<1x1x64x200xf32>
    tpu.vector_store %arg5[%swap3A_98, %swap3A_99, %swap3A_100, %swap3A_101], %swap3A_104 {strides = array<i32>} : memref<1x33x64x200xf32, #tpu.memory_space<vmem>>, vector<1x1x64x200xf32>,
    %slice3A_105 = vector.extract_strided_slice %add3A_74 {offsets = [192, 0], sizes = [64, 200], strides = [1, 1]} : vector<256x200xf32> to vector<64x200xf32>
    %add3A_106 = vector.broadcast %get3A_7 : vector<64x1xf32> to vector<64x200xf32>
    %add3A_107 = arith.addf %slice3A_105, %add3A_106 : vector<64x200xf32>
    %swap3A_108 = arith.constant 0 : index
    %swap3A_109 = arith.constant 7 : index
    %swap3A_110 = arith.constant 0 : index
    %swap3A_111 = arith.constant 0 : index
    %swap3A_112 = vector.load %arg5[%swap3A_108, %swap3A_109, %swap3A_110, %swap3A_111] : memref<1x33x64x200xf32, #tpu.memory_space<vmem>>, vector<1x1x64x200xf32>
    %swap3A_113 = vector.shape_cast %swap3A_112 : vector<1x1x64x200xf32> to vector<64x200xf32>
    %swap3A_114 = vector.shape_cast %add3A_107 : vector<64x200xf32> to vector<1x1x64x200xf32>
    tpu.vector_store %arg5[%swap3A_108, %swap3A_109, %swap3A_110, %swap3A_111], %swap3A_114 {strides = array<i32>} : memref<1x33x64x200xf32, #tpu.memory_space<vmem>>, vector<1x1x64x200xf32>,
    %get3A_115 = arith.constant 0 : index
    %get3A_116 = arith.constant 256 : index
    %get3A_117 = vector.load %arg1[%get3A_115, %get3A_116] : memref<200x1152xf32, #tpu.memory_space<vmem>>, vector<200x128xf32>
    %bitcast_convert_type3A_118 = tpu.bitcast %get3A_117 : vector<200x128xf32> -> vector<200x128xi32>
    %shift_left3A_119 = arith.constant 16 : i32
    %shift_left3A_120 = vector.broadcast %shift_left3A_119 : i32 to vector<200x128xi32>
    %shift_left3A_121 = arith.shli %bitcast_convert_type3A_118, %shift_left3A_120 : vector<200x128xi32>
    %bitcast_convert_type3A_122 = tpu.bitcast %shift_left3A_121 : vector<200x128xi32> -> vector<200x128xf32>
    %and3A_123 = arith.constant -65536 : i32
    %and3A_124 = vector.broadcast %and3A_123 : i32 to vector<200x128xi32>
    %and3A_125 = arith.andi %bitcast_convert_type3A_118, %and3A_124 : vector<200x128xi32>
    %bitcast_convert_type3A_126 = tpu.bitcast %and3A_125 : vector<200x128xi32> -> vector<200x128xf32>
    %dot_general3A_127 = arith.constant dense<0.000000e+00> : vector<256x200xf32>
    %dot_general3A_128 = tpu.matmul %get3A_1, %bitcast_convert_type3A_122, %dot_general3A_127 {dimension_numbers = #tpu.dot_dimension_numbers<[1], [1], [0], [0], [0, 0, 1, 0], [], []>, transpose_lhs_hint = false} : vector<256x128xf32>, vector<200x128xf32>, vector<256x200xf32> -> vector<256x200xf32>
    %dot_general3A_129 = arith.constant dense<0.000000e+00> : vector<256x200xf32>
    %dot_general3A_130 = tpu.matmul %get3A_4, %bitcast_convert_type3A_126, %dot_general3A_129 {dimension_numbers = #tpu.dot_dimension_numbers<[1], [1], [0], [0], [0, 0, 1, 0], [], []>, transpose_lhs_hint = false} : vector<256x128xf32>, vector<200x128xf32>, vector<256x200xf32> -> vector<256x200xf32>
    %add3A_131 = arith.addf %dot_general3A_128, %dot_general3A_130 : vector<256x200xf32>
    %slice3A_132 = vector.extract_strided_slice %add3A_131 {offsets = [0, 0], sizes = [64, 200], strides = [1, 1]} : vector<256x200xf32> to vector<64x200xf32>
    %add3A_133 = vector.broadcast %get3A_7 : vector<64x1xf32> to vector<64x200xf32>
    %add3A_134 = arith.addf %slice3A_132, %add3A_133 : vector<64x200xf32>
    %swap3A_135 = arith.constant 0 : index
    %swap3A_136 = arith.constant 8 : index
    %swap3A_137 = arith.constant 0 : index
    %swap3A_138 = arith.constant 0 : index
    %swap3A_139 = vector.load %arg5[%swap3A_135, %swap3A_136, %swap3A_137, %swap3A_138] : memref<1x33x64x200xf32, #tpu.memory_space<vmem>>, vector<1x1x64x200xf32>
    %swap3A_140 = vector.shape_cast %swap3A_139 : vector<1x1x64x200xf32> to vector<64x200xf32>
    %swap3A_141 = vector.shape_cast %add3A_134 : vector<64x200xf32> to vector<1x1x64x200xf32>
    tpu.vector_store %arg5[%swap3A_135, %swap3A_136, %swap3A_137, %swap3A_138], %swap3A_141 {strides = array<i32>} : memref<1x33x64x200xf32, #tpu.memory_space<vmem>>, vector<1x1x64x200xf32>,
    %slice3A_142 = vector.extract_strided_slice %add3A_131 {offsets = [64, 0], sizes = [64, 200], strides = [1, 1]} : vector<256x200xf32> to vector<64x200xf32>
    %add3A_143 = vector.broadcast %get3A_7 : vector<64x1xf32> to vector<64x200xf32>
    %add3A_144 = arith.addf %slice3A_142, %add3A_143 : vector<64x200xf32>
    %swap3A_145 = arith.constant 0 : index
    %swap3A_146 = arith.constant 9 : index
    %swap3A_147 = arith.constant 0 : index
    %swap3A_148 = arith.constant 0 : index
    %swap3A_149 = vector.load %arg5[%swap3A_145, %swap3A_146, %swap3A_147, %swap3A_148] : memref<1x33x64x200xf32, #tpu.memory_space<vmem>>, vector<1x1x64x200xf32>
    %swap3A_150 = vector.shape_cast %swap3A_149 : vector<1x1x64x200xf32> to vector<64x200xf32>
    %swap3A_151 = vector.shape_cast %add3A_144 : vector<64x200xf32> to vector<1x1x64x200xf32>
    tpu.vector_store %arg5[%swap3A_145, %swap3A_146, %swap3A_147, %swap3A_148], %swap3A_151 {strides = array<i32>} : memref<1x33x64x200xf32, #tpu.memory_space<vmem>>, vector<1x1x64x200xf32>,
    %slice3A_152 = vector.extract_strided_slice %add3A_131 {offsets = [128, 0], sizes = [64, 200], strides = [1, 1]} : vector<256x200xf32> to vector<64x200xf32>
    %add3A_153 = vector.broadcast %get3A_7 : vector<64x1xf32> to vector<64x200xf32>
    %add3A_154 = arith.addf %slice3A_152, %add3A_153 : vector<64x200xf32>
    %swap3A_155 = arith.constant 0 : index
    %swap3A_156 = arith.constant 10 : index
    %swap3A_157 = arith.constant 0 : index
    %swap3A_158 = arith.constant 0 : index
    %swap3A_159 = vector.load %arg5[%swap3A_155, %swap3A_156, %swap3A_157, %swap3A_158] : memref<1x33x64x200xf32, #tpu.memory_space<vmem>>, vector<1x1x64x200xf32>
    %swap3A_160 = vector.shape_cast %swap3A_159 : vector<1x1x64x200xf32> to vector<64x200xf32>
    %swap3A_161 = vector.shape_cast %add3A_154 : vector<64x200xf32> to vector<1x1x64x200xf32>
    tpu.vector_store %arg5[%swap3A_155, %swap3A_156, %swap3A_157, %swap3A_158], %swap3A_161 {strides = array<i32>} : memref<1x33x64x200xf32, #tpu.memory_space<vmem>>, vector<1x1x64x200xf32>,
    %slice3A_162 = vector.extract_strided_slice %add3A_131 {offsets = [192, 0], sizes = [64, 200], strides = [1, 1]} : vector<256x200xf32> to vector<64x200xf32>
    %add3A_163 = vector.broadcast %get3A_7 : vector<64x1xf32> to vector<64x200xf32>
    %add3A_164 = arith.addf %slice3A_162, %add3A_163 : vector<64x200xf32>
    %swap3A_165 = arith.constant 0 : index
    %swap3A_166 = arith.constant 11 : index
    %swap3A_167 = arith.constant 0 : index
    %swap3A_168 = arith.constant 0 : index
    %swap3A_169 = vector.load %arg5[%swap3A_165, %swap3A_166, %swap3A_167, %swap3A_168] : memref<1x33x64x200xf32, #tpu.memory_space<vmem>>, vector<1x1x64x200xf32>
    %swap3A_170 = vector.shape_cast %swap3A_169 : vector<1x1x64x200xf32> to vector<64x200xf32>
    %swap3A_171 = vector.shape_cast %add3A_164 : vector<64x200xf32> to vector<1x1x64x200xf32>
    tpu.vector_store %arg5[%swap3A_165, %swap3A_166, %swap3A_167, %swap3A_168], %swap3A_171 {strides = array<i32>} : memref<1x33x64x200xf32, #tpu.memory_space<vmem>>, vector<1x1x64x200xf32>,
    %get3A_172 = arith.constant 0 : index
    %get3A_173 = arith.constant 384 : index
    %get3A_174 = vector.load %arg1[%get3A_172, %get3A_173] : memref<200x1152xf32, #tpu.memory_space<vmem>>, vector<200x128xf32>
    %bitcast_convert_type3A_175 = tpu.bitcast %get3A_174 : vector<200x128xf32> -> vector<200x128xi32>
    %shift_left3A_176 = arith.constant 16 : i32
    %shift_left3A_177 = vector.broadcast %shift_left3A_176 : i32 to vector<200x128xi32>
    %shift_left3A_178 = arith.shli %bitcast_convert_type3A_175, %shift_left3A_177 : vector<200x128xi32>
    %bitcast_convert_type3A_179 = tpu.bitcast %shift_left3A_178 : vector<200x128xi32> -> vector<200x128xf32>
    %and3A_180 = arith.constant -65536 : i32
    %and3A_181 = vector.broadcast %and3A_180 : i32 to vector<200x128xi32>
    %and3A_182 = arith.andi %bitcast_convert_type3A_175, %and3A_181 : vector<200x128xi32>
    %bitcast_convert_type3A_183 = tpu.bitcast %and3A_182 : vector<200x128xi32> -> vector<200x128xf32>
    %dot_general3A_184 = arith.constant dense<0.000000e+00> : vector<256x200xf32>
    %dot_general3A_185 = tpu.matmul %get3A_1, %bitcast_convert_type3A_179, %dot_general3A_184 {dimension_numbers = #tpu.dot_dimension_numbers<[1], [1], [0], [0], [0, 0, 1, 0], [], []>, transpose_lhs_hint = false} : vector<256x128xf32>, vector<200x128xf32>, vector<256x200xf32> -> vector<256x200xf32>
    %dot_general3A_186 = arith.constant dense<0.000000e+00> : vector<256x200xf32>
    %dot_general3A_187 = tpu.matmul %get3A_4, %bitcast_convert_type3A_183, %dot_general3A_186 {dimension_numbers = #tpu.dot_dimension_numbers<[1], [1], [0], [0], [0, 0, 1, 0], [], []>, transpose_lhs_hint = false} : vector<256x128xf32>, vector<200x128xf32>, vector<256x200xf32> -> vector<256x200xf32>
    %add3A_188 = arith.addf %dot_general3A_185, %dot_general3A_187 : vector<256x200xf32>
    %slice3A_189 = vector.extract_strided_slice %add3A_188 {offsets = [0, 0], sizes = [64, 200], strides = [1, 1]} : vector<256x200xf32> to vector<64x200xf32>
    %add3A_190 = vector.broadcast %get3A_7 : vector<64x1xf32> to vector<64x200xf32>
    %add3A_191 = arith.addf %slice3A_189, %add3A_190 : vector<64x200xf32>
    %swap3A_192 = arith.constant 0 : index
    %swap3A_193 = arith.constant 12 : index
    %swap3A_194 = arith.constant 0 : index
    %swap3A_195 = arith.constant 0 : index
    %swap3A_196 = vector.load %arg5[%swap3A_192, %swap3A_193, %swap3A_194, %swap3A_195] : memref<1x33x64x200xf32, #tpu.memory_space<vmem>>, vector<1x1x64x200xf32>
    %swap3A_197 = vector.shape_cast %swap3A_196 : vector<1x1x64x200xf32> to vector<64x200xf32>
    %swap3A_198 = vector.shape_cast %add3A_191 : vector<64x200xf32> to vector<1x1x64x200xf32>
    tpu.vector_store %arg5[%swap3A_192, %swap3A_193, %swap3A_194, %swap3A_195], %swap3A_198 {strides = array<i32>} : memref<1x33x64x200xf32, #tpu.memory_space<vmem>>, vector<1x1x64x200xf32>,
    %slice3A_199 = vector.extract_strided_slice %add3A_188 {offsets = [64, 0], sizes = [64, 200], strides = [1, 1]} : vector<256x200xf32> to vector<64x200xf32>
    %add3A_200 = vector.broadcast %get3A_7 : vector<64x1xf32> to vector<64x200xf32>
    %add3A_201 = arith.addf %slice3A_199, %add3A_200 : vector<64x200xf32>
    %swap3A_202 = arith.constant 0 : index
    %swap3A_203 = arith.constant 13 : index
    %swap3A_204 = arith.constant 0 : index
    %swap3A_205 = arith.constant 0 : index
    %swap3A_206 = vector.load %arg5[%swap3A_202, %swap3A_203, %swap3A_204, %swap3A_205] : memref<1x33x64x200xf32, #tpu.memory_space<vmem>>, vector<1x1x64x200xf32>
    %swap3A_207 = vector.shape_cast %swap3A_206 : vector<1x1x64x200xf32> to vector<64x200xf32>
    %swap3A_208 = vector.shape_cast %add3A_201 : vector<64x200xf32> to vector<1x1x64x200xf32>
    tpu.vector_store %arg5[%swap3A_202, %swap3A_203, %swap3A_204, %swap3A_205], %swap3A_208 {strides = array<i32>} : memref<1x33x64x200xf32, #tpu.memory_space<vmem>>, vector<1x1x64x200xf32>,
    %slice3A_209 = vector.extract_strided_slice %add3A_188 {offsets = [128, 0], sizes = [64, 200], strides = [1, 1]} : vector<256x200xf32> to vector<64x200xf32>
    %add3A_210 = vector.broadcast %get3A_7 : vector<64x1xf32> to vector<64x200xf32>
    %add3A_211 = arith.addf %slice3A_209, %add3A_210 : vector<64x200xf32>
    %swap3A_212 = arith.constant 0 : index
    %swap3A_213 = arith.constant 14 : index
    %swap3A_214 = arith.constant 0 : index
    %swap3A_215 = arith.constant 0 : index
    %swap3A_216 = vector.load %arg5[%swap3A_212, %swap3A_213, %swap3A_214, %swap3A_215] : memref<1x33x64x200xf32, #tpu.memory_space<vmem>>, vector<1x1x64x200xf32>
    %swap3A_217 = vector.shape_cast %swap3A_216 : vector<1x1x64x200xf32> to vector<64x200xf32>
    %swap3A_218 = vector.shape_cast %add3A_211 : vector<64x200xf32> to vector<1x1x64x200xf32>
    tpu.vector_store %arg5[%swap3A_212, %swap3A_213, %swap3A_214, %swap3A_215], %swap3A_218 {strides = array<i32>} : memref<1x33x64x200xf32, #tpu.memory_space<vmem>>, vector<1x1x64x200xf32>,
    %slice3A_219 = vector.extract_strided_slice %add3A_188 {offsets = [192, 0], sizes = [64, 200], strides = [1, 1]} : vector<256x200xf32> to vector<64x200xf32>
    %add3A_220 = vector.broadcast %get3A_7 : vector<64x1xf32> to vector<64x200xf32>
    %add3A_221 = arith.addf %slice3A_219, %add3A_220 : vector<64x200xf32>
    %swap3A_222 = arith.constant 0 : index
    %swap3A_223 = arith.constant 15 : index
    %swap3A_224 = arith.constant 0 : index
    %swap3A_225 = arith.constant 0 : index
    %swap3A_226 = vector.load %arg5[%swap3A_222, %swap3A_223, %swap3A_224, %swap3A_225] : memref<1x33x64x200xf32, #tpu.memory_space<vmem>>, vector<1x1x64x200xf32>
    %swap3A_227 = vector.shape_cast %swap3A_226 : vector<1x1x64x200xf32> to vector<64x200xf32>
    %swap3A_228 = vector.shape_cast %add3A_221 : vector<64x200xf32> to vector<1x1x64x200xf32>
    tpu.vector_store %arg5[%swap3A_222, %swap3A_223, %swap3A_224, %swap3A_225], %swap3A_228 {strides = array<i32>} : memref<1x33x64x200xf32, #tpu.memory_space<vmem>>, vector<1x1x64x200xf32>,
    %get3A_229 = arith.constant 0 : index
    %get3A_230 = arith.constant 512 : index
    %get3A_231 = vector.load %arg1[%get3A_229, %get3A_230] : memref<200x1152xf32, #tpu.memory_space<vmem>>, vector<200x128xf32>
    %bitcast_convert_type3A_232 = tpu.bitcast %get3A_231 : vector<200x128xf32> -> vector<200x128xi32>
    %shift_left3A_233 = arith.constant 16 : i32
    %shift_left3A_234 = vector.broadcast %shift_left3A_233 : i32 to vector<200x128xi32>
    %shift_left3A_235 = arith.shli %bitcast_convert_type3A_232, %shift_left3A_234 : vector<200x128xi32>
    %bitcast_convert_type3A_236 = tpu.bitcast %shift_left3A_235 : vector<200x128xi32> -> vector<200x128xf32>
    %and3A_237 = arith.constant -65536 : i32
    %and3A_238 = vector.broadcast %and3A_237 : i32 to vector<200x128xi32>
    %and3A_239 = arith.andi %bitcast_convert_type3A_232, %and3A_238 : vector<200x128xi32>
    %bitcast_convert_type3A_240 = tpu.bitcast %and3A_239 : vector<200x128xi32> -> vector<200x128xf32>
    %dot_general3A_241 = arith.constant dense<0.000000e+00> : vector<256x200xf32>
    %dot_general3A_242 = tpu.matmul %get3A_1, %bitcast_convert_type3A_236, %dot_general3A_241 {dimension_numbers = #tpu.dot_dimension_numbers<[1], [1], [0], [0], [0, 0, 1, 0], [], []>, transpose_lhs_hint = false} : vector<256x128xf32>, vector<200x128xf32>, vector<256x200xf32> -> vector<256x200xf32>
    %dot_general3A_243 = arith.constant dense<0.000000e+00> : vector<256x200xf32>
    %dot_general3A_244 = tpu.matmul %get3A_4, %bitcast_convert_type3A_240, %dot_general3A_243 {dimension_numbers = #tpu.dot_dimension_numbers<[1], [1], [0], [0], [0, 0, 1, 0], [], []>, transpose_lhs_hint = false} : vector<256x128xf32>, vector<200x128xf32>, vector<256x200xf32> -> vector<256x200xf32>
    %add3A_245 = arith.addf %dot_general3A_242, %dot_general3A_244 : vector<256x200xf32>
    %slice3A_246 = vector.extract_strided_slice %add3A_245 {offsets = [0, 0], sizes = [64, 200], strides = [1, 1]} : vector<256x200xf32> to vector<64x200xf32>
    %add3A_247 = vector.broadcast %get3A_7 : vector<64x1xf32> to vector<64x200xf32>
    %add3A_248 = arith.addf %slice3A_246, %add3A_247 : vector<64x200xf32>
    %swap3A_249 = arith.constant 0 : index
    %swap3A_250 = arith.constant 16 : index
    %swap3A_251 = arith.constant 0 : index
    %swap3A_252 = arith.constant 0 : index
    %swap3A_253 = vector.load %arg5[%swap3A_249, %swap3A_250, %swap3A_251, %swap3A_252] : memref<1x33x64x200xf32, #tpu.memory_space<vmem>>, vector<1x1x64x200xf32>
    %swap3A_254 = vector.shape_cast %swap3A_253 : vector<1x1x64x200xf32> to vector<64x200xf32>
    %swap3A_255 = vector.shape_cast %add3A_248 : vector<64x200xf32> to vector<1x1x64x200xf32>
    tpu.vector_store %arg5[%swap3A_249, %swap3A_250, %swap3A_251, %swap3A_252], %swap3A_255 {strides = array<i32>} : memref<1x33x64x200xf32, #tpu.memory_space<vmem>>, vector<1x1x64x200xf32>,
    %slice3A_256 = vector.extract_strided_slice %add3A_245 {offsets = [64, 0], sizes = [64, 200], strides = [1, 1]} : vector<256x200xf32> to vector<64x200xf32>
    %add3A_257 = vector.broadcast %get3A_7 : vector<64x1xf32> to vector<64x200xf32>
    %add3A_258 = arith.addf %slice3A_256, %add3A_257 : vector<64x200xf32>
    %swap3A_259 = arith.constant 0 : index
    %swap3A_260 = arith.constant 17 : index
    %swap3A_261 = arith.constant 0 : index
    %swap3A_262 = arith.constant 0 : index
    %swap3A_263 = vector.load %arg5[%swap3A_259, %swap3A_260, %swap3A_261, %swap3A_262] : memref<1x33x64x200xf32, #tpu.memory_space<vmem>>, vector<1x1x64x200xf32>
    %swap3A_264 = vector.shape_cast %swap3A_263 : vector<1x1x64x200xf32> to vector<64x200xf32>
    %swap3A_265 = vector.shape_cast %add3A_258 : vector<64x200xf32> to vector<1x1x64x200xf32>
    tpu.vector_store %arg5[%swap3A_259, %swap3A_260, %swap3A_261, %swap3A_262], %swap3A_265 {strides = array<i32>} : memref<1x33x64x200xf32, #tpu.memory_space<vmem>>, vector<1x1x64x200xf32>,
    %slice3A_266 = vector.extract_strided_slice %add3A_245 {offsets = [128, 0], sizes = [64, 200], strides = [1, 1]} : vector<256x200xf32> to vector<64x200xf32>
    %add3A_267 = vector.broadcast %get3A_7 : vector<64x1xf32> to vector<64x200xf32>
    %add3A_268 = arith.addf %slice3A_266, %add3A_267 : vector<64x200xf32>
    %swap3A_269 = arith.constant 0 : index
    %swap3A_270 = arith.constant 18 : index
    %swap3A_271 = arith.constant 0 : index
    %swap3A_272 = arith.constant 0 : index
    %swap3A_273 = vector.load %arg5[%swap3A_269, %swap3A_270, %swap3A_271, %swap3A_272] : memref<1x33x64x200xf32, #tpu.memory_space<vmem>>, vector<1x1x64x200xf32>
    %swap3A_274 = vector.shape_cast %swap3A_273 : vector<1x1x64x200xf32> to vector<64x200xf32>
    %swap3A_275 = vector.shape_cast %add3A_268 : vector<64x200xf32> to vector<1x1x64x200xf32>
    tpu.vector_store %arg5[%swap3A_269, %swap3A_270, %swap3A_271, %swap3A_272], %swap3A_275 {strides = array<i32>} : memref<1x33x64x200xf32, #tpu.memory_space<vmem>>, vector<1x1x64x200xf32>,
    %slice3A_276 = vector.extract_strided_slice %add3A_245 {offsets = [192, 0], sizes = [64, 200], strides = [1, 1]} : vector<256x200xf32> to vector<64x200xf32>
    %add3A_277 = vector.broadcast %get3A_7 : vector<64x1xf32> to vector<64x200xf32>
    %add3A_278 = arith.addf %slice3A_276, %add3A_277 : vector<64x200xf32>
    %swap3A_279 = arith.constant 0 : index
    %swap3A_280 = arith.constant 19 : index
    %swap3A_281 = arith.constant 0 : index
    %swap3A_282 = arith.constant 0 : index
    %swap3A_283 = vector.load %arg5[%swap3A_279, %swap3A_280, %swap3A_281, %swap3A_282] : memref<1x33x64x200xf32, #tpu.memory_space<vmem>>, vector<1x1x64x200xf32>
    %swap3A_284 = vector.shape_cast %swap3A_283 : vector<1x1x64x200xf32> to vector<64x200xf32>
    %swap3A_285 = vector.shape_cast %add3A_278 : vector<64x200xf32> to vector<1x1x64x200xf32>
    tpu.vector_store %arg5[%swap3A_279, %swap3A_280, %swap3A_281, %swap3A_282], %swap3A_285 {strides = array<i32>} : memref<1x33x64x200xf32, #tpu.memory_space<vmem>>, vector<1x1x64x200xf32>,
    %get3A_286 = arith.constant 0 : index
    %get3A_287 = arith.constant 640 : index
    %get3A_288 = vector.load %arg1[%get3A_286, %get3A_287] : memref<200x1152xf32, #tpu.memory_space<vmem>>, vector<200x128xf32>
    %bitcast_convert_type3A_289 = tpu.bitcast %get3A_288 : vector<200x128xf32> -> vector<200x128xi32>
    %shift_left3A_290 = arith.constant 16 : i32
    %shift_left3A_291 = vector.broadcast %shift_left3A_290 : i32 to vector<200x128xi32>
    %shift_left3A_292 = arith.shli %bitcast_convert_type3A_289, %shift_left3A_291 : vector<200x128xi32>
    %bitcast_convert_type3A_293 = tpu.bitcast %shift_left3A_292 : vector<200x128xi32> -> vector<200x128xf32>
    %and3A_294 = arith.constant -65536 : i32
    %and3A_295 = vector.broadcast %and3A_294 : i32 to vector<200x128xi32>
    %and3A_296 = arith.andi %bitcast_convert_type3A_289, %and3A_295 : vector<200x128xi32>
    %bitcast_convert_type3A_297 = tpu.bitcast %and3A_296 : vector<200x128xi32> -> vector<200x128xf32>
    %dot_general3A_298 = arith.constant dense<0.000000e+00> : vector<256x200xf32>
    %dot_general3A_299 = tpu.matmul %get3A_1, %bitcast_convert_type3A_293, %dot_general3A_298 {dimension_numbers = #tpu.dot_dimension_numbers<[1], [1], [0], [0], [0, 0, 1, 0], [], []>, transpose_lhs_hint = false} : vector<256x128xf32>, vector<200x128xf32>, vector<256x200xf32> -> vector<256x200xf32>
    %dot_general3A_300 = arith.constant dense<0.000000e+00> : vector<256x200xf32>
    %dot_general3A_301 = tpu.matmul %get3A_4, %bitcast_convert_type3A_297, %dot_general3A_300 {dimension_numbers = #tpu.dot_dimension_numbers<[1], [1], [0], [0], [0, 0, 1, 0], [], []>, transpose_lhs_hint = false} : vector<256x128xf32>, vector<200x128xf32>, vector<256x200xf32> -> vector<256x200xf32>
    %add3A_302 = arith.addf %dot_general3A_299, %dot_general3A_301 : vector<256x200xf32>
    %slice3A_303 = vector.extract_strided_slice %add3A_302 {offsets = [0, 0], sizes = [64, 200], strides = [1, 1]} : vector<256x200xf32> to vector<64x200xf32>
    %add3A_304 = vector.broadcast %get3A_7 : vector<64x1xf32> to vector<64x200xf32>
    %add3A_305 = arith.addf %slice3A_303, %add3A_304 : vector<64x200xf32>
    %swap3A_306 = arith.constant 0 : index
    %swap3A_307 = arith.constant 20 : index
    %swap3A_308 = arith.constant 0 : index
    %swap3A_309 = arith.constant 0 : index
    %swap3A_310 = vector.load %arg5[%swap3A_306, %swap3A_307, %swap3A_308, %swap3A_309] : memref<1x33x64x200xf32, #tpu.memory_space<vmem>>, vector<1x1x64x200xf32>
    %swap3A_311 = vector.shape_cast %swap3A_310 : vector<1x1x64x200xf32> to vector<64x200xf32>
    %swap3A_312 = vector.shape_cast %add3A_305 : vector<64x200xf32> to vector<1x1x64x200xf32>
    tpu.vector_store %arg5[%swap3A_306, %swap3A_307, %swap3A_308, %swap3A_309], %swap3A_312 {strides = array<i32>} : memref<1x33x64x200xf32, #tpu.memory_space<vmem>>, vector<1x1x64x200xf32>,
    %slice3A_313 = vector.extract_strided_slice %add3A_302 {offsets = [64, 0], sizes = [64, 200], strides = [1, 1]} : vector<256x200xf32> to vector<64x200xf32>
    %add3A_314 = vector.broadcast %get3A_7 : vector<64x1xf32> to vector<64x200xf32>
    %add3A_315 = arith.addf %slice3A_313, %add3A_314 : vector<64x200xf32>
    %swap3A_316 = arith.constant 0 : index
    %swap3A_317 = arith.constant 21 : index
    %swap3A_318 = arith.constant 0 : index
    %swap3A_319 = arith.constant 0 : index
    %swap3A_320 = vector.load %arg5[%swap3A_316, %swap3A_317, %swap3A_318, %swap3A_319] : memref<1x33x64x200xf32, #tpu.memory_space<vmem>>, vector<1x1x64x200xf32>
    %swap3A_321 = vector.shape_cast %swap3A_320 : vector<1x1x64x200xf32> to vector<64x200xf32>
    %swap3A_322 = vector.shape_cast %add3A_315 : vector<64x200xf32> to vector<1x1x64x200xf32>
    tpu.vector_store %arg5[%swap3A_316, %swap3A_317, %swap3A_318, %swap3A_319], %swap3A_322 {strides = array<i32>} : memref<1x33x64x200xf32, #tpu.memory_space<vmem>>, vector<1x1x64x200xf32>,
    %slice3A_323 = vector.extract_strided_slice %add3A_302 {offsets = [128, 0], sizes = [64, 200], strides = [1, 1]} : vector<256x200xf32> to vector<64x200xf32>
    %add3A_324 = vector.broadcast %get3A_7 : vector<64x1xf32> to vector<64x200xf32>
    %add3A_325 = arith.addf %slice3A_323, %add3A_324 : vector<64x200xf32>
    %swap3A_326 = arith.constant 0 : index
    %swap3A_327 = arith.constant 22 : index
    %swap3A_328 = arith.constant 0 : index
    %swap3A_329 = arith.constant 0 : index
    %swap3A_330 = vector.load %arg5[%swap3A_326, %swap3A_327, %swap3A_328, %swap3A_329] : memref<1x33x64x200xf32, #tpu.memory_space<vmem>>, vector<1x1x64x200xf32>
    %swap3A_331 = vector.shape_cast %swap3A_330 : vector<1x1x64x200xf32> to vector<64x200xf32>
    %swap3A_332 = vector.shape_cast %add3A_325 : vector<64x200xf32> to vector<1x1x64x200xf32>
    tpu.vector_store %arg5[%swap3A_326, %swap3A_327, %swap3A_328, %swap3A_329], %swap3A_332 {strides = array<i32>} : memref<1x33x64x200xf32, #tpu.memory_space<vmem>>, vector<1x1x64x200xf32>,
    %slice3A_333 = vector.extract_strided_slice %add3A_302 {offsets = [192, 0], sizes = [64, 200], strides = [1, 1]} : vector<256x200xf32> to vector<64x200xf32>
    %add3A_334 = vector.broadcast %get3A_7 : vector<64x1xf32> to vector<64x200xf32>
    %add3A_335 = arith.addf %slice3A_333, %add3A_334 : vector<64x200xf32>
    %swap3A_336 = arith.constant 0 : index
    %swap3A_337 = arith.constant 23 : index
    %swap3A_338 = arith.constant 0 : index
    %swap3A_339 = arith.constant 0 : index
    %swap3A_340 = vector.load %arg5[%swap3A_336, %swap3A_337, %swap3A_338, %swap3A_339] : memref<1x33x64x200xf32, #tpu.memory_space<vmem>>, vector<1x1x64x200xf32>
    %swap3A_341 = vector.shape_cast %swap3A_340 : vector<1x1x64x200xf32> to vector<64x200xf32>
    %swap3A_342 = vector.shape_cast %add3A_335 : vector<64x200xf32> to vector<1x1x64x200xf32>
    tpu.vector_store %arg5[%swap3A_336, %swap3A_337, %swap3A_338, %swap3A_339], %swap3A_342 {strides = array<i32>} : memref<1x33x64x200xf32, #tpu.memory_space<vmem>>, vector<1x1x64x200xf32>,
    %get3A_343 = arith.constant 0 : index
    %get3A_344 = arith.constant 768 : index
    %get3A_345 = vector.load %arg1[%get3A_343, %get3A_344] : memref<200x1152xf32, #tpu.memory_space<vmem>>, vector<200x128xf32>
    %bitcast_convert_type3A_346 = tpu.bitcast %get3A_345 : vector<200x128xf32> -> vector<200x128xi32>
    %shift_left3A_347 = arith.constant 16 : i32
    %shift_left3A_348 = vector.broadcast %shift_left3A_347 : i32 to vector<200x128xi32>
    %shift_left3A_349 = arith.shli %bitcast_convert_type3A_346, %shift_left3A_348 : vector<200x128xi32>
    %bitcast_convert_type3A_350 = tpu.bitcast %shift_left3A_349 : vector<200x128xi32> -> vector<200x128xf32>
    %and3A_351 = arith.constant -65536 : i32
    %and3A_352 = vector.broadcast %and3A_351 : i32 to vector<200x128xi32>
    %and3A_353 = arith.andi %bitcast_convert_type3A_346, %and3A_352 : vector<200x128xi32>
    %bitcast_convert_type3A_354 = tpu.bitcast %and3A_353 : vector<200x128xi32> -> vector<200x128xf32>
    %dot_general3A_355 = arith.constant dense<0.000000e+00> : vector<256x200xf32>
    %dot_general3A_356 = tpu.matmul %get3A_1, %bitcast_convert_type3A_350, %dot_general3A_355 {dimension_numbers = #tpu.dot_dimension_numbers<[1], [1], [0], [0], [0, 0, 1, 0], [], []>, transpose_lhs_hint = false} : vector<256x128xf32>, vector<200x128xf32>, vector<256x200xf32> -> vector<256x200xf32>
    %dot_general3A_357 = arith.constant dense<0.000000e+00> : vector<256x200xf32>
    %dot_general3A_358 = tpu.matmul %get3A_4, %bitcast_convert_type3A_354, %dot_general3A_357 {dimension_numbers = #tpu.dot_dimension_numbers<[1], [1], [0], [0], [0, 0, 1, 0], [], []>, transpose_lhs_hint = false} : vector<256x128xf32>, vector<200x128xf32>, vector<256x200xf32> -> vector<256x200xf32>
    %add3A_359 = arith.addf %dot_general3A_356, %dot_general3A_358 : vector<256x200xf32>
    %slice3A_360 = vector.extract_strided_slice %add3A_359 {offsets = [0, 0], sizes = [64, 200], strides = [1, 1]} : vector<256x200xf32> to vector<64x200xf32>
    %add3A_361 = vector.broadcast %get3A_7 : vector<64x1xf32> to vector<64x200xf32>
    %add3A_362 = arith.addf %slice3A_360, %add3A_361 : vector<64x200xf32>
    %swap3A_363 = arith.constant 0 : index
    %swap3A_364 = arith.constant 24 : index
    %swap3A_365 = arith.constant 0 : index
    %swap3A_366 = arith.constant 0 : index
    %swap3A_367 = vector.load %arg5[%swap3A_363, %swap3A_364, %swap3A_365, %swap3A_366] : memref<1x33x64x200xf32, #tpu.memory_space<vmem>>, vector<1x1x64x200xf32>
    %swap3A_368 = vector.shape_cast %swap3A_367 : vector<1x1x64x200xf32> to vector<64x200xf32>
    %swap3A_369 = vector.shape_cast %add3A_362 : vector<64x200xf32> to vector<1x1x64x200xf32>
    tpu.vector_store %arg5[%swap3A_363, %swap3A_364, %swap3A_365, %swap3A_366], %swap3A_369 {strides = array<i32>} : memref<1x33x64x200xf32, #tpu.memory_space<vmem>>, vector<1x1x64x200xf32>,
    %slice3A_370 = vector.extract_strided_slice %add3A_359 {offsets = [64, 0], sizes = [64, 200], strides = [1, 1]} : vector<256x200xf32> to vector<64x200xf32>
    %add3A_371 = vector.broadcast %get3A_7 : vector<64x1xf32> to vector<64x200xf32>
    %add3A_372 = arith.addf %slice3A_370, %add3A_371 : vector<64x200xf32>
    %swap3A_373 = arith.constant 0 : index
    %swap3A_374 = arith.constant 25 : index
    %swap3A_375 = arith.constant 0 : index
    %swap3A_376 = arith.constant 0 : index
    %swap3A_377 = vector.load %arg5[%swap3A_373, %swap3A_374, %swap3A_375, %swap3A_376] : memref<1x33x64x200xf32, #tpu.memory_space<vmem>>, vector<1x1x64x200xf32>
    %swap3A_378 = vector.shape_cast %swap3A_377 : vector<1x1x64x200xf32> to vector<64x200xf32>
    %swap3A_379 = vector.shape_cast %add3A_372 : vector<64x200xf32> to vector<1x1x64x200xf32>
    tpu.vector_store %arg5[%swap3A_373, %swap3A_374, %swap3A_375, %swap3A_376], %swap3A_379 {strides = array<i32>} : memref<1x33x64x200xf32, #tpu.memory_space<vmem>>, vector<1x1x64x200xf32>,
    %slice3A_380 = vector.extract_strided_slice %add3A_359 {offsets = [128, 0], sizes = [64, 200], strides = [1, 1]} : vector<256x200xf32> to vector<64x200xf32>
    %add3A_381 = vector.broadcast %get3A_7 : vector<64x1xf32> to vector<64x200xf32>
    %add3A_382 = arith.addf %slice3A_380, %add3A_381 : vector<64x200xf32>
    %swap3A_383 = arith.constant 0 : index
    %swap3A_384 = arith.constant 26 : index
    %swap3A_385 = arith.constant 0 : index
    %swap3A_386 = arith.constant 0 : index
    %swap3A_387 = vector.load %arg5[%swap3A_383, %swap3A_384, %swap3A_385, %swap3A_386] : memref<1x33x64x200xf32, #tpu.memory_space<vmem>>, vector<1x1x64x200xf32>
    %swap3A_388 = vector.shape_cast %swap3A_387 : vector<1x1x64x200xf32> to vector<64x200xf32>
    %swap3A_389 = vector.shape_cast %add3A_382 : vector<64x200xf32> to vector<1x1x64x200xf32>
    tpu.vector_store %arg5[%swap3A_383, %swap3A_384, %swap3A_385, %swap3A_386], %swap3A_389 {strides = array<i32>} : memref<1x33x64x200xf32, #tpu.memory_space<vmem>>, vector<1x1x64x200xf32>,
    %slice3A_390 = vector.extract_strided_slice %add3A_359 {offsets = [192, 0], sizes = [64, 200], strides = [1, 1]} : vector<256x200xf32> to vector<64x200xf32>
    %add3A_391 = vector.broadcast %get3A_7 : vector<64x1xf32> to vector<64x200xf32>
    %add3A_392 = arith.addf %slice3A_390, %add3A_391 : vector<64x200xf32>
    %swap3A_393 = arith.constant 0 : index
    %swap3A_394 = arith.constant 27 : index
    %swap3A_395 = arith.constant 0 : index
    %swap3A_396 = arith.constant 0 : index
    %swap3A_397 = vector.load %arg5[%swap3A_393, %swap3A_394, %swap3A_395, %swap3A_396] : memref<1x33x64x200xf32, #tpu.memory_space<vmem>>, vector<1x1x64x200xf32>
    %swap3A_398 = vector.shape_cast %swap3A_397 : vector<1x1x64x200xf32> to vector<64x200xf32>
    %swap3A_399 = vector.shape_cast %add3A_392 : vector<64x200xf32> to vector<1x1x64x200xf32>
    tpu.vector_store %arg5[%swap3A_393, %swap3A_394, %swap3A_395, %swap3A_396], %swap3A_399 {strides = array<i32>} : memref<1x33x64x200xf32, #tpu.memory_space<vmem>>, vector<1x1x64x200xf32>,
    %get3A_400 = arith.constant 0 : index
    %get3A_401 = arith.constant 896 : index
    %get3A_402 = vector.load %arg1[%get3A_400, %get3A_401] : memref<200x1152xf32, #tpu.memory_space<vmem>>, vector<200x128xf32>
    %bitcast_convert_type3A_403 = tpu.bitcast %get3A_402 : vector<200x128xf32> -> vector<200x128xi32>
    %shift_left3A_404 = arith.constant 16 : i32
    %shift_left3A_405 = vector.broadcast %shift_left3A_404 : i32 to vector<200x128xi32>
    %shift_left3A_406 = arith.shli %bitcast_convert_type3A_403, %shift_left3A_405 : vector<200x128xi32>
    %bitcast_convert_type3A_407 = tpu.bitcast %shift_left3A_406 : vector<200x128xi32> -> vector<200x128xf32>
    %and3A_408 = arith.constant -65536 : i32
    %and3A_409 = vector.broadcast %and3A_408 : i32 to vector<200x128xi32>
    %and3A_410 = arith.andi %bitcast_convert_type3A_403, %and3A_409 : vector<200x128xi32>
    %bitcast_convert_type3A_411 = tpu.bitcast %and3A_410 : vector<200x128xi32> -> vector<200x128xf32>
    %dot_general3A_412 = arith.constant dense<0.000000e+00> : vector<256x200xf32>
    %dot_general3A_413 = tpu.matmul %get3A_1, %bitcast_convert_type3A_407, %dot_general3A_412 {dimension_numbers = #tpu.dot_dimension_numbers<[1], [1], [0], [0], [0, 0, 1, 0], [], []>, transpose_lhs_hint = false} : vector<256x128xf32>, vector<200x128xf32>, vector<256x200xf32> -> vector<256x200xf32>
    %dot_general3A_414 = arith.constant dense<0.000000e+00> : vector<256x200xf32>
    %dot_general3A_415 = tpu.matmul %get3A_4, %bitcast_convert_type3A_411, %dot_general3A_414 {dimension_numbers = #tpu.dot_dimension_numbers<[1], [1], [0], [0], [0, 0, 1, 0], [], []>, transpose_lhs_hint = false} : vector<256x128xf32>, vector<200x128xf32>, vector<256x200xf32> -> vector<256x200xf32>
    %add3A_416 = arith.addf %dot_general3A_413, %dot_general3A_415 : vector<256x200xf32>
    %slice3A_417 = vector.extract_strided_slice %add3A_416 {offsets = [0, 0], sizes = [64, 200], strides = [1, 1]} : vector<256x200xf32> to vector<64x200xf32>
    %add3A_418 = vector.broadcast %get3A_7 : vector<64x1xf32> to vector<64x200xf32>
    %add3A_419 = arith.addf %slice3A_417, %add3A_418 : vector<64x200xf32>
    %swap3A_420 = arith.constant 0 : index
    %swap3A_421 = arith.constant 28 : index
    %swap3A_422 = arith.constant 0 : index
    %swap3A_423 = arith.constant 0 : index
    %swap3A_424 = vector.load %arg5[%swap3A_420, %swap3A_421, %swap3A_422, %swap3A_423] : memref<1x33x64x200xf32, #tpu.memory_space<vmem>>, vector<1x1x64x200xf32>
    %swap3A_425 = vector.shape_cast %swap3A_424 : vector<1x1x64x200xf32> to vector<64x200xf32>
    %swap3A_426 = vector.shape_cast %add3A_419 : vector<64x200xf32> to vector<1x1x64x200xf32>
    tpu.vector_store %arg5[%swap3A_420, %swap3A_421, %swap3A_422, %swap3A_423], %swap3A_426 {strides = array<i32>} : memref<1x33x64x200xf32, #tpu.memory_space<vmem>>, vector<1x1x64x200xf32>,
    %slice3A_427 = vector.extract_strided_slice %add3A_416 {offsets = [64, 0], sizes = [64, 200], strides = [1, 1]} : vector<256x200xf32> to vector<64x200xf32>
    %add3A_428 = vector.broadcast %get3A_7 : vector<64x1xf32> to vector<64x200xf32>
    %add3A_429 = arith.addf %slice3A_427, %add3A_428 : vector<64x200xf32>
    %swap3A_430 = arith.constant 0 : index
    %swap3A_431 = arith.constant 29 : index
    %swap3A_432 = arith.constant 0 : index
    %swap3A_433 = arith.constant 0 : index
    %swap3A_434 = vector.load %arg5[%swap3A_430, %swap3A_431, %swap3A_432, %swap3A_433] : memref<1x33x64x200xf32, #tpu.memory_space<vmem>>, vector<1x1x64x200xf32>
    %swap3A_435 = vector.shape_cast %swap3A_434 : vector<1x1x64x200xf32> to vector<64x200xf32>
    %swap3A_436 = vector.shape_cast %add3A_429 : vector<64x200xf32> to vector<1x1x64x200xf32>
    tpu.vector_store %arg5[%swap3A_430, %swap3A_431, %swap3A_432, %swap3A_433], %swap3A_436 {strides = array<i32>} : memref<1x33x64x200xf32, #tpu.memory_space<vmem>>, vector<1x1x64x200xf32>,
    %slice3A_437 = vector.extract_strided_slice %add3A_416 {offsets = [128, 0], sizes = [64, 200], strides = [1, 1]} : vector<256x200xf32> to vector<64x200xf32>
    %add3A_438 = vector.broadcast %get3A_7 : vector<64x1xf32> to vector<64x200xf32>
    %add3A_439 = arith.addf %slice3A_437, %add3A_438 : vector<64x200xf32>
    %swap3A_440 = arith.constant 0 : index
    %swap3A_441 = arith.constant 30 : index
    %swap3A_442 = arith.constant 0 : index
    %swap3A_443 = arith.constant 0 : index
    %swap3A_444 = vector.load %arg5[%swap3A_440, %swap3A_441, %swap3A_442, %swap3A_443] : memref<1x33x64x200xf32, #tpu.memory_space<vmem>>, vector<1x1x64x200xf32>
    %swap3A_445 = vector.shape_cast %swap3A_444 : vector<1x1x64x200xf32> to vector<64x200xf32>
    %swap3A_446 = vector.shape_cast %add3A_439 : vector<64x200xf32> to vector<1x1x64x200xf32>
    tpu.vector_store %arg5[%swap3A_440, %swap3A_441, %swap3A_442, %swap3A_443], %swap3A_446 {strides = array<i32>} : memref<1x33x64x200xf32, #tpu.memory_space<vmem>>, vector<1x1x64x200xf32>,
    %slice3A_447 = vector.extract_strided_slice %add3A_416 {offsets = [192, 0], sizes = [64, 200], strides = [1, 1]} : vector<256x200xf32> to vector<64x200xf32>
    %add3A_448 = vector.broadcast %get3A_7 : vector<64x1xf32> to vector<64x200xf32>
    %add3A_449 = arith.addf %slice3A_447, %add3A_448 : vector<64x200xf32>
    %swap3A_450 = arith.constant 0 : index
    %swap3A_451 = arith.constant 31 : index
    %swap3A_452 = arith.constant 0 : index
    %swap3A_453 = arith.constant 0 : index
    %swap3A_454 = vector.load %arg5[%swap3A_450, %swap3A_451, %swap3A_452, %swap3A_453] : memref<1x33x64x200xf32, #tpu.memory_space<vmem>>, vector<1x1x64x200xf32>
    %swap3A_455 = vector.shape_cast %swap3A_454 : vector<1x1x64x200xf32> to vector<64x200xf32>
    %swap3A_456 = vector.shape_cast %add3A_449 : vector<64x200xf32> to vector<1x1x64x200xf32>
    tpu.vector_store %arg5[%swap3A_450, %swap3A_451, %swap3A_452, %swap3A_453], %swap3A_456 {strides = array<i32>} : memref<1x33x64x200xf32, #tpu.memory_space<vmem>>, vector<1x1x64x200xf32>,
    %get3A_457 = arith.constant 0 : index
    %get3A_458 = arith.constant 1024 : index
    %get3A_459 = vector.load %arg1[%get3A_457, %get3A_458] : memref<200x1152xf32, #tpu.memory_space<vmem>>, vector<200x128xf32>
    %bitcast_convert_type3A_460 = tpu.bitcast %get3A_459 : vector<200x128xf32> -> vector<200x128xi32>
    %shift_left3A_461 = arith.constant 16 : i32
    %shift_left3A_462 = vector.broadcast %shift_left3A_461 : i32 to vector<200x128xi32>
    %shift_left3A_463 = arith.shli %bitcast_convert_type3A_460, %shift_left3A_462 : vector<200x128xi32>
    %bitcast_convert_type3A_464 = tpu.bitcast %shift_left3A_463 : vector<200x128xi32> -> vector<200x128xf32>
    %and3A_465 = arith.constant -65536 : i32
    %and3A_466 = vector.broadcast %and3A_465 : i32 to vector<200x128xi32>
    %and3A_467 = arith.andi %bitcast_convert_type3A_460, %and3A_466 : vector<200x128xi32>
    %bitcast_convert_type3A_468 = tpu.bitcast %and3A_467 : vector<200x128xi32> -> vector<200x128xf32>
    %dot_general3A_469 = arith.constant dense<0.000000e+00> : vector<256x200xf32>
    %dot_general3A_470 = tpu.matmul %get3A_1, %bitcast_convert_type3A_464, %dot_general3A_469 {dimension_numbers = #tpu.dot_dimension_numbers<[1], [1], [0], [0], [0, 0, 1, 0], [], []>, transpose_lhs_hint = false} : vector<256x128xf32>, vector<200x128xf32>, vector<256x200xf32> -> vector<256x200xf32>
    %dot_general3A_471 = arith.constant dense<0.000000e+00> : vector<256x200xf32>
    %dot_general3A_472 = tpu.matmul %get3A_4, %bitcast_convert_type3A_468, %dot_general3A_471 {dimension_numbers = #tpu.dot_dimension_numbers<[1], [1], [0], [0], [0, 0, 1, 0], [], []>, transpose_lhs_hint = false} : vector<256x128xf32>, vector<200x128xf32>, vector<256x200xf32> -> vector<256x200xf32>
    %add3A_473 = arith.addf %dot_general3A_470, %dot_general3A_472 : vector<256x200xf32>
    %slice3A_474 = vector.extract_strided_slice %add3A_473 {offsets = [0, 0], sizes = [64, 200], strides = [1, 1]} : vector<256x200xf32> to vector<64x200xf32>
    %add3A_475 = vector.broadcast %get3A_7 : vector<64x1xf32> to vector<64x200xf32>
    %add3A_476 = arith.addf %slice3A_474, %add3A_475 : vector<64x200xf32>
    %swap3A_477 = arith.constant 0 : index
    %swap3A_478 = arith.constant 32 : index
    %swap3A_479 = arith.constant 0 : index
    %swap3A_480 = arith.constant 0 : index
    %swap3A_481 = vector.load %arg5[%swap3A_477, %swap3A_478, %swap3A_479, %swap3A_480] : memref<1x33x64x200xf32, #tpu.memory_space<vmem>>, vector<1x1x64x200xf32>
    %swap3A_482 = vector.shape_cast %swap3A_481 : vector<1x1x64x200xf32> to vector<64x200xf32>
    %swap3A_483 = vector.shape_cast %add3A_476 : vector<64x200xf32> to vector<1x1x64x200xf32>
    tpu.vector_store %arg5[%swap3A_477, %swap3A_478, %swap3A_479, %swap3A_480], %swap3A_483 {strides = array<i32>} : memref<1x33x64x200xf32, #tpu.memory_space<vmem>>, vector<1x1x64x200xf32>,
    return
  }
  func.func @transform_0(%arg0: i32) -> (i32, i32) {
    %c0_i32 = arith.constant 0 : i32
    %c0_i32_0 = arith.constant 0 : i32
    return %arg0, %c0_i32 : i32, i32
  }
  func.func @transform_1(%arg0: i32) -> (i32, i32) {
    %c0_i32 = arith.constant 0 : i32
    %c0_i32_0 = arith.constant 0 : i32
    %c0_i32_1 = arith.constant 0 : i32
    return %c0_i32, %c0_i32_0 : i32, i32
  }
  func.func @transform_2(%arg0: i32) -> (i32, i32) {
    %c0_i32 = arith.constant 0 : i32
    %c0_i32_0 = arith.constant 0 : i32
    %c0_i32_1 = arith.constant 0 : i32
    return %c0_i32, %c0_i32_0 : i32, i32
  }
  func.func @transform_3(%arg0: i32) -> (i32, i32) {
    %c0_i32 = arith.constant 0 : i32
    %c0_i32_0 = arith.constant 0 : i32
    %c0_i32_1 = arith.constant 0 : i32
    return %c0_i32, %c0_i32_0 : i32, i32
  }
  func.func @transform_4(%arg0: i32) -> (i32, i32, i32, i32) {
    %add3A = arith.constant 0 : i32
    %add3A_0 = arith.addi %add3A, %arg0 : i32
    %c0_i32 = arith.constant 0 : i32
    %c0_i32_1 = arith.constant 0 : i32
    %c0_i32_2 = arith.constant 0 : i32
    %c0_i32_3 = arith.constant 0 : i32
    return %add3A_0, %c0_i32, %c0_i32_1, %c0_i32_2 : i32, i32, i32, i32
  }
}

module attributes {stable_mosaic.version = 14 : i64} {
  func.func @_shuffle_body(%arg0: i32, %arg1: memref<96x2112xf32, #tpu.memory_space<vmem>>, %arg2: memref<96x1152xf32, #tpu.memory_space<vmem>>) attributes {dimension_semantics = [#tpu.dimension_semantics<arbitrary>], iteration_bounds = array<i64: 11>, scalar_prefetch = 0 : i64, scratch_operands = 0 : i64, tpu.core_type = #tpu.core_type<tc>, window_params = [{transform_indices = @transform_0, window_bounds = array<i64: 96, 2112>}, {transform_indices = @transform_1, window_bounds = array<i64: 96, 1152>}]} {
    %get3A = arith.constant 0 : index
    %get3A_0 = arith.constant 0 : index
    %get3A_1 = vector.load %arg1[%get3A, %get3A_0] : memref<96x2112xf32, #tpu.memory_space<vmem>>, vector<96x2112xf32>
    %slice3A = vector.extract_strided_slice %get3A_1 {offsets = [0, 0], sizes = [96, 1056], strides = [1, 1]} : vector<96x2112xf32> to vector<96x1056xf32>
    %bitcast_convert_type3A = tpu.bitcast %slice3A : vector<96x1056xf32> -> vector<96x1056xi32>
    %slice3A_2 = vector.extract_strided_slice %get3A_1 {offsets = [0, 1056], sizes = [96, 1056], strides = [1, 1]} : vector<96x2112xf32> to vector<96x1056xf32>
    %bitcast_convert_type3A_3 = tpu.bitcast %slice3A_2 : vector<96x1056xf32> -> vector<96x1056xi32>
    %add3A = arith.constant 32767 : i32
    %add3A_4 = vector.broadcast %add3A : i32 to vector<96x1056xi32>
    %add3A_5 = arith.addi %bitcast_convert_type3A, %add3A_4 : vector<96x1056xi32>
    %shift_right_logical3A = arith.constant 16 : i32
    %shift_right_logical3A_6 = vector.broadcast %shift_right_logical3A : i32 to vector<96x1056xi32>
    %shift_right_logical3A_7 = arith.shrui %bitcast_convert_type3A, %shift_right_logical3A_6 : vector<96x1056xi32>
    %and3A = arith.constant 1 : i32
    %and3A_8 = vector.broadcast %and3A : i32 to vector<96x1056xi32>
    %and3A_9 = arith.andi %shift_right_logical3A_7, %and3A_8 : vector<96x1056xi32>
    %add3A_10 = arith.addi %add3A_5, %and3A_9 : vector<96x1056xi32>
    %shift_right_logical3A_11 = arith.constant 16 : i32
    %shift_right_logical3A_12 = vector.broadcast %shift_right_logical3A_11 : i32 to vector<96x1056xi32>
    %shift_right_logical3A_13 = arith.shrui %add3A_10, %shift_right_logical3A_12 : vector<96x1056xi32>
    %add3A_14 = arith.constant 32767 : i32
    %add3A_15 = vector.broadcast %add3A_14 : i32 to vector<96x1056xi32>
    %add3A_16 = arith.addi %bitcast_convert_type3A_3, %add3A_15 : vector<96x1056xi32>
    %shift_right_logical3A_17 = arith.constant 16 : i32
    %shift_right_logical3A_18 = vector.broadcast %shift_right_logical3A_17 : i32 to vector<96x1056xi32>
    %shift_right_logical3A_19 = arith.shrui %bitcast_convert_type3A_3, %shift_right_logical3A_18 : vector<96x1056xi32>
    %and3A_20 = arith.constant 1 : i32
    %and3A_21 = vector.broadcast %and3A_20 : i32 to vector<96x1056xi32>
    %and3A_22 = arith.andi %shift_right_logical3A_19, %and3A_21 : vector<96x1056xi32>
    %add3A_23 = arith.addi %add3A_16, %and3A_22 : vector<96x1056xi32>
    %shift_right_logical3A_24 = arith.constant 16 : i32
    %shift_right_logical3A_25 = vector.broadcast %shift_right_logical3A_24 : i32 to vector<96x1056xi32>
    %shift_right_logical3A_26 = arith.shrui %add3A_23, %shift_right_logical3A_25 : vector<96x1056xi32>
    %shift_left3A = arith.constant 16 : i32
    %shift_left3A_27 = vector.broadcast %shift_left3A : i32 to vector<96x1056xi32>
    %shift_left3A_28 = arith.shli %shift_right_logical3A_26, %shift_left3A_27 : vector<96x1056xi32>
    %or3A = arith.ori %shift_right_logical3A_13, %shift_left3A_28 : vector<96x1056xi32>
    %reshape3A = vector.shape_cast %or3A : vector<96x1056xi32> to vector<96x32x33xi32>
    %transpose3A = tpu.transpose %reshape3A, [0, 2, 1] : vector<96x32x33xi32> -> vector<96x33x32xi32>
    %reshape3A_29 = vector.shape_cast %transpose3A : vector<96x33x32xi32> to vector<96x1056xi32>
    %bitcast_convert_type3A_30 = tpu.bitcast %reshape3A_29 : vector<96x1056xi32> -> vector<96x1056xf32>
    %swap3A = arith.constant 0 : index
    %swap3A_31 = arith.constant 0 : index
    %swap3A_32 = vector.load %arg2[%swap3A, %swap3A_31] : memref<96x1152xf32, #tpu.memory_space<vmem>>, vector<96x1056xf32>
    tpu.vector_store %arg2[%swap3A, %swap3A_31], %bitcast_convert_type3A_30 {strides = array<i32>} : memref<96x1152xf32, #tpu.memory_space<vmem>>, vector<96x1056xf32>,
    %broadcast_in_dim3A = arith.constant 0.000000e+00 : f32
    %broadcast_in_dim3A_33 = vector.broadcast %broadcast_in_dim3A : f32 to vector<96x96xf32>
    %swap3A_34 = arith.constant 0 : index
    %swap3A_35 = arith.constant 1056 : index
    %swap3A_36 = vector.load %arg2[%swap3A_34, %swap3A_35] : memref<96x1152xf32, #tpu.memory_space<vmem>>, vector<96x96xf32>
    tpu.vector_store %arg2[%swap3A_34, %swap3A_35], %broadcast_in_dim3A_33 {strides = array<i32>} : memref<96x1152xf32, #tpu.memory_space<vmem>>, vector<96x96xf32>,
    return
  }
  func.func @transform_0(%arg0: i32) -> (i32, i32) {
    %c0_i32 = arith.constant 0 : i32
    %c0_i32_0 = arith.constant 0 : i32
    return %arg0, %c0_i32 : i32, i32
  }
  func.func @transform_1(%arg0: i32) -> (i32, i32) {
    %c0_i32 = arith.constant 0 : i32
    %c0_i32_0 = arith.constant 0 : i32
    return %arg0, %c0_i32 : i32, i32
  }
}

module attributes {stable_mosaic.version = 14 : i64} {
  func.func @_proj_body(%arg0: i32, %arg1: memref<200x1152xf32, #tpu.memory_space<vmem>>, %arg2: memref<256x128xf32, #tpu.memory_space<vmem>>, %arg3: memref<256x128xf32, #tpu.memory_space<vmem>>, %arg4: memref<64x1xf32, #tpu.memory_space<vmem>>, %arg5: memref<64x33x64x200xf32, #tpu.memory_space<any>>, %arg6: memref<1x33x64x200xf32, #tpu.memory_space<vmem>>) attributes {dimension_semantics = [#tpu.dimension_semantics<arbitrary>], iteration_bounds = array<i64: 8>, scalar_prefetch = 0 : i64, scratch_operands = 0 : i64, tpu.core_type = #tpu.core_type<tc>, window_params = [{transform_indices = @transform_0, window_bounds = array<i64: 200, 1152>}, {pipeline_mode = #tpu.pipeline_mode<synchronous>, transform_indices = @transform_1, window_bounds = array<i64: 256, 128>}, {pipeline_mode = #tpu.pipeline_mode<synchronous>, transform_indices = @transform_2, window_bounds = array<i64: 256, 128>}, {pipeline_mode = #tpu.pipeline_mode<synchronous>, transform_indices = @transform_3, window_bounds = array<i64: 64, 1>}, {}, {transform_indices = @transform_5, window_bounds = array<i64: 1, 33, 64, 200>}]} {
    %get3A = arith.constant 0 : index
    %get3A_0 = arith.constant 0 : index
    %get3A_1 = vector.load %arg2[%get3A, %get3A_0] : memref<256x128xf32, #tpu.memory_space<vmem>>, vector<256x128xf32>
    %get3A_2 = arith.constant 0 : index
    %get3A_3 = arith.constant 0 : index
    %get3A_4 = vector.load %arg3[%get3A_2, %get3A_3] : memref<256x128xf32, #tpu.memory_space<vmem>>, vector<256x128xf32>
    %get3A_5 = arith.constant 0 : index
    %get3A_6 = arith.constant 0 : index
    %get3A_7 = vector.load %arg4[%get3A_5, %get3A_6] : memref<64x1xf32, #tpu.memory_space<vmem>>, vector<64x1xf32>
    %get3A_8 = arith.constant 0 : index
    %get3A_9 = arith.constant 0 : index
    %get3A_10 = vector.load %arg1[%get3A_8, %get3A_9] : memref<200x1152xf32, #tpu.memory_space<vmem>>, vector<200x128xf32>
    %bitcast_convert_type3A = tpu.bitcast %get3A_10 : vector<200x128xf32> -> vector<200x128xi32>
    %shift_left3A = arith.constant 16 : i32
    %shift_left3A_11 = vector.broadcast %shift_left3A : i32 to vector<200x128xi32>
    %shift_left3A_12 = arith.shli %bitcast_convert_type3A, %shift_left3A_11 : vector<200x128xi32>
    %bitcast_convert_type3A_13 = tpu.bitcast %shift_left3A_12 : vector<200x128xi32> -> vector<200x128xf32>
    %and3A = arith.constant -65536 : i32
    %and3A_14 = vector.broadcast %and3A : i32 to vector<200x128xi32>
    %and3A_15 = arith.andi %bitcast_convert_type3A, %and3A_14 : vector<200x128xi32>
    %bitcast_convert_type3A_16 = tpu.bitcast %and3A_15 : vector<200x128xi32> -> vector<200x128xf32>
    %dot_general3A = arith.constant dense<0.000000e+00> : vector<256x200xf32>
    %dot_general3A_17 = tpu.matmul %get3A_1, %bitcast_convert_type3A_13, %dot_general3A {dimension_numbers = #tpu.dot_dimension_numbers<[1], [1], [0], [0], [0, 0, 1, 0], [], []>, transpose_lhs_hint = false} : vector<256x128xf32>, vector<200x128xf32>, vector<256x200xf32> -> vector<256x200xf32>
    %dot_general3A_18 = arith.constant dense<0.000000e+00> : vector<256x200xf32>
    %dot_general3A_19 = tpu.matmul %get3A_4, %bitcast_convert_type3A_16, %dot_general3A_18 {dimension_numbers = #tpu.dot_dimension_numbers<[1], [1], [0], [0], [0, 0, 1, 0], [], []>, transpose_lhs_hint = false} : vector<256x128xf32>, vector<200x128xf32>, vector<256x200xf32> -> vector<256x200xf32>
    %add3A = arith.addf %dot_general3A_17, %dot_general3A_19 : vector<256x200xf32>
    %slice3A = vector.extract_strided_slice %add3A {offsets = [0, 0], sizes = [64, 200], strides = [1, 1]} : vector<256x200xf32> to vector<64x200xf32>
    %add3A_20 = vector.broadcast %get3A_7 : vector<64x1xf32> to vector<64x200xf32>
    %add3A_21 = arith.addf %slice3A, %add3A_20 : vector<64x200xf32>
    %swap3A = arith.constant 0 : index
    %swap3A_22 = arith.constant 0 : index
    %swap3A_23 = arith.constant 0 : index
    %swap3A_24 = arith.constant 0 : index
    %swap3A_25 = vector.load %arg6[%swap3A, %swap3A_22, %swap3A_23, %swap3A_24] : memref<1x33x64x200xf32, #tpu.memory_space<vmem>>, vector<1x1x64x200xf32>
    %swap3A_26 = vector.shape_cast %swap3A_25 : vector<1x1x64x200xf32> to vector<64x200xf32>
    %swap3A_27 = vector.shape_cast %add3A_21 : vector<64x200xf32> to vector<1x1x64x200xf32>
    tpu.vector_store %arg6[%swap3A, %swap3A_22, %swap3A_23, %swap3A_24], %swap3A_27 {strides = array<i32>} : memref<1x33x64x200xf32, #tpu.memory_space<vmem>>, vector<1x1x64x200xf32>,
    %slice3A_28 = vector.extract_strided_slice %add3A {offsets = [64, 0], sizes = [64, 200], strides = [1, 1]} : vector<256x200xf32> to vector<64x200xf32>
    %add3A_29 = vector.broadcast %get3A_7 : vector<64x1xf32> to vector<64x200xf32>
    %add3A_30 = arith.addf %slice3A_28, %add3A_29 : vector<64x200xf32>
    %swap3A_31 = arith.constant 0 : index
    %swap3A_32 = arith.constant 1 : index
    %swap3A_33 = arith.constant 0 : index
    %swap3A_34 = arith.constant 0 : index
    %swap3A_35 = vector.load %arg6[%swap3A_31, %swap3A_32, %swap3A_33, %swap3A_34] : memref<1x33x64x200xf32, #tpu.memory_space<vmem>>, vector<1x1x64x200xf32>
    %swap3A_36 = vector.shape_cast %swap3A_35 : vector<1x1x64x200xf32> to vector<64x200xf32>
    %swap3A_37 = vector.shape_cast %add3A_30 : vector<64x200xf32> to vector<1x1x64x200xf32>
    tpu.vector_store %arg6[%swap3A_31, %swap3A_32, %swap3A_33, %swap3A_34], %swap3A_37 {strides = array<i32>} : memref<1x33x64x200xf32, #tpu.memory_space<vmem>>, vector<1x1x64x200xf32>,
    %slice3A_38 = vector.extract_strided_slice %add3A {offsets = [128, 0], sizes = [64, 200], strides = [1, 1]} : vector<256x200xf32> to vector<64x200xf32>
    %add3A_39 = vector.broadcast %get3A_7 : vector<64x1xf32> to vector<64x200xf32>
    %add3A_40 = arith.addf %slice3A_38, %add3A_39 : vector<64x200xf32>
    %swap3A_41 = arith.constant 0 : index
    %swap3A_42 = arith.constant 2 : index
    %swap3A_43 = arith.constant 0 : index
    %swap3A_44 = arith.constant 0 : index
    %swap3A_45 = vector.load %arg6[%swap3A_41, %swap3A_42, %swap3A_43, %swap3A_44] : memref<1x33x64x200xf32, #tpu.memory_space<vmem>>, vector<1x1x64x200xf32>
    %swap3A_46 = vector.shape_cast %swap3A_45 : vector<1x1x64x200xf32> to vector<64x200xf32>
    %swap3A_47 = vector.shape_cast %add3A_40 : vector<64x200xf32> to vector<1x1x64x200xf32>
    tpu.vector_store %arg6[%swap3A_41, %swap3A_42, %swap3A_43, %swap3A_44], %swap3A_47 {strides = array<i32>} : memref<1x33x64x200xf32, #tpu.memory_space<vmem>>, vector<1x1x64x200xf32>,
    %slice3A_48 = vector.extract_strided_slice %add3A {offsets = [192, 0], sizes = [64, 200], strides = [1, 1]} : vector<256x200xf32> to vector<64x200xf32>
    %add3A_49 = vector.broadcast %get3A_7 : vector<64x1xf32> to vector<64x200xf32>
    %add3A_50 = arith.addf %slice3A_48, %add3A_49 : vector<64x200xf32>
    %swap3A_51 = arith.constant 0 : index
    %swap3A_52 = arith.constant 3 : index
    %swap3A_53 = arith.constant 0 : index
    %swap3A_54 = arith.constant 0 : index
    %swap3A_55 = vector.load %arg6[%swap3A_51, %swap3A_52, %swap3A_53, %swap3A_54] : memref<1x33x64x200xf32, #tpu.memory_space<vmem>>, vector<1x1x64x200xf32>
    %swap3A_56 = vector.shape_cast %swap3A_55 : vector<1x1x64x200xf32> to vector<64x200xf32>
    %swap3A_57 = vector.shape_cast %add3A_50 : vector<64x200xf32> to vector<1x1x64x200xf32>
    tpu.vector_store %arg6[%swap3A_51, %swap3A_52, %swap3A_53, %swap3A_54], %swap3A_57 {strides = array<i32>} : memref<1x33x64x200xf32, #tpu.memory_space<vmem>>, vector<1x1x64x200xf32>,
    %get3A_58 = arith.constant 0 : index
    %get3A_59 = arith.constant 128 : index
    %get3A_60 = vector.load %arg1[%get3A_58, %get3A_59] : memref<200x1152xf32, #tpu.memory_space<vmem>>, vector<200x128xf32>
    %bitcast_convert_type3A_61 = tpu.bitcast %get3A_60 : vector<200x128xf32> -> vector<200x128xi32>
    %shift_left3A_62 = arith.constant 16 : i32
    %shift_left3A_63 = vector.broadcast %shift_left3A_62 : i32 to vector<200x128xi32>
    %shift_left3A_64 = arith.shli %bitcast_convert_type3A_61, %shift_left3A_63 : vector<200x128xi32>
    %bitcast_convert_type3A_65 = tpu.bitcast %shift_left3A_64 : vector<200x128xi32> -> vector<200x128xf32>
    %and3A_66 = arith.constant -65536 : i32
    %and3A_67 = vector.broadcast %and3A_66 : i32 to vector<200x128xi32>
    %and3A_68 = arith.andi %bitcast_convert_type3A_61, %and3A_67 : vector<200x128xi32>
    %bitcast_convert_type3A_69 = tpu.bitcast %and3A_68 : vector<200x128xi32> -> vector<200x128xf32>
    %dot_general3A_70 = arith.constant dense<0.000000e+00> : vector<256x200xf32>
    %dot_general3A_71 = tpu.matmul %get3A_1, %bitcast_convert_type3A_65, %dot_general3A_70 {dimension_numbers = #tpu.dot_dimension_numbers<[1], [1], [0], [0], [0, 0, 1, 0], [], []>, transpose_lhs_hint = false} : vector<256x128xf32>, vector<200x128xf32>, vector<256x200xf32> -> vector<256x200xf32>
    %dot_general3A_72 = arith.constant dense<0.000000e+00> : vector<256x200xf32>
    %dot_general3A_73 = tpu.matmul %get3A_4, %bitcast_convert_type3A_69, %dot_general3A_72 {dimension_numbers = #tpu.dot_dimension_numbers<[1], [1], [0], [0], [0, 0, 1, 0], [], []>, transpose_lhs_hint = false} : vector<256x128xf32>, vector<200x128xf32>, vector<256x200xf32> -> vector<256x200xf32>
    %add3A_74 = arith.addf %dot_general3A_71, %dot_general3A_73 : vector<256x200xf32>
    %slice3A_75 = vector.extract_strided_slice %add3A_74 {offsets = [0, 0], sizes = [64, 200], strides = [1, 1]} : vector<256x200xf32> to vector<64x200xf32>
    %add3A_76 = vector.broadcast %get3A_7 : vector<64x1xf32> to vector<64x200xf32>
    %add3A_77 = arith.addf %slice3A_75, %add3A_76 : vector<64x200xf32>
    %swap3A_78 = arith.constant 0 : index
    %swap3A_79 = arith.constant 4 : index
    %swap3A_80 = arith.constant 0 : index
    %swap3A_81 = arith.constant 0 : index
    %swap3A_82 = vector.load %arg6[%swap3A_78, %swap3A_79, %swap3A_80, %swap3A_81] : memref<1x33x64x200xf32, #tpu.memory_space<vmem>>, vector<1x1x64x200xf32>
    %swap3A_83 = vector.shape_cast %swap3A_82 : vector<1x1x64x200xf32> to vector<64x200xf32>
    %swap3A_84 = vector.shape_cast %add3A_77 : vector<64x200xf32> to vector<1x1x64x200xf32>
    tpu.vector_store %arg6[%swap3A_78, %swap3A_79, %swap3A_80, %swap3A_81], %swap3A_84 {strides = array<i32>} : memref<1x33x64x200xf32, #tpu.memory_space<vmem>>, vector<1x1x64x200xf32>,
    %slice3A_85 = vector.extract_strided_slice %add3A_74 {offsets = [64, 0], sizes = [64, 200], strides = [1, 1]} : vector<256x200xf32> to vector<64x200xf32>
    %add3A_86 = vector.broadcast %get3A_7 : vector<64x1xf32> to vector<64x200xf32>
    %add3A_87 = arith.addf %slice3A_85, %add3A_86 : vector<64x200xf32>
    %swap3A_88 = arith.constant 0 : index
    %swap3A_89 = arith.constant 5 : index
    %swap3A_90 = arith.constant 0 : index
    %swap3A_91 = arith.constant 0 : index
    %swap3A_92 = vector.load %arg6[%swap3A_88, %swap3A_89, %swap3A_90, %swap3A_91] : memref<1x33x64x200xf32, #tpu.memory_space<vmem>>, vector<1x1x64x200xf32>
    %swap3A_93 = vector.shape_cast %swap3A_92 : vector<1x1x64x200xf32> to vector<64x200xf32>
    %swap3A_94 = vector.shape_cast %add3A_87 : vector<64x200xf32> to vector<1x1x64x200xf32>
    tpu.vector_store %arg6[%swap3A_88, %swap3A_89, %swap3A_90, %swap3A_91], %swap3A_94 {strides = array<i32>} : memref<1x33x64x200xf32, #tpu.memory_space<vmem>>, vector<1x1x64x200xf32>,
    %slice3A_95 = vector.extract_strided_slice %add3A_74 {offsets = [128, 0], sizes = [64, 200], strides = [1, 1]} : vector<256x200xf32> to vector<64x200xf32>
    %add3A_96 = vector.broadcast %get3A_7 : vector<64x1xf32> to vector<64x200xf32>
    %add3A_97 = arith.addf %slice3A_95, %add3A_96 : vector<64x200xf32>
    %swap3A_98 = arith.constant 0 : index
    %swap3A_99 = arith.constant 6 : index
    %swap3A_100 = arith.constant 0 : index
    %swap3A_101 = arith.constant 0 : index
    %swap3A_102 = vector.load %arg6[%swap3A_98, %swap3A_99, %swap3A_100, %swap3A_101] : memref<1x33x64x200xf32, #tpu.memory_space<vmem>>, vector<1x1x64x200xf32>
    %swap3A_103 = vector.shape_cast %swap3A_102 : vector<1x1x64x200xf32> to vector<64x200xf32>
    %swap3A_104 = vector.shape_cast %add3A_97 : vector<64x200xf32> to vector<1x1x64x200xf32>
    tpu.vector_store %arg6[%swap3A_98, %swap3A_99, %swap3A_100, %swap3A_101], %swap3A_104 {strides = array<i32>} : memref<1x33x64x200xf32, #tpu.memory_space<vmem>>, vector<1x1x64x200xf32>,
    %slice3A_105 = vector.extract_strided_slice %add3A_74 {offsets = [192, 0], sizes = [64, 200], strides = [1, 1]} : vector<256x200xf32> to vector<64x200xf32>
    %add3A_106 = vector.broadcast %get3A_7 : vector<64x1xf32> to vector<64x200xf32>
    %add3A_107 = arith.addf %slice3A_105, %add3A_106 : vector<64x200xf32>
    %swap3A_108 = arith.constant 0 : index
    %swap3A_109 = arith.constant 7 : index
    %swap3A_110 = arith.constant 0 : index
    %swap3A_111 = arith.constant 0 : index
    %swap3A_112 = vector.load %arg6[%swap3A_108, %swap3A_109, %swap3A_110, %swap3A_111] : memref<1x33x64x200xf32, #tpu.memory_space<vmem>>, vector<1x1x64x200xf32>
    %swap3A_113 = vector.shape_cast %swap3A_112 : vector<1x1x64x200xf32> to vector<64x200xf32>
    %swap3A_114 = vector.shape_cast %add3A_107 : vector<64x200xf32> to vector<1x1x64x200xf32>
    tpu.vector_store %arg6[%swap3A_108, %swap3A_109, %swap3A_110, %swap3A_111], %swap3A_114 {strides = array<i32>} : memref<1x33x64x200xf32, #tpu.memory_space<vmem>>, vector<1x1x64x200xf32>,
    %get3A_115 = arith.constant 0 : index
    %get3A_116 = arith.constant 256 : index
    %get3A_117 = vector.load %arg1[%get3A_115, %get3A_116] : memref<200x1152xf32, #tpu.memory_space<vmem>>, vector<200x128xf32>
    %bitcast_convert_type3A_118 = tpu.bitcast %get3A_117 : vector<200x128xf32> -> vector<200x128xi32>
    %shift_left3A_119 = arith.constant 16 : i32
    %shift_left3A_120 = vector.broadcast %shift_left3A_119 : i32 to vector<200x128xi32>
    %shift_left3A_121 = arith.shli %bitcast_convert_type3A_118, %shift_left3A_120 : vector<200x128xi32>
    %bitcast_convert_type3A_122 = tpu.bitcast %shift_left3A_121 : vector<200x128xi32> -> vector<200x128xf32>
    %and3A_123 = arith.constant -65536 : i32
    %and3A_124 = vector.broadcast %and3A_123 : i32 to vector<200x128xi32>
    %and3A_125 = arith.andi %bitcast_convert_type3A_118, %and3A_124 : vector<200x128xi32>
    %bitcast_convert_type3A_126 = tpu.bitcast %and3A_125 : vector<200x128xi32> -> vector<200x128xf32>
    %dot_general3A_127 = arith.constant dense<0.000000e+00> : vector<256x200xf32>
    %dot_general3A_128 = tpu.matmul %get3A_1, %bitcast_convert_type3A_122, %dot_general3A_127 {dimension_numbers = #tpu.dot_dimension_numbers<[1], [1], [0], [0], [0, 0, 1, 0], [], []>, transpose_lhs_hint = false} : vector<256x128xf32>, vector<200x128xf32>, vector<256x200xf32> -> vector<256x200xf32>
    %dot_general3A_129 = arith.constant dense<0.000000e+00> : vector<256x200xf32>
    %dot_general3A_130 = tpu.matmul %get3A_4, %bitcast_convert_type3A_126, %dot_general3A_129 {dimension_numbers = #tpu.dot_dimension_numbers<[1], [1], [0], [0], [0, 0, 1, 0], [], []>, transpose_lhs_hint = false} : vector<256x128xf32>, vector<200x128xf32>, vector<256x200xf32> -> vector<256x200xf32>
    %add3A_131 = arith.addf %dot_general3A_128, %dot_general3A_130 : vector<256x200xf32>
    %slice3A_132 = vector.extract_strided_slice %add3A_131 {offsets = [0, 0], sizes = [64, 200], strides = [1, 1]} : vector<256x200xf32> to vector<64x200xf32>
    %add3A_133 = vector.broadcast %get3A_7 : vector<64x1xf32> to vector<64x200xf32>
    %add3A_134 = arith.addf %slice3A_132, %add3A_133 : vector<64x200xf32>
    %swap3A_135 = arith.constant 0 : index
    %swap3A_136 = arith.constant 8 : index
    %swap3A_137 = arith.constant 0 : index
    %swap3A_138 = arith.constant 0 : index
    %swap3A_139 = vector.load %arg6[%swap3A_135, %swap3A_136, %swap3A_137, %swap3A_138] : memref<1x33x64x200xf32, #tpu.memory_space<vmem>>, vector<1x1x64x200xf32>
    %swap3A_140 = vector.shape_cast %swap3A_139 : vector<1x1x64x200xf32> to vector<64x200xf32>
    %swap3A_141 = vector.shape_cast %add3A_134 : vector<64x200xf32> to vector<1x1x64x200xf32>
    tpu.vector_store %arg6[%swap3A_135, %swap3A_136, %swap3A_137, %swap3A_138], %swap3A_141 {strides = array<i32>} : memref<1x33x64x200xf32, #tpu.memory_space<vmem>>, vector<1x1x64x200xf32>,
    %slice3A_142 = vector.extract_strided_slice %add3A_131 {offsets = [64, 0], sizes = [64, 200], strides = [1, 1]} : vector<256x200xf32> to vector<64x200xf32>
    %add3A_143 = vector.broadcast %get3A_7 : vector<64x1xf32> to vector<64x200xf32>
    %add3A_144 = arith.addf %slice3A_142, %add3A_143 : vector<64x200xf32>
    %swap3A_145 = arith.constant 0 : index
    %swap3A_146 = arith.constant 9 : index
    %swap3A_147 = arith.constant 0 : index
    %swap3A_148 = arith.constant 0 : index
    %swap3A_149 = vector.load %arg6[%swap3A_145, %swap3A_146, %swap3A_147, %swap3A_148] : memref<1x33x64x200xf32, #tpu.memory_space<vmem>>, vector<1x1x64x200xf32>
    %swap3A_150 = vector.shape_cast %swap3A_149 : vector<1x1x64x200xf32> to vector<64x200xf32>
    %swap3A_151 = vector.shape_cast %add3A_144 : vector<64x200xf32> to vector<1x1x64x200xf32>
    tpu.vector_store %arg6[%swap3A_145, %swap3A_146, %swap3A_147, %swap3A_148], %swap3A_151 {strides = array<i32>} : memref<1x33x64x200xf32, #tpu.memory_space<vmem>>, vector<1x1x64x200xf32>,
    %slice3A_152 = vector.extract_strided_slice %add3A_131 {offsets = [128, 0], sizes = [64, 200], strides = [1, 1]} : vector<256x200xf32> to vector<64x200xf32>
    %add3A_153 = vector.broadcast %get3A_7 : vector<64x1xf32> to vector<64x200xf32>
    %add3A_154 = arith.addf %slice3A_152, %add3A_153 : vector<64x200xf32>
    %swap3A_155 = arith.constant 0 : index
    %swap3A_156 = arith.constant 10 : index
    %swap3A_157 = arith.constant 0 : index
    %swap3A_158 = arith.constant 0 : index
    %swap3A_159 = vector.load %arg6[%swap3A_155, %swap3A_156, %swap3A_157, %swap3A_158] : memref<1x33x64x200xf32, #tpu.memory_space<vmem>>, vector<1x1x64x200xf32>
    %swap3A_160 = vector.shape_cast %swap3A_159 : vector<1x1x64x200xf32> to vector<64x200xf32>
    %swap3A_161 = vector.shape_cast %add3A_154 : vector<64x200xf32> to vector<1x1x64x200xf32>
    tpu.vector_store %arg6[%swap3A_155, %swap3A_156, %swap3A_157, %swap3A_158], %swap3A_161 {strides = array<i32>} : memref<1x33x64x200xf32, #tpu.memory_space<vmem>>, vector<1x1x64x200xf32>,
    %slice3A_162 = vector.extract_strided_slice %add3A_131 {offsets = [192, 0], sizes = [64, 200], strides = [1, 1]} : vector<256x200xf32> to vector<64x200xf32>
    %add3A_163 = vector.broadcast %get3A_7 : vector<64x1xf32> to vector<64x200xf32>
    %add3A_164 = arith.addf %slice3A_162, %add3A_163 : vector<64x200xf32>
    %swap3A_165 = arith.constant 0 : index
    %swap3A_166 = arith.constant 11 : index
    %swap3A_167 = arith.constant 0 : index
    %swap3A_168 = arith.constant 0 : index
    %swap3A_169 = vector.load %arg6[%swap3A_165, %swap3A_166, %swap3A_167, %swap3A_168] : memref<1x33x64x200xf32, #tpu.memory_space<vmem>>, vector<1x1x64x200xf32>
    %swap3A_170 = vector.shape_cast %swap3A_169 : vector<1x1x64x200xf32> to vector<64x200xf32>
    %swap3A_171 = vector.shape_cast %add3A_164 : vector<64x200xf32> to vector<1x1x64x200xf32>
    tpu.vector_store %arg6[%swap3A_165, %swap3A_166, %swap3A_167, %swap3A_168], %swap3A_171 {strides = array<i32>} : memref<1x33x64x200xf32, #tpu.memory_space<vmem>>, vector<1x1x64x200xf32>,
    %get3A_172 = arith.constant 0 : index
    %get3A_173 = arith.constant 384 : index
    %get3A_174 = vector.load %arg1[%get3A_172, %get3A_173] : memref<200x1152xf32, #tpu.memory_space<vmem>>, vector<200x128xf32>
    %bitcast_convert_type3A_175 = tpu.bitcast %get3A_174 : vector<200x128xf32> -> vector<200x128xi32>
    %shift_left3A_176 = arith.constant 16 : i32
    %shift_left3A_177 = vector.broadcast %shift_left3A_176 : i32 to vector<200x128xi32>
    %shift_left3A_178 = arith.shli %bitcast_convert_type3A_175, %shift_left3A_177 : vector<200x128xi32>
    %bitcast_convert_type3A_179 = tpu.bitcast %shift_left3A_178 : vector<200x128xi32> -> vector<200x128xf32>
    %and3A_180 = arith.constant -65536 : i32
    %and3A_181 = vector.broadcast %and3A_180 : i32 to vector<200x128xi32>
    %and3A_182 = arith.andi %bitcast_convert_type3A_175, %and3A_181 : vector<200x128xi32>
    %bitcast_convert_type3A_183 = tpu.bitcast %and3A_182 : vector<200x128xi32> -> vector<200x128xf32>
    %dot_general3A_184 = arith.constant dense<0.000000e+00> : vector<256x200xf32>
    %dot_general3A_185 = tpu.matmul %get3A_1, %bitcast_convert_type3A_179, %dot_general3A_184 {dimension_numbers = #tpu.dot_dimension_numbers<[1], [1], [0], [0], [0, 0, 1, 0], [], []>, transpose_lhs_hint = false} : vector<256x128xf32>, vector<200x128xf32>, vector<256x200xf32> -> vector<256x200xf32>
    %dot_general3A_186 = arith.constant dense<0.000000e+00> : vector<256x200xf32>
    %dot_general3A_187 = tpu.matmul %get3A_4, %bitcast_convert_type3A_183, %dot_general3A_186 {dimension_numbers = #tpu.dot_dimension_numbers<[1], [1], [0], [0], [0, 0, 1, 0], [], []>, transpose_lhs_hint = false} : vector<256x128xf32>, vector<200x128xf32>, vector<256x200xf32> -> vector<256x200xf32>
    %add3A_188 = arith.addf %dot_general3A_185, %dot_general3A_187 : vector<256x200xf32>
    %slice3A_189 = vector.extract_strided_slice %add3A_188 {offsets = [0, 0], sizes = [64, 200], strides = [1, 1]} : vector<256x200xf32> to vector<64x200xf32>
    %add3A_190 = vector.broadcast %get3A_7 : vector<64x1xf32> to vector<64x200xf32>
    %add3A_191 = arith.addf %slice3A_189, %add3A_190 : vector<64x200xf32>
    %swap3A_192 = arith.constant 0 : index
    %swap3A_193 = arith.constant 12 : index
    %swap3A_194 = arith.constant 0 : index
    %swap3A_195 = arith.constant 0 : index
    %swap3A_196 = vector.load %arg6[%swap3A_192, %swap3A_193, %swap3A_194, %swap3A_195] : memref<1x33x64x200xf32, #tpu.memory_space<vmem>>, vector<1x1x64x200xf32>
    %swap3A_197 = vector.shape_cast %swap3A_196 : vector<1x1x64x200xf32> to vector<64x200xf32>
    %swap3A_198 = vector.shape_cast %add3A_191 : vector<64x200xf32> to vector<1x1x64x200xf32>
    tpu.vector_store %arg6[%swap3A_192, %swap3A_193, %swap3A_194, %swap3A_195], %swap3A_198 {strides = array<i32>} : memref<1x33x64x200xf32, #tpu.memory_space<vmem>>, vector<1x1x64x200xf32>,
    %slice3A_199 = vector.extract_strided_slice %add3A_188 {offsets = [64, 0], sizes = [64, 200], strides = [1, 1]} : vector<256x200xf32> to vector<64x200xf32>
    %add3A_200 = vector.broadcast %get3A_7 : vector<64x1xf32> to vector<64x200xf32>
    %add3A_201 = arith.addf %slice3A_199, %add3A_200 : vector<64x200xf32>
    %swap3A_202 = arith.constant 0 : index
    %swap3A_203 = arith.constant 13 : index
    %swap3A_204 = arith.constant 0 : index
    %swap3A_205 = arith.constant 0 : index
    %swap3A_206 = vector.load %arg6[%swap3A_202, %swap3A_203, %swap3A_204, %swap3A_205] : memref<1x33x64x200xf32, #tpu.memory_space<vmem>>, vector<1x1x64x200xf32>
    %swap3A_207 = vector.shape_cast %swap3A_206 : vector<1x1x64x200xf32> to vector<64x200xf32>
    %swap3A_208 = vector.shape_cast %add3A_201 : vector<64x200xf32> to vector<1x1x64x200xf32>
    tpu.vector_store %arg6[%swap3A_202, %swap3A_203, %swap3A_204, %swap3A_205], %swap3A_208 {strides = array<i32>} : memref<1x33x64x200xf32, #tpu.memory_space<vmem>>, vector<1x1x64x200xf32>,
    %slice3A_209 = vector.extract_strided_slice %add3A_188 {offsets = [128, 0], sizes = [64, 200], strides = [1, 1]} : vector<256x200xf32> to vector<64x200xf32>
    %add3A_210 = vector.broadcast %get3A_7 : vector<64x1xf32> to vector<64x200xf32>
    %add3A_211 = arith.addf %slice3A_209, %add3A_210 : vector<64x200xf32>
    %swap3A_212 = arith.constant 0 : index
    %swap3A_213 = arith.constant 14 : index
    %swap3A_214 = arith.constant 0 : index
    %swap3A_215 = arith.constant 0 : index
    %swap3A_216 = vector.load %arg6[%swap3A_212, %swap3A_213, %swap3A_214, %swap3A_215] : memref<1x33x64x200xf32, #tpu.memory_space<vmem>>, vector<1x1x64x200xf32>
    %swap3A_217 = vector.shape_cast %swap3A_216 : vector<1x1x64x200xf32> to vector<64x200xf32>
    %swap3A_218 = vector.shape_cast %add3A_211 : vector<64x200xf32> to vector<1x1x64x200xf32>
    tpu.vector_store %arg6[%swap3A_212, %swap3A_213, %swap3A_214, %swap3A_215], %swap3A_218 {strides = array<i32>} : memref<1x33x64x200xf32, #tpu.memory_space<vmem>>, vector<1x1x64x200xf32>,
    %slice3A_219 = vector.extract_strided_slice %add3A_188 {offsets = [192, 0], sizes = [64, 200], strides = [1, 1]} : vector<256x200xf32> to vector<64x200xf32>
    %add3A_220 = vector.broadcast %get3A_7 : vector<64x1xf32> to vector<64x200xf32>
    %add3A_221 = arith.addf %slice3A_219, %add3A_220 : vector<64x200xf32>
    %swap3A_222 = arith.constant 0 : index
    %swap3A_223 = arith.constant 15 : index
    %swap3A_224 = arith.constant 0 : index
    %swap3A_225 = arith.constant 0 : index
    %swap3A_226 = vector.load %arg6[%swap3A_222, %swap3A_223, %swap3A_224, %swap3A_225] : memref<1x33x64x200xf32, #tpu.memory_space<vmem>>, vector<1x1x64x200xf32>
    %swap3A_227 = vector.shape_cast %swap3A_226 : vector<1x1x64x200xf32> to vector<64x200xf32>
    %swap3A_228 = vector.shape_cast %add3A_221 : vector<64x200xf32> to vector<1x1x64x200xf32>
    tpu.vector_store %arg6[%swap3A_222, %swap3A_223, %swap3A_224, %swap3A_225], %swap3A_228 {strides = array<i32>} : memref<1x33x64x200xf32, #tpu.memory_space<vmem>>, vector<1x1x64x200xf32>,
    %get3A_229 = arith.constant 0 : index
    %get3A_230 = arith.constant 512 : index
    %get3A_231 = vector.load %arg1[%get3A_229, %get3A_230] : memref<200x1152xf32, #tpu.memory_space<vmem>>, vector<200x128xf32>
    %bitcast_convert_type3A_232 = tpu.bitcast %get3A_231 : vector<200x128xf32> -> vector<200x128xi32>
    %shift_left3A_233 = arith.constant 16 : i32
    %shift_left3A_234 = vector.broadcast %shift_left3A_233 : i32 to vector<200x128xi32>
    %shift_left3A_235 = arith.shli %bitcast_convert_type3A_232, %shift_left3A_234 : vector<200x128xi32>
    %bitcast_convert_type3A_236 = tpu.bitcast %shift_left3A_235 : vector<200x128xi32> -> vector<200x128xf32>
    %and3A_237 = arith.constant -65536 : i32
    %and3A_238 = vector.broadcast %and3A_237 : i32 to vector<200x128xi32>
    %and3A_239 = arith.andi %bitcast_convert_type3A_232, %and3A_238 : vector<200x128xi32>
    %bitcast_convert_type3A_240 = tpu.bitcast %and3A_239 : vector<200x128xi32> -> vector<200x128xf32>
    %dot_general3A_241 = arith.constant dense<0.000000e+00> : vector<256x200xf32>
    %dot_general3A_242 = tpu.matmul %get3A_1, %bitcast_convert_type3A_236, %dot_general3A_241 {dimension_numbers = #tpu.dot_dimension_numbers<[1], [1], [0], [0], [0, 0, 1, 0], [], []>, transpose_lhs_hint = false} : vector<256x128xf32>, vector<200x128xf32>, vector<256x200xf32> -> vector<256x200xf32>
    %dot_general3A_243 = arith.constant dense<0.000000e+00> : vector<256x200xf32>
    %dot_general3A_244 = tpu.matmul %get3A_4, %bitcast_convert_type3A_240, %dot_general3A_243 {dimension_numbers = #tpu.dot_dimension_numbers<[1], [1], [0], [0], [0, 0, 1, 0], [], []>, transpose_lhs_hint = false} : vector<256x128xf32>, vector<200x128xf32>, vector<256x200xf32> -> vector<256x200xf32>
    %add3A_245 = arith.addf %dot_general3A_242, %dot_general3A_244 : vector<256x200xf32>
    %slice3A_246 = vector.extract_strided_slice %add3A_245 {offsets = [0, 0], sizes = [64, 200], strides = [1, 1]} : vector<256x200xf32> to vector<64x200xf32>
    %add3A_247 = vector.broadcast %get3A_7 : vector<64x1xf32> to vector<64x200xf32>
    %add3A_248 = arith.addf %slice3A_246, %add3A_247 : vector<64x200xf32>
    %swap3A_249 = arith.constant 0 : index
    %swap3A_250 = arith.constant 16 : index
    %swap3A_251 = arith.constant 0 : index
    %swap3A_252 = arith.constant 0 : index
    %swap3A_253 = vector.load %arg6[%swap3A_249, %swap3A_250, %swap3A_251, %swap3A_252] : memref<1x33x64x200xf32, #tpu.memory_space<vmem>>, vector<1x1x64x200xf32>
    %swap3A_254 = vector.shape_cast %swap3A_253 : vector<1x1x64x200xf32> to vector<64x200xf32>
    %swap3A_255 = vector.shape_cast %add3A_248 : vector<64x200xf32> to vector<1x1x64x200xf32>
    tpu.vector_store %arg6[%swap3A_249, %swap3A_250, %swap3A_251, %swap3A_252], %swap3A_255 {strides = array<i32>} : memref<1x33x64x200xf32, #tpu.memory_space<vmem>>, vector<1x1x64x200xf32>,
    %slice3A_256 = vector.extract_strided_slice %add3A_245 {offsets = [64, 0], sizes = [64, 200], strides = [1, 1]} : vector<256x200xf32> to vector<64x200xf32>
    %add3A_257 = vector.broadcast %get3A_7 : vector<64x1xf32> to vector<64x200xf32>
    %add3A_258 = arith.addf %slice3A_256, %add3A_257 : vector<64x200xf32>
    %swap3A_259 = arith.constant 0 : index
    %swap3A_260 = arith.constant 17 : index
    %swap3A_261 = arith.constant 0 : index
    %swap3A_262 = arith.constant 0 : index
    %swap3A_263 = vector.load %arg6[%swap3A_259, %swap3A_260, %swap3A_261, %swap3A_262] : memref<1x33x64x200xf32, #tpu.memory_space<vmem>>, vector<1x1x64x200xf32>
    %swap3A_264 = vector.shape_cast %swap3A_263 : vector<1x1x64x200xf32> to vector<64x200xf32>
    %swap3A_265 = vector.shape_cast %add3A_258 : vector<64x200xf32> to vector<1x1x64x200xf32>
    tpu.vector_store %arg6[%swap3A_259, %swap3A_260, %swap3A_261, %swap3A_262], %swap3A_265 {strides = array<i32>} : memref<1x33x64x200xf32, #tpu.memory_space<vmem>>, vector<1x1x64x200xf32>,
    %slice3A_266 = vector.extract_strided_slice %add3A_245 {offsets = [128, 0], sizes = [64, 200], strides = [1, 1]} : vector<256x200xf32> to vector<64x200xf32>
    %add3A_267 = vector.broadcast %get3A_7 : vector<64x1xf32> to vector<64x200xf32>
    %add3A_268 = arith.addf %slice3A_266, %add3A_267 : vector<64x200xf32>
    %swap3A_269 = arith.constant 0 : index
    %swap3A_270 = arith.constant 18 : index
    %swap3A_271 = arith.constant 0 : index
    %swap3A_272 = arith.constant 0 : index
    %swap3A_273 = vector.load %arg6[%swap3A_269, %swap3A_270, %swap3A_271, %swap3A_272] : memref<1x33x64x200xf32, #tpu.memory_space<vmem>>, vector<1x1x64x200xf32>
    %swap3A_274 = vector.shape_cast %swap3A_273 : vector<1x1x64x200xf32> to vector<64x200xf32>
    %swap3A_275 = vector.shape_cast %add3A_268 : vector<64x200xf32> to vector<1x1x64x200xf32>
    tpu.vector_store %arg6[%swap3A_269, %swap3A_270, %swap3A_271, %swap3A_272], %swap3A_275 {strides = array<i32>} : memref<1x33x64x200xf32, #tpu.memory_space<vmem>>, vector<1x1x64x200xf32>,
    %slice3A_276 = vector.extract_strided_slice %add3A_245 {offsets = [192, 0], sizes = [64, 200], strides = [1, 1]} : vector<256x200xf32> to vector<64x200xf32>
    %add3A_277 = vector.broadcast %get3A_7 : vector<64x1xf32> to vector<64x200xf32>
    %add3A_278 = arith.addf %slice3A_276, %add3A_277 : vector<64x200xf32>
    %swap3A_279 = arith.constant 0 : index
    %swap3A_280 = arith.constant 19 : index
    %swap3A_281 = arith.constant 0 : index
    %swap3A_282 = arith.constant 0 : index
    %swap3A_283 = vector.load %arg6[%swap3A_279, %swap3A_280, %swap3A_281, %swap3A_282] : memref<1x33x64x200xf32, #tpu.memory_space<vmem>>, vector<1x1x64x200xf32>
    %swap3A_284 = vector.shape_cast %swap3A_283 : vector<1x1x64x200xf32> to vector<64x200xf32>
    %swap3A_285 = vector.shape_cast %add3A_278 : vector<64x200xf32> to vector<1x1x64x200xf32>
    tpu.vector_store %arg6[%swap3A_279, %swap3A_280, %swap3A_281, %swap3A_282], %swap3A_285 {strides = array<i32>} : memref<1x33x64x200xf32, #tpu.memory_space<vmem>>, vector<1x1x64x200xf32>,
    %get3A_286 = arith.constant 0 : index
    %get3A_287 = arith.constant 640 : index
    %get3A_288 = vector.load %arg1[%get3A_286, %get3A_287] : memref<200x1152xf32, #tpu.memory_space<vmem>>, vector<200x128xf32>
    %bitcast_convert_type3A_289 = tpu.bitcast %get3A_288 : vector<200x128xf32> -> vector<200x128xi32>
    %shift_left3A_290 = arith.constant 16 : i32
    %shift_left3A_291 = vector.broadcast %shift_left3A_290 : i32 to vector<200x128xi32>
    %shift_left3A_292 = arith.shli %bitcast_convert_type3A_289, %shift_left3A_291 : vector<200x128xi32>
    %bitcast_convert_type3A_293 = tpu.bitcast %shift_left3A_292 : vector<200x128xi32> -> vector<200x128xf32>
    %and3A_294 = arith.constant -65536 : i32
    %and3A_295 = vector.broadcast %and3A_294 : i32 to vector<200x128xi32>
    %and3A_296 = arith.andi %bitcast_convert_type3A_289, %and3A_295 : vector<200x128xi32>
    %bitcast_convert_type3A_297 = tpu.bitcast %and3A_296 : vector<200x128xi32> -> vector<200x128xf32>
    %dot_general3A_298 = arith.constant dense<0.000000e+00> : vector<256x200xf32>
    %dot_general3A_299 = tpu.matmul %get3A_1, %bitcast_convert_type3A_293, %dot_general3A_298 {dimension_numbers = #tpu.dot_dimension_numbers<[1], [1], [0], [0], [0, 0, 1, 0], [], []>, transpose_lhs_hint = false} : vector<256x128xf32>, vector<200x128xf32>, vector<256x200xf32> -> vector<256x200xf32>
    %dot_general3A_300 = arith.constant dense<0.000000e+00> : vector<256x200xf32>
    %dot_general3A_301 = tpu.matmul %get3A_4, %bitcast_convert_type3A_297, %dot_general3A_300 {dimension_numbers = #tpu.dot_dimension_numbers<[1], [1], [0], [0], [0, 0, 1, 0], [], []>, transpose_lhs_hint = false} : vector<256x128xf32>, vector<200x128xf32>, vector<256x200xf32> -> vector<256x200xf32>
    %add3A_302 = arith.addf %dot_general3A_299, %dot_general3A_301 : vector<256x200xf32>
    %slice3A_303 = vector.extract_strided_slice %add3A_302 {offsets = [0, 0], sizes = [64, 200], strides = [1, 1]} : vector<256x200xf32> to vector<64x200xf32>
    %add3A_304 = vector.broadcast %get3A_7 : vector<64x1xf32> to vector<64x200xf32>
    %add3A_305 = arith.addf %slice3A_303, %add3A_304 : vector<64x200xf32>
    %swap3A_306 = arith.constant 0 : index
    %swap3A_307 = arith.constant 20 : index
    %swap3A_308 = arith.constant 0 : index
    %swap3A_309 = arith.constant 0 : index
    %swap3A_310 = vector.load %arg6[%swap3A_306, %swap3A_307, %swap3A_308, %swap3A_309] : memref<1x33x64x200xf32, #tpu.memory_space<vmem>>, vector<1x1x64x200xf32>
    %swap3A_311 = vector.shape_cast %swap3A_310 : vector<1x1x64x200xf32> to vector<64x200xf32>
    %swap3A_312 = vector.shape_cast %add3A_305 : vector<64x200xf32> to vector<1x1x64x200xf32>
    tpu.vector_store %arg6[%swap3A_306, %swap3A_307, %swap3A_308, %swap3A_309], %swap3A_312 {strides = array<i32>} : memref<1x33x64x200xf32, #tpu.memory_space<vmem>>, vector<1x1x64x200xf32>,
    %slice3A_313 = vector.extract_strided_slice %add3A_302 {offsets = [64, 0], sizes = [64, 200], strides = [1, 1]} : vector<256x200xf32> to vector<64x200xf32>
    %add3A_314 = vector.broadcast %get3A_7 : vector<64x1xf32> to vector<64x200xf32>
    %add3A_315 = arith.addf %slice3A_313, %add3A_314 : vector<64x200xf32>
    %swap3A_316 = arith.constant 0 : index
    %swap3A_317 = arith.constant 21 : index
    %swap3A_318 = arith.constant 0 : index
    %swap3A_319 = arith.constant 0 : index
    %swap3A_320 = vector.load %arg6[%swap3A_316, %swap3A_317, %swap3A_318, %swap3A_319] : memref<1x33x64x200xf32, #tpu.memory_space<vmem>>, vector<1x1x64x200xf32>
    %swap3A_321 = vector.shape_cast %swap3A_320 : vector<1x1x64x200xf32> to vector<64x200xf32>
    %swap3A_322 = vector.shape_cast %add3A_315 : vector<64x200xf32> to vector<1x1x64x200xf32>
    tpu.vector_store %arg6[%swap3A_316, %swap3A_317, %swap3A_318, %swap3A_319], %swap3A_322 {strides = array<i32>} : memref<1x33x64x200xf32, #tpu.memory_space<vmem>>, vector<1x1x64x200xf32>,
    %slice3A_323 = vector.extract_strided_slice %add3A_302 {offsets = [128, 0], sizes = [64, 200], strides = [1, 1]} : vector<256x200xf32> to vector<64x200xf32>
    %add3A_324 = vector.broadcast %get3A_7 : vector<64x1xf32> to vector<64x200xf32>
    %add3A_325 = arith.addf %slice3A_323, %add3A_324 : vector<64x200xf32>
    %swap3A_326 = arith.constant 0 : index
    %swap3A_327 = arith.constant 22 : index
    %swap3A_328 = arith.constant 0 : index
    %swap3A_329 = arith.constant 0 : index
    %swap3A_330 = vector.load %arg6[%swap3A_326, %swap3A_327, %swap3A_328, %swap3A_329] : memref<1x33x64x200xf32, #tpu.memory_space<vmem>>, vector<1x1x64x200xf32>
    %swap3A_331 = vector.shape_cast %swap3A_330 : vector<1x1x64x200xf32> to vector<64x200xf32>
    %swap3A_332 = vector.shape_cast %add3A_325 : vector<64x200xf32> to vector<1x1x64x200xf32>
    tpu.vector_store %arg6[%swap3A_326, %swap3A_327, %swap3A_328, %swap3A_329], %swap3A_332 {strides = array<i32>} : memref<1x33x64x200xf32, #tpu.memory_space<vmem>>, vector<1x1x64x200xf32>,
    %slice3A_333 = vector.extract_strided_slice %add3A_302 {offsets = [192, 0], sizes = [64, 200], strides = [1, 1]} : vector<256x200xf32> to vector<64x200xf32>
    %add3A_334 = vector.broadcast %get3A_7 : vector<64x1xf32> to vector<64x200xf32>
    %add3A_335 = arith.addf %slice3A_333, %add3A_334 : vector<64x200xf32>
    %swap3A_336 = arith.constant 0 : index
    %swap3A_337 = arith.constant 23 : index
    %swap3A_338 = arith.constant 0 : index
    %swap3A_339 = arith.constant 0 : index
    %swap3A_340 = vector.load %arg6[%swap3A_336, %swap3A_337, %swap3A_338, %swap3A_339] : memref<1x33x64x200xf32, #tpu.memory_space<vmem>>, vector<1x1x64x200xf32>
    %swap3A_341 = vector.shape_cast %swap3A_340 : vector<1x1x64x200xf32> to vector<64x200xf32>
    %swap3A_342 = vector.shape_cast %add3A_335 : vector<64x200xf32> to vector<1x1x64x200xf32>
    tpu.vector_store %arg6[%swap3A_336, %swap3A_337, %swap3A_338, %swap3A_339], %swap3A_342 {strides = array<i32>} : memref<1x33x64x200xf32, #tpu.memory_space<vmem>>, vector<1x1x64x200xf32>,
    %get3A_343 = arith.constant 0 : index
    %get3A_344 = arith.constant 768 : index
    %get3A_345 = vector.load %arg1[%get3A_343, %get3A_344] : memref<200x1152xf32, #tpu.memory_space<vmem>>, vector<200x128xf32>
    %bitcast_convert_type3A_346 = tpu.bitcast %get3A_345 : vector<200x128xf32> -> vector<200x128xi32>
    %shift_left3A_347 = arith.constant 16 : i32
    %shift_left3A_348 = vector.broadcast %shift_left3A_347 : i32 to vector<200x128xi32>
    %shift_left3A_349 = arith.shli %bitcast_convert_type3A_346, %shift_left3A_348 : vector<200x128xi32>
    %bitcast_convert_type3A_350 = tpu.bitcast %shift_left3A_349 : vector<200x128xi32> -> vector<200x128xf32>
    %and3A_351 = arith.constant -65536 : i32
    %and3A_352 = vector.broadcast %and3A_351 : i32 to vector<200x128xi32>
    %and3A_353 = arith.andi %bitcast_convert_type3A_346, %and3A_352 : vector<200x128xi32>
    %bitcast_convert_type3A_354 = tpu.bitcast %and3A_353 : vector<200x128xi32> -> vector<200x128xf32>
    %dot_general3A_355 = arith.constant dense<0.000000e+00> : vector<256x200xf32>
    %dot_general3A_356 = tpu.matmul %get3A_1, %bitcast_convert_type3A_350, %dot_general3A_355 {dimension_numbers = #tpu.dot_dimension_numbers<[1], [1], [0], [0], [0, 0, 1, 0], [], []>, transpose_lhs_hint = false} : vector<256x128xf32>, vector<200x128xf32>, vector<256x200xf32> -> vector<256x200xf32>
    %dot_general3A_357 = arith.constant dense<0.000000e+00> : vector<256x200xf32>
    %dot_general3A_358 = tpu.matmul %get3A_4, %bitcast_convert_type3A_354, %dot_general3A_357 {dimension_numbers = #tpu.dot_dimension_numbers<[1], [1], [0], [0], [0, 0, 1, 0], [], []>, transpose_lhs_hint = false} : vector<256x128xf32>, vector<200x128xf32>, vector<256x200xf32> -> vector<256x200xf32>
    %add3A_359 = arith.addf %dot_general3A_356, %dot_general3A_358 : vector<256x200xf32>
    %slice3A_360 = vector.extract_strided_slice %add3A_359 {offsets = [0, 0], sizes = [64, 200], strides = [1, 1]} : vector<256x200xf32> to vector<64x200xf32>
    %add3A_361 = vector.broadcast %get3A_7 : vector<64x1xf32> to vector<64x200xf32>
    %add3A_362 = arith.addf %slice3A_360, %add3A_361 : vector<64x200xf32>
    %swap3A_363 = arith.constant 0 : index
    %swap3A_364 = arith.constant 24 : index
    %swap3A_365 = arith.constant 0 : index
    %swap3A_366 = arith.constant 0 : index
    %swap3A_367 = vector.load %arg6[%swap3A_363, %swap3A_364, %swap3A_365, %swap3A_366] : memref<1x33x64x200xf32, #tpu.memory_space<vmem>>, vector<1x1x64x200xf32>
    %swap3A_368 = vector.shape_cast %swap3A_367 : vector<1x1x64x200xf32> to vector<64x200xf32>
    %swap3A_369 = vector.shape_cast %add3A_362 : vector<64x200xf32> to vector<1x1x64x200xf32>
    tpu.vector_store %arg6[%swap3A_363, %swap3A_364, %swap3A_365, %swap3A_366], %swap3A_369 {strides = array<i32>} : memref<1x33x64x200xf32, #tpu.memory_space<vmem>>, vector<1x1x64x200xf32>,
    %slice3A_370 = vector.extract_strided_slice %add3A_359 {offsets = [64, 0], sizes = [64, 200], strides = [1, 1]} : vector<256x200xf32> to vector<64x200xf32>
    %add3A_371 = vector.broadcast %get3A_7 : vector<64x1xf32> to vector<64x200xf32>
    %add3A_372 = arith.addf %slice3A_370, %add3A_371 : vector<64x200xf32>
    %swap3A_373 = arith.constant 0 : index
    %swap3A_374 = arith.constant 25 : index
    %swap3A_375 = arith.constant 0 : index
    %swap3A_376 = arith.constant 0 : index
    %swap3A_377 = vector.load %arg6[%swap3A_373, %swap3A_374, %swap3A_375, %swap3A_376] : memref<1x33x64x200xf32, #tpu.memory_space<vmem>>, vector<1x1x64x200xf32>
    %swap3A_378 = vector.shape_cast %swap3A_377 : vector<1x1x64x200xf32> to vector<64x200xf32>
    %swap3A_379 = vector.shape_cast %add3A_372 : vector<64x200xf32> to vector<1x1x64x200xf32>
    tpu.vector_store %arg6[%swap3A_373, %swap3A_374, %swap3A_375, %swap3A_376], %swap3A_379 {strides = array<i32>} : memref<1x33x64x200xf32, #tpu.memory_space<vmem>>, vector<1x1x64x200xf32>,
    %slice3A_380 = vector.extract_strided_slice %add3A_359 {offsets = [128, 0], sizes = [64, 200], strides = [1, 1]} : vector<256x200xf32> to vector<64x200xf32>
    %add3A_381 = vector.broadcast %get3A_7 : vector<64x1xf32> to vector<64x200xf32>
    %add3A_382 = arith.addf %slice3A_380, %add3A_381 : vector<64x200xf32>
    %swap3A_383 = arith.constant 0 : index
    %swap3A_384 = arith.constant 26 : index
    %swap3A_385 = arith.constant 0 : index
    %swap3A_386 = arith.constant 0 : index
    %swap3A_387 = vector.load %arg6[%swap3A_383, %swap3A_384, %swap3A_385, %swap3A_386] : memref<1x33x64x200xf32, #tpu.memory_space<vmem>>, vector<1x1x64x200xf32>
    %swap3A_388 = vector.shape_cast %swap3A_387 : vector<1x1x64x200xf32> to vector<64x200xf32>
    %swap3A_389 = vector.shape_cast %add3A_382 : vector<64x200xf32> to vector<1x1x64x200xf32>
    tpu.vector_store %arg6[%swap3A_383, %swap3A_384, %swap3A_385, %swap3A_386], %swap3A_389 {strides = array<i32>} : memref<1x33x64x200xf32, #tpu.memory_space<vmem>>, vector<1x1x64x200xf32>,
    %slice3A_390 = vector.extract_strided_slice %add3A_359 {offsets = [192, 0], sizes = [64, 200], strides = [1, 1]} : vector<256x200xf32> to vector<64x200xf32>
    %add3A_391 = vector.broadcast %get3A_7 : vector<64x1xf32> to vector<64x200xf32>
    %add3A_392 = arith.addf %slice3A_390, %add3A_391 : vector<64x200xf32>
    %swap3A_393 = arith.constant 0 : index
    %swap3A_394 = arith.constant 27 : index
    %swap3A_395 = arith.constant 0 : index
    %swap3A_396 = arith.constant 0 : index
    %swap3A_397 = vector.load %arg6[%swap3A_393, %swap3A_394, %swap3A_395, %swap3A_396] : memref<1x33x64x200xf32, #tpu.memory_space<vmem>>, vector<1x1x64x200xf32>
    %swap3A_398 = vector.shape_cast %swap3A_397 : vector<1x1x64x200xf32> to vector<64x200xf32>
    %swap3A_399 = vector.shape_cast %add3A_392 : vector<64x200xf32> to vector<1x1x64x200xf32>
    tpu.vector_store %arg6[%swap3A_393, %swap3A_394, %swap3A_395, %swap3A_396], %swap3A_399 {strides = array<i32>} : memref<1x33x64x200xf32, #tpu.memory_space<vmem>>, vector<1x1x64x200xf32>,
    %get3A_400 = arith.constant 0 : index
    %get3A_401 = arith.constant 896 : index
    %get3A_402 = vector.load %arg1[%get3A_400, %get3A_401] : memref<200x1152xf32, #tpu.memory_space<vmem>>, vector<200x128xf32>
    %bitcast_convert_type3A_403 = tpu.bitcast %get3A_402 : vector<200x128xf32> -> vector<200x128xi32>
    %shift_left3A_404 = arith.constant 16 : i32
    %shift_left3A_405 = vector.broadcast %shift_left3A_404 : i32 to vector<200x128xi32>
    %shift_left3A_406 = arith.shli %bitcast_convert_type3A_403, %shift_left3A_405 : vector<200x128xi32>
    %bitcast_convert_type3A_407 = tpu.bitcast %shift_left3A_406 : vector<200x128xi32> -> vector<200x128xf32>
    %and3A_408 = arith.constant -65536 : i32
    %and3A_409 = vector.broadcast %and3A_408 : i32 to vector<200x128xi32>
    %and3A_410 = arith.andi %bitcast_convert_type3A_403, %and3A_409 : vector<200x128xi32>
    %bitcast_convert_type3A_411 = tpu.bitcast %and3A_410 : vector<200x128xi32> -> vector<200x128xf32>
    %dot_general3A_412 = arith.constant dense<0.000000e+00> : vector<256x200xf32>
    %dot_general3A_413 = tpu.matmul %get3A_1, %bitcast_convert_type3A_407, %dot_general3A_412 {dimension_numbers = #tpu.dot_dimension_numbers<[1], [1], [0], [0], [0, 0, 1, 0], [], []>, transpose_lhs_hint = false} : vector<256x128xf32>, vector<200x128xf32>, vector<256x200xf32> -> vector<256x200xf32>
    %dot_general3A_414 = arith.constant dense<0.000000e+00> : vector<256x200xf32>
    %dot_general3A_415 = tpu.matmul %get3A_4, %bitcast_convert_type3A_411, %dot_general3A_414 {dimension_numbers = #tpu.dot_dimension_numbers<[1], [1], [0], [0], [0, 0, 1, 0], [], []>, transpose_lhs_hint = false} : vector<256x128xf32>, vector<200x128xf32>, vector<256x200xf32> -> vector<256x200xf32>
    %add3A_416 = arith.addf %dot_general3A_413, %dot_general3A_415 : vector<256x200xf32>
    %slice3A_417 = vector.extract_strided_slice %add3A_416 {offsets = [0, 0], sizes = [64, 200], strides = [1, 1]} : vector<256x200xf32> to vector<64x200xf32>
    %add3A_418 = vector.broadcast %get3A_7 : vector<64x1xf32> to vector<64x200xf32>
    %add3A_419 = arith.addf %slice3A_417, %add3A_418 : vector<64x200xf32>
    %swap3A_420 = arith.constant 0 : index
    %swap3A_421 = arith.constant 28 : index
    %swap3A_422 = arith.constant 0 : index
    %swap3A_423 = arith.constant 0 : index
    %swap3A_424 = vector.load %arg6[%swap3A_420, %swap3A_421, %swap3A_422, %swap3A_423] : memref<1x33x64x200xf32, #tpu.memory_space<vmem>>, vector<1x1x64x200xf32>
    %swap3A_425 = vector.shape_cast %swap3A_424 : vector<1x1x64x200xf32> to vector<64x200xf32>
    %swap3A_426 = vector.shape_cast %add3A_419 : vector<64x200xf32> to vector<1x1x64x200xf32>
    tpu.vector_store %arg6[%swap3A_420, %swap3A_421, %swap3A_422, %swap3A_423], %swap3A_426 {strides = array<i32>} : memref<1x33x64x200xf32, #tpu.memory_space<vmem>>, vector<1x1x64x200xf32>,
    %slice3A_427 = vector.extract_strided_slice %add3A_416 {offsets = [64, 0], sizes = [64, 200], strides = [1, 1]} : vector<256x200xf32> to vector<64x200xf32>
    %add3A_428 = vector.broadcast %get3A_7 : vector<64x1xf32> to vector<64x200xf32>
    %add3A_429 = arith.addf %slice3A_427, %add3A_428 : vector<64x200xf32>
    %swap3A_430 = arith.constant 0 : index
    %swap3A_431 = arith.constant 29 : index
    %swap3A_432 = arith.constant 0 : index
    %swap3A_433 = arith.constant 0 : index
    %swap3A_434 = vector.load %arg6[%swap3A_430, %swap3A_431, %swap3A_432, %swap3A_433] : memref<1x33x64x200xf32, #tpu.memory_space<vmem>>, vector<1x1x64x200xf32>
    %swap3A_435 = vector.shape_cast %swap3A_434 : vector<1x1x64x200xf32> to vector<64x200xf32>
    %swap3A_436 = vector.shape_cast %add3A_429 : vector<64x200xf32> to vector<1x1x64x200xf32>
    tpu.vector_store %arg6[%swap3A_430, %swap3A_431, %swap3A_432, %swap3A_433], %swap3A_436 {strides = array<i32>} : memref<1x33x64x200xf32, #tpu.memory_space<vmem>>, vector<1x1x64x200xf32>,
    %slice3A_437 = vector.extract_strided_slice %add3A_416 {offsets = [128, 0], sizes = [64, 200], strides = [1, 1]} : vector<256x200xf32> to vector<64x200xf32>
    %add3A_438 = vector.broadcast %get3A_7 : vector<64x1xf32> to vector<64x200xf32>
    %add3A_439 = arith.addf %slice3A_437, %add3A_438 : vector<64x200xf32>
    %swap3A_440 = arith.constant 0 : index
    %swap3A_441 = arith.constant 30 : index
    %swap3A_442 = arith.constant 0 : index
    %swap3A_443 = arith.constant 0 : index
    %swap3A_444 = vector.load %arg6[%swap3A_440, %swap3A_441, %swap3A_442, %swap3A_443] : memref<1x33x64x200xf32, #tpu.memory_space<vmem>>, vector<1x1x64x200xf32>
    %swap3A_445 = vector.shape_cast %swap3A_444 : vector<1x1x64x200xf32> to vector<64x200xf32>
    %swap3A_446 = vector.shape_cast %add3A_439 : vector<64x200xf32> to vector<1x1x64x200xf32>
    tpu.vector_store %arg6[%swap3A_440, %swap3A_441, %swap3A_442, %swap3A_443], %swap3A_446 {strides = array<i32>} : memref<1x33x64x200xf32, #tpu.memory_space<vmem>>, vector<1x1x64x200xf32>,
    %slice3A_447 = vector.extract_strided_slice %add3A_416 {offsets = [192, 0], sizes = [64, 200], strides = [1, 1]} : vector<256x200xf32> to vector<64x200xf32>
    %add3A_448 = vector.broadcast %get3A_7 : vector<64x1xf32> to vector<64x200xf32>
    %add3A_449 = arith.addf %slice3A_447, %add3A_448 : vector<64x200xf32>
    %swap3A_450 = arith.constant 0 : index
    %swap3A_451 = arith.constant 31 : index
    %swap3A_452 = arith.constant 0 : index
    %swap3A_453 = arith.constant 0 : index
    %swap3A_454 = vector.load %arg6[%swap3A_450, %swap3A_451, %swap3A_452, %swap3A_453] : memref<1x33x64x200xf32, #tpu.memory_space<vmem>>, vector<1x1x64x200xf32>
    %swap3A_455 = vector.shape_cast %swap3A_454 : vector<1x1x64x200xf32> to vector<64x200xf32>
    %swap3A_456 = vector.shape_cast %add3A_449 : vector<64x200xf32> to vector<1x1x64x200xf32>
    tpu.vector_store %arg6[%swap3A_450, %swap3A_451, %swap3A_452, %swap3A_453], %swap3A_456 {strides = array<i32>} : memref<1x33x64x200xf32, #tpu.memory_space<vmem>>, vector<1x1x64x200xf32>,
    %get3A_457 = arith.constant 0 : index
    %get3A_458 = arith.constant 1024 : index
    %get3A_459 = vector.load %arg1[%get3A_457, %get3A_458] : memref<200x1152xf32, #tpu.memory_space<vmem>>, vector<200x128xf32>
    %bitcast_convert_type3A_460 = tpu.bitcast %get3A_459 : vector<200x128xf32> -> vector<200x128xi32>
    %shift_left3A_461 = arith.constant 16 : i32
    %shift_left3A_462 = vector.broadcast %shift_left3A_461 : i32 to vector<200x128xi32>
    %shift_left3A_463 = arith.shli %bitcast_convert_type3A_460, %shift_left3A_462 : vector<200x128xi32>
    %bitcast_convert_type3A_464 = tpu.bitcast %shift_left3A_463 : vector<200x128xi32> -> vector<200x128xf32>
    %and3A_465 = arith.constant -65536 : i32
    %and3A_466 = vector.broadcast %and3A_465 : i32 to vector<200x128xi32>
    %and3A_467 = arith.andi %bitcast_convert_type3A_460, %and3A_466 : vector<200x128xi32>
    %bitcast_convert_type3A_468 = tpu.bitcast %and3A_467 : vector<200x128xi32> -> vector<200x128xf32>
    %dot_general3A_469 = arith.constant dense<0.000000e+00> : vector<256x200xf32>
    %dot_general3A_470 = tpu.matmul %get3A_1, %bitcast_convert_type3A_464, %dot_general3A_469 {dimension_numbers = #tpu.dot_dimension_numbers<[1], [1], [0], [0], [0, 0, 1, 0], [], []>, transpose_lhs_hint = false} : vector<256x128xf32>, vector<200x128xf32>, vector<256x200xf32> -> vector<256x200xf32>
    %dot_general3A_471 = arith.constant dense<0.000000e+00> : vector<256x200xf32>
    %dot_general3A_472 = tpu.matmul %get3A_4, %bitcast_convert_type3A_468, %dot_general3A_471 {dimension_numbers = #tpu.dot_dimension_numbers<[1], [1], [0], [0], [0, 0, 1, 0], [], []>, transpose_lhs_hint = false} : vector<256x128xf32>, vector<200x128xf32>, vector<256x200xf32> -> vector<256x200xf32>
    %add3A_473 = arith.addf %dot_general3A_470, %dot_general3A_472 : vector<256x200xf32>
    %slice3A_474 = vector.extract_strided_slice %add3A_473 {offsets = [0, 0], sizes = [64, 200], strides = [1, 1]} : vector<256x200xf32> to vector<64x200xf32>
    %add3A_475 = vector.broadcast %get3A_7 : vector<64x1xf32> to vector<64x200xf32>
    %add3A_476 = arith.addf %slice3A_474, %add3A_475 : vector<64x200xf32>
    %swap3A_477 = arith.constant 0 : index
    %swap3A_478 = arith.constant 32 : index
    %swap3A_479 = arith.constant 0 : index
    %swap3A_480 = arith.constant 0 : index
    %swap3A_481 = vector.load %arg6[%swap3A_477, %swap3A_478, %swap3A_479, %swap3A_480] : memref<1x33x64x200xf32, #tpu.memory_space<vmem>>, vector<1x1x64x200xf32>
    %swap3A_482 = vector.shape_cast %swap3A_481 : vector<1x1x64x200xf32> to vector<64x200xf32>
    %swap3A_483 = vector.shape_cast %add3A_476 : vector<64x200xf32> to vector<1x1x64x200xf32>
    tpu.vector_store %arg6[%swap3A_477, %swap3A_478, %swap3A_479, %swap3A_480], %swap3A_483 {strides = array<i32>} : memref<1x33x64x200xf32, #tpu.memory_space<vmem>>, vector<1x1x64x200xf32>,
    return
  }
  func.func @transform_0(%arg0: i32) -> (i32, i32) {
    %c0_i32 = arith.constant 0 : i32
    %c0_i32_0 = arith.constant 0 : i32
    return %arg0, %c0_i32 : i32, i32
  }
  func.func @transform_1(%arg0: i32) -> (i32, i32) {
    %c0_i32 = arith.constant 0 : i32
    %c0_i32_0 = arith.constant 0 : i32
    %c0_i32_1 = arith.constant 0 : i32
    return %c0_i32, %c0_i32_0 : i32, i32
  }
  func.func @transform_2(%arg0: i32) -> (i32, i32) {
    %c0_i32 = arith.constant 0 : i32
    %c0_i32_0 = arith.constant 0 : i32
    %c0_i32_1 = arith.constant 0 : i32
    return %c0_i32, %c0_i32_0 : i32, i32
  }
  func.func @transform_3(%arg0: i32) -> (i32, i32) {
    %c0_i32 = arith.constant 0 : i32
    %c0_i32_0 = arith.constant 0 : i32
    %c0_i32_1 = arith.constant 0 : i32
    return %c0_i32, %c0_i32_0 : i32, i32
  }
  func.func @transform_5(%arg0: i32) -> (i32, i32, i32, i32) {
    %add3A = arith.constant 8 : i32
    %add3A_0 = arith.addi %add3A, %arg0 : i32
    %c0_i32 = arith.constant 0 : i32
    %c0_i32_1 = arith.constant 0 : i32
    %c0_i32_2 = arith.constant 0 : i32
    %c0_i32_3 = arith.constant 0 : i32
    return %add3A_0, %c0_i32, %c0_i32_1, %c0_i32_2 : i32, i32, i32, i32
  }
}

module attributes {stable_mosaic.version = 14 : i64} {
  func.func @_proj_body(%arg0: i32, %arg1: memref<200x1152xf32, #tpu.memory_space<vmem>>, %arg2: memref<256x128xf32, #tpu.memory_space<vmem>>, %arg3: memref<256x128xf32, #tpu.memory_space<vmem>>, %arg4: memref<64x1xf32, #tpu.memory_space<vmem>>, %arg5: memref<64x33x64x200xf32, #tpu.memory_space<any>>, %arg6: memref<1x33x64x200xf32, #tpu.memory_space<vmem>>) attributes {dimension_semantics = [#tpu.dimension_semantics<arbitrary>], iteration_bounds = array<i64: 16>, scalar_prefetch = 0 : i64, scratch_operands = 0 : i64, tpu.core_type = #tpu.core_type<tc>, window_params = [{transform_indices = @transform_0, window_bounds = array<i64: 200, 1152>}, {pipeline_mode = #tpu.pipeline_mode<synchronous>, transform_indices = @transform_1, window_bounds = array<i64: 256, 128>}, {pipeline_mode = #tpu.pipeline_mode<synchronous>, transform_indices = @transform_2, window_bounds = array<i64: 256, 128>}, {pipeline_mode = #tpu.pipeline_mode<synchronous>, transform_indices = @transform_3, window_bounds = array<i64: 64, 1>}, {}, {transform_indices = @transform_5, window_bounds = array<i64: 1, 33, 64, 200>}]} {
    %get3A = arith.constant 0 : index
    %get3A_0 = arith.constant 0 : index
    %get3A_1 = vector.load %arg2[%get3A, %get3A_0] : memref<256x128xf32, #tpu.memory_space<vmem>>, vector<256x128xf32>
    %get3A_2 = arith.constant 0 : index
    %get3A_3 = arith.constant 0 : index
    %get3A_4 = vector.load %arg3[%get3A_2, %get3A_3] : memref<256x128xf32, #tpu.memory_space<vmem>>, vector<256x128xf32>
    %get3A_5 = arith.constant 0 : index
    %get3A_6 = arith.constant 0 : index
    %get3A_7 = vector.load %arg4[%get3A_5, %get3A_6] : memref<64x1xf32, #tpu.memory_space<vmem>>, vector<64x1xf32>
    %get3A_8 = arith.constant 0 : index
    %get3A_9 = arith.constant 0 : index
    %get3A_10 = vector.load %arg1[%get3A_8, %get3A_9] : memref<200x1152xf32, #tpu.memory_space<vmem>>, vector<200x128xf32>
    %bitcast_convert_type3A = tpu.bitcast %get3A_10 : vector<200x128xf32> -> vector<200x128xi32>
    %shift_left3A = arith.constant 16 : i32
    %shift_left3A_11 = vector.broadcast %shift_left3A : i32 to vector<200x128xi32>
    %shift_left3A_12 = arith.shli %bitcast_convert_type3A, %shift_left3A_11 : vector<200x128xi32>
    %bitcast_convert_type3A_13 = tpu.bitcast %shift_left3A_12 : vector<200x128xi32> -> vector<200x128xf32>
    %and3A = arith.constant -65536 : i32
    %and3A_14 = vector.broadcast %and3A : i32 to vector<200x128xi32>
    %and3A_15 = arith.andi %bitcast_convert_type3A, %and3A_14 : vector<200x128xi32>
    %bitcast_convert_type3A_16 = tpu.bitcast %and3A_15 : vector<200x128xi32> -> vector<200x128xf32>
    %dot_general3A = arith.constant dense<0.000000e+00> : vector<256x200xf32>
    %dot_general3A_17 = tpu.matmul %get3A_1, %bitcast_convert_type3A_13, %dot_general3A {dimension_numbers = #tpu.dot_dimension_numbers<[1], [1], [0], [0], [0, 0, 1, 0], [], []>, transpose_lhs_hint = false} : vector<256x128xf32>, vector<200x128xf32>, vector<256x200xf32> -> vector<256x200xf32>
    %dot_general3A_18 = arith.constant dense<0.000000e+00> : vector<256x200xf32>
    %dot_general3A_19 = tpu.matmul %get3A_4, %bitcast_convert_type3A_16, %dot_general3A_18 {dimension_numbers = #tpu.dot_dimension_numbers<[1], [1], [0], [0], [0, 0, 1, 0], [], []>, transpose_lhs_hint = false} : vector<256x128xf32>, vector<200x128xf32>, vector<256x200xf32> -> vector<256x200xf32>
    %add3A = arith.addf %dot_general3A_17, %dot_general3A_19 : vector<256x200xf32>
    %slice3A = vector.extract_strided_slice %add3A {offsets = [0, 0], sizes = [64, 200], strides = [1, 1]} : vector<256x200xf32> to vector<64x200xf32>
    %add3A_20 = vector.broadcast %get3A_7 : vector<64x1xf32> to vector<64x200xf32>
    %add3A_21 = arith.addf %slice3A, %add3A_20 : vector<64x200xf32>
    %swap3A = arith.constant 0 : index
    %swap3A_22 = arith.constant 0 : index
    %swap3A_23 = arith.constant 0 : index
    %swap3A_24 = arith.constant 0 : index
    %swap3A_25 = vector.load %arg6[%swap3A, %swap3A_22, %swap3A_23, %swap3A_24] : memref<1x33x64x200xf32, #tpu.memory_space<vmem>>, vector<1x1x64x200xf32>
    %swap3A_26 = vector.shape_cast %swap3A_25 : vector<1x1x64x200xf32> to vector<64x200xf32>
    %swap3A_27 = vector.shape_cast %add3A_21 : vector<64x200xf32> to vector<1x1x64x200xf32>
    tpu.vector_store %arg6[%swap3A, %swap3A_22, %swap3A_23, %swap3A_24], %swap3A_27 {strides = array<i32>} : memref<1x33x64x200xf32, #tpu.memory_space<vmem>>, vector<1x1x64x200xf32>,
    %slice3A_28 = vector.extract_strided_slice %add3A {offsets = [64, 0], sizes = [64, 200], strides = [1, 1]} : vector<256x200xf32> to vector<64x200xf32>
    %add3A_29 = vector.broadcast %get3A_7 : vector<64x1xf32> to vector<64x200xf32>
    %add3A_30 = arith.addf %slice3A_28, %add3A_29 : vector<64x200xf32>
    %swap3A_31 = arith.constant 0 : index
    %swap3A_32 = arith.constant 1 : index
    %swap3A_33 = arith.constant 0 : index
    %swap3A_34 = arith.constant 0 : index
    %swap3A_35 = vector.load %arg6[%swap3A_31, %swap3A_32, %swap3A_33, %swap3A_34] : memref<1x33x64x200xf32, #tpu.memory_space<vmem>>, vector<1x1x64x200xf32>
    %swap3A_36 = vector.shape_cast %swap3A_35 : vector<1x1x64x200xf32> to vector<64x200xf32>
    %swap3A_37 = vector.shape_cast %add3A_30 : vector<64x200xf32> to vector<1x1x64x200xf32>
    tpu.vector_store %arg6[%swap3A_31, %swap3A_32, %swap3A_33, %swap3A_34], %swap3A_37 {strides = array<i32>} : memref<1x33x64x200xf32, #tpu.memory_space<vmem>>, vector<1x1x64x200xf32>,
    %slice3A_38 = vector.extract_strided_slice %add3A {offsets = [128, 0], sizes = [64, 200], strides = [1, 1]} : vector<256x200xf32> to vector<64x200xf32>
    %add3A_39 = vector.broadcast %get3A_7 : vector<64x1xf32> to vector<64x200xf32>
    %add3A_40 = arith.addf %slice3A_38, %add3A_39 : vector<64x200xf32>
    %swap3A_41 = arith.constant 0 : index
    %swap3A_42 = arith.constant 2 : index
    %swap3A_43 = arith.constant 0 : index
    %swap3A_44 = arith.constant 0 : index
    %swap3A_45 = vector.load %arg6[%swap3A_41, %swap3A_42, %swap3A_43, %swap3A_44] : memref<1x33x64x200xf32, #tpu.memory_space<vmem>>, vector<1x1x64x200xf32>
    %swap3A_46 = vector.shape_cast %swap3A_45 : vector<1x1x64x200xf32> to vector<64x200xf32>
    %swap3A_47 = vector.shape_cast %add3A_40 : vector<64x200xf32> to vector<1x1x64x200xf32>
    tpu.vector_store %arg6[%swap3A_41, %swap3A_42, %swap3A_43, %swap3A_44], %swap3A_47 {strides = array<i32>} : memref<1x33x64x200xf32, #tpu.memory_space<vmem>>, vector<1x1x64x200xf32>,
    %slice3A_48 = vector.extract_strided_slice %add3A {offsets = [192, 0], sizes = [64, 200], strides = [1, 1]} : vector<256x200xf32> to vector<64x200xf32>
    %add3A_49 = vector.broadcast %get3A_7 : vector<64x1xf32> to vector<64x200xf32>
    %add3A_50 = arith.addf %slice3A_48, %add3A_49 : vector<64x200xf32>
    %swap3A_51 = arith.constant 0 : index
    %swap3A_52 = arith.constant 3 : index
    %swap3A_53 = arith.constant 0 : index
    %swap3A_54 = arith.constant 0 : index
    %swap3A_55 = vector.load %arg6[%swap3A_51, %swap3A_52, %swap3A_53, %swap3A_54] : memref<1x33x64x200xf32, #tpu.memory_space<vmem>>, vector<1x1x64x200xf32>
    %swap3A_56 = vector.shape_cast %swap3A_55 : vector<1x1x64x200xf32> to vector<64x200xf32>
    %swap3A_57 = vector.shape_cast %add3A_50 : vector<64x200xf32> to vector<1x1x64x200xf32>
    tpu.vector_store %arg6[%swap3A_51, %swap3A_52, %swap3A_53, %swap3A_54], %swap3A_57 {strides = array<i32>} : memref<1x33x64x200xf32, #tpu.memory_space<vmem>>, vector<1x1x64x200xf32>,
    %get3A_58 = arith.constant 0 : index
    %get3A_59 = arith.constant 128 : index
    %get3A_60 = vector.load %arg1[%get3A_58, %get3A_59] : memref<200x1152xf32, #tpu.memory_space<vmem>>, vector<200x128xf32>
    %bitcast_convert_type3A_61 = tpu.bitcast %get3A_60 : vector<200x128xf32> -> vector<200x128xi32>
    %shift_left3A_62 = arith.constant 16 : i32
    %shift_left3A_63 = vector.broadcast %shift_left3A_62 : i32 to vector<200x128xi32>
    %shift_left3A_64 = arith.shli %bitcast_convert_type3A_61, %shift_left3A_63 : vector<200x128xi32>
    %bitcast_convert_type3A_65 = tpu.bitcast %shift_left3A_64 : vector<200x128xi32> -> vector<200x128xf32>
    %and3A_66 = arith.constant -65536 : i32
    %and3A_67 = vector.broadcast %and3A_66 : i32 to vector<200x128xi32>
    %and3A_68 = arith.andi %bitcast_convert_type3A_61, %and3A_67 : vector<200x128xi32>
    %bitcast_convert_type3A_69 = tpu.bitcast %and3A_68 : vector<200x128xi32> -> vector<200x128xf32>
    %dot_general3A_70 = arith.constant dense<0.000000e+00> : vector<256x200xf32>
    %dot_general3A_71 = tpu.matmul %get3A_1, %bitcast_convert_type3A_65, %dot_general3A_70 {dimension_numbers = #tpu.dot_dimension_numbers<[1], [1], [0], [0], [0, 0, 1, 0], [], []>, transpose_lhs_hint = false} : vector<256x128xf32>, vector<200x128xf32>, vector<256x200xf32> -> vector<256x200xf32>
    %dot_general3A_72 = arith.constant dense<0.000000e+00> : vector<256x200xf32>
    %dot_general3A_73 = tpu.matmul %get3A_4, %bitcast_convert_type3A_69, %dot_general3A_72 {dimension_numbers = #tpu.dot_dimension_numbers<[1], [1], [0], [0], [0, 0, 1, 0], [], []>, transpose_lhs_hint = false} : vector<256x128xf32>, vector<200x128xf32>, vector<256x200xf32> -> vector<256x200xf32>
    %add3A_74 = arith.addf %dot_general3A_71, %dot_general3A_73 : vector<256x200xf32>
    %slice3A_75 = vector.extract_strided_slice %add3A_74 {offsets = [0, 0], sizes = [64, 200], strides = [1, 1]} : vector<256x200xf32> to vector<64x200xf32>
    %add3A_76 = vector.broadcast %get3A_7 : vector<64x1xf32> to vector<64x200xf32>
    %add3A_77 = arith.addf %slice3A_75, %add3A_76 : vector<64x200xf32>
    %swap3A_78 = arith.constant 0 : index
    %swap3A_79 = arith.constant 4 : index
    %swap3A_80 = arith.constant 0 : index
    %swap3A_81 = arith.constant 0 : index
    %swap3A_82 = vector.load %arg6[%swap3A_78, %swap3A_79, %swap3A_80, %swap3A_81] : memref<1x33x64x200xf32, #tpu.memory_space<vmem>>, vector<1x1x64x200xf32>
    %swap3A_83 = vector.shape_cast %swap3A_82 : vector<1x1x64x200xf32> to vector<64x200xf32>
    %swap3A_84 = vector.shape_cast %add3A_77 : vector<64x200xf32> to vector<1x1x64x200xf32>
    tpu.vector_store %arg6[%swap3A_78, %swap3A_79, %swap3A_80, %swap3A_81], %swap3A_84 {strides = array<i32>} : memref<1x33x64x200xf32, #tpu.memory_space<vmem>>, vector<1x1x64x200xf32>,
    %slice3A_85 = vector.extract_strided_slice %add3A_74 {offsets = [64, 0], sizes = [64, 200], strides = [1, 1]} : vector<256x200xf32> to vector<64x200xf32>
    %add3A_86 = vector.broadcast %get3A_7 : vector<64x1xf32> to vector<64x200xf32>
    %add3A_87 = arith.addf %slice3A_85, %add3A_86 : vector<64x200xf32>
    %swap3A_88 = arith.constant 0 : index
    %swap3A_89 = arith.constant 5 : index
    %swap3A_90 = arith.constant 0 : index
    %swap3A_91 = arith.constant 0 : index
    %swap3A_92 = vector.load %arg6[%swap3A_88, %swap3A_89, %swap3A_90, %swap3A_91] : memref<1x33x64x200xf32, #tpu.memory_space<vmem>>, vector<1x1x64x200xf32>
    %swap3A_93 = vector.shape_cast %swap3A_92 : vector<1x1x64x200xf32> to vector<64x200xf32>
    %swap3A_94 = vector.shape_cast %add3A_87 : vector<64x200xf32> to vector<1x1x64x200xf32>
    tpu.vector_store %arg6[%swap3A_88, %swap3A_89, %swap3A_90, %swap3A_91], %swap3A_94 {strides = array<i32>} : memref<1x33x64x200xf32, #tpu.memory_space<vmem>>, vector<1x1x64x200xf32>,
    %slice3A_95 = vector.extract_strided_slice %add3A_74 {offsets = [128, 0], sizes = [64, 200], strides = [1, 1]} : vector<256x200xf32> to vector<64x200xf32>
    %add3A_96 = vector.broadcast %get3A_7 : vector<64x1xf32> to vector<64x200xf32>
    %add3A_97 = arith.addf %slice3A_95, %add3A_96 : vector<64x200xf32>
    %swap3A_98 = arith.constant 0 : index
    %swap3A_99 = arith.constant 6 : index
    %swap3A_100 = arith.constant 0 : index
    %swap3A_101 = arith.constant 0 : index
    %swap3A_102 = vector.load %arg6[%swap3A_98, %swap3A_99, %swap3A_100, %swap3A_101] : memref<1x33x64x200xf32, #tpu.memory_space<vmem>>, vector<1x1x64x200xf32>
    %swap3A_103 = vector.shape_cast %swap3A_102 : vector<1x1x64x200xf32> to vector<64x200xf32>
    %swap3A_104 = vector.shape_cast %add3A_97 : vector<64x200xf32> to vector<1x1x64x200xf32>
    tpu.vector_store %arg6[%swap3A_98, %swap3A_99, %swap3A_100, %swap3A_101], %swap3A_104 {strides = array<i32>} : memref<1x33x64x200xf32, #tpu.memory_space<vmem>>, vector<1x1x64x200xf32>,
    %slice3A_105 = vector.extract_strided_slice %add3A_74 {offsets = [192, 0], sizes = [64, 200], strides = [1, 1]} : vector<256x200xf32> to vector<64x200xf32>
    %add3A_106 = vector.broadcast %get3A_7 : vector<64x1xf32> to vector<64x200xf32>
    %add3A_107 = arith.addf %slice3A_105, %add3A_106 : vector<64x200xf32>
    %swap3A_108 = arith.constant 0 : index
    %swap3A_109 = arith.constant 7 : index
    %swap3A_110 = arith.constant 0 : index
    %swap3A_111 = arith.constant 0 : index
    %swap3A_112 = vector.load %arg6[%swap3A_108, %swap3A_109, %swap3A_110, %swap3A_111] : memref<1x33x64x200xf32, #tpu.memory_space<vmem>>, vector<1x1x64x200xf32>
    %swap3A_113 = vector.shape_cast %swap3A_112 : vector<1x1x64x200xf32> to vector<64x200xf32>
    %swap3A_114 = vector.shape_cast %add3A_107 : vector<64x200xf32> to vector<1x1x64x200xf32>
    tpu.vector_store %arg6[%swap3A_108, %swap3A_109, %swap3A_110, %swap3A_111], %swap3A_114 {strides = array<i32>} : memref<1x33x64x200xf32, #tpu.memory_space<vmem>>, vector<1x1x64x200xf32>,
    %get3A_115 = arith.constant 0 : index
    %get3A_116 = arith.constant 256 : index
    %get3A_117 = vector.load %arg1[%get3A_115, %get3A_116] : memref<200x1152xf32, #tpu.memory_space<vmem>>, vector<200x128xf32>
    %bitcast_convert_type3A_118 = tpu.bitcast %get3A_117 : vector<200x128xf32> -> vector<200x128xi32>
    %shift_left3A_119 = arith.constant 16 : i32
    %shift_left3A_120 = vector.broadcast %shift_left3A_119 : i32 to vector<200x128xi32>
    %shift_left3A_121 = arith.shli %bitcast_convert_type3A_118, %shift_left3A_120 : vector<200x128xi32>
    %bitcast_convert_type3A_122 = tpu.bitcast %shift_left3A_121 : vector<200x128xi32> -> vector<200x128xf32>
    %and3A_123 = arith.constant -65536 : i32
    %and3A_124 = vector.broadcast %and3A_123 : i32 to vector<200x128xi32>
    %and3A_125 = arith.andi %bitcast_convert_type3A_118, %and3A_124 : vector<200x128xi32>
    %bitcast_convert_type3A_126 = tpu.bitcast %and3A_125 : vector<200x128xi32> -> vector<200x128xf32>
    %dot_general3A_127 = arith.constant dense<0.000000e+00> : vector<256x200xf32>
    %dot_general3A_128 = tpu.matmul %get3A_1, %bitcast_convert_type3A_122, %dot_general3A_127 {dimension_numbers = #tpu.dot_dimension_numbers<[1], [1], [0], [0], [0, 0, 1, 0], [], []>, transpose_lhs_hint = false} : vector<256x128xf32>, vector<200x128xf32>, vector<256x200xf32> -> vector<256x200xf32>
    %dot_general3A_129 = arith.constant dense<0.000000e+00> : vector<256x200xf32>
    %dot_general3A_130 = tpu.matmul %get3A_4, %bitcast_convert_type3A_126, %dot_general3A_129 {dimension_numbers = #tpu.dot_dimension_numbers<[1], [1], [0], [0], [0, 0, 1, 0], [], []>, transpose_lhs_hint = false} : vector<256x128xf32>, vector<200x128xf32>, vector<256x200xf32> -> vector<256x200xf32>
    %add3A_131 = arith.addf %dot_general3A_128, %dot_general3A_130 : vector<256x200xf32>
    %slice3A_132 = vector.extract_strided_slice %add3A_131 {offsets = [0, 0], sizes = [64, 200], strides = [1, 1]} : vector<256x200xf32> to vector<64x200xf32>
    %add3A_133 = vector.broadcast %get3A_7 : vector<64x1xf32> to vector<64x200xf32>
    %add3A_134 = arith.addf %slice3A_132, %add3A_133 : vector<64x200xf32>
    %swap3A_135 = arith.constant 0 : index
    %swap3A_136 = arith.constant 8 : index
    %swap3A_137 = arith.constant 0 : index
    %swap3A_138 = arith.constant 0 : index
    %swap3A_139 = vector.load %arg6[%swap3A_135, %swap3A_136, %swap3A_137, %swap3A_138] : memref<1x33x64x200xf32, #tpu.memory_space<vmem>>, vector<1x1x64x200xf32>
    %swap3A_140 = vector.shape_cast %swap3A_139 : vector<1x1x64x200xf32> to vector<64x200xf32>
    %swap3A_141 = vector.shape_cast %add3A_134 : vector<64x200xf32> to vector<1x1x64x200xf32>
    tpu.vector_store %arg6[%swap3A_135, %swap3A_136, %swap3A_137, %swap3A_138], %swap3A_141 {strides = array<i32>} : memref<1x33x64x200xf32, #tpu.memory_space<vmem>>, vector<1x1x64x200xf32>,
    %slice3A_142 = vector.extract_strided_slice %add3A_131 {offsets = [64, 0], sizes = [64, 200], strides = [1, 1]} : vector<256x200xf32> to vector<64x200xf32>
    %add3A_143 = vector.broadcast %get3A_7 : vector<64x1xf32> to vector<64x200xf32>
    %add3A_144 = arith.addf %slice3A_142, %add3A_143 : vector<64x200xf32>
    %swap3A_145 = arith.constant 0 : index
    %swap3A_146 = arith.constant 9 : index
    %swap3A_147 = arith.constant 0 : index
    %swap3A_148 = arith.constant 0 : index
    %swap3A_149 = vector.load %arg6[%swap3A_145, %swap3A_146, %swap3A_147, %swap3A_148] : memref<1x33x64x200xf32, #tpu.memory_space<vmem>>, vector<1x1x64x200xf32>
    %swap3A_150 = vector.shape_cast %swap3A_149 : vector<1x1x64x200xf32> to vector<64x200xf32>
    %swap3A_151 = vector.shape_cast %add3A_144 : vector<64x200xf32> to vector<1x1x64x200xf32>
    tpu.vector_store %arg6[%swap3A_145, %swap3A_146, %swap3A_147, %swap3A_148], %swap3A_151 {strides = array<i32>} : memref<1x33x64x200xf32, #tpu.memory_space<vmem>>, vector<1x1x64x200xf32>,
    %slice3A_152 = vector.extract_strided_slice %add3A_131 {offsets = [128, 0], sizes = [64, 200], strides = [1, 1]} : vector<256x200xf32> to vector<64x200xf32>
    %add3A_153 = vector.broadcast %get3A_7 : vector<64x1xf32> to vector<64x200xf32>
    %add3A_154 = arith.addf %slice3A_152, %add3A_153 : vector<64x200xf32>
    %swap3A_155 = arith.constant 0 : index
    %swap3A_156 = arith.constant 10 : index
    %swap3A_157 = arith.constant 0 : index
    %swap3A_158 = arith.constant 0 : index
    %swap3A_159 = vector.load %arg6[%swap3A_155, %swap3A_156, %swap3A_157, %swap3A_158] : memref<1x33x64x200xf32, #tpu.memory_space<vmem>>, vector<1x1x64x200xf32>
    %swap3A_160 = vector.shape_cast %swap3A_159 : vector<1x1x64x200xf32> to vector<64x200xf32>
    %swap3A_161 = vector.shape_cast %add3A_154 : vector<64x200xf32> to vector<1x1x64x200xf32>
    tpu.vector_store %arg6[%swap3A_155, %swap3A_156, %swap3A_157, %swap3A_158], %swap3A_161 {strides = array<i32>} : memref<1x33x64x200xf32, #tpu.memory_space<vmem>>, vector<1x1x64x200xf32>,
    %slice3A_162 = vector.extract_strided_slice %add3A_131 {offsets = [192, 0], sizes = [64, 200], strides = [1, 1]} : vector<256x200xf32> to vector<64x200xf32>
    %add3A_163 = vector.broadcast %get3A_7 : vector<64x1xf32> to vector<64x200xf32>
    %add3A_164 = arith.addf %slice3A_162, %add3A_163 : vector<64x200xf32>
    %swap3A_165 = arith.constant 0 : index
    %swap3A_166 = arith.constant 11 : index
    %swap3A_167 = arith.constant 0 : index
    %swap3A_168 = arith.constant 0 : index
    %swap3A_169 = vector.load %arg6[%swap3A_165, %swap3A_166, %swap3A_167, %swap3A_168] : memref<1x33x64x200xf32, #tpu.memory_space<vmem>>, vector<1x1x64x200xf32>
    %swap3A_170 = vector.shape_cast %swap3A_169 : vector<1x1x64x200xf32> to vector<64x200xf32>
    %swap3A_171 = vector.shape_cast %add3A_164 : vector<64x200xf32> to vector<1x1x64x200xf32>
    tpu.vector_store %arg6[%swap3A_165, %swap3A_166, %swap3A_167, %swap3A_168], %swap3A_171 {strides = array<i32>} : memref<1x33x64x200xf32, #tpu.memory_space<vmem>>, vector<1x1x64x200xf32>,
    %get3A_172 = arith.constant 0 : index
    %get3A_173 = arith.constant 384 : index
    %get3A_174 = vector.load %arg1[%get3A_172, %get3A_173] : memref<200x1152xf32, #tpu.memory_space<vmem>>, vector<200x128xf32>
    %bitcast_convert_type3A_175 = tpu.bitcast %get3A_174 : vector<200x128xf32> -> vector<200x128xi32>
    %shift_left3A_176 = arith.constant 16 : i32
    %shift_left3A_177 = vector.broadcast %shift_left3A_176 : i32 to vector<200x128xi32>
    %shift_left3A_178 = arith.shli %bitcast_convert_type3A_175, %shift_left3A_177 : vector<200x128xi32>
    %bitcast_convert_type3A_179 = tpu.bitcast %shift_left3A_178 : vector<200x128xi32> -> vector<200x128xf32>
    %and3A_180 = arith.constant -65536 : i32
    %and3A_181 = vector.broadcast %and3A_180 : i32 to vector<200x128xi32>
    %and3A_182 = arith.andi %bitcast_convert_type3A_175, %and3A_181 : vector<200x128xi32>
    %bitcast_convert_type3A_183 = tpu.bitcast %and3A_182 : vector<200x128xi32> -> vector<200x128xf32>
    %dot_general3A_184 = arith.constant dense<0.000000e+00> : vector<256x200xf32>
    %dot_general3A_185 = tpu.matmul %get3A_1, %bitcast_convert_type3A_179, %dot_general3A_184 {dimension_numbers = #tpu.dot_dimension_numbers<[1], [1], [0], [0], [0, 0, 1, 0], [], []>, transpose_lhs_hint = false} : vector<256x128xf32>, vector<200x128xf32>, vector<256x200xf32> -> vector<256x200xf32>
    %dot_general3A_186 = arith.constant dense<0.000000e+00> : vector<256x200xf32>
    %dot_general3A_187 = tpu.matmul %get3A_4, %bitcast_convert_type3A_183, %dot_general3A_186 {dimension_numbers = #tpu.dot_dimension_numbers<[1], [1], [0], [0], [0, 0, 1, 0], [], []>, transpose_lhs_hint = false} : vector<256x128xf32>, vector<200x128xf32>, vector<256x200xf32> -> vector<256x200xf32>
    %add3A_188 = arith.addf %dot_general3A_185, %dot_general3A_187 : vector<256x200xf32>
    %slice3A_189 = vector.extract_strided_slice %add3A_188 {offsets = [0, 0], sizes = [64, 200], strides = [1, 1]} : vector<256x200xf32> to vector<64x200xf32>
    %add3A_190 = vector.broadcast %get3A_7 : vector<64x1xf32> to vector<64x200xf32>
    %add3A_191 = arith.addf %slice3A_189, %add3A_190 : vector<64x200xf32>
    %swap3A_192 = arith.constant 0 : index
    %swap3A_193 = arith.constant 12 : index
    %swap3A_194 = arith.constant 0 : index
    %swap3A_195 = arith.constant 0 : index
    %swap3A_196 = vector.load %arg6[%swap3A_192, %swap3A_193, %swap3A_194, %swap3A_195] : memref<1x33x64x200xf32, #tpu.memory_space<vmem>>, vector<1x1x64x200xf32>
    %swap3A_197 = vector.shape_cast %swap3A_196 : vector<1x1x64x200xf32> to vector<64x200xf32>
    %swap3A_198 = vector.shape_cast %add3A_191 : vector<64x200xf32> to vector<1x1x64x200xf32>
    tpu.vector_store %arg6[%swap3A_192, %swap3A_193, %swap3A_194, %swap3A_195], %swap3A_198 {strides = array<i32>} : memref<1x33x64x200xf32, #tpu.memory_space<vmem>>, vector<1x1x64x200xf32>,
    %slice3A_199 = vector.extract_strided_slice %add3A_188 {offsets = [64, 0], sizes = [64, 200], strides = [1, 1]} : vector<256x200xf32> to vector<64x200xf32>
    %add3A_200 = vector.broadcast %get3A_7 : vector<64x1xf32> to vector<64x200xf32>
    %add3A_201 = arith.addf %slice3A_199, %add3A_200 : vector<64x200xf32>
    %swap3A_202 = arith.constant 0 : index
    %swap3A_203 = arith.constant 13 : index
    %swap3A_204 = arith.constant 0 : index
    %swap3A_205 = arith.constant 0 : index
    %swap3A_206 = vector.load %arg6[%swap3A_202, %swap3A_203, %swap3A_204, %swap3A_205] : memref<1x33x64x200xf32, #tpu.memory_space<vmem>>, vector<1x1x64x200xf32>
    %swap3A_207 = vector.shape_cast %swap3A_206 : vector<1x1x64x200xf32> to vector<64x200xf32>
    %swap3A_208 = vector.shape_cast %add3A_201 : vector<64x200xf32> to vector<1x1x64x200xf32>
    tpu.vector_store %arg6[%swap3A_202, %swap3A_203, %swap3A_204, %swap3A_205], %swap3A_208 {strides = array<i32>} : memref<1x33x64x200xf32, #tpu.memory_space<vmem>>, vector<1x1x64x200xf32>,
    %slice3A_209 = vector.extract_strided_slice %add3A_188 {offsets = [128, 0], sizes = [64, 200], strides = [1, 1]} : vector<256x200xf32> to vector<64x200xf32>
    %add3A_210 = vector.broadcast %get3A_7 : vector<64x1xf32> to vector<64x200xf32>
    %add3A_211 = arith.addf %slice3A_209, %add3A_210 : vector<64x200xf32>
    %swap3A_212 = arith.constant 0 : index
    %swap3A_213 = arith.constant 14 : index
    %swap3A_214 = arith.constant 0 : index
    %swap3A_215 = arith.constant 0 : index
    %swap3A_216 = vector.load %arg6[%swap3A_212, %swap3A_213, %swap3A_214, %swap3A_215] : memref<1x33x64x200xf32, #tpu.memory_space<vmem>>, vector<1x1x64x200xf32>
    %swap3A_217 = vector.shape_cast %swap3A_216 : vector<1x1x64x200xf32> to vector<64x200xf32>
    %swap3A_218 = vector.shape_cast %add3A_211 : vector<64x200xf32> to vector<1x1x64x200xf32>
    tpu.vector_store %arg6[%swap3A_212, %swap3A_213, %swap3A_214, %swap3A_215], %swap3A_218 {strides = array<i32>} : memref<1x33x64x200xf32, #tpu.memory_space<vmem>>, vector<1x1x64x200xf32>,
    %slice3A_219 = vector.extract_strided_slice %add3A_188 {offsets = [192, 0], sizes = [64, 200], strides = [1, 1]} : vector<256x200xf32> to vector<64x200xf32>
    %add3A_220 = vector.broadcast %get3A_7 : vector<64x1xf32> to vector<64x200xf32>
    %add3A_221 = arith.addf %slice3A_219, %add3A_220 : vector<64x200xf32>
    %swap3A_222 = arith.constant 0 : index
    %swap3A_223 = arith.constant 15 : index
    %swap3A_224 = arith.constant 0 : index
    %swap3A_225 = arith.constant 0 : index
    %swap3A_226 = vector.load %arg6[%swap3A_222, %swap3A_223, %swap3A_224, %swap3A_225] : memref<1x33x64x200xf32, #tpu.memory_space<vmem>>, vector<1x1x64x200xf32>
    %swap3A_227 = vector.shape_cast %swap3A_226 : vector<1x1x64x200xf32> to vector<64x200xf32>
    %swap3A_228 = vector.shape_cast %add3A_221 : vector<64x200xf32> to vector<1x1x64x200xf32>
    tpu.vector_store %arg6[%swap3A_222, %swap3A_223, %swap3A_224, %swap3A_225], %swap3A_228 {strides = array<i32>} : memref<1x33x64x200xf32, #tpu.memory_space<vmem>>, vector<1x1x64x200xf32>,
    %get3A_229 = arith.constant 0 : index
    %get3A_230 = arith.constant 512 : index
    %get3A_231 = vector.load %arg1[%get3A_229, %get3A_230] : memref<200x1152xf32, #tpu.memory_space<vmem>>, vector<200x128xf32>
    %bitcast_convert_type3A_232 = tpu.bitcast %get3A_231 : vector<200x128xf32> -> vector<200x128xi32>
    %shift_left3A_233 = arith.constant 16 : i32
    %shift_left3A_234 = vector.broadcast %shift_left3A_233 : i32 to vector<200x128xi32>
    %shift_left3A_235 = arith.shli %bitcast_convert_type3A_232, %shift_left3A_234 : vector<200x128xi32>
    %bitcast_convert_type3A_236 = tpu.bitcast %shift_left3A_235 : vector<200x128xi32> -> vector<200x128xf32>
    %and3A_237 = arith.constant -65536 : i32
    %and3A_238 = vector.broadcast %and3A_237 : i32 to vector<200x128xi32>
    %and3A_239 = arith.andi %bitcast_convert_type3A_232, %and3A_238 : vector<200x128xi32>
    %bitcast_convert_type3A_240 = tpu.bitcast %and3A_239 : vector<200x128xi32> -> vector<200x128xf32>
    %dot_general3A_241 = arith.constant dense<0.000000e+00> : vector<256x200xf32>
    %dot_general3A_242 = tpu.matmul %get3A_1, %bitcast_convert_type3A_236, %dot_general3A_241 {dimension_numbers = #tpu.dot_dimension_numbers<[1], [1], [0], [0], [0, 0, 1, 0], [], []>, transpose_lhs_hint = false} : vector<256x128xf32>, vector<200x128xf32>, vector<256x200xf32> -> vector<256x200xf32>
    %dot_general3A_243 = arith.constant dense<0.000000e+00> : vector<256x200xf32>
    %dot_general3A_244 = tpu.matmul %get3A_4, %bitcast_convert_type3A_240, %dot_general3A_243 {dimension_numbers = #tpu.dot_dimension_numbers<[1], [1], [0], [0], [0, 0, 1, 0], [], []>, transpose_lhs_hint = false} : vector<256x128xf32>, vector<200x128xf32>, vector<256x200xf32> -> vector<256x200xf32>
    %add3A_245 = arith.addf %dot_general3A_242, %dot_general3A_244 : vector<256x200xf32>
    %slice3A_246 = vector.extract_strided_slice %add3A_245 {offsets = [0, 0], sizes = [64, 200], strides = [1, 1]} : vector<256x200xf32> to vector<64x200xf32>
    %add3A_247 = vector.broadcast %get3A_7 : vector<64x1xf32> to vector<64x200xf32>
    %add3A_248 = arith.addf %slice3A_246, %add3A_247 : vector<64x200xf32>
    %swap3A_249 = arith.constant 0 : index
    %swap3A_250 = arith.constant 16 : index
    %swap3A_251 = arith.constant 0 : index
    %swap3A_252 = arith.constant 0 : index
    %swap3A_253 = vector.load %arg6[%swap3A_249, %swap3A_250, %swap3A_251, %swap3A_252] : memref<1x33x64x200xf32, #tpu.memory_space<vmem>>, vector<1x1x64x200xf32>
    %swap3A_254 = vector.shape_cast %swap3A_253 : vector<1x1x64x200xf32> to vector<64x200xf32>
    %swap3A_255 = vector.shape_cast %add3A_248 : vector<64x200xf32> to vector<1x1x64x200xf32>
    tpu.vector_store %arg6[%swap3A_249, %swap3A_250, %swap3A_251, %swap3A_252], %swap3A_255 {strides = array<i32>} : memref<1x33x64x200xf32, #tpu.memory_space<vmem>>, vector<1x1x64x200xf32>,
    %slice3A_256 = vector.extract_strided_slice %add3A_245 {offsets = [64, 0], sizes = [64, 200], strides = [1, 1]} : vector<256x200xf32> to vector<64x200xf32>
    %add3A_257 = vector.broadcast %get3A_7 : vector<64x1xf32> to vector<64x200xf32>
    %add3A_258 = arith.addf %slice3A_256, %add3A_257 : vector<64x200xf32>
    %swap3A_259 = arith.constant 0 : index
    %swap3A_260 = arith.constant 17 : index
    %swap3A_261 = arith.constant 0 : index
    %swap3A_262 = arith.constant 0 : index
    %swap3A_263 = vector.load %arg6[%swap3A_259, %swap3A_260, %swap3A_261, %swap3A_262] : memref<1x33x64x200xf32, #tpu.memory_space<vmem>>, vector<1x1x64x200xf32>
    %swap3A_264 = vector.shape_cast %swap3A_263 : vector<1x1x64x200xf32> to vector<64x200xf32>
    %swap3A_265 = vector.shape_cast %add3A_258 : vector<64x200xf32> to vector<1x1x64x200xf32>
    tpu.vector_store %arg6[%swap3A_259, %swap3A_260, %swap3A_261, %swap3A_262], %swap3A_265 {strides = array<i32>} : memref<1x33x64x200xf32, #tpu.memory_space<vmem>>, vector<1x1x64x200xf32>,
    %slice3A_266 = vector.extract_strided_slice %add3A_245 {offsets = [128, 0], sizes = [64, 200], strides = [1, 1]} : vector<256x200xf32> to vector<64x200xf32>
    %add3A_267 = vector.broadcast %get3A_7 : vector<64x1xf32> to vector<64x200xf32>
    %add3A_268 = arith.addf %slice3A_266, %add3A_267 : vector<64x200xf32>
    %swap3A_269 = arith.constant 0 : index
    %swap3A_270 = arith.constant 18 : index
    %swap3A_271 = arith.constant 0 : index
    %swap3A_272 = arith.constant 0 : index
    %swap3A_273 = vector.load %arg6[%swap3A_269, %swap3A_270, %swap3A_271, %swap3A_272] : memref<1x33x64x200xf32, #tpu.memory_space<vmem>>, vector<1x1x64x200xf32>
    %swap3A_274 = vector.shape_cast %swap3A_273 : vector<1x1x64x200xf32> to vector<64x200xf32>
    %swap3A_275 = vector.shape_cast %add3A_268 : vector<64x200xf32> to vector<1x1x64x200xf32>
    tpu.vector_store %arg6[%swap3A_269, %swap3A_270, %swap3A_271, %swap3A_272], %swap3A_275 {strides = array<i32>} : memref<1x33x64x200xf32, #tpu.memory_space<vmem>>, vector<1x1x64x200xf32>,
    %slice3A_276 = vector.extract_strided_slice %add3A_245 {offsets = [192, 0], sizes = [64, 200], strides = [1, 1]} : vector<256x200xf32> to vector<64x200xf32>
    %add3A_277 = vector.broadcast %get3A_7 : vector<64x1xf32> to vector<64x200xf32>
    %add3A_278 = arith.addf %slice3A_276, %add3A_277 : vector<64x200xf32>
    %swap3A_279 = arith.constant 0 : index
    %swap3A_280 = arith.constant 19 : index
    %swap3A_281 = arith.constant 0 : index
    %swap3A_282 = arith.constant 0 : index
    %swap3A_283 = vector.load %arg6[%swap3A_279, %swap3A_280, %swap3A_281, %swap3A_282] : memref<1x33x64x200xf32, #tpu.memory_space<vmem>>, vector<1x1x64x200xf32>
    %swap3A_284 = vector.shape_cast %swap3A_283 : vector<1x1x64x200xf32> to vector<64x200xf32>
    %swap3A_285 = vector.shape_cast %add3A_278 : vector<64x200xf32> to vector<1x1x64x200xf32>
    tpu.vector_store %arg6[%swap3A_279, %swap3A_280, %swap3A_281, %swap3A_282], %swap3A_285 {strides = array<i32>} : memref<1x33x64x200xf32, #tpu.memory_space<vmem>>, vector<1x1x64x200xf32>,
    %get3A_286 = arith.constant 0 : index
    %get3A_287 = arith.constant 640 : index
    %get3A_288 = vector.load %arg1[%get3A_286, %get3A_287] : memref<200x1152xf32, #tpu.memory_space<vmem>>, vector<200x128xf32>
    %bitcast_convert_type3A_289 = tpu.bitcast %get3A_288 : vector<200x128xf32> -> vector<200x128xi32>
    %shift_left3A_290 = arith.constant 16 : i32
    %shift_left3A_291 = vector.broadcast %shift_left3A_290 : i32 to vector<200x128xi32>
    %shift_left3A_292 = arith.shli %bitcast_convert_type3A_289, %shift_left3A_291 : vector<200x128xi32>
    %bitcast_convert_type3A_293 = tpu.bitcast %shift_left3A_292 : vector<200x128xi32> -> vector<200x128xf32>
    %and3A_294 = arith.constant -65536 : i32
    %and3A_295 = vector.broadcast %and3A_294 : i32 to vector<200x128xi32>
    %and3A_296 = arith.andi %bitcast_convert_type3A_289, %and3A_295 : vector<200x128xi32>
    %bitcast_convert_type3A_297 = tpu.bitcast %and3A_296 : vector<200x128xi32> -> vector<200x128xf32>
    %dot_general3A_298 = arith.constant dense<0.000000e+00> : vector<256x200xf32>
    %dot_general3A_299 = tpu.matmul %get3A_1, %bitcast_convert_type3A_293, %dot_general3A_298 {dimension_numbers = #tpu.dot_dimension_numbers<[1], [1], [0], [0], [0, 0, 1, 0], [], []>, transpose_lhs_hint = false} : vector<256x128xf32>, vector<200x128xf32>, vector<256x200xf32> -> vector<256x200xf32>
    %dot_general3A_300 = arith.constant dense<0.000000e+00> : vector<256x200xf32>
    %dot_general3A_301 = tpu.matmul %get3A_4, %bitcast_convert_type3A_297, %dot_general3A_300 {dimension_numbers = #tpu.dot_dimension_numbers<[1], [1], [0], [0], [0, 0, 1, 0], [], []>, transpose_lhs_hint = false} : vector<256x128xf32>, vector<200x128xf32>, vector<256x200xf32> -> vector<256x200xf32>
    %add3A_302 = arith.addf %dot_general3A_299, %dot_general3A_301 : vector<256x200xf32>
    %slice3A_303 = vector.extract_strided_slice %add3A_302 {offsets = [0, 0], sizes = [64, 200], strides = [1, 1]} : vector<256x200xf32> to vector<64x200xf32>
    %add3A_304 = vector.broadcast %get3A_7 : vector<64x1xf32> to vector<64x200xf32>
    %add3A_305 = arith.addf %slice3A_303, %add3A_304 : vector<64x200xf32>
    %swap3A_306 = arith.constant 0 : index
    %swap3A_307 = arith.constant 20 : index
    %swap3A_308 = arith.constant 0 : index
    %swap3A_309 = arith.constant 0 : index
    %swap3A_310 = vector.load %arg6[%swap3A_306, %swap3A_307, %swap3A_308, %swap3A_309] : memref<1x33x64x200xf32, #tpu.memory_space<vmem>>, vector<1x1x64x200xf32>
    %swap3A_311 = vector.shape_cast %swap3A_310 : vector<1x1x64x200xf32> to vector<64x200xf32>
    %swap3A_312 = vector.shape_cast %add3A_305 : vector<64x200xf32> to vector<1x1x64x200xf32>
    tpu.vector_store %arg6[%swap3A_306, %swap3A_307, %swap3A_308, %swap3A_309], %swap3A_312 {strides = array<i32>} : memref<1x33x64x200xf32, #tpu.memory_space<vmem>>, vector<1x1x64x200xf32>,
    %slice3A_313 = vector.extract_strided_slice %add3A_302 {offsets = [64, 0], sizes = [64, 200], strides = [1, 1]} : vector<256x200xf32> to vector<64x200xf32>
    %add3A_314 = vector.broadcast %get3A_7 : vector<64x1xf32> to vector<64x200xf32>
    %add3A_315 = arith.addf %slice3A_313, %add3A_314 : vector<64x200xf32>
    %swap3A_316 = arith.constant 0 : index
    %swap3A_317 = arith.constant 21 : index
    %swap3A_318 = arith.constant 0 : index
    %swap3A_319 = arith.constant 0 : index
    %swap3A_320 = vector.load %arg6[%swap3A_316, %swap3A_317, %swap3A_318, %swap3A_319] : memref<1x33x64x200xf32, #tpu.memory_space<vmem>>, vector<1x1x64x200xf32>
    %swap3A_321 = vector.shape_cast %swap3A_320 : vector<1x1x64x200xf32> to vector<64x200xf32>
    %swap3A_322 = vector.shape_cast %add3A_315 : vector<64x200xf32> to vector<1x1x64x200xf32>
    tpu.vector_store %arg6[%swap3A_316, %swap3A_317, %swap3A_318, %swap3A_319], %swap3A_322 {strides = array<i32>} : memref<1x33x64x200xf32, #tpu.memory_space<vmem>>, vector<1x1x64x200xf32>,
    %slice3A_323 = vector.extract_strided_slice %add3A_302 {offsets = [128, 0], sizes = [64, 200], strides = [1, 1]} : vector<256x200xf32> to vector<64x200xf32>
    %add3A_324 = vector.broadcast %get3A_7 : vector<64x1xf32> to vector<64x200xf32>
    %add3A_325 = arith.addf %slice3A_323, %add3A_324 : vector<64x200xf32>
    %swap3A_326 = arith.constant 0 : index
    %swap3A_327 = arith.constant 22 : index
    %swap3A_328 = arith.constant 0 : index
    %swap3A_329 = arith.constant 0 : index
    %swap3A_330 = vector.load %arg6[%swap3A_326, %swap3A_327, %swap3A_328, %swap3A_329] : memref<1x33x64x200xf32, #tpu.memory_space<vmem>>, vector<1x1x64x200xf32>
    %swap3A_331 = vector.shape_cast %swap3A_330 : vector<1x1x64x200xf32> to vector<64x200xf32>
    %swap3A_332 = vector.shape_cast %add3A_325 : vector<64x200xf32> to vector<1x1x64x200xf32>
    tpu.vector_store %arg6[%swap3A_326, %swap3A_327, %swap3A_328, %swap3A_329], %swap3A_332 {strides = array<i32>} : memref<1x33x64x200xf32, #tpu.memory_space<vmem>>, vector<1x1x64x200xf32>,
    %slice3A_333 = vector.extract_strided_slice %add3A_302 {offsets = [192, 0], sizes = [64, 200], strides = [1, 1]} : vector<256x200xf32> to vector<64x200xf32>
    %add3A_334 = vector.broadcast %get3A_7 : vector<64x1xf32> to vector<64x200xf32>
    %add3A_335 = arith.addf %slice3A_333, %add3A_334 : vector<64x200xf32>
    %swap3A_336 = arith.constant 0 : index
    %swap3A_337 = arith.constant 23 : index
    %swap3A_338 = arith.constant 0 : index
    %swap3A_339 = arith.constant 0 : index
    %swap3A_340 = vector.load %arg6[%swap3A_336, %swap3A_337, %swap3A_338, %swap3A_339] : memref<1x33x64x200xf32, #tpu.memory_space<vmem>>, vector<1x1x64x200xf32>
    %swap3A_341 = vector.shape_cast %swap3A_340 : vector<1x1x64x200xf32> to vector<64x200xf32>
    %swap3A_342 = vector.shape_cast %add3A_335 : vector<64x200xf32> to vector<1x1x64x200xf32>
    tpu.vector_store %arg6[%swap3A_336, %swap3A_337, %swap3A_338, %swap3A_339], %swap3A_342 {strides = array<i32>} : memref<1x33x64x200xf32, #tpu.memory_space<vmem>>, vector<1x1x64x200xf32>,
    %get3A_343 = arith.constant 0 : index
    %get3A_344 = arith.constant 768 : index
    %get3A_345 = vector.load %arg1[%get3A_343, %get3A_344] : memref<200x1152xf32, #tpu.memory_space<vmem>>, vector<200x128xf32>
    %bitcast_convert_type3A_346 = tpu.bitcast %get3A_345 : vector<200x128xf32> -> vector<200x128xi32>
    %shift_left3A_347 = arith.constant 16 : i32
    %shift_left3A_348 = vector.broadcast %shift_left3A_347 : i32 to vector<200x128xi32>
    %shift_left3A_349 = arith.shli %bitcast_convert_type3A_346, %shift_left3A_348 : vector<200x128xi32>
    %bitcast_convert_type3A_350 = tpu.bitcast %shift_left3A_349 : vector<200x128xi32> -> vector<200x128xf32>
    %and3A_351 = arith.constant -65536 : i32
    %and3A_352 = vector.broadcast %and3A_351 : i32 to vector<200x128xi32>
    %and3A_353 = arith.andi %bitcast_convert_type3A_346, %and3A_352 : vector<200x128xi32>
    %bitcast_convert_type3A_354 = tpu.bitcast %and3A_353 : vector<200x128xi32> -> vector<200x128xf32>
    %dot_general3A_355 = arith.constant dense<0.000000e+00> : vector<256x200xf32>
    %dot_general3A_356 = tpu.matmul %get3A_1, %bitcast_convert_type3A_350, %dot_general3A_355 {dimension_numbers = #tpu.dot_dimension_numbers<[1], [1], [0], [0], [0, 0, 1, 0], [], []>, transpose_lhs_hint = false} : vector<256x128xf32>, vector<200x128xf32>, vector<256x200xf32> -> vector<256x200xf32>
    %dot_general3A_357 = arith.constant dense<0.000000e+00> : vector<256x200xf32>
    %dot_general3A_358 = tpu.matmul %get3A_4, %bitcast_convert_type3A_354, %dot_general3A_357 {dimension_numbers = #tpu.dot_dimension_numbers<[1], [1], [0], [0], [0, 0, 1, 0], [], []>, transpose_lhs_hint = false} : vector<256x128xf32>, vector<200x128xf32>, vector<256x200xf32> -> vector<256x200xf32>
    %add3A_359 = arith.addf %dot_general3A_356, %dot_general3A_358 : vector<256x200xf32>
    %slice3A_360 = vector.extract_strided_slice %add3A_359 {offsets = [0, 0], sizes = [64, 200], strides = [1, 1]} : vector<256x200xf32> to vector<64x200xf32>
    %add3A_361 = vector.broadcast %get3A_7 : vector<64x1xf32> to vector<64x200xf32>
    %add3A_362 = arith.addf %slice3A_360, %add3A_361 : vector<64x200xf32>
    %swap3A_363 = arith.constant 0 : index
    %swap3A_364 = arith.constant 24 : index
    %swap3A_365 = arith.constant 0 : index
    %swap3A_366 = arith.constant 0 : index
    %swap3A_367 = vector.load %arg6[%swap3A_363, %swap3A_364, %swap3A_365, %swap3A_366] : memref<1x33x64x200xf32, #tpu.memory_space<vmem>>, vector<1x1x64x200xf32>
    %swap3A_368 = vector.shape_cast %swap3A_367 : vector<1x1x64x200xf32> to vector<64x200xf32>
    %swap3A_369 = vector.shape_cast %add3A_362 : vector<64x200xf32> to vector<1x1x64x200xf32>
    tpu.vector_store %arg6[%swap3A_363, %swap3A_364, %swap3A_365, %swap3A_366], %swap3A_369 {strides = array<i32>} : memref<1x33x64x200xf32, #tpu.memory_space<vmem>>, vector<1x1x64x200xf32>,
    %slice3A_370 = vector.extract_strided_slice %add3A_359 {offsets = [64, 0], sizes = [64, 200], strides = [1, 1]} : vector<256x200xf32> to vector<64x200xf32>
    %add3A_371 = vector.broadcast %get3A_7 : vector<64x1xf32> to vector<64x200xf32>
    %add3A_372 = arith.addf %slice3A_370, %add3A_371 : vector<64x200xf32>
    %swap3A_373 = arith.constant 0 : index
    %swap3A_374 = arith.constant 25 : index
    %swap3A_375 = arith.constant 0 : index
    %swap3A_376 = arith.constant 0 : index
    %swap3A_377 = vector.load %arg6[%swap3A_373, %swap3A_374, %swap3A_375, %swap3A_376] : memref<1x33x64x200xf32, #tpu.memory_space<vmem>>, vector<1x1x64x200xf32>
    %swap3A_378 = vector.shape_cast %swap3A_377 : vector<1x1x64x200xf32> to vector<64x200xf32>
    %swap3A_379 = vector.shape_cast %add3A_372 : vector<64x200xf32> to vector<1x1x64x200xf32>
    tpu.vector_store %arg6[%swap3A_373, %swap3A_374, %swap3A_375, %swap3A_376], %swap3A_379 {strides = array<i32>} : memref<1x33x64x200xf32, #tpu.memory_space<vmem>>, vector<1x1x64x200xf32>,
    %slice3A_380 = vector.extract_strided_slice %add3A_359 {offsets = [128, 0], sizes = [64, 200], strides = [1, 1]} : vector<256x200xf32> to vector<64x200xf32>
    %add3A_381 = vector.broadcast %get3A_7 : vector<64x1xf32> to vector<64x200xf32>
    %add3A_382 = arith.addf %slice3A_380, %add3A_381 : vector<64x200xf32>
    %swap3A_383 = arith.constant 0 : index
    %swap3A_384 = arith.constant 26 : index
    %swap3A_385 = arith.constant 0 : index
    %swap3A_386 = arith.constant 0 : index
    %swap3A_387 = vector.load %arg6[%swap3A_383, %swap3A_384, %swap3A_385, %swap3A_386] : memref<1x33x64x200xf32, #tpu.memory_space<vmem>>, vector<1x1x64x200xf32>
    %swap3A_388 = vector.shape_cast %swap3A_387 : vector<1x1x64x200xf32> to vector<64x200xf32>
    %swap3A_389 = vector.shape_cast %add3A_382 : vector<64x200xf32> to vector<1x1x64x200xf32>
    tpu.vector_store %arg6[%swap3A_383, %swap3A_384, %swap3A_385, %swap3A_386], %swap3A_389 {strides = array<i32>} : memref<1x33x64x200xf32, #tpu.memory_space<vmem>>, vector<1x1x64x200xf32>,
    %slice3A_390 = vector.extract_strided_slice %add3A_359 {offsets = [192, 0], sizes = [64, 200], strides = [1, 1]} : vector<256x200xf32> to vector<64x200xf32>
    %add3A_391 = vector.broadcast %get3A_7 : vector<64x1xf32> to vector<64x200xf32>
    %add3A_392 = arith.addf %slice3A_390, %add3A_391 : vector<64x200xf32>
    %swap3A_393 = arith.constant 0 : index
    %swap3A_394 = arith.constant 27 : index
    %swap3A_395 = arith.constant 0 : index
    %swap3A_396 = arith.constant 0 : index
    %swap3A_397 = vector.load %arg6[%swap3A_393, %swap3A_394, %swap3A_395, %swap3A_396] : memref<1x33x64x200xf32, #tpu.memory_space<vmem>>, vector<1x1x64x200xf32>
    %swap3A_398 = vector.shape_cast %swap3A_397 : vector<1x1x64x200xf32> to vector<64x200xf32>
    %swap3A_399 = vector.shape_cast %add3A_392 : vector<64x200xf32> to vector<1x1x64x200xf32>
    tpu.vector_store %arg6[%swap3A_393, %swap3A_394, %swap3A_395, %swap3A_396], %swap3A_399 {strides = array<i32>} : memref<1x33x64x200xf32, #tpu.memory_space<vmem>>, vector<1x1x64x200xf32>,
    %get3A_400 = arith.constant 0 : index
    %get3A_401 = arith.constant 896 : index
    %get3A_402 = vector.load %arg1[%get3A_400, %get3A_401] : memref<200x1152xf32, #tpu.memory_space<vmem>>, vector<200x128xf32>
    %bitcast_convert_type3A_403 = tpu.bitcast %get3A_402 : vector<200x128xf32> -> vector<200x128xi32>
    %shift_left3A_404 = arith.constant 16 : i32
    %shift_left3A_405 = vector.broadcast %shift_left3A_404 : i32 to vector<200x128xi32>
    %shift_left3A_406 = arith.shli %bitcast_convert_type3A_403, %shift_left3A_405 : vector<200x128xi32>
    %bitcast_convert_type3A_407 = tpu.bitcast %shift_left3A_406 : vector<200x128xi32> -> vector<200x128xf32>
    %and3A_408 = arith.constant -65536 : i32
    %and3A_409 = vector.broadcast %and3A_408 : i32 to vector<200x128xi32>
    %and3A_410 = arith.andi %bitcast_convert_type3A_403, %and3A_409 : vector<200x128xi32>
    %bitcast_convert_type3A_411 = tpu.bitcast %and3A_410 : vector<200x128xi32> -> vector<200x128xf32>
    %dot_general3A_412 = arith.constant dense<0.000000e+00> : vector<256x200xf32>
    %dot_general3A_413 = tpu.matmul %get3A_1, %bitcast_convert_type3A_407, %dot_general3A_412 {dimension_numbers = #tpu.dot_dimension_numbers<[1], [1], [0], [0], [0, 0, 1, 0], [], []>, transpose_lhs_hint = false} : vector<256x128xf32>, vector<200x128xf32>, vector<256x200xf32> -> vector<256x200xf32>
    %dot_general3A_414 = arith.constant dense<0.000000e+00> : vector<256x200xf32>
    %dot_general3A_415 = tpu.matmul %get3A_4, %bitcast_convert_type3A_411, %dot_general3A_414 {dimension_numbers = #tpu.dot_dimension_numbers<[1], [1], [0], [0], [0, 0, 1, 0], [], []>, transpose_lhs_hint = false} : vector<256x128xf32>, vector<200x128xf32>, vector<256x200xf32> -> vector<256x200xf32>
    %add3A_416 = arith.addf %dot_general3A_413, %dot_general3A_415 : vector<256x200xf32>
    %slice3A_417 = vector.extract_strided_slice %add3A_416 {offsets = [0, 0], sizes = [64, 200], strides = [1, 1]} : vector<256x200xf32> to vector<64x200xf32>
    %add3A_418 = vector.broadcast %get3A_7 : vector<64x1xf32> to vector<64x200xf32>
    %add3A_419 = arith.addf %slice3A_417, %add3A_418 : vector<64x200xf32>
    %swap3A_420 = arith.constant 0 : index
    %swap3A_421 = arith.constant 28 : index
    %swap3A_422 = arith.constant 0 : index
    %swap3A_423 = arith.constant 0 : index
    %swap3A_424 = vector.load %arg6[%swap3A_420, %swap3A_421, %swap3A_422, %swap3A_423] : memref<1x33x64x200xf32, #tpu.memory_space<vmem>>, vector<1x1x64x200xf32>
    %swap3A_425 = vector.shape_cast %swap3A_424 : vector<1x1x64x200xf32> to vector<64x200xf32>
    %swap3A_426 = vector.shape_cast %add3A_419 : vector<64x200xf32> to vector<1x1x64x200xf32>
    tpu.vector_store %arg6[%swap3A_420, %swap3A_421, %swap3A_422, %swap3A_423], %swap3A_426 {strides = array<i32>} : memref<1x33x64x200xf32, #tpu.memory_space<vmem>>, vector<1x1x64x200xf32>,
    %slice3A_427 = vector.extract_strided_slice %add3A_416 {offsets = [64, 0], sizes = [64, 200], strides = [1, 1]} : vector<256x200xf32> to vector<64x200xf32>
    %add3A_428 = vector.broadcast %get3A_7 : vector<64x1xf32> to vector<64x200xf32>
    %add3A_429 = arith.addf %slice3A_427, %add3A_428 : vector<64x200xf32>
    %swap3A_430 = arith.constant 0 : index
    %swap3A_431 = arith.constant 29 : index
    %swap3A_432 = arith.constant 0 : index
    %swap3A_433 = arith.constant 0 : index
    %swap3A_434 = vector.load %arg6[%swap3A_430, %swap3A_431, %swap3A_432, %swap3A_433] : memref<1x33x64x200xf32, #tpu.memory_space<vmem>>, vector<1x1x64x200xf32>
    %swap3A_435 = vector.shape_cast %swap3A_434 : vector<1x1x64x200xf32> to vector<64x200xf32>
    %swap3A_436 = vector.shape_cast %add3A_429 : vector<64x200xf32> to vector<1x1x64x200xf32>
    tpu.vector_store %arg6[%swap3A_430, %swap3A_431, %swap3A_432, %swap3A_433], %swap3A_436 {strides = array<i32>} : memref<1x33x64x200xf32, #tpu.memory_space<vmem>>, vector<1x1x64x200xf32>,
    %slice3A_437 = vector.extract_strided_slice %add3A_416 {offsets = [128, 0], sizes = [64, 200], strides = [1, 1]} : vector<256x200xf32> to vector<64x200xf32>
    %add3A_438 = vector.broadcast %get3A_7 : vector<64x1xf32> to vector<64x200xf32>
    %add3A_439 = arith.addf %slice3A_437, %add3A_438 : vector<64x200xf32>
    %swap3A_440 = arith.constant 0 : index
    %swap3A_441 = arith.constant 30 : index
    %swap3A_442 = arith.constant 0 : index
    %swap3A_443 = arith.constant 0 : index
    %swap3A_444 = vector.load %arg6[%swap3A_440, %swap3A_441, %swap3A_442, %swap3A_443] : memref<1x33x64x200xf32, #tpu.memory_space<vmem>>, vector<1x1x64x200xf32>
    %swap3A_445 = vector.shape_cast %swap3A_444 : vector<1x1x64x200xf32> to vector<64x200xf32>
    %swap3A_446 = vector.shape_cast %add3A_439 : vector<64x200xf32> to vector<1x1x64x200xf32>
    tpu.vector_store %arg6[%swap3A_440, %swap3A_441, %swap3A_442, %swap3A_443], %swap3A_446 {strides = array<i32>} : memref<1x33x64x200xf32, #tpu.memory_space<vmem>>, vector<1x1x64x200xf32>,
    %slice3A_447 = vector.extract_strided_slice %add3A_416 {offsets = [192, 0], sizes = [64, 200], strides = [1, 1]} : vector<256x200xf32> to vector<64x200xf32>
    %add3A_448 = vector.broadcast %get3A_7 : vector<64x1xf32> to vector<64x200xf32>
    %add3A_449 = arith.addf %slice3A_447, %add3A_448 : vector<64x200xf32>
    %swap3A_450 = arith.constant 0 : index
    %swap3A_451 = arith.constant 31 : index
    %swap3A_452 = arith.constant 0 : index
    %swap3A_453 = arith.constant 0 : index
    %swap3A_454 = vector.load %arg6[%swap3A_450, %swap3A_451, %swap3A_452, %swap3A_453] : memref<1x33x64x200xf32, #tpu.memory_space<vmem>>, vector<1x1x64x200xf32>
    %swap3A_455 = vector.shape_cast %swap3A_454 : vector<1x1x64x200xf32> to vector<64x200xf32>
    %swap3A_456 = vector.shape_cast %add3A_449 : vector<64x200xf32> to vector<1x1x64x200xf32>
    tpu.vector_store %arg6[%swap3A_450, %swap3A_451, %swap3A_452, %swap3A_453], %swap3A_456 {strides = array<i32>} : memref<1x33x64x200xf32, #tpu.memory_space<vmem>>, vector<1x1x64x200xf32>,
    %get3A_457 = arith.constant 0 : index
    %get3A_458 = arith.constant 1024 : index
    %get3A_459 = vector.load %arg1[%get3A_457, %get3A_458] : memref<200x1152xf32, #tpu.memory_space<vmem>>, vector<200x128xf32>
    %bitcast_convert_type3A_460 = tpu.bitcast %get3A_459 : vector<200x128xf32> -> vector<200x128xi32>
    %shift_left3A_461 = arith.constant 16 : i32
    %shift_left3A_462 = vector.broadcast %shift_left3A_461 : i32 to vector<200x128xi32>
    %shift_left3A_463 = arith.shli %bitcast_convert_type3A_460, %shift_left3A_462 : vector<200x128xi32>
    %bitcast_convert_type3A_464 = tpu.bitcast %shift_left3A_463 : vector<200x128xi32> -> vector<200x128xf32>
    %and3A_465 = arith.constant -65536 : i32
    %and3A_466 = vector.broadcast %and3A_465 : i32 to vector<200x128xi32>
    %and3A_467 = arith.andi %bitcast_convert_type3A_460, %and3A_466 : vector<200x128xi32>
    %bitcast_convert_type3A_468 = tpu.bitcast %and3A_467 : vector<200x128xi32> -> vector<200x128xf32>
    %dot_general3A_469 = arith.constant dense<0.000000e+00> : vector<256x200xf32>
    %dot_general3A_470 = tpu.matmul %get3A_1, %bitcast_convert_type3A_464, %dot_general3A_469 {dimension_numbers = #tpu.dot_dimension_numbers<[1], [1], [0], [0], [0, 0, 1, 0], [], []>, transpose_lhs_hint = false} : vector<256x128xf32>, vector<200x128xf32>, vector<256x200xf32> -> vector<256x200xf32>
    %dot_general3A_471 = arith.constant dense<0.000000e+00> : vector<256x200xf32>
    %dot_general3A_472 = tpu.matmul %get3A_4, %bitcast_convert_type3A_468, %dot_general3A_471 {dimension_numbers = #tpu.dot_dimension_numbers<[1], [1], [0], [0], [0, 0, 1, 0], [], []>, transpose_lhs_hint = false} : vector<256x128xf32>, vector<200x128xf32>, vector<256x200xf32> -> vector<256x200xf32>
    %add3A_473 = arith.addf %dot_general3A_470, %dot_general3A_472 : vector<256x200xf32>
    %slice3A_474 = vector.extract_strided_slice %add3A_473 {offsets = [0, 0], sizes = [64, 200], strides = [1, 1]} : vector<256x200xf32> to vector<64x200xf32>
    %add3A_475 = vector.broadcast %get3A_7 : vector<64x1xf32> to vector<64x200xf32>
    %add3A_476 = arith.addf %slice3A_474, %add3A_475 : vector<64x200xf32>
    %swap3A_477 = arith.constant 0 : index
    %swap3A_478 = arith.constant 32 : index
    %swap3A_479 = arith.constant 0 : index
    %swap3A_480 = arith.constant 0 : index
    %swap3A_481 = vector.load %arg6[%swap3A_477, %swap3A_478, %swap3A_479, %swap3A_480] : memref<1x33x64x200xf32, #tpu.memory_space<vmem>>, vector<1x1x64x200xf32>
    %swap3A_482 = vector.shape_cast %swap3A_481 : vector<1x1x64x200xf32> to vector<64x200xf32>
    %swap3A_483 = vector.shape_cast %add3A_476 : vector<64x200xf32> to vector<1x1x64x200xf32>
    tpu.vector_store %arg6[%swap3A_477, %swap3A_478, %swap3A_479, %swap3A_480], %swap3A_483 {strides = array<i32>} : memref<1x33x64x200xf32, #tpu.memory_space<vmem>>, vector<1x1x64x200xf32>,
    return
  }
  func.func @transform_0(%arg0: i32) -> (i32, i32) {
    %c0_i32 = arith.constant 0 : i32
    %c0_i32_0 = arith.constant 0 : i32
    return %arg0, %c0_i32 : i32, i32
  }
  func.func @transform_1(%arg0: i32) -> (i32, i32) {
    %c0_i32 = arith.constant 0 : i32
    %c0_i32_0 = arith.constant 0 : i32
    %c0_i32_1 = arith.constant 0 : i32
    return %c0_i32, %c0_i32_0 : i32, i32
  }
  func.func @transform_2(%arg0: i32) -> (i32, i32) {
    %c0_i32 = arith.constant 0 : i32
    %c0_i32_0 = arith.constant 0 : i32
    %c0_i32_1 = arith.constant 0 : i32
    return %c0_i32, %c0_i32_0 : i32, i32
  }
  func.func @transform_3(%arg0: i32) -> (i32, i32) {
    %c0_i32 = arith.constant 0 : i32
    %c0_i32_0 = arith.constant 0 : i32
    %c0_i32_1 = arith.constant 0 : i32
    return %c0_i32, %c0_i32_0 : i32, i32
  }
  func.func @transform_5(%arg0: i32) -> (i32, i32, i32, i32) {
    %add3A = arith.constant 16 : i32
    %add3A_0 = arith.addi %add3A, %arg0 : i32
    %c0_i32 = arith.constant 0 : i32
    %c0_i32_1 = arith.constant 0 : i32
    %c0_i32_2 = arith.constant 0 : i32
    %c0_i32_3 = arith.constant 0 : i32
    return %add3A_0, %c0_i32, %c0_i32_1, %c0_i32_2 : i32, i32, i32, i32
  }
}

module attributes {stable_mosaic.version = 14 : i64} {
  func.func @_proj_body(%arg0: i32, %arg1: memref<200x1152xf32, #tpu.memory_space<vmem>>, %arg2: memref<256x128xf32, #tpu.memory_space<vmem>>, %arg3: memref<256x128xf32, #tpu.memory_space<vmem>>, %arg4: memref<64x1xf32, #tpu.memory_space<vmem>>, %arg5: memref<64x33x64x200xf32, #tpu.memory_space<any>>, %arg6: memref<1x33x64x200xf32, #tpu.memory_space<vmem>>) attributes {dimension_semantics = [#tpu.dimension_semantics<arbitrary>], iteration_bounds = array<i64: 16>, scalar_prefetch = 0 : i64, scratch_operands = 0 : i64, tpu.core_type = #tpu.core_type<tc>, window_params = [{transform_indices = @transform_0, window_bounds = array<i64: 200, 1152>}, {pipeline_mode = #tpu.pipeline_mode<synchronous>, transform_indices = @transform_1, window_bounds = array<i64: 256, 128>}, {pipeline_mode = #tpu.pipeline_mode<synchronous>, transform_indices = @transform_2, window_bounds = array<i64: 256, 128>}, {pipeline_mode = #tpu.pipeline_mode<synchronous>, transform_indices = @transform_3, window_bounds = array<i64: 64, 1>}, {}, {transform_indices = @transform_5, window_bounds = array<i64: 1, 33, 64, 200>}]} {
    %get3A = arith.constant 0 : index
    %get3A_0 = arith.constant 0 : index
    %get3A_1 = vector.load %arg2[%get3A, %get3A_0] : memref<256x128xf32, #tpu.memory_space<vmem>>, vector<256x128xf32>
    %get3A_2 = arith.constant 0 : index
    %get3A_3 = arith.constant 0 : index
    %get3A_4 = vector.load %arg3[%get3A_2, %get3A_3] : memref<256x128xf32, #tpu.memory_space<vmem>>, vector<256x128xf32>
    %get3A_5 = arith.constant 0 : index
    %get3A_6 = arith.constant 0 : index
    %get3A_7 = vector.load %arg4[%get3A_5, %get3A_6] : memref<64x1xf32, #tpu.memory_space<vmem>>, vector<64x1xf32>
    %get3A_8 = arith.constant 0 : index
    %get3A_9 = arith.constant 0 : index
    %get3A_10 = vector.load %arg1[%get3A_8, %get3A_9] : memref<200x1152xf32, #tpu.memory_space<vmem>>, vector<200x128xf32>
    %bitcast_convert_type3A = tpu.bitcast %get3A_10 : vector<200x128xf32> -> vector<200x128xi32>
    %shift_left3A = arith.constant 16 : i32
    %shift_left3A_11 = vector.broadcast %shift_left3A : i32 to vector<200x128xi32>
    %shift_left3A_12 = arith.shli %bitcast_convert_type3A, %shift_left3A_11 : vector<200x128xi32>
    %bitcast_convert_type3A_13 = tpu.bitcast %shift_left3A_12 : vector<200x128xi32> -> vector<200x128xf32>
    %and3A = arith.constant -65536 : i32
    %and3A_14 = vector.broadcast %and3A : i32 to vector<200x128xi32>
    %and3A_15 = arith.andi %bitcast_convert_type3A, %and3A_14 : vector<200x128xi32>
    %bitcast_convert_type3A_16 = tpu.bitcast %and3A_15 : vector<200x128xi32> -> vector<200x128xf32>
    %dot_general3A = arith.constant dense<0.000000e+00> : vector<256x200xf32>
    %dot_general3A_17 = tpu.matmul %get3A_1, %bitcast_convert_type3A_13, %dot_general3A {dimension_numbers = #tpu.dot_dimension_numbers<[1], [1], [0], [0], [0, 0, 1, 0], [], []>, transpose_lhs_hint = false} : vector<256x128xf32>, vector<200x128xf32>, vector<256x200xf32> -> vector<256x200xf32>
    %dot_general3A_18 = arith.constant dense<0.000000e+00> : vector<256x200xf32>
    %dot_general3A_19 = tpu.matmul %get3A_4, %bitcast_convert_type3A_16, %dot_general3A_18 {dimension_numbers = #tpu.dot_dimension_numbers<[1], [1], [0], [0], [0, 0, 1, 0], [], []>, transpose_lhs_hint = false} : vector<256x128xf32>, vector<200x128xf32>, vector<256x200xf32> -> vector<256x200xf32>
    %add3A = arith.addf %dot_general3A_17, %dot_general3A_19 : vector<256x200xf32>
    %slice3A = vector.extract_strided_slice %add3A {offsets = [0, 0], sizes = [64, 200], strides = [1, 1]} : vector<256x200xf32> to vector<64x200xf32>
    %add3A_20 = vector.broadcast %get3A_7 : vector<64x1xf32> to vector<64x200xf32>
    %add3A_21 = arith.addf %slice3A, %add3A_20 : vector<64x200xf32>
    %swap3A = arith.constant 0 : index
    %swap3A_22 = arith.constant 0 : index
    %swap3A_23 = arith.constant 0 : index
    %swap3A_24 = arith.constant 0 : index
    %swap3A_25 = vector.load %arg6[%swap3A, %swap3A_22, %swap3A_23, %swap3A_24] : memref<1x33x64x200xf32, #tpu.memory_space<vmem>>, vector<1x1x64x200xf32>
    %swap3A_26 = vector.shape_cast %swap3A_25 : vector<1x1x64x200xf32> to vector<64x200xf32>
    %swap3A_27 = vector.shape_cast %add3A_21 : vector<64x200xf32> to vector<1x1x64x200xf32>
    tpu.vector_store %arg6[%swap3A, %swap3A_22, %swap3A_23, %swap3A_24], %swap3A_27 {strides = array<i32>} : memref<1x33x64x200xf32, #tpu.memory_space<vmem>>, vector<1x1x64x200xf32>,
    %slice3A_28 = vector.extract_strided_slice %add3A {offsets = [64, 0], sizes = [64, 200], strides = [1, 1]} : vector<256x200xf32> to vector<64x200xf32>
    %add3A_29 = vector.broadcast %get3A_7 : vector<64x1xf32> to vector<64x200xf32>
    %add3A_30 = arith.addf %slice3A_28, %add3A_29 : vector<64x200xf32>
    %swap3A_31 = arith.constant 0 : index
    %swap3A_32 = arith.constant 1 : index
    %swap3A_33 = arith.constant 0 : index
    %swap3A_34 = arith.constant 0 : index
    %swap3A_35 = vector.load %arg6[%swap3A_31, %swap3A_32, %swap3A_33, %swap3A_34] : memref<1x33x64x200xf32, #tpu.memory_space<vmem>>, vector<1x1x64x200xf32>
    %swap3A_36 = vector.shape_cast %swap3A_35 : vector<1x1x64x200xf32> to vector<64x200xf32>
    %swap3A_37 = vector.shape_cast %add3A_30 : vector<64x200xf32> to vector<1x1x64x200xf32>
    tpu.vector_store %arg6[%swap3A_31, %swap3A_32, %swap3A_33, %swap3A_34], %swap3A_37 {strides = array<i32>} : memref<1x33x64x200xf32, #tpu.memory_space<vmem>>, vector<1x1x64x200xf32>,
    %slice3A_38 = vector.extract_strided_slice %add3A {offsets = [128, 0], sizes = [64, 200], strides = [1, 1]} : vector<256x200xf32> to vector<64x200xf32>
    %add3A_39 = vector.broadcast %get3A_7 : vector<64x1xf32> to vector<64x200xf32>
    %add3A_40 = arith.addf %slice3A_38, %add3A_39 : vector<64x200xf32>
    %swap3A_41 = arith.constant 0 : index
    %swap3A_42 = arith.constant 2 : index
    %swap3A_43 = arith.constant 0 : index
    %swap3A_44 = arith.constant 0 : index
    %swap3A_45 = vector.load %arg6[%swap3A_41, %swap3A_42, %swap3A_43, %swap3A_44] : memref<1x33x64x200xf32, #tpu.memory_space<vmem>>, vector<1x1x64x200xf32>
    %swap3A_46 = vector.shape_cast %swap3A_45 : vector<1x1x64x200xf32> to vector<64x200xf32>
    %swap3A_47 = vector.shape_cast %add3A_40 : vector<64x200xf32> to vector<1x1x64x200xf32>
    tpu.vector_store %arg6[%swap3A_41, %swap3A_42, %swap3A_43, %swap3A_44], %swap3A_47 {strides = array<i32>} : memref<1x33x64x200xf32, #tpu.memory_space<vmem>>, vector<1x1x64x200xf32>,
    %slice3A_48 = vector.extract_strided_slice %add3A {offsets = [192, 0], sizes = [64, 200], strides = [1, 1]} : vector<256x200xf32> to vector<64x200xf32>
    %add3A_49 = vector.broadcast %get3A_7 : vector<64x1xf32> to vector<64x200xf32>
    %add3A_50 = arith.addf %slice3A_48, %add3A_49 : vector<64x200xf32>
    %swap3A_51 = arith.constant 0 : index
    %swap3A_52 = arith.constant 3 : index
    %swap3A_53 = arith.constant 0 : index
    %swap3A_54 = arith.constant 0 : index
    %swap3A_55 = vector.load %arg6[%swap3A_51, %swap3A_52, %swap3A_53, %swap3A_54] : memref<1x33x64x200xf32, #tpu.memory_space<vmem>>, vector<1x1x64x200xf32>
    %swap3A_56 = vector.shape_cast %swap3A_55 : vector<1x1x64x200xf32> to vector<64x200xf32>
    %swap3A_57 = vector.shape_cast %add3A_50 : vector<64x200xf32> to vector<1x1x64x200xf32>
    tpu.vector_store %arg6[%swap3A_51, %swap3A_52, %swap3A_53, %swap3A_54], %swap3A_57 {strides = array<i32>} : memref<1x33x64x200xf32, #tpu.memory_space<vmem>>, vector<1x1x64x200xf32>,
    %get3A_58 = arith.constant 0 : index
    %get3A_59 = arith.constant 128 : index
    %get3A_60 = vector.load %arg1[%get3A_58, %get3A_59] : memref<200x1152xf32, #tpu.memory_space<vmem>>, vector<200x128xf32>
    %bitcast_convert_type3A_61 = tpu.bitcast %get3A_60 : vector<200x128xf32> -> vector<200x128xi32>
    %shift_left3A_62 = arith.constant 16 : i32
    %shift_left3A_63 = vector.broadcast %shift_left3A_62 : i32 to vector<200x128xi32>
    %shift_left3A_64 = arith.shli %bitcast_convert_type3A_61, %shift_left3A_63 : vector<200x128xi32>
    %bitcast_convert_type3A_65 = tpu.bitcast %shift_left3A_64 : vector<200x128xi32> -> vector<200x128xf32>
    %and3A_66 = arith.constant -65536 : i32
    %and3A_67 = vector.broadcast %and3A_66 : i32 to vector<200x128xi32>
    %and3A_68 = arith.andi %bitcast_convert_type3A_61, %and3A_67 : vector<200x128xi32>
    %bitcast_convert_type3A_69 = tpu.bitcast %and3A_68 : vector<200x128xi32> -> vector<200x128xf32>
    %dot_general3A_70 = arith.constant dense<0.000000e+00> : vector<256x200xf32>
    %dot_general3A_71 = tpu.matmul %get3A_1, %bitcast_convert_type3A_65, %dot_general3A_70 {dimension_numbers = #tpu.dot_dimension_numbers<[1], [1], [0], [0], [0, 0, 1, 0], [], []>, transpose_lhs_hint = false} : vector<256x128xf32>, vector<200x128xf32>, vector<256x200xf32> -> vector<256x200xf32>
    %dot_general3A_72 = arith.constant dense<0.000000e+00> : vector<256x200xf32>
    %dot_general3A_73 = tpu.matmul %get3A_4, %bitcast_convert_type3A_69, %dot_general3A_72 {dimension_numbers = #tpu.dot_dimension_numbers<[1], [1], [0], [0], [0, 0, 1, 0], [], []>, transpose_lhs_hint = false} : vector<256x128xf32>, vector<200x128xf32>, vector<256x200xf32> -> vector<256x200xf32>
    %add3A_74 = arith.addf %dot_general3A_71, %dot_general3A_73 : vector<256x200xf32>
    %slice3A_75 = vector.extract_strided_slice %add3A_74 {offsets = [0, 0], sizes = [64, 200], strides = [1, 1]} : vector<256x200xf32> to vector<64x200xf32>
    %add3A_76 = vector.broadcast %get3A_7 : vector<64x1xf32> to vector<64x200xf32>
    %add3A_77 = arith.addf %slice3A_75, %add3A_76 : vector<64x200xf32>
    %swap3A_78 = arith.constant 0 : index
    %swap3A_79 = arith.constant 4 : index
    %swap3A_80 = arith.constant 0 : index
    %swap3A_81 = arith.constant 0 : index
    %swap3A_82 = vector.load %arg6[%swap3A_78, %swap3A_79, %swap3A_80, %swap3A_81] : memref<1x33x64x200xf32, #tpu.memory_space<vmem>>, vector<1x1x64x200xf32>
    %swap3A_83 = vector.shape_cast %swap3A_82 : vector<1x1x64x200xf32> to vector<64x200xf32>
    %swap3A_84 = vector.shape_cast %add3A_77 : vector<64x200xf32> to vector<1x1x64x200xf32>
    tpu.vector_store %arg6[%swap3A_78, %swap3A_79, %swap3A_80, %swap3A_81], %swap3A_84 {strides = array<i32>} : memref<1x33x64x200xf32, #tpu.memory_space<vmem>>, vector<1x1x64x200xf32>,
    %slice3A_85 = vector.extract_strided_slice %add3A_74 {offsets = [64, 0], sizes = [64, 200], strides = [1, 1]} : vector<256x200xf32> to vector<64x200xf32>
    %add3A_86 = vector.broadcast %get3A_7 : vector<64x1xf32> to vector<64x200xf32>
    %add3A_87 = arith.addf %slice3A_85, %add3A_86 : vector<64x200xf32>
    %swap3A_88 = arith.constant 0 : index
    %swap3A_89 = arith.constant 5 : index
    %swap3A_90 = arith.constant 0 : index
    %swap3A_91 = arith.constant 0 : index
    %swap3A_92 = vector.load %arg6[%swap3A_88, %swap3A_89, %swap3A_90, %swap3A_91] : memref<1x33x64x200xf32, #tpu.memory_space<vmem>>, vector<1x1x64x200xf32>
    %swap3A_93 = vector.shape_cast %swap3A_92 : vector<1x1x64x200xf32> to vector<64x200xf32>
    %swap3A_94 = vector.shape_cast %add3A_87 : vector<64x200xf32> to vector<1x1x64x200xf32>
    tpu.vector_store %arg6[%swap3A_88, %swap3A_89, %swap3A_90, %swap3A_91], %swap3A_94 {strides = array<i32>} : memref<1x33x64x200xf32, #tpu.memory_space<vmem>>, vector<1x1x64x200xf32>,
    %slice3A_95 = vector.extract_strided_slice %add3A_74 {offsets = [128, 0], sizes = [64, 200], strides = [1, 1]} : vector<256x200xf32> to vector<64x200xf32>
    %add3A_96 = vector.broadcast %get3A_7 : vector<64x1xf32> to vector<64x200xf32>
    %add3A_97 = arith.addf %slice3A_95, %add3A_96 : vector<64x200xf32>
    %swap3A_98 = arith.constant 0 : index
    %swap3A_99 = arith.constant 6 : index
    %swap3A_100 = arith.constant 0 : index
    %swap3A_101 = arith.constant 0 : index
    %swap3A_102 = vector.load %arg6[%swap3A_98, %swap3A_99, %swap3A_100, %swap3A_101] : memref<1x33x64x200xf32, #tpu.memory_space<vmem>>, vector<1x1x64x200xf32>
    %swap3A_103 = vector.shape_cast %swap3A_102 : vector<1x1x64x200xf32> to vector<64x200xf32>
    %swap3A_104 = vector.shape_cast %add3A_97 : vector<64x200xf32> to vector<1x1x64x200xf32>
    tpu.vector_store %arg6[%swap3A_98, %swap3A_99, %swap3A_100, %swap3A_101], %swap3A_104 {strides = array<i32>} : memref<1x33x64x200xf32, #tpu.memory_space<vmem>>, vector<1x1x64x200xf32>,
    %slice3A_105 = vector.extract_strided_slice %add3A_74 {offsets = [192, 0], sizes = [64, 200], strides = [1, 1]} : vector<256x200xf32> to vector<64x200xf32>
    %add3A_106 = vector.broadcast %get3A_7 : vector<64x1xf32> to vector<64x200xf32>
    %add3A_107 = arith.addf %slice3A_105, %add3A_106 : vector<64x200xf32>
    %swap3A_108 = arith.constant 0 : index
    %swap3A_109 = arith.constant 7 : index
    %swap3A_110 = arith.constant 0 : index
    %swap3A_111 = arith.constant 0 : index
    %swap3A_112 = vector.load %arg6[%swap3A_108, %swap3A_109, %swap3A_110, %swap3A_111] : memref<1x33x64x200xf32, #tpu.memory_space<vmem>>, vector<1x1x64x200xf32>
    %swap3A_113 = vector.shape_cast %swap3A_112 : vector<1x1x64x200xf32> to vector<64x200xf32>
    %swap3A_114 = vector.shape_cast %add3A_107 : vector<64x200xf32> to vector<1x1x64x200xf32>
    tpu.vector_store %arg6[%swap3A_108, %swap3A_109, %swap3A_110, %swap3A_111], %swap3A_114 {strides = array<i32>} : memref<1x33x64x200xf32, #tpu.memory_space<vmem>>, vector<1x1x64x200xf32>,
    %get3A_115 = arith.constant 0 : index
    %get3A_116 = arith.constant 256 : index
    %get3A_117 = vector.load %arg1[%get3A_115, %get3A_116] : memref<200x1152xf32, #tpu.memory_space<vmem>>, vector<200x128xf32>
    %bitcast_convert_type3A_118 = tpu.bitcast %get3A_117 : vector<200x128xf32> -> vector<200x128xi32>
    %shift_left3A_119 = arith.constant 16 : i32
    %shift_left3A_120 = vector.broadcast %shift_left3A_119 : i32 to vector<200x128xi32>
    %shift_left3A_121 = arith.shli %bitcast_convert_type3A_118, %shift_left3A_120 : vector<200x128xi32>
    %bitcast_convert_type3A_122 = tpu.bitcast %shift_left3A_121 : vector<200x128xi32> -> vector<200x128xf32>
    %and3A_123 = arith.constant -65536 : i32
    %and3A_124 = vector.broadcast %and3A_123 : i32 to vector<200x128xi32>
    %and3A_125 = arith.andi %bitcast_convert_type3A_118, %and3A_124 : vector<200x128xi32>
    %bitcast_convert_type3A_126 = tpu.bitcast %and3A_125 : vector<200x128xi32> -> vector<200x128xf32>
    %dot_general3A_127 = arith.constant dense<0.000000e+00> : vector<256x200xf32>
    %dot_general3A_128 = tpu.matmul %get3A_1, %bitcast_convert_type3A_122, %dot_general3A_127 {dimension_numbers = #tpu.dot_dimension_numbers<[1], [1], [0], [0], [0, 0, 1, 0], [], []>, transpose_lhs_hint = false} : vector<256x128xf32>, vector<200x128xf32>, vector<256x200xf32> -> vector<256x200xf32>
    %dot_general3A_129 = arith.constant dense<0.000000e+00> : vector<256x200xf32>
    %dot_general3A_130 = tpu.matmul %get3A_4, %bitcast_convert_type3A_126, %dot_general3A_129 {dimension_numbers = #tpu.dot_dimension_numbers<[1], [1], [0], [0], [0, 0, 1, 0], [], []>, transpose_lhs_hint = false} : vector<256x128xf32>, vector<200x128xf32>, vector<256x200xf32> -> vector<256x200xf32>
    %add3A_131 = arith.addf %dot_general3A_128, %dot_general3A_130 : vector<256x200xf32>
    %slice3A_132 = vector.extract_strided_slice %add3A_131 {offsets = [0, 0], sizes = [64, 200], strides = [1, 1]} : vector<256x200xf32> to vector<64x200xf32>
    %add3A_133 = vector.broadcast %get3A_7 : vector<64x1xf32> to vector<64x200xf32>
    %add3A_134 = arith.addf %slice3A_132, %add3A_133 : vector<64x200xf32>
    %swap3A_135 = arith.constant 0 : index
    %swap3A_136 = arith.constant 8 : index
    %swap3A_137 = arith.constant 0 : index
    %swap3A_138 = arith.constant 0 : index
    %swap3A_139 = vector.load %arg6[%swap3A_135, %swap3A_136, %swap3A_137, %swap3A_138] : memref<1x33x64x200xf32, #tpu.memory_space<vmem>>, vector<1x1x64x200xf32>
    %swap3A_140 = vector.shape_cast %swap3A_139 : vector<1x1x64x200xf32> to vector<64x200xf32>
    %swap3A_141 = vector.shape_cast %add3A_134 : vector<64x200xf32> to vector<1x1x64x200xf32>
    tpu.vector_store %arg6[%swap3A_135, %swap3A_136, %swap3A_137, %swap3A_138], %swap3A_141 {strides = array<i32>} : memref<1x33x64x200xf32, #tpu.memory_space<vmem>>, vector<1x1x64x200xf32>,
    %slice3A_142 = vector.extract_strided_slice %add3A_131 {offsets = [64, 0], sizes = [64, 200], strides = [1, 1]} : vector<256x200xf32> to vector<64x200xf32>
    %add3A_143 = vector.broadcast %get3A_7 : vector<64x1xf32> to vector<64x200xf32>
    %add3A_144 = arith.addf %slice3A_142, %add3A_143 : vector<64x200xf32>
    %swap3A_145 = arith.constant 0 : index
    %swap3A_146 = arith.constant 9 : index
    %swap3A_147 = arith.constant 0 : index
    %swap3A_148 = arith.constant 0 : index
    %swap3A_149 = vector.load %arg6[%swap3A_145, %swap3A_146, %swap3A_147, %swap3A_148] : memref<1x33x64x200xf32, #tpu.memory_space<vmem>>, vector<1x1x64x200xf32>
    %swap3A_150 = vector.shape_cast %swap3A_149 : vector<1x1x64x200xf32> to vector<64x200xf32>
    %swap3A_151 = vector.shape_cast %add3A_144 : vector<64x200xf32> to vector<1x1x64x200xf32>
    tpu.vector_store %arg6[%swap3A_145, %swap3A_146, %swap3A_147, %swap3A_148], %swap3A_151 {strides = array<i32>} : memref<1x33x64x200xf32, #tpu.memory_space<vmem>>, vector<1x1x64x200xf32>,
    %slice3A_152 = vector.extract_strided_slice %add3A_131 {offsets = [128, 0], sizes = [64, 200], strides = [1, 1]} : vector<256x200xf32> to vector<64x200xf32>
    %add3A_153 = vector.broadcast %get3A_7 : vector<64x1xf32> to vector<64x200xf32>
    %add3A_154 = arith.addf %slice3A_152, %add3A_153 : vector<64x200xf32>
    %swap3A_155 = arith.constant 0 : index
    %swap3A_156 = arith.constant 10 : index
    %swap3A_157 = arith.constant 0 : index
    %swap3A_158 = arith.constant 0 : index
    %swap3A_159 = vector.load %arg6[%swap3A_155, %swap3A_156, %swap3A_157, %swap3A_158] : memref<1x33x64x200xf32, #tpu.memory_space<vmem>>, vector<1x1x64x200xf32>
    %swap3A_160 = vector.shape_cast %swap3A_159 : vector<1x1x64x200xf32> to vector<64x200xf32>
    %swap3A_161 = vector.shape_cast %add3A_154 : vector<64x200xf32> to vector<1x1x64x200xf32>
    tpu.vector_store %arg6[%swap3A_155, %swap3A_156, %swap3A_157, %swap3A_158], %swap3A_161 {strides = array<i32>} : memref<1x33x64x200xf32, #tpu.memory_space<vmem>>, vector<1x1x64x200xf32>,
    %slice3A_162 = vector.extract_strided_slice %add3A_131 {offsets = [192, 0], sizes = [64, 200], strides = [1, 1]} : vector<256x200xf32> to vector<64x200xf32>
    %add3A_163 = vector.broadcast %get3A_7 : vector<64x1xf32> to vector<64x200xf32>
    %add3A_164 = arith.addf %slice3A_162, %add3A_163 : vector<64x200xf32>
    %swap3A_165 = arith.constant 0 : index
    %swap3A_166 = arith.constant 11 : index
    %swap3A_167 = arith.constant 0 : index
    %swap3A_168 = arith.constant 0 : index
    %swap3A_169 = vector.load %arg6[%swap3A_165, %swap3A_166, %swap3A_167, %swap3A_168] : memref<1x33x64x200xf32, #tpu.memory_space<vmem>>, vector<1x1x64x200xf32>
    %swap3A_170 = vector.shape_cast %swap3A_169 : vector<1x1x64x200xf32> to vector<64x200xf32>
    %swap3A_171 = vector.shape_cast %add3A_164 : vector<64x200xf32> to vector<1x1x64x200xf32>
    tpu.vector_store %arg6[%swap3A_165, %swap3A_166, %swap3A_167, %swap3A_168], %swap3A_171 {strides = array<i32>} : memref<1x33x64x200xf32, #tpu.memory_space<vmem>>, vector<1x1x64x200xf32>,
    %get3A_172 = arith.constant 0 : index
    %get3A_173 = arith.constant 384 : index
    %get3A_174 = vector.load %arg1[%get3A_172, %get3A_173] : memref<200x1152xf32, #tpu.memory_space<vmem>>, vector<200x128xf32>
    %bitcast_convert_type3A_175 = tpu.bitcast %get3A_174 : vector<200x128xf32> -> vector<200x128xi32>
    %shift_left3A_176 = arith.constant 16 : i32
    %shift_left3A_177 = vector.broadcast %shift_left3A_176 : i32 to vector<200x128xi32>
    %shift_left3A_178 = arith.shli %bitcast_convert_type3A_175, %shift_left3A_177 : vector<200x128xi32>
    %bitcast_convert_type3A_179 = tpu.bitcast %shift_left3A_178 : vector<200x128xi32> -> vector<200x128xf32>
    %and3A_180 = arith.constant -65536 : i32
    %and3A_181 = vector.broadcast %and3A_180 : i32 to vector<200x128xi32>
    %and3A_182 = arith.andi %bitcast_convert_type3A_175, %and3A_181 : vector<200x128xi32>
    %bitcast_convert_type3A_183 = tpu.bitcast %and3A_182 : vector<200x128xi32> -> vector<200x128xf32>
    %dot_general3A_184 = arith.constant dense<0.000000e+00> : vector<256x200xf32>
    %dot_general3A_185 = tpu.matmul %get3A_1, %bitcast_convert_type3A_179, %dot_general3A_184 {dimension_numbers = #tpu.dot_dimension_numbers<[1], [1], [0], [0], [0, 0, 1, 0], [], []>, transpose_lhs_hint = false} : vector<256x128xf32>, vector<200x128xf32>, vector<256x200xf32> -> vector<256x200xf32>
    %dot_general3A_186 = arith.constant dense<0.000000e+00> : vector<256x200xf32>
    %dot_general3A_187 = tpu.matmul %get3A_4, %bitcast_convert_type3A_183, %dot_general3A_186 {dimension_numbers = #tpu.dot_dimension_numbers<[1], [1], [0], [0], [0, 0, 1, 0], [], []>, transpose_lhs_hint = false} : vector<256x128xf32>, vector<200x128xf32>, vector<256x200xf32> -> vector<256x200xf32>
    %add3A_188 = arith.addf %dot_general3A_185, %dot_general3A_187 : vector<256x200xf32>
    %slice3A_189 = vector.extract_strided_slice %add3A_188 {offsets = [0, 0], sizes = [64, 200], strides = [1, 1]} : vector<256x200xf32> to vector<64x200xf32>
    %add3A_190 = vector.broadcast %get3A_7 : vector<64x1xf32> to vector<64x200xf32>
    %add3A_191 = arith.addf %slice3A_189, %add3A_190 : vector<64x200xf32>
    %swap3A_192 = arith.constant 0 : index
    %swap3A_193 = arith.constant 12 : index
    %swap3A_194 = arith.constant 0 : index
    %swap3A_195 = arith.constant 0 : index
    %swap3A_196 = vector.load %arg6[%swap3A_192, %swap3A_193, %swap3A_194, %swap3A_195] : memref<1x33x64x200xf32, #tpu.memory_space<vmem>>, vector<1x1x64x200xf32>
    %swap3A_197 = vector.shape_cast %swap3A_196 : vector<1x1x64x200xf32> to vector<64x200xf32>
    %swap3A_198 = vector.shape_cast %add3A_191 : vector<64x200xf32> to vector<1x1x64x200xf32>
    tpu.vector_store %arg6[%swap3A_192, %swap3A_193, %swap3A_194, %swap3A_195], %swap3A_198 {strides = array<i32>} : memref<1x33x64x200xf32, #tpu.memory_space<vmem>>, vector<1x1x64x200xf32>,
    %slice3A_199 = vector.extract_strided_slice %add3A_188 {offsets = [64, 0], sizes = [64, 200], strides = [1, 1]} : vector<256x200xf32> to vector<64x200xf32>
    %add3A_200 = vector.broadcast %get3A_7 : vector<64x1xf32> to vector<64x200xf32>
    %add3A_201 = arith.addf %slice3A_199, %add3A_200 : vector<64x200xf32>
    %swap3A_202 = arith.constant 0 : index
    %swap3A_203 = arith.constant 13 : index
    %swap3A_204 = arith.constant 0 : index
    %swap3A_205 = arith.constant 0 : index
    %swap3A_206 = vector.load %arg6[%swap3A_202, %swap3A_203, %swap3A_204, %swap3A_205] : memref<1x33x64x200xf32, #tpu.memory_space<vmem>>, vector<1x1x64x200xf32>
    %swap3A_207 = vector.shape_cast %swap3A_206 : vector<1x1x64x200xf32> to vector<64x200xf32>
    %swap3A_208 = vector.shape_cast %add3A_201 : vector<64x200xf32> to vector<1x1x64x200xf32>
    tpu.vector_store %arg6[%swap3A_202, %swap3A_203, %swap3A_204, %swap3A_205], %swap3A_208 {strides = array<i32>} : memref<1x33x64x200xf32, #tpu.memory_space<vmem>>, vector<1x1x64x200xf32>,
    %slice3A_209 = vector.extract_strided_slice %add3A_188 {offsets = [128, 0], sizes = [64, 200], strides = [1, 1]} : vector<256x200xf32> to vector<64x200xf32>
    %add3A_210 = vector.broadcast %get3A_7 : vector<64x1xf32> to vector<64x200xf32>
    %add3A_211 = arith.addf %slice3A_209, %add3A_210 : vector<64x200xf32>
    %swap3A_212 = arith.constant 0 : index
    %swap3A_213 = arith.constant 14 : index
    %swap3A_214 = arith.constant 0 : index
    %swap3A_215 = arith.constant 0 : index
    %swap3A_216 = vector.load %arg6[%swap3A_212, %swap3A_213, %swap3A_214, %swap3A_215] : memref<1x33x64x200xf32, #tpu.memory_space<vmem>>, vector<1x1x64x200xf32>
    %swap3A_217 = vector.shape_cast %swap3A_216 : vector<1x1x64x200xf32> to vector<64x200xf32>
    %swap3A_218 = vector.shape_cast %add3A_211 : vector<64x200xf32> to vector<1x1x64x200xf32>
    tpu.vector_store %arg6[%swap3A_212, %swap3A_213, %swap3A_214, %swap3A_215], %swap3A_218 {strides = array<i32>} : memref<1x33x64x200xf32, #tpu.memory_space<vmem>>, vector<1x1x64x200xf32>,
    %slice3A_219 = vector.extract_strided_slice %add3A_188 {offsets = [192, 0], sizes = [64, 200], strides = [1, 1]} : vector<256x200xf32> to vector<64x200xf32>
    %add3A_220 = vector.broadcast %get3A_7 : vector<64x1xf32> to vector<64x200xf32>
    %add3A_221 = arith.addf %slice3A_219, %add3A_220 : vector<64x200xf32>
    %swap3A_222 = arith.constant 0 : index
    %swap3A_223 = arith.constant 15 : index
    %swap3A_224 = arith.constant 0 : index
    %swap3A_225 = arith.constant 0 : index
    %swap3A_226 = vector.load %arg6[%swap3A_222, %swap3A_223, %swap3A_224, %swap3A_225] : memref<1x33x64x200xf32, #tpu.memory_space<vmem>>, vector<1x1x64x200xf32>
    %swap3A_227 = vector.shape_cast %swap3A_226 : vector<1x1x64x200xf32> to vector<64x200xf32>
    %swap3A_228 = vector.shape_cast %add3A_221 : vector<64x200xf32> to vector<1x1x64x200xf32>
    tpu.vector_store %arg6[%swap3A_222, %swap3A_223, %swap3A_224, %swap3A_225], %swap3A_228 {strides = array<i32>} : memref<1x33x64x200xf32, #tpu.memory_space<vmem>>, vector<1x1x64x200xf32>,
    %get3A_229 = arith.constant 0 : index
    %get3A_230 = arith.constant 512 : index
    %get3A_231 = vector.load %arg1[%get3A_229, %get3A_230] : memref<200x1152xf32, #tpu.memory_space<vmem>>, vector<200x128xf32>
    %bitcast_convert_type3A_232 = tpu.bitcast %get3A_231 : vector<200x128xf32> -> vector<200x128xi32>
    %shift_left3A_233 = arith.constant 16 : i32
    %shift_left3A_234 = vector.broadcast %shift_left3A_233 : i32 to vector<200x128xi32>
    %shift_left3A_235 = arith.shli %bitcast_convert_type3A_232, %shift_left3A_234 : vector<200x128xi32>
    %bitcast_convert_type3A_236 = tpu.bitcast %shift_left3A_235 : vector<200x128xi32> -> vector<200x128xf32>
    %and3A_237 = arith.constant -65536 : i32
    %and3A_238 = vector.broadcast %and3A_237 : i32 to vector<200x128xi32>
    %and3A_239 = arith.andi %bitcast_convert_type3A_232, %and3A_238 : vector<200x128xi32>
    %bitcast_convert_type3A_240 = tpu.bitcast %and3A_239 : vector<200x128xi32> -> vector<200x128xf32>
    %dot_general3A_241 = arith.constant dense<0.000000e+00> : vector<256x200xf32>
    %dot_general3A_242 = tpu.matmul %get3A_1, %bitcast_convert_type3A_236, %dot_general3A_241 {dimension_numbers = #tpu.dot_dimension_numbers<[1], [1], [0], [0], [0, 0, 1, 0], [], []>, transpose_lhs_hint = false} : vector<256x128xf32>, vector<200x128xf32>, vector<256x200xf32> -> vector<256x200xf32>
    %dot_general3A_243 = arith.constant dense<0.000000e+00> : vector<256x200xf32>
    %dot_general3A_244 = tpu.matmul %get3A_4, %bitcast_convert_type3A_240, %dot_general3A_243 {dimension_numbers = #tpu.dot_dimension_numbers<[1], [1], [0], [0], [0, 0, 1, 0], [], []>, transpose_lhs_hint = false} : vector<256x128xf32>, vector<200x128xf32>, vector<256x200xf32> -> vector<256x200xf32>
    %add3A_245 = arith.addf %dot_general3A_242, %dot_general3A_244 : vector<256x200xf32>
    %slice3A_246 = vector.extract_strided_slice %add3A_245 {offsets = [0, 0], sizes = [64, 200], strides = [1, 1]} : vector<256x200xf32> to vector<64x200xf32>
    %add3A_247 = vector.broadcast %get3A_7 : vector<64x1xf32> to vector<64x200xf32>
    %add3A_248 = arith.addf %slice3A_246, %add3A_247 : vector<64x200xf32>
    %swap3A_249 = arith.constant 0 : index
    %swap3A_250 = arith.constant 16 : index
    %swap3A_251 = arith.constant 0 : index
    %swap3A_252 = arith.constant 0 : index
    %swap3A_253 = vector.load %arg6[%swap3A_249, %swap3A_250, %swap3A_251, %swap3A_252] : memref<1x33x64x200xf32, #tpu.memory_space<vmem>>, vector<1x1x64x200xf32>
    %swap3A_254 = vector.shape_cast %swap3A_253 : vector<1x1x64x200xf32> to vector<64x200xf32>
    %swap3A_255 = vector.shape_cast %add3A_248 : vector<64x200xf32> to vector<1x1x64x200xf32>
    tpu.vector_store %arg6[%swap3A_249, %swap3A_250, %swap3A_251, %swap3A_252], %swap3A_255 {strides = array<i32>} : memref<1x33x64x200xf32, #tpu.memory_space<vmem>>, vector<1x1x64x200xf32>,
    %slice3A_256 = vector.extract_strided_slice %add3A_245 {offsets = [64, 0], sizes = [64, 200], strides = [1, 1]} : vector<256x200xf32> to vector<64x200xf32>
    %add3A_257 = vector.broadcast %get3A_7 : vector<64x1xf32> to vector<64x200xf32>
    %add3A_258 = arith.addf %slice3A_256, %add3A_257 : vector<64x200xf32>
    %swap3A_259 = arith.constant 0 : index
    %swap3A_260 = arith.constant 17 : index
    %swap3A_261 = arith.constant 0 : index
    %swap3A_262 = arith.constant 0 : index
    %swap3A_263 = vector.load %arg6[%swap3A_259, %swap3A_260, %swap3A_261, %swap3A_262] : memref<1x33x64x200xf32, #tpu.memory_space<vmem>>, vector<1x1x64x200xf32>
    %swap3A_264 = vector.shape_cast %swap3A_263 : vector<1x1x64x200xf32> to vector<64x200xf32>
    %swap3A_265 = vector.shape_cast %add3A_258 : vector<64x200xf32> to vector<1x1x64x200xf32>
    tpu.vector_store %arg6[%swap3A_259, %swap3A_260, %swap3A_261, %swap3A_262], %swap3A_265 {strides = array<i32>} : memref<1x33x64x200xf32, #tpu.memory_space<vmem>>, vector<1x1x64x200xf32>,
    %slice3A_266 = vector.extract_strided_slice %add3A_245 {offsets = [128, 0], sizes = [64, 200], strides = [1, 1]} : vector<256x200xf32> to vector<64x200xf32>
    %add3A_267 = vector.broadcast %get3A_7 : vector<64x1xf32> to vector<64x200xf32>
    %add3A_268 = arith.addf %slice3A_266, %add3A_267 : vector<64x200xf32>
    %swap3A_269 = arith.constant 0 : index
    %swap3A_270 = arith.constant 18 : index
    %swap3A_271 = arith.constant 0 : index
    %swap3A_272 = arith.constant 0 : index
    %swap3A_273 = vector.load %arg6[%swap3A_269, %swap3A_270, %swap3A_271, %swap3A_272] : memref<1x33x64x200xf32, #tpu.memory_space<vmem>>, vector<1x1x64x200xf32>
    %swap3A_274 = vector.shape_cast %swap3A_273 : vector<1x1x64x200xf32> to vector<64x200xf32>
    %swap3A_275 = vector.shape_cast %add3A_268 : vector<64x200xf32> to vector<1x1x64x200xf32>
    tpu.vector_store %arg6[%swap3A_269, %swap3A_270, %swap3A_271, %swap3A_272], %swap3A_275 {strides = array<i32>} : memref<1x33x64x200xf32, #tpu.memory_space<vmem>>, vector<1x1x64x200xf32>,
    %slice3A_276 = vector.extract_strided_slice %add3A_245 {offsets = [192, 0], sizes = [64, 200], strides = [1, 1]} : vector<256x200xf32> to vector<64x200xf32>
    %add3A_277 = vector.broadcast %get3A_7 : vector<64x1xf32> to vector<64x200xf32>
    %add3A_278 = arith.addf %slice3A_276, %add3A_277 : vector<64x200xf32>
    %swap3A_279 = arith.constant 0 : index
    %swap3A_280 = arith.constant 19 : index
    %swap3A_281 = arith.constant 0 : index
    %swap3A_282 = arith.constant 0 : index
    %swap3A_283 = vector.load %arg6[%swap3A_279, %swap3A_280, %swap3A_281, %swap3A_282] : memref<1x33x64x200xf32, #tpu.memory_space<vmem>>, vector<1x1x64x200xf32>
    %swap3A_284 = vector.shape_cast %swap3A_283 : vector<1x1x64x200xf32> to vector<64x200xf32>
    %swap3A_285 = vector.shape_cast %add3A_278 : vector<64x200xf32> to vector<1x1x64x200xf32>
    tpu.vector_store %arg6[%swap3A_279, %swap3A_280, %swap3A_281, %swap3A_282], %swap3A_285 {strides = array<i32>} : memref<1x33x64x200xf32, #tpu.memory_space<vmem>>, vector<1x1x64x200xf32>,
    %get3A_286 = arith.constant 0 : index
    %get3A_287 = arith.constant 640 : index
    %get3A_288 = vector.load %arg1[%get3A_286, %get3A_287] : memref<200x1152xf32, #tpu.memory_space<vmem>>, vector<200x128xf32>
    %bitcast_convert_type3A_289 = tpu.bitcast %get3A_288 : vector<200x128xf32> -> vector<200x128xi32>
    %shift_left3A_290 = arith.constant 16 : i32
    %shift_left3A_291 = vector.broadcast %shift_left3A_290 : i32 to vector<200x128xi32>
    %shift_left3A_292 = arith.shli %bitcast_convert_type3A_289, %shift_left3A_291 : vector<200x128xi32>
    %bitcast_convert_type3A_293 = tpu.bitcast %shift_left3A_292 : vector<200x128xi32> -> vector<200x128xf32>
    %and3A_294 = arith.constant -65536 : i32
    %and3A_295 = vector.broadcast %and3A_294 : i32 to vector<200x128xi32>
    %and3A_296 = arith.andi %bitcast_convert_type3A_289, %and3A_295 : vector<200x128xi32>
    %bitcast_convert_type3A_297 = tpu.bitcast %and3A_296 : vector<200x128xi32> -> vector<200x128xf32>
    %dot_general3A_298 = arith.constant dense<0.000000e+00> : vector<256x200xf32>
    %dot_general3A_299 = tpu.matmul %get3A_1, %bitcast_convert_type3A_293, %dot_general3A_298 {dimension_numbers = #tpu.dot_dimension_numbers<[1], [1], [0], [0], [0, 0, 1, 0], [], []>, transpose_lhs_hint = false} : vector<256x128xf32>, vector<200x128xf32>, vector<256x200xf32> -> vector<256x200xf32>
    %dot_general3A_300 = arith.constant dense<0.000000e+00> : vector<256x200xf32>
    %dot_general3A_301 = tpu.matmul %get3A_4, %bitcast_convert_type3A_297, %dot_general3A_300 {dimension_numbers = #tpu.dot_dimension_numbers<[1], [1], [0], [0], [0, 0, 1, 0], [], []>, transpose_lhs_hint = false} : vector<256x128xf32>, vector<200x128xf32>, vector<256x200xf32> -> vector<256x200xf32>
    %add3A_302 = arith.addf %dot_general3A_299, %dot_general3A_301 : vector<256x200xf32>
    %slice3A_303 = vector.extract_strided_slice %add3A_302 {offsets = [0, 0], sizes = [64, 200], strides = [1, 1]} : vector<256x200xf32> to vector<64x200xf32>
    %add3A_304 = vector.broadcast %get3A_7 : vector<64x1xf32> to vector<64x200xf32>
    %add3A_305 = arith.addf %slice3A_303, %add3A_304 : vector<64x200xf32>
    %swap3A_306 = arith.constant 0 : index
    %swap3A_307 = arith.constant 20 : index
    %swap3A_308 = arith.constant 0 : index
    %swap3A_309 = arith.constant 0 : index
    %swap3A_310 = vector.load %arg6[%swap3A_306, %swap3A_307, %swap3A_308, %swap3A_309] : memref<1x33x64x200xf32, #tpu.memory_space<vmem>>, vector<1x1x64x200xf32>
    %swap3A_311 = vector.shape_cast %swap3A_310 : vector<1x1x64x200xf32> to vector<64x200xf32>
    %swap3A_312 = vector.shape_cast %add3A_305 : vector<64x200xf32> to vector<1x1x64x200xf32>
    tpu.vector_store %arg6[%swap3A_306, %swap3A_307, %swap3A_308, %swap3A_309], %swap3A_312 {strides = array<i32>} : memref<1x33x64x200xf32, #tpu.memory_space<vmem>>, vector<1x1x64x200xf32>,
    %slice3A_313 = vector.extract_strided_slice %add3A_302 {offsets = [64, 0], sizes = [64, 200], strides = [1, 1]} : vector<256x200xf32> to vector<64x200xf32>
    %add3A_314 = vector.broadcast %get3A_7 : vector<64x1xf32> to vector<64x200xf32>
    %add3A_315 = arith.addf %slice3A_313, %add3A_314 : vector<64x200xf32>
    %swap3A_316 = arith.constant 0 : index
    %swap3A_317 = arith.constant 21 : index
    %swap3A_318 = arith.constant 0 : index
    %swap3A_319 = arith.constant 0 : index
    %swap3A_320 = vector.load %arg6[%swap3A_316, %swap3A_317, %swap3A_318, %swap3A_319] : memref<1x33x64x200xf32, #tpu.memory_space<vmem>>, vector<1x1x64x200xf32>
    %swap3A_321 = vector.shape_cast %swap3A_320 : vector<1x1x64x200xf32> to vector<64x200xf32>
    %swap3A_322 = vector.shape_cast %add3A_315 : vector<64x200xf32> to vector<1x1x64x200xf32>
    tpu.vector_store %arg6[%swap3A_316, %swap3A_317, %swap3A_318, %swap3A_319], %swap3A_322 {strides = array<i32>} : memref<1x33x64x200xf32, #tpu.memory_space<vmem>>, vector<1x1x64x200xf32>,
    %slice3A_323 = vector.extract_strided_slice %add3A_302 {offsets = [128, 0], sizes = [64, 200], strides = [1, 1]} : vector<256x200xf32> to vector<64x200xf32>
    %add3A_324 = vector.broadcast %get3A_7 : vector<64x1xf32> to vector<64x200xf32>
    %add3A_325 = arith.addf %slice3A_323, %add3A_324 : vector<64x200xf32>
    %swap3A_326 = arith.constant 0 : index
    %swap3A_327 = arith.constant 22 : index
    %swap3A_328 = arith.constant 0 : index
    %swap3A_329 = arith.constant 0 : index
    %swap3A_330 = vector.load %arg6[%swap3A_326, %swap3A_327, %swap3A_328, %swap3A_329] : memref<1x33x64x200xf32, #tpu.memory_space<vmem>>, vector<1x1x64x200xf32>
    %swap3A_331 = vector.shape_cast %swap3A_330 : vector<1x1x64x200xf32> to vector<64x200xf32>
    %swap3A_332 = vector.shape_cast %add3A_325 : vector<64x200xf32> to vector<1x1x64x200xf32>
    tpu.vector_store %arg6[%swap3A_326, %swap3A_327, %swap3A_328, %swap3A_329], %swap3A_332 {strides = array<i32>} : memref<1x33x64x200xf32, #tpu.memory_space<vmem>>, vector<1x1x64x200xf32>,
    %slice3A_333 = vector.extract_strided_slice %add3A_302 {offsets = [192, 0], sizes = [64, 200], strides = [1, 1]} : vector<256x200xf32> to vector<64x200xf32>
    %add3A_334 = vector.broadcast %get3A_7 : vector<64x1xf32> to vector<64x200xf32>
    %add3A_335 = arith.addf %slice3A_333, %add3A_334 : vector<64x200xf32>
    %swap3A_336 = arith.constant 0 : index
    %swap3A_337 = arith.constant 23 : index
    %swap3A_338 = arith.constant 0 : index
    %swap3A_339 = arith.constant 0 : index
    %swap3A_340 = vector.load %arg6[%swap3A_336, %swap3A_337, %swap3A_338, %swap3A_339] : memref<1x33x64x200xf32, #tpu.memory_space<vmem>>, vector<1x1x64x200xf32>
    %swap3A_341 = vector.shape_cast %swap3A_340 : vector<1x1x64x200xf32> to vector<64x200xf32>
    %swap3A_342 = vector.shape_cast %add3A_335 : vector<64x200xf32> to vector<1x1x64x200xf32>
    tpu.vector_store %arg6[%swap3A_336, %swap3A_337, %swap3A_338, %swap3A_339], %swap3A_342 {strides = array<i32>} : memref<1x33x64x200xf32, #tpu.memory_space<vmem>>, vector<1x1x64x200xf32>,
    %get3A_343 = arith.constant 0 : index
    %get3A_344 = arith.constant 768 : index
    %get3A_345 = vector.load %arg1[%get3A_343, %get3A_344] : memref<200x1152xf32, #tpu.memory_space<vmem>>, vector<200x128xf32>
    %bitcast_convert_type3A_346 = tpu.bitcast %get3A_345 : vector<200x128xf32> -> vector<200x128xi32>
    %shift_left3A_347 = arith.constant 16 : i32
    %shift_left3A_348 = vector.broadcast %shift_left3A_347 : i32 to vector<200x128xi32>
    %shift_left3A_349 = arith.shli %bitcast_convert_type3A_346, %shift_left3A_348 : vector<200x128xi32>
    %bitcast_convert_type3A_350 = tpu.bitcast %shift_left3A_349 : vector<200x128xi32> -> vector<200x128xf32>
    %and3A_351 = arith.constant -65536 : i32
    %and3A_352 = vector.broadcast %and3A_351 : i32 to vector<200x128xi32>
    %and3A_353 = arith.andi %bitcast_convert_type3A_346, %and3A_352 : vector<200x128xi32>
    %bitcast_convert_type3A_354 = tpu.bitcast %and3A_353 : vector<200x128xi32> -> vector<200x128xf32>
    %dot_general3A_355 = arith.constant dense<0.000000e+00> : vector<256x200xf32>
    %dot_general3A_356 = tpu.matmul %get3A_1, %bitcast_convert_type3A_350, %dot_general3A_355 {dimension_numbers = #tpu.dot_dimension_numbers<[1], [1], [0], [0], [0, 0, 1, 0], [], []>, transpose_lhs_hint = false} : vector<256x128xf32>, vector<200x128xf32>, vector<256x200xf32> -> vector<256x200xf32>
    %dot_general3A_357 = arith.constant dense<0.000000e+00> : vector<256x200xf32>
    %dot_general3A_358 = tpu.matmul %get3A_4, %bitcast_convert_type3A_354, %dot_general3A_357 {dimension_numbers = #tpu.dot_dimension_numbers<[1], [1], [0], [0], [0, 0, 1, 0], [], []>, transpose_lhs_hint = false} : vector<256x128xf32>, vector<200x128xf32>, vector<256x200xf32> -> vector<256x200xf32>
    %add3A_359 = arith.addf %dot_general3A_356, %dot_general3A_358 : vector<256x200xf32>
    %slice3A_360 = vector.extract_strided_slice %add3A_359 {offsets = [0, 0], sizes = [64, 200], strides = [1, 1]} : vector<256x200xf32> to vector<64x200xf32>
    %add3A_361 = vector.broadcast %get3A_7 : vector<64x1xf32> to vector<64x200xf32>
    %add3A_362 = arith.addf %slice3A_360, %add3A_361 : vector<64x200xf32>
    %swap3A_363 = arith.constant 0 : index
    %swap3A_364 = arith.constant 24 : index
    %swap3A_365 = arith.constant 0 : index
    %swap3A_366 = arith.constant 0 : index
    %swap3A_367 = vector.load %arg6[%swap3A_363, %swap3A_364, %swap3A_365, %swap3A_366] : memref<1x33x64x200xf32, #tpu.memory_space<vmem>>, vector<1x1x64x200xf32>
    %swap3A_368 = vector.shape_cast %swap3A_367 : vector<1x1x64x200xf32> to vector<64x200xf32>
    %swap3A_369 = vector.shape_cast %add3A_362 : vector<64x200xf32> to vector<1x1x64x200xf32>
    tpu.vector_store %arg6[%swap3A_363, %swap3A_364, %swap3A_365, %swap3A_366], %swap3A_369 {strides = array<i32>} : memref<1x33x64x200xf32, #tpu.memory_space<vmem>>, vector<1x1x64x200xf32>,
    %slice3A_370 = vector.extract_strided_slice %add3A_359 {offsets = [64, 0], sizes = [64, 200], strides = [1, 1]} : vector<256x200xf32> to vector<64x200xf32>
    %add3A_371 = vector.broadcast %get3A_7 : vector<64x1xf32> to vector<64x200xf32>
    %add3A_372 = arith.addf %slice3A_370, %add3A_371 : vector<64x200xf32>
    %swap3A_373 = arith.constant 0 : index
    %swap3A_374 = arith.constant 25 : index
    %swap3A_375 = arith.constant 0 : index
    %swap3A_376 = arith.constant 0 : index
    %swap3A_377 = vector.load %arg6[%swap3A_373, %swap3A_374, %swap3A_375, %swap3A_376] : memref<1x33x64x200xf32, #tpu.memory_space<vmem>>, vector<1x1x64x200xf32>
    %swap3A_378 = vector.shape_cast %swap3A_377 : vector<1x1x64x200xf32> to vector<64x200xf32>
    %swap3A_379 = vector.shape_cast %add3A_372 : vector<64x200xf32> to vector<1x1x64x200xf32>
    tpu.vector_store %arg6[%swap3A_373, %swap3A_374, %swap3A_375, %swap3A_376], %swap3A_379 {strides = array<i32>} : memref<1x33x64x200xf32, #tpu.memory_space<vmem>>, vector<1x1x64x200xf32>,
    %slice3A_380 = vector.extract_strided_slice %add3A_359 {offsets = [128, 0], sizes = [64, 200], strides = [1, 1]} : vector<256x200xf32> to vector<64x200xf32>
    %add3A_381 = vector.broadcast %get3A_7 : vector<64x1xf32> to vector<64x200xf32>
    %add3A_382 = arith.addf %slice3A_380, %add3A_381 : vector<64x200xf32>
    %swap3A_383 = arith.constant 0 : index
    %swap3A_384 = arith.constant 26 : index
    %swap3A_385 = arith.constant 0 : index
    %swap3A_386 = arith.constant 0 : index
    %swap3A_387 = vector.load %arg6[%swap3A_383, %swap3A_384, %swap3A_385, %swap3A_386] : memref<1x33x64x200xf32, #tpu.memory_space<vmem>>, vector<1x1x64x200xf32>
    %swap3A_388 = vector.shape_cast %swap3A_387 : vector<1x1x64x200xf32> to vector<64x200xf32>
    %swap3A_389 = vector.shape_cast %add3A_382 : vector<64x200xf32> to vector<1x1x64x200xf32>
    tpu.vector_store %arg6[%swap3A_383, %swap3A_384, %swap3A_385, %swap3A_386], %swap3A_389 {strides = array<i32>} : memref<1x33x64x200xf32, #tpu.memory_space<vmem>>, vector<1x1x64x200xf32>,
    %slice3A_390 = vector.extract_strided_slice %add3A_359 {offsets = [192, 0], sizes = [64, 200], strides = [1, 1]} : vector<256x200xf32> to vector<64x200xf32>
    %add3A_391 = vector.broadcast %get3A_7 : vector<64x1xf32> to vector<64x200xf32>
    %add3A_392 = arith.addf %slice3A_390, %add3A_391 : vector<64x200xf32>
    %swap3A_393 = arith.constant 0 : index
    %swap3A_394 = arith.constant 27 : index
    %swap3A_395 = arith.constant 0 : index
    %swap3A_396 = arith.constant 0 : index
    %swap3A_397 = vector.load %arg6[%swap3A_393, %swap3A_394, %swap3A_395, %swap3A_396] : memref<1x33x64x200xf32, #tpu.memory_space<vmem>>, vector<1x1x64x200xf32>
    %swap3A_398 = vector.shape_cast %swap3A_397 : vector<1x1x64x200xf32> to vector<64x200xf32>
    %swap3A_399 = vector.shape_cast %add3A_392 : vector<64x200xf32> to vector<1x1x64x200xf32>
    tpu.vector_store %arg6[%swap3A_393, %swap3A_394, %swap3A_395, %swap3A_396], %swap3A_399 {strides = array<i32>} : memref<1x33x64x200xf32, #tpu.memory_space<vmem>>, vector<1x1x64x200xf32>,
    %get3A_400 = arith.constant 0 : index
    %get3A_401 = arith.constant 896 : index
    %get3A_402 = vector.load %arg1[%get3A_400, %get3A_401] : memref<200x1152xf32, #tpu.memory_space<vmem>>, vector<200x128xf32>
    %bitcast_convert_type3A_403 = tpu.bitcast %get3A_402 : vector<200x128xf32> -> vector<200x128xi32>
    %shift_left3A_404 = arith.constant 16 : i32
    %shift_left3A_405 = vector.broadcast %shift_left3A_404 : i32 to vector<200x128xi32>
    %shift_left3A_406 = arith.shli %bitcast_convert_type3A_403, %shift_left3A_405 : vector<200x128xi32>
    %bitcast_convert_type3A_407 = tpu.bitcast %shift_left3A_406 : vector<200x128xi32> -> vector<200x128xf32>
    %and3A_408 = arith.constant -65536 : i32
    %and3A_409 = vector.broadcast %and3A_408 : i32 to vector<200x128xi32>
    %and3A_410 = arith.andi %bitcast_convert_type3A_403, %and3A_409 : vector<200x128xi32>
    %bitcast_convert_type3A_411 = tpu.bitcast %and3A_410 : vector<200x128xi32> -> vector<200x128xf32>
    %dot_general3A_412 = arith.constant dense<0.000000e+00> : vector<256x200xf32>
    %dot_general3A_413 = tpu.matmul %get3A_1, %bitcast_convert_type3A_407, %dot_general3A_412 {dimension_numbers = #tpu.dot_dimension_numbers<[1], [1], [0], [0], [0, 0, 1, 0], [], []>, transpose_lhs_hint = false} : vector<256x128xf32>, vector<200x128xf32>, vector<256x200xf32> -> vector<256x200xf32>
    %dot_general3A_414 = arith.constant dense<0.000000e+00> : vector<256x200xf32>
    %dot_general3A_415 = tpu.matmul %get3A_4, %bitcast_convert_type3A_411, %dot_general3A_414 {dimension_numbers = #tpu.dot_dimension_numbers<[1], [1], [0], [0], [0, 0, 1, 0], [], []>, transpose_lhs_hint = false} : vector<256x128xf32>, vector<200x128xf32>, vector<256x200xf32> -> vector<256x200xf32>
    %add3A_416 = arith.addf %dot_general3A_413, %dot_general3A_415 : vector<256x200xf32>
    %slice3A_417 = vector.extract_strided_slice %add3A_416 {offsets = [0, 0], sizes = [64, 200], strides = [1, 1]} : vector<256x200xf32> to vector<64x200xf32>
    %add3A_418 = vector.broadcast %get3A_7 : vector<64x1xf32> to vector<64x200xf32>
    %add3A_419 = arith.addf %slice3A_417, %add3A_418 : vector<64x200xf32>
    %swap3A_420 = arith.constant 0 : index
    %swap3A_421 = arith.constant 28 : index
    %swap3A_422 = arith.constant 0 : index
    %swap3A_423 = arith.constant 0 : index
    %swap3A_424 = vector.load %arg6[%swap3A_420, %swap3A_421, %swap3A_422, %swap3A_423] : memref<1x33x64x200xf32, #tpu.memory_space<vmem>>, vector<1x1x64x200xf32>
    %swap3A_425 = vector.shape_cast %swap3A_424 : vector<1x1x64x200xf32> to vector<64x200xf32>
    %swap3A_426 = vector.shape_cast %add3A_419 : vector<64x200xf32> to vector<1x1x64x200xf32>
    tpu.vector_store %arg6[%swap3A_420, %swap3A_421, %swap3A_422, %swap3A_423], %swap3A_426 {strides = array<i32>} : memref<1x33x64x200xf32, #tpu.memory_space<vmem>>, vector<1x1x64x200xf32>,
    %slice3A_427 = vector.extract_strided_slice %add3A_416 {offsets = [64, 0], sizes = [64, 200], strides = [1, 1]} : vector<256x200xf32> to vector<64x200xf32>
    %add3A_428 = vector.broadcast %get3A_7 : vector<64x1xf32> to vector<64x200xf32>
    %add3A_429 = arith.addf %slice3A_427, %add3A_428 : vector<64x200xf32>
    %swap3A_430 = arith.constant 0 : index
    %swap3A_431 = arith.constant 29 : index
    %swap3A_432 = arith.constant 0 : index
    %swap3A_433 = arith.constant 0 : index
    %swap3A_434 = vector.load %arg6[%swap3A_430, %swap3A_431, %swap3A_432, %swap3A_433] : memref<1x33x64x200xf32, #tpu.memory_space<vmem>>, vector<1x1x64x200xf32>
    %swap3A_435 = vector.shape_cast %swap3A_434 : vector<1x1x64x200xf32> to vector<64x200xf32>
    %swap3A_436 = vector.shape_cast %add3A_429 : vector<64x200xf32> to vector<1x1x64x200xf32>
    tpu.vector_store %arg6[%swap3A_430, %swap3A_431, %swap3A_432, %swap3A_433], %swap3A_436 {strides = array<i32>} : memref<1x33x64x200xf32, #tpu.memory_space<vmem>>, vector<1x1x64x200xf32>,
    %slice3A_437 = vector.extract_strided_slice %add3A_416 {offsets = [128, 0], sizes = [64, 200], strides = [1, 1]} : vector<256x200xf32> to vector<64x200xf32>
    %add3A_438 = vector.broadcast %get3A_7 : vector<64x1xf32> to vector<64x200xf32>
    %add3A_439 = arith.addf %slice3A_437, %add3A_438 : vector<64x200xf32>
    %swap3A_440 = arith.constant 0 : index
    %swap3A_441 = arith.constant 30 : index
    %swap3A_442 = arith.constant 0 : index
    %swap3A_443 = arith.constant 0 : index
    %swap3A_444 = vector.load %arg6[%swap3A_440, %swap3A_441, %swap3A_442, %swap3A_443] : memref<1x33x64x200xf32, #tpu.memory_space<vmem>>, vector<1x1x64x200xf32>
    %swap3A_445 = vector.shape_cast %swap3A_444 : vector<1x1x64x200xf32> to vector<64x200xf32>
    %swap3A_446 = vector.shape_cast %add3A_439 : vector<64x200xf32> to vector<1x1x64x200xf32>
    tpu.vector_store %arg6[%swap3A_440, %swap3A_441, %swap3A_442, %swap3A_443], %swap3A_446 {strides = array<i32>} : memref<1x33x64x200xf32, #tpu.memory_space<vmem>>, vector<1x1x64x200xf32>,
    %slice3A_447 = vector.extract_strided_slice %add3A_416 {offsets = [192, 0], sizes = [64, 200], strides = [1, 1]} : vector<256x200xf32> to vector<64x200xf32>
    %add3A_448 = vector.broadcast %get3A_7 : vector<64x1xf32> to vector<64x200xf32>
    %add3A_449 = arith.addf %slice3A_447, %add3A_448 : vector<64x200xf32>
    %swap3A_450 = arith.constant 0 : index
    %swap3A_451 = arith.constant 31 : index
    %swap3A_452 = arith.constant 0 : index
    %swap3A_453 = arith.constant 0 : index
    %swap3A_454 = vector.load %arg6[%swap3A_450, %swap3A_451, %swap3A_452, %swap3A_453] : memref<1x33x64x200xf32, #tpu.memory_space<vmem>>, vector<1x1x64x200xf32>
    %swap3A_455 = vector.shape_cast %swap3A_454 : vector<1x1x64x200xf32> to vector<64x200xf32>
    %swap3A_456 = vector.shape_cast %add3A_449 : vector<64x200xf32> to vector<1x1x64x200xf32>
    tpu.vector_store %arg6[%swap3A_450, %swap3A_451, %swap3A_452, %swap3A_453], %swap3A_456 {strides = array<i32>} : memref<1x33x64x200xf32, #tpu.memory_space<vmem>>, vector<1x1x64x200xf32>,
    %get3A_457 = arith.constant 0 : index
    %get3A_458 = arith.constant 1024 : index
    %get3A_459 = vector.load %arg1[%get3A_457, %get3A_458] : memref<200x1152xf32, #tpu.memory_space<vmem>>, vector<200x128xf32>
    %bitcast_convert_type3A_460 = tpu.bitcast %get3A_459 : vector<200x128xf32> -> vector<200x128xi32>
    %shift_left3A_461 = arith.constant 16 : i32
    %shift_left3A_462 = vector.broadcast %shift_left3A_461 : i32 to vector<200x128xi32>
    %shift_left3A_463 = arith.shli %bitcast_convert_type3A_460, %shift_left3A_462 : vector<200x128xi32>
    %bitcast_convert_type3A_464 = tpu.bitcast %shift_left3A_463 : vector<200x128xi32> -> vector<200x128xf32>
    %and3A_465 = arith.constant -65536 : i32
    %and3A_466 = vector.broadcast %and3A_465 : i32 to vector<200x128xi32>
    %and3A_467 = arith.andi %bitcast_convert_type3A_460, %and3A_466 : vector<200x128xi32>
    %bitcast_convert_type3A_468 = tpu.bitcast %and3A_467 : vector<200x128xi32> -> vector<200x128xf32>
    %dot_general3A_469 = arith.constant dense<0.000000e+00> : vector<256x200xf32>
    %dot_general3A_470 = tpu.matmul %get3A_1, %bitcast_convert_type3A_464, %dot_general3A_469 {dimension_numbers = #tpu.dot_dimension_numbers<[1], [1], [0], [0], [0, 0, 1, 0], [], []>, transpose_lhs_hint = false} : vector<256x128xf32>, vector<200x128xf32>, vector<256x200xf32> -> vector<256x200xf32>
    %dot_general3A_471 = arith.constant dense<0.000000e+00> : vector<256x200xf32>
    %dot_general3A_472 = tpu.matmul %get3A_4, %bitcast_convert_type3A_468, %dot_general3A_471 {dimension_numbers = #tpu.dot_dimension_numbers<[1], [1], [0], [0], [0, 0, 1, 0], [], []>, transpose_lhs_hint = false} : vector<256x128xf32>, vector<200x128xf32>, vector<256x200xf32> -> vector<256x200xf32>
    %add3A_473 = arith.addf %dot_general3A_470, %dot_general3A_472 : vector<256x200xf32>
    %slice3A_474 = vector.extract_strided_slice %add3A_473 {offsets = [0, 0], sizes = [64, 200], strides = [1, 1]} : vector<256x200xf32> to vector<64x200xf32>
    %add3A_475 = vector.broadcast %get3A_7 : vector<64x1xf32> to vector<64x200xf32>
    %add3A_476 = arith.addf %slice3A_474, %add3A_475 : vector<64x200xf32>
    %swap3A_477 = arith.constant 0 : index
    %swap3A_478 = arith.constant 32 : index
    %swap3A_479 = arith.constant 0 : index
    %swap3A_480 = arith.constant 0 : index
    %swap3A_481 = vector.load %arg6[%swap3A_477, %swap3A_478, %swap3A_479, %swap3A_480] : memref<1x33x64x200xf32, #tpu.memory_space<vmem>>, vector<1x1x64x200xf32>
    %swap3A_482 = vector.shape_cast %swap3A_481 : vector<1x1x64x200xf32> to vector<64x200xf32>
    %swap3A_483 = vector.shape_cast %add3A_476 : vector<64x200xf32> to vector<1x1x64x200xf32>
    tpu.vector_store %arg6[%swap3A_477, %swap3A_478, %swap3A_479, %swap3A_480], %swap3A_483 {strides = array<i32>} : memref<1x33x64x200xf32, #tpu.memory_space<vmem>>, vector<1x1x64x200xf32>,
    return
  }
  func.func @transform_0(%arg0: i32) -> (i32, i32) {
    %c0_i32 = arith.constant 0 : i32
    %c0_i32_0 = arith.constant 0 : i32
    return %arg0, %c0_i32 : i32, i32
  }
  func.func @transform_1(%arg0: i32) -> (i32, i32) {
    %c0_i32 = arith.constant 0 : i32
    %c0_i32_0 = arith.constant 0 : i32
    %c0_i32_1 = arith.constant 0 : i32
    return %c0_i32, %c0_i32_0 : i32, i32
  }
  func.func @transform_2(%arg0: i32) -> (i32, i32) {
    %c0_i32 = arith.constant 0 : i32
    %c0_i32_0 = arith.constant 0 : i32
    %c0_i32_1 = arith.constant 0 : i32
    return %c0_i32, %c0_i32_0 : i32, i32
  }
  func.func @transform_3(%arg0: i32) -> (i32, i32) {
    %c0_i32 = arith.constant 0 : i32
    %c0_i32_0 = arith.constant 0 : i32
    %c0_i32_1 = arith.constant 0 : i32
    return %c0_i32, %c0_i32_0 : i32, i32
  }
  func.func @transform_5(%arg0: i32) -> (i32, i32, i32, i32) {
    %add3A = arith.constant 32 : i32
    %add3A_0 = arith.addi %add3A, %arg0 : i32
    %c0_i32 = arith.constant 0 : i32
    %c0_i32_1 = arith.constant 0 : i32
    %c0_i32_2 = arith.constant 0 : i32
    %c0_i32_3 = arith.constant 0 : i32
    return %add3A_0, %c0_i32, %c0_i32_1, %c0_i32_2 : i32, i32, i32, i32
  }
}

module attributes {stable_mosaic.version = 14 : i64} {
  func.func @_proj_body(%arg0: i32, %arg1: memref<200x1152xf32, #tpu.memory_space<vmem>>, %arg2: memref<256x128xf32, #tpu.memory_space<vmem>>, %arg3: memref<256x128xf32, #tpu.memory_space<vmem>>, %arg4: memref<64x1xf32, #tpu.memory_space<vmem>>, %arg5: memref<64x33x64x200xf32, #tpu.memory_space<any>>, %arg6: memref<1x33x64x200xf32, #tpu.memory_space<vmem>>) attributes {dimension_semantics = [#tpu.dimension_semantics<arbitrary>], iteration_bounds = array<i64: 16>, scalar_prefetch = 0 : i64, scratch_operands = 0 : i64, tpu.core_type = #tpu.core_type<tc>, window_params = [{transform_indices = @transform_0, window_bounds = array<i64: 200, 1152>}, {pipeline_mode = #tpu.pipeline_mode<synchronous>, transform_indices = @transform_1, window_bounds = array<i64: 256, 128>}, {pipeline_mode = #tpu.pipeline_mode<synchronous>, transform_indices = @transform_2, window_bounds = array<i64: 256, 128>}, {pipeline_mode = #tpu.pipeline_mode<synchronous>, transform_indices = @transform_3, window_bounds = array<i64: 64, 1>}, {}, {transform_indices = @transform_5, window_bounds = array<i64: 1, 33, 64, 200>}]} {
    %get3A = arith.constant 0 : index
    %get3A_0 = arith.constant 0 : index
    %get3A_1 = vector.load %arg2[%get3A, %get3A_0] : memref<256x128xf32, #tpu.memory_space<vmem>>, vector<256x128xf32>
    %get3A_2 = arith.constant 0 : index
    %get3A_3 = arith.constant 0 : index
    %get3A_4 = vector.load %arg3[%get3A_2, %get3A_3] : memref<256x128xf32, #tpu.memory_space<vmem>>, vector<256x128xf32>
    %get3A_5 = arith.constant 0 : index
    %get3A_6 = arith.constant 0 : index
    %get3A_7 = vector.load %arg4[%get3A_5, %get3A_6] : memref<64x1xf32, #tpu.memory_space<vmem>>, vector<64x1xf32>
    %get3A_8 = arith.constant 0 : index
    %get3A_9 = arith.constant 0 : index
    %get3A_10 = vector.load %arg1[%get3A_8, %get3A_9] : memref<200x1152xf32, #tpu.memory_space<vmem>>, vector<200x128xf32>
    %bitcast_convert_type3A = tpu.bitcast %get3A_10 : vector<200x128xf32> -> vector<200x128xi32>
    %shift_left3A = arith.constant 16 : i32
    %shift_left3A_11 = vector.broadcast %shift_left3A : i32 to vector<200x128xi32>
    %shift_left3A_12 = arith.shli %bitcast_convert_type3A, %shift_left3A_11 : vector<200x128xi32>
    %bitcast_convert_type3A_13 = tpu.bitcast %shift_left3A_12 : vector<200x128xi32> -> vector<200x128xf32>
    %and3A = arith.constant -65536 : i32
    %and3A_14 = vector.broadcast %and3A : i32 to vector<200x128xi32>
    %and3A_15 = arith.andi %bitcast_convert_type3A, %and3A_14 : vector<200x128xi32>
    %bitcast_convert_type3A_16 = tpu.bitcast %and3A_15 : vector<200x128xi32> -> vector<200x128xf32>
    %dot_general3A = arith.constant dense<0.000000e+00> : vector<256x200xf32>
    %dot_general3A_17 = tpu.matmul %get3A_1, %bitcast_convert_type3A_13, %dot_general3A {dimension_numbers = #tpu.dot_dimension_numbers<[1], [1], [0], [0], [0, 0, 1, 0], [], []>, transpose_lhs_hint = false} : vector<256x128xf32>, vector<200x128xf32>, vector<256x200xf32> -> vector<256x200xf32>
    %dot_general3A_18 = arith.constant dense<0.000000e+00> : vector<256x200xf32>
    %dot_general3A_19 = tpu.matmul %get3A_4, %bitcast_convert_type3A_16, %dot_general3A_18 {dimension_numbers = #tpu.dot_dimension_numbers<[1], [1], [0], [0], [0, 0, 1, 0], [], []>, transpose_lhs_hint = false} : vector<256x128xf32>, vector<200x128xf32>, vector<256x200xf32> -> vector<256x200xf32>
    %add3A = arith.addf %dot_general3A_17, %dot_general3A_19 : vector<256x200xf32>
    %slice3A = vector.extract_strided_slice %add3A {offsets = [0, 0], sizes = [64, 200], strides = [1, 1]} : vector<256x200xf32> to vector<64x200xf32>
    %add3A_20 = vector.broadcast %get3A_7 : vector<64x1xf32> to vector<64x200xf32>
    %add3A_21 = arith.addf %slice3A, %add3A_20 : vector<64x200xf32>
    %swap3A = arith.constant 0 : index
    %swap3A_22 = arith.constant 0 : index
    %swap3A_23 = arith.constant 0 : index
    %swap3A_24 = arith.constant 0 : index
    %swap3A_25 = vector.load %arg6[%swap3A, %swap3A_22, %swap3A_23, %swap3A_24] : memref<1x33x64x200xf32, #tpu.memory_space<vmem>>, vector<1x1x64x200xf32>
    %swap3A_26 = vector.shape_cast %swap3A_25 : vector<1x1x64x200xf32> to vector<64x200xf32>
    %swap3A_27 = vector.shape_cast %add3A_21 : vector<64x200xf32> to vector<1x1x64x200xf32>
    tpu.vector_store %arg6[%swap3A, %swap3A_22, %swap3A_23, %swap3A_24], %swap3A_27 {strides = array<i32>} : memref<1x33x64x200xf32, #tpu.memory_space<vmem>>, vector<1x1x64x200xf32>,
    %slice3A_28 = vector.extract_strided_slice %add3A {offsets = [64, 0], sizes = [64, 200], strides = [1, 1]} : vector<256x200xf32> to vector<64x200xf32>
    %add3A_29 = vector.broadcast %get3A_7 : vector<64x1xf32> to vector<64x200xf32>
    %add3A_30 = arith.addf %slice3A_28, %add3A_29 : vector<64x200xf32>
    %swap3A_31 = arith.constant 0 : index
    %swap3A_32 = arith.constant 1 : index
    %swap3A_33 = arith.constant 0 : index
    %swap3A_34 = arith.constant 0 : index
    %swap3A_35 = vector.load %arg6[%swap3A_31, %swap3A_32, %swap3A_33, %swap3A_34] : memref<1x33x64x200xf32, #tpu.memory_space<vmem>>, vector<1x1x64x200xf32>
    %swap3A_36 = vector.shape_cast %swap3A_35 : vector<1x1x64x200xf32> to vector<64x200xf32>
    %swap3A_37 = vector.shape_cast %add3A_30 : vector<64x200xf32> to vector<1x1x64x200xf32>
    tpu.vector_store %arg6[%swap3A_31, %swap3A_32, %swap3A_33, %swap3A_34], %swap3A_37 {strides = array<i32>} : memref<1x33x64x200xf32, #tpu.memory_space<vmem>>, vector<1x1x64x200xf32>,
    %slice3A_38 = vector.extract_strided_slice %add3A {offsets = [128, 0], sizes = [64, 200], strides = [1, 1]} : vector<256x200xf32> to vector<64x200xf32>
    %add3A_39 = vector.broadcast %get3A_7 : vector<64x1xf32> to vector<64x200xf32>
    %add3A_40 = arith.addf %slice3A_38, %add3A_39 : vector<64x200xf32>
    %swap3A_41 = arith.constant 0 : index
    %swap3A_42 = arith.constant 2 : index
    %swap3A_43 = arith.constant 0 : index
    %swap3A_44 = arith.constant 0 : index
    %swap3A_45 = vector.load %arg6[%swap3A_41, %swap3A_42, %swap3A_43, %swap3A_44] : memref<1x33x64x200xf32, #tpu.memory_space<vmem>>, vector<1x1x64x200xf32>
    %swap3A_46 = vector.shape_cast %swap3A_45 : vector<1x1x64x200xf32> to vector<64x200xf32>
    %swap3A_47 = vector.shape_cast %add3A_40 : vector<64x200xf32> to vector<1x1x64x200xf32>
    tpu.vector_store %arg6[%swap3A_41, %swap3A_42, %swap3A_43, %swap3A_44], %swap3A_47 {strides = array<i32>} : memref<1x33x64x200xf32, #tpu.memory_space<vmem>>, vector<1x1x64x200xf32>,
    %slice3A_48 = vector.extract_strided_slice %add3A {offsets = [192, 0], sizes = [64, 200], strides = [1, 1]} : vector<256x200xf32> to vector<64x200xf32>
    %add3A_49 = vector.broadcast %get3A_7 : vector<64x1xf32> to vector<64x200xf32>
    %add3A_50 = arith.addf %slice3A_48, %add3A_49 : vector<64x200xf32>
    %swap3A_51 = arith.constant 0 : index
    %swap3A_52 = arith.constant 3 : index
    %swap3A_53 = arith.constant 0 : index
    %swap3A_54 = arith.constant 0 : index
    %swap3A_55 = vector.load %arg6[%swap3A_51, %swap3A_52, %swap3A_53, %swap3A_54] : memref<1x33x64x200xf32, #tpu.memory_space<vmem>>, vector<1x1x64x200xf32>
    %swap3A_56 = vector.shape_cast %swap3A_55 : vector<1x1x64x200xf32> to vector<64x200xf32>
    %swap3A_57 = vector.shape_cast %add3A_50 : vector<64x200xf32> to vector<1x1x64x200xf32>
    tpu.vector_store %arg6[%swap3A_51, %swap3A_52, %swap3A_53, %swap3A_54], %swap3A_57 {strides = array<i32>} : memref<1x33x64x200xf32, #tpu.memory_space<vmem>>, vector<1x1x64x200xf32>,
    %get3A_58 = arith.constant 0 : index
    %get3A_59 = arith.constant 128 : index
    %get3A_60 = vector.load %arg1[%get3A_58, %get3A_59] : memref<200x1152xf32, #tpu.memory_space<vmem>>, vector<200x128xf32>
    %bitcast_convert_type3A_61 = tpu.bitcast %get3A_60 : vector<200x128xf32> -> vector<200x128xi32>
    %shift_left3A_62 = arith.constant 16 : i32
    %shift_left3A_63 = vector.broadcast %shift_left3A_62 : i32 to vector<200x128xi32>
    %shift_left3A_64 = arith.shli %bitcast_convert_type3A_61, %shift_left3A_63 : vector<200x128xi32>
    %bitcast_convert_type3A_65 = tpu.bitcast %shift_left3A_64 : vector<200x128xi32> -> vector<200x128xf32>
    %and3A_66 = arith.constant -65536 : i32
    %and3A_67 = vector.broadcast %and3A_66 : i32 to vector<200x128xi32>
    %and3A_68 = arith.andi %bitcast_convert_type3A_61, %and3A_67 : vector<200x128xi32>
    %bitcast_convert_type3A_69 = tpu.bitcast %and3A_68 : vector<200x128xi32> -> vector<200x128xf32>
    %dot_general3A_70 = arith.constant dense<0.000000e+00> : vector<256x200xf32>
    %dot_general3A_71 = tpu.matmul %get3A_1, %bitcast_convert_type3A_65, %dot_general3A_70 {dimension_numbers = #tpu.dot_dimension_numbers<[1], [1], [0], [0], [0, 0, 1, 0], [], []>, transpose_lhs_hint = false} : vector<256x128xf32>, vector<200x128xf32>, vector<256x200xf32> -> vector<256x200xf32>
    %dot_general3A_72 = arith.constant dense<0.000000e+00> : vector<256x200xf32>
    %dot_general3A_73 = tpu.matmul %get3A_4, %bitcast_convert_type3A_69, %dot_general3A_72 {dimension_numbers = #tpu.dot_dimension_numbers<[1], [1], [0], [0], [0, 0, 1, 0], [], []>, transpose_lhs_hint = false} : vector<256x128xf32>, vector<200x128xf32>, vector<256x200xf32> -> vector<256x200xf32>
    %add3A_74 = arith.addf %dot_general3A_71, %dot_general3A_73 : vector<256x200xf32>
    %slice3A_75 = vector.extract_strided_slice %add3A_74 {offsets = [0, 0], sizes = [64, 200], strides = [1, 1]} : vector<256x200xf32> to vector<64x200xf32>
    %add3A_76 = vector.broadcast %get3A_7 : vector<64x1xf32> to vector<64x200xf32>
    %add3A_77 = arith.addf %slice3A_75, %add3A_76 : vector<64x200xf32>
    %swap3A_78 = arith.constant 0 : index
    %swap3A_79 = arith.constant 4 : index
    %swap3A_80 = arith.constant 0 : index
    %swap3A_81 = arith.constant 0 : index
    %swap3A_82 = vector.load %arg6[%swap3A_78, %swap3A_79, %swap3A_80, %swap3A_81] : memref<1x33x64x200xf32, #tpu.memory_space<vmem>>, vector<1x1x64x200xf32>
    %swap3A_83 = vector.shape_cast %swap3A_82 : vector<1x1x64x200xf32> to vector<64x200xf32>
    %swap3A_84 = vector.shape_cast %add3A_77 : vector<64x200xf32> to vector<1x1x64x200xf32>
    tpu.vector_store %arg6[%swap3A_78, %swap3A_79, %swap3A_80, %swap3A_81], %swap3A_84 {strides = array<i32>} : memref<1x33x64x200xf32, #tpu.memory_space<vmem>>, vector<1x1x64x200xf32>,
    %slice3A_85 = vector.extract_strided_slice %add3A_74 {offsets = [64, 0], sizes = [64, 200], strides = [1, 1]} : vector<256x200xf32> to vector<64x200xf32>
    %add3A_86 = vector.broadcast %get3A_7 : vector<64x1xf32> to vector<64x200xf32>
    %add3A_87 = arith.addf %slice3A_85, %add3A_86 : vector<64x200xf32>
    %swap3A_88 = arith.constant 0 : index
    %swap3A_89 = arith.constant 5 : index
    %swap3A_90 = arith.constant 0 : index
    %swap3A_91 = arith.constant 0 : index
    %swap3A_92 = vector.load %arg6[%swap3A_88, %swap3A_89, %swap3A_90, %swap3A_91] : memref<1x33x64x200xf32, #tpu.memory_space<vmem>>, vector<1x1x64x200xf32>
    %swap3A_93 = vector.shape_cast %swap3A_92 : vector<1x1x64x200xf32> to vector<64x200xf32>
    %swap3A_94 = vector.shape_cast %add3A_87 : vector<64x200xf32> to vector<1x1x64x200xf32>
    tpu.vector_store %arg6[%swap3A_88, %swap3A_89, %swap3A_90, %swap3A_91], %swap3A_94 {strides = array<i32>} : memref<1x33x64x200xf32, #tpu.memory_space<vmem>>, vector<1x1x64x200xf32>,
    %slice3A_95 = vector.extract_strided_slice %add3A_74 {offsets = [128, 0], sizes = [64, 200], strides = [1, 1]} : vector<256x200xf32> to vector<64x200xf32>
    %add3A_96 = vector.broadcast %get3A_7 : vector<64x1xf32> to vector<64x200xf32>
    %add3A_97 = arith.addf %slice3A_95, %add3A_96 : vector<64x200xf32>
    %swap3A_98 = arith.constant 0 : index
    %swap3A_99 = arith.constant 6 : index
    %swap3A_100 = arith.constant 0 : index
    %swap3A_101 = arith.constant 0 : index
    %swap3A_102 = vector.load %arg6[%swap3A_98, %swap3A_99, %swap3A_100, %swap3A_101] : memref<1x33x64x200xf32, #tpu.memory_space<vmem>>, vector<1x1x64x200xf32>
    %swap3A_103 = vector.shape_cast %swap3A_102 : vector<1x1x64x200xf32> to vector<64x200xf32>
    %swap3A_104 = vector.shape_cast %add3A_97 : vector<64x200xf32> to vector<1x1x64x200xf32>
    tpu.vector_store %arg6[%swap3A_98, %swap3A_99, %swap3A_100, %swap3A_101], %swap3A_104 {strides = array<i32>} : memref<1x33x64x200xf32, #tpu.memory_space<vmem>>, vector<1x1x64x200xf32>,
    %slice3A_105 = vector.extract_strided_slice %add3A_74 {offsets = [192, 0], sizes = [64, 200], strides = [1, 1]} : vector<256x200xf32> to vector<64x200xf32>
    %add3A_106 = vector.broadcast %get3A_7 : vector<64x1xf32> to vector<64x200xf32>
    %add3A_107 = arith.addf %slice3A_105, %add3A_106 : vector<64x200xf32>
    %swap3A_108 = arith.constant 0 : index
    %swap3A_109 = arith.constant 7 : index
    %swap3A_110 = arith.constant 0 : index
    %swap3A_111 = arith.constant 0 : index
    %swap3A_112 = vector.load %arg6[%swap3A_108, %swap3A_109, %swap3A_110, %swap3A_111] : memref<1x33x64x200xf32, #tpu.memory_space<vmem>>, vector<1x1x64x200xf32>
    %swap3A_113 = vector.shape_cast %swap3A_112 : vector<1x1x64x200xf32> to vector<64x200xf32>
    %swap3A_114 = vector.shape_cast %add3A_107 : vector<64x200xf32> to vector<1x1x64x200xf32>
    tpu.vector_store %arg6[%swap3A_108, %swap3A_109, %swap3A_110, %swap3A_111], %swap3A_114 {strides = array<i32>} : memref<1x33x64x200xf32, #tpu.memory_space<vmem>>, vector<1x1x64x200xf32>,
    %get3A_115 = arith.constant 0 : index
    %get3A_116 = arith.constant 256 : index
    %get3A_117 = vector.load %arg1[%get3A_115, %get3A_116] : memref<200x1152xf32, #tpu.memory_space<vmem>>, vector<200x128xf32>
    %bitcast_convert_type3A_118 = tpu.bitcast %get3A_117 : vector<200x128xf32> -> vector<200x128xi32>
    %shift_left3A_119 = arith.constant 16 : i32
    %shift_left3A_120 = vector.broadcast %shift_left3A_119 : i32 to vector<200x128xi32>
    %shift_left3A_121 = arith.shli %bitcast_convert_type3A_118, %shift_left3A_120 : vector<200x128xi32>
    %bitcast_convert_type3A_122 = tpu.bitcast %shift_left3A_121 : vector<200x128xi32> -> vector<200x128xf32>
    %and3A_123 = arith.constant -65536 : i32
    %and3A_124 = vector.broadcast %and3A_123 : i32 to vector<200x128xi32>
    %and3A_125 = arith.andi %bitcast_convert_type3A_118, %and3A_124 : vector<200x128xi32>
    %bitcast_convert_type3A_126 = tpu.bitcast %and3A_125 : vector<200x128xi32> -> vector<200x128xf32>
    %dot_general3A_127 = arith.constant dense<0.000000e+00> : vector<256x200xf32>
    %dot_general3A_128 = tpu.matmul %get3A_1, %bitcast_convert_type3A_122, %dot_general3A_127 {dimension_numbers = #tpu.dot_dimension_numbers<[1], [1], [0], [0], [0, 0, 1, 0], [], []>, transpose_lhs_hint = false} : vector<256x128xf32>, vector<200x128xf32>, vector<256x200xf32> -> vector<256x200xf32>
    %dot_general3A_129 = arith.constant dense<0.000000e+00> : vector<256x200xf32>
    %dot_general3A_130 = tpu.matmul %get3A_4, %bitcast_convert_type3A_126, %dot_general3A_129 {dimension_numbers = #tpu.dot_dimension_numbers<[1], [1], [0], [0], [0, 0, 1, 0], [], []>, transpose_lhs_hint = false} : vector<256x128xf32>, vector<200x128xf32>, vector<256x200xf32> -> vector<256x200xf32>
    %add3A_131 = arith.addf %dot_general3A_128, %dot_general3A_130 : vector<256x200xf32>
    %slice3A_132 = vector.extract_strided_slice %add3A_131 {offsets = [0, 0], sizes = [64, 200], strides = [1, 1]} : vector<256x200xf32> to vector<64x200xf32>
    %add3A_133 = vector.broadcast %get3A_7 : vector<64x1xf32> to vector<64x200xf32>
    %add3A_134 = arith.addf %slice3A_132, %add3A_133 : vector<64x200xf32>
    %swap3A_135 = arith.constant 0 : index
    %swap3A_136 = arith.constant 8 : index
    %swap3A_137 = arith.constant 0 : index
    %swap3A_138 = arith.constant 0 : index
    %swap3A_139 = vector.load %arg6[%swap3A_135, %swap3A_136, %swap3A_137, %swap3A_138] : memref<1x33x64x200xf32, #tpu.memory_space<vmem>>, vector<1x1x64x200xf32>
    %swap3A_140 = vector.shape_cast %swap3A_139 : vector<1x1x64x200xf32> to vector<64x200xf32>
    %swap3A_141 = vector.shape_cast %add3A_134 : vector<64x200xf32> to vector<1x1x64x200xf32>
    tpu.vector_store %arg6[%swap3A_135, %swap3A_136, %swap3A_137, %swap3A_138], %swap3A_141 {strides = array<i32>} : memref<1x33x64x200xf32, #tpu.memory_space<vmem>>, vector<1x1x64x200xf32>,
    %slice3A_142 = vector.extract_strided_slice %add3A_131 {offsets = [64, 0], sizes = [64, 200], strides = [1, 1]} : vector<256x200xf32> to vector<64x200xf32>
    %add3A_143 = vector.broadcast %get3A_7 : vector<64x1xf32> to vector<64x200xf32>
    %add3A_144 = arith.addf %slice3A_142, %add3A_143 : vector<64x200xf32>
    %swap3A_145 = arith.constant 0 : index
    %swap3A_146 = arith.constant 9 : index
    %swap3A_147 = arith.constant 0 : index
    %swap3A_148 = arith.constant 0 : index
    %swap3A_149 = vector.load %arg6[%swap3A_145, %swap3A_146, %swap3A_147, %swap3A_148] : memref<1x33x64x200xf32, #tpu.memory_space<vmem>>, vector<1x1x64x200xf32>
    %swap3A_150 = vector.shape_cast %swap3A_149 : vector<1x1x64x200xf32> to vector<64x200xf32>
    %swap3A_151 = vector.shape_cast %add3A_144 : vector<64x200xf32> to vector<1x1x64x200xf32>
    tpu.vector_store %arg6[%swap3A_145, %swap3A_146, %swap3A_147, %swap3A_148], %swap3A_151 {strides = array<i32>} : memref<1x33x64x200xf32, #tpu.memory_space<vmem>>, vector<1x1x64x200xf32>,
    %slice3A_152 = vector.extract_strided_slice %add3A_131 {offsets = [128, 0], sizes = [64, 200], strides = [1, 1]} : vector<256x200xf32> to vector<64x200xf32>
    %add3A_153 = vector.broadcast %get3A_7 : vector<64x1xf32> to vector<64x200xf32>
    %add3A_154 = arith.addf %slice3A_152, %add3A_153 : vector<64x200xf32>
    %swap3A_155 = arith.constant 0 : index
    %swap3A_156 = arith.constant 10 : index
    %swap3A_157 = arith.constant 0 : index
    %swap3A_158 = arith.constant 0 : index
    %swap3A_159 = vector.load %arg6[%swap3A_155, %swap3A_156, %swap3A_157, %swap3A_158] : memref<1x33x64x200xf32, #tpu.memory_space<vmem>>, vector<1x1x64x200xf32>
    %swap3A_160 = vector.shape_cast %swap3A_159 : vector<1x1x64x200xf32> to vector<64x200xf32>
    %swap3A_161 = vector.shape_cast %add3A_154 : vector<64x200xf32> to vector<1x1x64x200xf32>
    tpu.vector_store %arg6[%swap3A_155, %swap3A_156, %swap3A_157, %swap3A_158], %swap3A_161 {strides = array<i32>} : memref<1x33x64x200xf32, #tpu.memory_space<vmem>>, vector<1x1x64x200xf32>,
    %slice3A_162 = vector.extract_strided_slice %add3A_131 {offsets = [192, 0], sizes = [64, 200], strides = [1, 1]} : vector<256x200xf32> to vector<64x200xf32>
    %add3A_163 = vector.broadcast %get3A_7 : vector<64x1xf32> to vector<64x200xf32>
    %add3A_164 = arith.addf %slice3A_162, %add3A_163 : vector<64x200xf32>
    %swap3A_165 = arith.constant 0 : index
    %swap3A_166 = arith.constant 11 : index
    %swap3A_167 = arith.constant 0 : index
    %swap3A_168 = arith.constant 0 : index
    %swap3A_169 = vector.load %arg6[%swap3A_165, %swap3A_166, %swap3A_167, %swap3A_168] : memref<1x33x64x200xf32, #tpu.memory_space<vmem>>, vector<1x1x64x200xf32>
    %swap3A_170 = vector.shape_cast %swap3A_169 : vector<1x1x64x200xf32> to vector<64x200xf32>
    %swap3A_171 = vector.shape_cast %add3A_164 : vector<64x200xf32> to vector<1x1x64x200xf32>
    tpu.vector_store %arg6[%swap3A_165, %swap3A_166, %swap3A_167, %swap3A_168], %swap3A_171 {strides = array<i32>} : memref<1x33x64x200xf32, #tpu.memory_space<vmem>>, vector<1x1x64x200xf32>,
    %get3A_172 = arith.constant 0 : index
    %get3A_173 = arith.constant 384 : index
    %get3A_174 = vector.load %arg1[%get3A_172, %get3A_173] : memref<200x1152xf32, #tpu.memory_space<vmem>>, vector<200x128xf32>
    %bitcast_convert_type3A_175 = tpu.bitcast %get3A_174 : vector<200x128xf32> -> vector<200x128xi32>
    %shift_left3A_176 = arith.constant 16 : i32
    %shift_left3A_177 = vector.broadcast %shift_left3A_176 : i32 to vector<200x128xi32>
    %shift_left3A_178 = arith.shli %bitcast_convert_type3A_175, %shift_left3A_177 : vector<200x128xi32>
    %bitcast_convert_type3A_179 = tpu.bitcast %shift_left3A_178 : vector<200x128xi32> -> vector<200x128xf32>
    %and3A_180 = arith.constant -65536 : i32
    %and3A_181 = vector.broadcast %and3A_180 : i32 to vector<200x128xi32>
    %and3A_182 = arith.andi %bitcast_convert_type3A_175, %and3A_181 : vector<200x128xi32>
    %bitcast_convert_type3A_183 = tpu.bitcast %and3A_182 : vector<200x128xi32> -> vector<200x128xf32>
    %dot_general3A_184 = arith.constant dense<0.000000e+00> : vector<256x200xf32>
    %dot_general3A_185 = tpu.matmul %get3A_1, %bitcast_convert_type3A_179, %dot_general3A_184 {dimension_numbers = #tpu.dot_dimension_numbers<[1], [1], [0], [0], [0, 0, 1, 0], [], []>, transpose_lhs_hint = false} : vector<256x128xf32>, vector<200x128xf32>, vector<256x200xf32> -> vector<256x200xf32>
    %dot_general3A_186 = arith.constant dense<0.000000e+00> : vector<256x200xf32>
    %dot_general3A_187 = tpu.matmul %get3A_4, %bitcast_convert_type3A_183, %dot_general3A_186 {dimension_numbers = #tpu.dot_dimension_numbers<[1], [1], [0], [0], [0, 0, 1, 0], [], []>, transpose_lhs_hint = false} : vector<256x128xf32>, vector<200x128xf32>, vector<256x200xf32> -> vector<256x200xf32>
    %add3A_188 = arith.addf %dot_general3A_185, %dot_general3A_187 : vector<256x200xf32>
    %slice3A_189 = vector.extract_strided_slice %add3A_188 {offsets = [0, 0], sizes = [64, 200], strides = [1, 1]} : vector<256x200xf32> to vector<64x200xf32>
    %add3A_190 = vector.broadcast %get3A_7 : vector<64x1xf32> to vector<64x200xf32>
    %add3A_191 = arith.addf %slice3A_189, %add3A_190 : vector<64x200xf32>
    %swap3A_192 = arith.constant 0 : index
    %swap3A_193 = arith.constant 12 : index
    %swap3A_194 = arith.constant 0 : index
    %swap3A_195 = arith.constant 0 : index
    %swap3A_196 = vector.load %arg6[%swap3A_192, %swap3A_193, %swap3A_194, %swap3A_195] : memref<1x33x64x200xf32, #tpu.memory_space<vmem>>, vector<1x1x64x200xf32>
    %swap3A_197 = vector.shape_cast %swap3A_196 : vector<1x1x64x200xf32> to vector<64x200xf32>
    %swap3A_198 = vector.shape_cast %add3A_191 : vector<64x200xf32> to vector<1x1x64x200xf32>
    tpu.vector_store %arg6[%swap3A_192, %swap3A_193, %swap3A_194, %swap3A_195], %swap3A_198 {strides = array<i32>} : memref<1x33x64x200xf32, #tpu.memory_space<vmem>>, vector<1x1x64x200xf32>,
    %slice3A_199 = vector.extract_strided_slice %add3A_188 {offsets = [64, 0], sizes = [64, 200], strides = [1, 1]} : vector<256x200xf32> to vector<64x200xf32>
    %add3A_200 = vector.broadcast %get3A_7 : vector<64x1xf32> to vector<64x200xf32>
    %add3A_201 = arith.addf %slice3A_199, %add3A_200 : vector<64x200xf32>
    %swap3A_202 = arith.constant 0 : index
    %swap3A_203 = arith.constant 13 : index
    %swap3A_204 = arith.constant 0 : index
    %swap3A_205 = arith.constant 0 : index
    %swap3A_206 = vector.load %arg6[%swap3A_202, %swap3A_203, %swap3A_204, %swap3A_205] : memref<1x33x64x200xf32, #tpu.memory_space<vmem>>, vector<1x1x64x200xf32>
    %swap3A_207 = vector.shape_cast %swap3A_206 : vector<1x1x64x200xf32> to vector<64x200xf32>
    %swap3A_208 = vector.shape_cast %add3A_201 : vector<64x200xf32> to vector<1x1x64x200xf32>
    tpu.vector_store %arg6[%swap3A_202, %swap3A_203, %swap3A_204, %swap3A_205], %swap3A_208 {strides = array<i32>} : memref<1x33x64x200xf32, #tpu.memory_space<vmem>>, vector<1x1x64x200xf32>,
    %slice3A_209 = vector.extract_strided_slice %add3A_188 {offsets = [128, 0], sizes = [64, 200], strides = [1, 1]} : vector<256x200xf32> to vector<64x200xf32>
    %add3A_210 = vector.broadcast %get3A_7 : vector<64x1xf32> to vector<64x200xf32>
    %add3A_211 = arith.addf %slice3A_209, %add3A_210 : vector<64x200xf32>
    %swap3A_212 = arith.constant 0 : index
    %swap3A_213 = arith.constant 14 : index
    %swap3A_214 = arith.constant 0 : index
    %swap3A_215 = arith.constant 0 : index
    %swap3A_216 = vector.load %arg6[%swap3A_212, %swap3A_213, %swap3A_214, %swap3A_215] : memref<1x33x64x200xf32, #tpu.memory_space<vmem>>, vector<1x1x64x200xf32>
    %swap3A_217 = vector.shape_cast %swap3A_216 : vector<1x1x64x200xf32> to vector<64x200xf32>
    %swap3A_218 = vector.shape_cast %add3A_211 : vector<64x200xf32> to vector<1x1x64x200xf32>
    tpu.vector_store %arg6[%swap3A_212, %swap3A_213, %swap3A_214, %swap3A_215], %swap3A_218 {strides = array<i32>} : memref<1x33x64x200xf32, #tpu.memory_space<vmem>>, vector<1x1x64x200xf32>,
    %slice3A_219 = vector.extract_strided_slice %add3A_188 {offsets = [192, 0], sizes = [64, 200], strides = [1, 1]} : vector<256x200xf32> to vector<64x200xf32>
    %add3A_220 = vector.broadcast %get3A_7 : vector<64x1xf32> to vector<64x200xf32>
    %add3A_221 = arith.addf %slice3A_219, %add3A_220 : vector<64x200xf32>
    %swap3A_222 = arith.constant 0 : index
    %swap3A_223 = arith.constant 15 : index
    %swap3A_224 = arith.constant 0 : index
    %swap3A_225 = arith.constant 0 : index
    %swap3A_226 = vector.load %arg6[%swap3A_222, %swap3A_223, %swap3A_224, %swap3A_225] : memref<1x33x64x200xf32, #tpu.memory_space<vmem>>, vector<1x1x64x200xf32>
    %swap3A_227 = vector.shape_cast %swap3A_226 : vector<1x1x64x200xf32> to vector<64x200xf32>
    %swap3A_228 = vector.shape_cast %add3A_221 : vector<64x200xf32> to vector<1x1x64x200xf32>
    tpu.vector_store %arg6[%swap3A_222, %swap3A_223, %swap3A_224, %swap3A_225], %swap3A_228 {strides = array<i32>} : memref<1x33x64x200xf32, #tpu.memory_space<vmem>>, vector<1x1x64x200xf32>,
    %get3A_229 = arith.constant 0 : index
    %get3A_230 = arith.constant 512 : index
    %get3A_231 = vector.load %arg1[%get3A_229, %get3A_230] : memref<200x1152xf32, #tpu.memory_space<vmem>>, vector<200x128xf32>
    %bitcast_convert_type3A_232 = tpu.bitcast %get3A_231 : vector<200x128xf32> -> vector<200x128xi32>
    %shift_left3A_233 = arith.constant 16 : i32
    %shift_left3A_234 = vector.broadcast %shift_left3A_233 : i32 to vector<200x128xi32>
    %shift_left3A_235 = arith.shli %bitcast_convert_type3A_232, %shift_left3A_234 : vector<200x128xi32>
    %bitcast_convert_type3A_236 = tpu.bitcast %shift_left3A_235 : vector<200x128xi32> -> vector<200x128xf32>
    %and3A_237 = arith.constant -65536 : i32
    %and3A_238 = vector.broadcast %and3A_237 : i32 to vector<200x128xi32>
    %and3A_239 = arith.andi %bitcast_convert_type3A_232, %and3A_238 : vector<200x128xi32>
    %bitcast_convert_type3A_240 = tpu.bitcast %and3A_239 : vector<200x128xi32> -> vector<200x128xf32>
    %dot_general3A_241 = arith.constant dense<0.000000e+00> : vector<256x200xf32>
    %dot_general3A_242 = tpu.matmul %get3A_1, %bitcast_convert_type3A_236, %dot_general3A_241 {dimension_numbers = #tpu.dot_dimension_numbers<[1], [1], [0], [0], [0, 0, 1, 0], [], []>, transpose_lhs_hint = false} : vector<256x128xf32>, vector<200x128xf32>, vector<256x200xf32> -> vector<256x200xf32>
    %dot_general3A_243 = arith.constant dense<0.000000e+00> : vector<256x200xf32>
    %dot_general3A_244 = tpu.matmul %get3A_4, %bitcast_convert_type3A_240, %dot_general3A_243 {dimension_numbers = #tpu.dot_dimension_numbers<[1], [1], [0], [0], [0, 0, 1, 0], [], []>, transpose_lhs_hint = false} : vector<256x128xf32>, vector<200x128xf32>, vector<256x200xf32> -> vector<256x200xf32>
    %add3A_245 = arith.addf %dot_general3A_242, %dot_general3A_244 : vector<256x200xf32>
    %slice3A_246 = vector.extract_strided_slice %add3A_245 {offsets = [0, 0], sizes = [64, 200], strides = [1, 1]} : vector<256x200xf32> to vector<64x200xf32>
    %add3A_247 = vector.broadcast %get3A_7 : vector<64x1xf32> to vector<64x200xf32>
    %add3A_248 = arith.addf %slice3A_246, %add3A_247 : vector<64x200xf32>
    %swap3A_249 = arith.constant 0 : index
    %swap3A_250 = arith.constant 16 : index
    %swap3A_251 = arith.constant 0 : index
    %swap3A_252 = arith.constant 0 : index
    %swap3A_253 = vector.load %arg6[%swap3A_249, %swap3A_250, %swap3A_251, %swap3A_252] : memref<1x33x64x200xf32, #tpu.memory_space<vmem>>, vector<1x1x64x200xf32>
    %swap3A_254 = vector.shape_cast %swap3A_253 : vector<1x1x64x200xf32> to vector<64x200xf32>
    %swap3A_255 = vector.shape_cast %add3A_248 : vector<64x200xf32> to vector<1x1x64x200xf32>
    tpu.vector_store %arg6[%swap3A_249, %swap3A_250, %swap3A_251, %swap3A_252], %swap3A_255 {strides = array<i32>} : memref<1x33x64x200xf32, #tpu.memory_space<vmem>>, vector<1x1x64x200xf32>,
    %slice3A_256 = vector.extract_strided_slice %add3A_245 {offsets = [64, 0], sizes = [64, 200], strides = [1, 1]} : vector<256x200xf32> to vector<64x200xf32>
    %add3A_257 = vector.broadcast %get3A_7 : vector<64x1xf32> to vector<64x200xf32>
    %add3A_258 = arith.addf %slice3A_256, %add3A_257 : vector<64x200xf32>
    %swap3A_259 = arith.constant 0 : index
    %swap3A_260 = arith.constant 17 : index
    %swap3A_261 = arith.constant 0 : index
    %swap3A_262 = arith.constant 0 : index
    %swap3A_263 = vector.load %arg6[%swap3A_259, %swap3A_260, %swap3A_261, %swap3A_262] : memref<1x33x64x200xf32, #tpu.memory_space<vmem>>, vector<1x1x64x200xf32>
    %swap3A_264 = vector.shape_cast %swap3A_263 : vector<1x1x64x200xf32> to vector<64x200xf32>
    %swap3A_265 = vector.shape_cast %add3A_258 : vector<64x200xf32> to vector<1x1x64x200xf32>
    tpu.vector_store %arg6[%swap3A_259, %swap3A_260, %swap3A_261, %swap3A_262], %swap3A_265 {strides = array<i32>} : memref<1x33x64x200xf32, #tpu.memory_space<vmem>>, vector<1x1x64x200xf32>,
    %slice3A_266 = vector.extract_strided_slice %add3A_245 {offsets = [128, 0], sizes = [64, 200], strides = [1, 1]} : vector<256x200xf32> to vector<64x200xf32>
    %add3A_267 = vector.broadcast %get3A_7 : vector<64x1xf32> to vector<64x200xf32>
    %add3A_268 = arith.addf %slice3A_266, %add3A_267 : vector<64x200xf32>
    %swap3A_269 = arith.constant 0 : index
    %swap3A_270 = arith.constant 18 : index
    %swap3A_271 = arith.constant 0 : index
    %swap3A_272 = arith.constant 0 : index
    %swap3A_273 = vector.load %arg6[%swap3A_269, %swap3A_270, %swap3A_271, %swap3A_272] : memref<1x33x64x200xf32, #tpu.memory_space<vmem>>, vector<1x1x64x200xf32>
    %swap3A_274 = vector.shape_cast %swap3A_273 : vector<1x1x64x200xf32> to vector<64x200xf32>
    %swap3A_275 = vector.shape_cast %add3A_268 : vector<64x200xf32> to vector<1x1x64x200xf32>
    tpu.vector_store %arg6[%swap3A_269, %swap3A_270, %swap3A_271, %swap3A_272], %swap3A_275 {strides = array<i32>} : memref<1x33x64x200xf32, #tpu.memory_space<vmem>>, vector<1x1x64x200xf32>,
    %slice3A_276 = vector.extract_strided_slice %add3A_245 {offsets = [192, 0], sizes = [64, 200], strides = [1, 1]} : vector<256x200xf32> to vector<64x200xf32>
    %add3A_277 = vector.broadcast %get3A_7 : vector<64x1xf32> to vector<64x200xf32>
    %add3A_278 = arith.addf %slice3A_276, %add3A_277 : vector<64x200xf32>
    %swap3A_279 = arith.constant 0 : index
    %swap3A_280 = arith.constant 19 : index
    %swap3A_281 = arith.constant 0 : index
    %swap3A_282 = arith.constant 0 : index
    %swap3A_283 = vector.load %arg6[%swap3A_279, %swap3A_280, %swap3A_281, %swap3A_282] : memref<1x33x64x200xf32, #tpu.memory_space<vmem>>, vector<1x1x64x200xf32>
    %swap3A_284 = vector.shape_cast %swap3A_283 : vector<1x1x64x200xf32> to vector<64x200xf32>
    %swap3A_285 = vector.shape_cast %add3A_278 : vector<64x200xf32> to vector<1x1x64x200xf32>
    tpu.vector_store %arg6[%swap3A_279, %swap3A_280, %swap3A_281, %swap3A_282], %swap3A_285 {strides = array<i32>} : memref<1x33x64x200xf32, #tpu.memory_space<vmem>>, vector<1x1x64x200xf32>,
    %get3A_286 = arith.constant 0 : index
    %get3A_287 = arith.constant 640 : index
    %get3A_288 = vector.load %arg1[%get3A_286, %get3A_287] : memref<200x1152xf32, #tpu.memory_space<vmem>>, vector<200x128xf32>
    %bitcast_convert_type3A_289 = tpu.bitcast %get3A_288 : vector<200x128xf32> -> vector<200x128xi32>
    %shift_left3A_290 = arith.constant 16 : i32
    %shift_left3A_291 = vector.broadcast %shift_left3A_290 : i32 to vector<200x128xi32>
    %shift_left3A_292 = arith.shli %bitcast_convert_type3A_289, %shift_left3A_291 : vector<200x128xi32>
    %bitcast_convert_type3A_293 = tpu.bitcast %shift_left3A_292 : vector<200x128xi32> -> vector<200x128xf32>
    %and3A_294 = arith.constant -65536 : i32
    %and3A_295 = vector.broadcast %and3A_294 : i32 to vector<200x128xi32>
    %and3A_296 = arith.andi %bitcast_convert_type3A_289, %and3A_295 : vector<200x128xi32>
    %bitcast_convert_type3A_297 = tpu.bitcast %and3A_296 : vector<200x128xi32> -> vector<200x128xf32>
    %dot_general3A_298 = arith.constant dense<0.000000e+00> : vector<256x200xf32>
    %dot_general3A_299 = tpu.matmul %get3A_1, %bitcast_convert_type3A_293, %dot_general3A_298 {dimension_numbers = #tpu.dot_dimension_numbers<[1], [1], [0], [0], [0, 0, 1, 0], [], []>, transpose_lhs_hint = false} : vector<256x128xf32>, vector<200x128xf32>, vector<256x200xf32> -> vector<256x200xf32>
    %dot_general3A_300 = arith.constant dense<0.000000e+00> : vector<256x200xf32>
    %dot_general3A_301 = tpu.matmul %get3A_4, %bitcast_convert_type3A_297, %dot_general3A_300 {dimension_numbers = #tpu.dot_dimension_numbers<[1], [1], [0], [0], [0, 0, 1, 0], [], []>, transpose_lhs_hint = false} : vector<256x128xf32>, vector<200x128xf32>, vector<256x200xf32> -> vector<256x200xf32>
    %add3A_302 = arith.addf %dot_general3A_299, %dot_general3A_301 : vector<256x200xf32>
    %slice3A_303 = vector.extract_strided_slice %add3A_302 {offsets = [0, 0], sizes = [64, 200], strides = [1, 1]} : vector<256x200xf32> to vector<64x200xf32>
    %add3A_304 = vector.broadcast %get3A_7 : vector<64x1xf32> to vector<64x200xf32>
    %add3A_305 = arith.addf %slice3A_303, %add3A_304 : vector<64x200xf32>
    %swap3A_306 = arith.constant 0 : index
    %swap3A_307 = arith.constant 20 : index
    %swap3A_308 = arith.constant 0 : index
    %swap3A_309 = arith.constant 0 : index
    %swap3A_310 = vector.load %arg6[%swap3A_306, %swap3A_307, %swap3A_308, %swap3A_309] : memref<1x33x64x200xf32, #tpu.memory_space<vmem>>, vector<1x1x64x200xf32>
    %swap3A_311 = vector.shape_cast %swap3A_310 : vector<1x1x64x200xf32> to vector<64x200xf32>
    %swap3A_312 = vector.shape_cast %add3A_305 : vector<64x200xf32> to vector<1x1x64x200xf32>
    tpu.vector_store %arg6[%swap3A_306, %swap3A_307, %swap3A_308, %swap3A_309], %swap3A_312 {strides = array<i32>} : memref<1x33x64x200xf32, #tpu.memory_space<vmem>>, vector<1x1x64x200xf32>,
    %slice3A_313 = vector.extract_strided_slice %add3A_302 {offsets = [64, 0], sizes = [64, 200], strides = [1, 1]} : vector<256x200xf32> to vector<64x200xf32>
    %add3A_314 = vector.broadcast %get3A_7 : vector<64x1xf32> to vector<64x200xf32>
    %add3A_315 = arith.addf %slice3A_313, %add3A_314 : vector<64x200xf32>
    %swap3A_316 = arith.constant 0 : index
    %swap3A_317 = arith.constant 21 : index
    %swap3A_318 = arith.constant 0 : index
    %swap3A_319 = arith.constant 0 : index
    %swap3A_320 = vector.load %arg6[%swap3A_316, %swap3A_317, %swap3A_318, %swap3A_319] : memref<1x33x64x200xf32, #tpu.memory_space<vmem>>, vector<1x1x64x200xf32>
    %swap3A_321 = vector.shape_cast %swap3A_320 : vector<1x1x64x200xf32> to vector<64x200xf32>
    %swap3A_322 = vector.shape_cast %add3A_315 : vector<64x200xf32> to vector<1x1x64x200xf32>
    tpu.vector_store %arg6[%swap3A_316, %swap3A_317, %swap3A_318, %swap3A_319], %swap3A_322 {strides = array<i32>} : memref<1x33x64x200xf32, #tpu.memory_space<vmem>>, vector<1x1x64x200xf32>,
    %slice3A_323 = vector.extract_strided_slice %add3A_302 {offsets = [128, 0], sizes = [64, 200], strides = [1, 1]} : vector<256x200xf32> to vector<64x200xf32>
    %add3A_324 = vector.broadcast %get3A_7 : vector<64x1xf32> to vector<64x200xf32>
    %add3A_325 = arith.addf %slice3A_323, %add3A_324 : vector<64x200xf32>
    %swap3A_326 = arith.constant 0 : index
    %swap3A_327 = arith.constant 22 : index
    %swap3A_328 = arith.constant 0 : index
    %swap3A_329 = arith.constant 0 : index
    %swap3A_330 = vector.load %arg6[%swap3A_326, %swap3A_327, %swap3A_328, %swap3A_329] : memref<1x33x64x200xf32, #tpu.memory_space<vmem>>, vector<1x1x64x200xf32>
    %swap3A_331 = vector.shape_cast %swap3A_330 : vector<1x1x64x200xf32> to vector<64x200xf32>
    %swap3A_332 = vector.shape_cast %add3A_325 : vector<64x200xf32> to vector<1x1x64x200xf32>
    tpu.vector_store %arg6[%swap3A_326, %swap3A_327, %swap3A_328, %swap3A_329], %swap3A_332 {strides = array<i32>} : memref<1x33x64x200xf32, #tpu.memory_space<vmem>>, vector<1x1x64x200xf32>,
    %slice3A_333 = vector.extract_strided_slice %add3A_302 {offsets = [192, 0], sizes = [64, 200], strides = [1, 1]} : vector<256x200xf32> to vector<64x200xf32>
    %add3A_334 = vector.broadcast %get3A_7 : vector<64x1xf32> to vector<64x200xf32>
    %add3A_335 = arith.addf %slice3A_333, %add3A_334 : vector<64x200xf32>
    %swap3A_336 = arith.constant 0 : index
    %swap3A_337 = arith.constant 23 : index
    %swap3A_338 = arith.constant 0 : index
    %swap3A_339 = arith.constant 0 : index
    %swap3A_340 = vector.load %arg6[%swap3A_336, %swap3A_337, %swap3A_338, %swap3A_339] : memref<1x33x64x200xf32, #tpu.memory_space<vmem>>, vector<1x1x64x200xf32>
    %swap3A_341 = vector.shape_cast %swap3A_340 : vector<1x1x64x200xf32> to vector<64x200xf32>
    %swap3A_342 = vector.shape_cast %add3A_335 : vector<64x200xf32> to vector<1x1x64x200xf32>
    tpu.vector_store %arg6[%swap3A_336, %swap3A_337, %swap3A_338, %swap3A_339], %swap3A_342 {strides = array<i32>} : memref<1x33x64x200xf32, #tpu.memory_space<vmem>>, vector<1x1x64x200xf32>,
    %get3A_343 = arith.constant 0 : index
    %get3A_344 = arith.constant 768 : index
    %get3A_345 = vector.load %arg1[%get3A_343, %get3A_344] : memref<200x1152xf32, #tpu.memory_space<vmem>>, vector<200x128xf32>
    %bitcast_convert_type3A_346 = tpu.bitcast %get3A_345 : vector<200x128xf32> -> vector<200x128xi32>
    %shift_left3A_347 = arith.constant 16 : i32
    %shift_left3A_348 = vector.broadcast %shift_left3A_347 : i32 to vector<200x128xi32>
    %shift_left3A_349 = arith.shli %bitcast_convert_type3A_346, %shift_left3A_348 : vector<200x128xi32>
    %bitcast_convert_type3A_350 = tpu.bitcast %shift_left3A_349 : vector<200x128xi32> -> vector<200x128xf32>
    %and3A_351 = arith.constant -65536 : i32
    %and3A_352 = vector.broadcast %and3A_351 : i32 to vector<200x128xi32>
    %and3A_353 = arith.andi %bitcast_convert_type3A_346, %and3A_352 : vector<200x128xi32>
    %bitcast_convert_type3A_354 = tpu.bitcast %and3A_353 : vector<200x128xi32> -> vector<200x128xf32>
    %dot_general3A_355 = arith.constant dense<0.000000e+00> : vector<256x200xf32>
    %dot_general3A_356 = tpu.matmul %get3A_1, %bitcast_convert_type3A_350, %dot_general3A_355 {dimension_numbers = #tpu.dot_dimension_numbers<[1], [1], [0], [0], [0, 0, 1, 0], [], []>, transpose_lhs_hint = false} : vector<256x128xf32>, vector<200x128xf32>, vector<256x200xf32> -> vector<256x200xf32>
    %dot_general3A_357 = arith.constant dense<0.000000e+00> : vector<256x200xf32>
    %dot_general3A_358 = tpu.matmul %get3A_4, %bitcast_convert_type3A_354, %dot_general3A_357 {dimension_numbers = #tpu.dot_dimension_numbers<[1], [1], [0], [0], [0, 0, 1, 0], [], []>, transpose_lhs_hint = false} : vector<256x128xf32>, vector<200x128xf32>, vector<256x200xf32> -> vector<256x200xf32>
    %add3A_359 = arith.addf %dot_general3A_356, %dot_general3A_358 : vector<256x200xf32>
    %slice3A_360 = vector.extract_strided_slice %add3A_359 {offsets = [0, 0], sizes = [64, 200], strides = [1, 1]} : vector<256x200xf32> to vector<64x200xf32>
    %add3A_361 = vector.broadcast %get3A_7 : vector<64x1xf32> to vector<64x200xf32>
    %add3A_362 = arith.addf %slice3A_360, %add3A_361 : vector<64x200xf32>
    %swap3A_363 = arith.constant 0 : index
    %swap3A_364 = arith.constant 24 : index
    %swap3A_365 = arith.constant 0 : index
    %swap3A_366 = arith.constant 0 : index
    %swap3A_367 = vector.load %arg6[%swap3A_363, %swap3A_364, %swap3A_365, %swap3A_366] : memref<1x33x64x200xf32, #tpu.memory_space<vmem>>, vector<1x1x64x200xf32>
    %swap3A_368 = vector.shape_cast %swap3A_367 : vector<1x1x64x200xf32> to vector<64x200xf32>
    %swap3A_369 = vector.shape_cast %add3A_362 : vector<64x200xf32> to vector<1x1x64x200xf32>
    tpu.vector_store %arg6[%swap3A_363, %swap3A_364, %swap3A_365, %swap3A_366], %swap3A_369 {strides = array<i32>} : memref<1x33x64x200xf32, #tpu.memory_space<vmem>>, vector<1x1x64x200xf32>,
    %slice3A_370 = vector.extract_strided_slice %add3A_359 {offsets = [64, 0], sizes = [64, 200], strides = [1, 1]} : vector<256x200xf32> to vector<64x200xf32>
    %add3A_371 = vector.broadcast %get3A_7 : vector<64x1xf32> to vector<64x200xf32>
    %add3A_372 = arith.addf %slice3A_370, %add3A_371 : vector<64x200xf32>
    %swap3A_373 = arith.constant 0 : index
    %swap3A_374 = arith.constant 25 : index
    %swap3A_375 = arith.constant 0 : index
    %swap3A_376 = arith.constant 0 : index
    %swap3A_377 = vector.load %arg6[%swap3A_373, %swap3A_374, %swap3A_375, %swap3A_376] : memref<1x33x64x200xf32, #tpu.memory_space<vmem>>, vector<1x1x64x200xf32>
    %swap3A_378 = vector.shape_cast %swap3A_377 : vector<1x1x64x200xf32> to vector<64x200xf32>
    %swap3A_379 = vector.shape_cast %add3A_372 : vector<64x200xf32> to vector<1x1x64x200xf32>
    tpu.vector_store %arg6[%swap3A_373, %swap3A_374, %swap3A_375, %swap3A_376], %swap3A_379 {strides = array<i32>} : memref<1x33x64x200xf32, #tpu.memory_space<vmem>>, vector<1x1x64x200xf32>,
    %slice3A_380 = vector.extract_strided_slice %add3A_359 {offsets = [128, 0], sizes = [64, 200], strides = [1, 1]} : vector<256x200xf32> to vector<64x200xf32>
    %add3A_381 = vector.broadcast %get3A_7 : vector<64x1xf32> to vector<64x200xf32>
    %add3A_382 = arith.addf %slice3A_380, %add3A_381 : vector<64x200xf32>
    %swap3A_383 = arith.constant 0 : index
    %swap3A_384 = arith.constant 26 : index
    %swap3A_385 = arith.constant 0 : index
    %swap3A_386 = arith.constant 0 : index
    %swap3A_387 = vector.load %arg6[%swap3A_383, %swap3A_384, %swap3A_385, %swap3A_386] : memref<1x33x64x200xf32, #tpu.memory_space<vmem>>, vector<1x1x64x200xf32>
    %swap3A_388 = vector.shape_cast %swap3A_387 : vector<1x1x64x200xf32> to vector<64x200xf32>
    %swap3A_389 = vector.shape_cast %add3A_382 : vector<64x200xf32> to vector<1x1x64x200xf32>
    tpu.vector_store %arg6[%swap3A_383, %swap3A_384, %swap3A_385, %swap3A_386], %swap3A_389 {strides = array<i32>} : memref<1x33x64x200xf32, #tpu.memory_space<vmem>>, vector<1x1x64x200xf32>,
    %slice3A_390 = vector.extract_strided_slice %add3A_359 {offsets = [192, 0], sizes = [64, 200], strides = [1, 1]} : vector<256x200xf32> to vector<64x200xf32>
    %add3A_391 = vector.broadcast %get3A_7 : vector<64x1xf32> to vector<64x200xf32>
    %add3A_392 = arith.addf %slice3A_390, %add3A_391 : vector<64x200xf32>
    %swap3A_393 = arith.constant 0 : index
    %swap3A_394 = arith.constant 27 : index
    %swap3A_395 = arith.constant 0 : index
    %swap3A_396 = arith.constant 0 : index
    %swap3A_397 = vector.load %arg6[%swap3A_393, %swap3A_394, %swap3A_395, %swap3A_396] : memref<1x33x64x200xf32, #tpu.memory_space<vmem>>, vector<1x1x64x200xf32>
    %swap3A_398 = vector.shape_cast %swap3A_397 : vector<1x1x64x200xf32> to vector<64x200xf32>
    %swap3A_399 = vector.shape_cast %add3A_392 : vector<64x200xf32> to vector<1x1x64x200xf32>
    tpu.vector_store %arg6[%swap3A_393, %swap3A_394, %swap3A_395, %swap3A_396], %swap3A_399 {strides = array<i32>} : memref<1x33x64x200xf32, #tpu.memory_space<vmem>>, vector<1x1x64x200xf32>,
    %get3A_400 = arith.constant 0 : index
    %get3A_401 = arith.constant 896 : index
    %get3A_402 = vector.load %arg1[%get3A_400, %get3A_401] : memref<200x1152xf32, #tpu.memory_space<vmem>>, vector<200x128xf32>
    %bitcast_convert_type3A_403 = tpu.bitcast %get3A_402 : vector<200x128xf32> -> vector<200x128xi32>
    %shift_left3A_404 = arith.constant 16 : i32
    %shift_left3A_405 = vector.broadcast %shift_left3A_404 : i32 to vector<200x128xi32>
    %shift_left3A_406 = arith.shli %bitcast_convert_type3A_403, %shift_left3A_405 : vector<200x128xi32>
    %bitcast_convert_type3A_407 = tpu.bitcast %shift_left3A_406 : vector<200x128xi32> -> vector<200x128xf32>
    %and3A_408 = arith.constant -65536 : i32
    %and3A_409 = vector.broadcast %and3A_408 : i32 to vector<200x128xi32>
    %and3A_410 = arith.andi %bitcast_convert_type3A_403, %and3A_409 : vector<200x128xi32>
    %bitcast_convert_type3A_411 = tpu.bitcast %and3A_410 : vector<200x128xi32> -> vector<200x128xf32>
    %dot_general3A_412 = arith.constant dense<0.000000e+00> : vector<256x200xf32>
    %dot_general3A_413 = tpu.matmul %get3A_1, %bitcast_convert_type3A_407, %dot_general3A_412 {dimension_numbers = #tpu.dot_dimension_numbers<[1], [1], [0], [0], [0, 0, 1, 0], [], []>, transpose_lhs_hint = false} : vector<256x128xf32>, vector<200x128xf32>, vector<256x200xf32> -> vector<256x200xf32>
    %dot_general3A_414 = arith.constant dense<0.000000e+00> : vector<256x200xf32>
    %dot_general3A_415 = tpu.matmul %get3A_4, %bitcast_convert_type3A_411, %dot_general3A_414 {dimension_numbers = #tpu.dot_dimension_numbers<[1], [1], [0], [0], [0, 0, 1, 0], [], []>, transpose_lhs_hint = false} : vector<256x128xf32>, vector<200x128xf32>, vector<256x200xf32> -> vector<256x200xf32>
    %add3A_416 = arith.addf %dot_general3A_413, %dot_general3A_415 : vector<256x200xf32>
    %slice3A_417 = vector.extract_strided_slice %add3A_416 {offsets = [0, 0], sizes = [64, 200], strides = [1, 1]} : vector<256x200xf32> to vector<64x200xf32>
    %add3A_418 = vector.broadcast %get3A_7 : vector<64x1xf32> to vector<64x200xf32>
    %add3A_419 = arith.addf %slice3A_417, %add3A_418 : vector<64x200xf32>
    %swap3A_420 = arith.constant 0 : index
    %swap3A_421 = arith.constant 28 : index
    %swap3A_422 = arith.constant 0 : index
    %swap3A_423 = arith.constant 0 : index
    %swap3A_424 = vector.load %arg6[%swap3A_420, %swap3A_421, %swap3A_422, %swap3A_423] : memref<1x33x64x200xf32, #tpu.memory_space<vmem>>, vector<1x1x64x200xf32>
    %swap3A_425 = vector.shape_cast %swap3A_424 : vector<1x1x64x200xf32> to vector<64x200xf32>
    %swap3A_426 = vector.shape_cast %add3A_419 : vector<64x200xf32> to vector<1x1x64x200xf32>
    tpu.vector_store %arg6[%swap3A_420, %swap3A_421, %swap3A_422, %swap3A_423], %swap3A_426 {strides = array<i32>} : memref<1x33x64x200xf32, #tpu.memory_space<vmem>>, vector<1x1x64x200xf32>,
    %slice3A_427 = vector.extract_strided_slice %add3A_416 {offsets = [64, 0], sizes = [64, 200], strides = [1, 1]} : vector<256x200xf32> to vector<64x200xf32>
    %add3A_428 = vector.broadcast %get3A_7 : vector<64x1xf32> to vector<64x200xf32>
    %add3A_429 = arith.addf %slice3A_427, %add3A_428 : vector<64x200xf32>
    %swap3A_430 = arith.constant 0 : index
    %swap3A_431 = arith.constant 29 : index
    %swap3A_432 = arith.constant 0 : index
    %swap3A_433 = arith.constant 0 : index
    %swap3A_434 = vector.load %arg6[%swap3A_430, %swap3A_431, %swap3A_432, %swap3A_433] : memref<1x33x64x200xf32, #tpu.memory_space<vmem>>, vector<1x1x64x200xf32>
    %swap3A_435 = vector.shape_cast %swap3A_434 : vector<1x1x64x200xf32> to vector<64x200xf32>
    %swap3A_436 = vector.shape_cast %add3A_429 : vector<64x200xf32> to vector<1x1x64x200xf32>
    tpu.vector_store %arg6[%swap3A_430, %swap3A_431, %swap3A_432, %swap3A_433], %swap3A_436 {strides = array<i32>} : memref<1x33x64x200xf32, #tpu.memory_space<vmem>>, vector<1x1x64x200xf32>,
    %slice3A_437 = vector.extract_strided_slice %add3A_416 {offsets = [128, 0], sizes = [64, 200], strides = [1, 1]} : vector<256x200xf32> to vector<64x200xf32>
    %add3A_438 = vector.broadcast %get3A_7 : vector<64x1xf32> to vector<64x200xf32>
    %add3A_439 = arith.addf %slice3A_437, %add3A_438 : vector<64x200xf32>
    %swap3A_440 = arith.constant 0 : index
    %swap3A_441 = arith.constant 30 : index
    %swap3A_442 = arith.constant 0 : index
    %swap3A_443 = arith.constant 0 : index
    %swap3A_444 = vector.load %arg6[%swap3A_440, %swap3A_441, %swap3A_442, %swap3A_443] : memref<1x33x64x200xf32, #tpu.memory_space<vmem>>, vector<1x1x64x200xf32>
    %swap3A_445 = vector.shape_cast %swap3A_444 : vector<1x1x64x200xf32> to vector<64x200xf32>
    %swap3A_446 = vector.shape_cast %add3A_439 : vector<64x200xf32> to vector<1x1x64x200xf32>
    tpu.vector_store %arg6[%swap3A_440, %swap3A_441, %swap3A_442, %swap3A_443], %swap3A_446 {strides = array<i32>} : memref<1x33x64x200xf32, #tpu.memory_space<vmem>>, vector<1x1x64x200xf32>,
    %slice3A_447 = vector.extract_strided_slice %add3A_416 {offsets = [192, 0], sizes = [64, 200], strides = [1, 1]} : vector<256x200xf32> to vector<64x200xf32>
    %add3A_448 = vector.broadcast %get3A_7 : vector<64x1xf32> to vector<64x200xf32>
    %add3A_449 = arith.addf %slice3A_447, %add3A_448 : vector<64x200xf32>
    %swap3A_450 = arith.constant 0 : index
    %swap3A_451 = arith.constant 31 : index
    %swap3A_452 = arith.constant 0 : index
    %swap3A_453 = arith.constant 0 : index
    %swap3A_454 = vector.load %arg6[%swap3A_450, %swap3A_451, %swap3A_452, %swap3A_453] : memref<1x33x64x200xf32, #tpu.memory_space<vmem>>, vector<1x1x64x200xf32>
    %swap3A_455 = vector.shape_cast %swap3A_454 : vector<1x1x64x200xf32> to vector<64x200xf32>
    %swap3A_456 = vector.shape_cast %add3A_449 : vector<64x200xf32> to vector<1x1x64x200xf32>
    tpu.vector_store %arg6[%swap3A_450, %swap3A_451, %swap3A_452, %swap3A_453], %swap3A_456 {strides = array<i32>} : memref<1x33x64x200xf32, #tpu.memory_space<vmem>>, vector<1x1x64x200xf32>,
    %get3A_457 = arith.constant 0 : index
    %get3A_458 = arith.constant 1024 : index
    %get3A_459 = vector.load %arg1[%get3A_457, %get3A_458] : memref<200x1152xf32, #tpu.memory_space<vmem>>, vector<200x128xf32>
    %bitcast_convert_type3A_460 = tpu.bitcast %get3A_459 : vector<200x128xf32> -> vector<200x128xi32>
    %shift_left3A_461 = arith.constant 16 : i32
    %shift_left3A_462 = vector.broadcast %shift_left3A_461 : i32 to vector<200x128xi32>
    %shift_left3A_463 = arith.shli %bitcast_convert_type3A_460, %shift_left3A_462 : vector<200x128xi32>
    %bitcast_convert_type3A_464 = tpu.bitcast %shift_left3A_463 : vector<200x128xi32> -> vector<200x128xf32>
    %and3A_465 = arith.constant -65536 : i32
    %and3A_466 = vector.broadcast %and3A_465 : i32 to vector<200x128xi32>
    %and3A_467 = arith.andi %bitcast_convert_type3A_460, %and3A_466 : vector<200x128xi32>
    %bitcast_convert_type3A_468 = tpu.bitcast %and3A_467 : vector<200x128xi32> -> vector<200x128xf32>
    %dot_general3A_469 = arith.constant dense<0.000000e+00> : vector<256x200xf32>
    %dot_general3A_470 = tpu.matmul %get3A_1, %bitcast_convert_type3A_464, %dot_general3A_469 {dimension_numbers = #tpu.dot_dimension_numbers<[1], [1], [0], [0], [0, 0, 1, 0], [], []>, transpose_lhs_hint = false} : vector<256x128xf32>, vector<200x128xf32>, vector<256x200xf32> -> vector<256x200xf32>
    %dot_general3A_471 = arith.constant dense<0.000000e+00> : vector<256x200xf32>
    %dot_general3A_472 = tpu.matmul %get3A_4, %bitcast_convert_type3A_468, %dot_general3A_471 {dimension_numbers = #tpu.dot_dimension_numbers<[1], [1], [0], [0], [0, 0, 1, 0], [], []>, transpose_lhs_hint = false} : vector<256x128xf32>, vector<200x128xf32>, vector<256x200xf32> -> vector<256x200xf32>
    %add3A_473 = arith.addf %dot_general3A_470, %dot_general3A_472 : vector<256x200xf32>
    %slice3A_474 = vector.extract_strided_slice %add3A_473 {offsets = [0, 0], sizes = [64, 200], strides = [1, 1]} : vector<256x200xf32> to vector<64x200xf32>
    %add3A_475 = vector.broadcast %get3A_7 : vector<64x1xf32> to vector<64x200xf32>
    %add3A_476 = arith.addf %slice3A_474, %add3A_475 : vector<64x200xf32>
    %swap3A_477 = arith.constant 0 : index
    %swap3A_478 = arith.constant 32 : index
    %swap3A_479 = arith.constant 0 : index
    %swap3A_480 = arith.constant 0 : index
    %swap3A_481 = vector.load %arg6[%swap3A_477, %swap3A_478, %swap3A_479, %swap3A_480] : memref<1x33x64x200xf32, #tpu.memory_space<vmem>>, vector<1x1x64x200xf32>
    %swap3A_482 = vector.shape_cast %swap3A_481 : vector<1x1x64x200xf32> to vector<64x200xf32>
    %swap3A_483 = vector.shape_cast %add3A_476 : vector<64x200xf32> to vector<1x1x64x200xf32>
    tpu.vector_store %arg6[%swap3A_477, %swap3A_478, %swap3A_479, %swap3A_480], %swap3A_483 {strides = array<i32>} : memref<1x33x64x200xf32, #tpu.memory_space<vmem>>, vector<1x1x64x200xf32>,
    return
  }
  func.func @transform_0(%arg0: i32) -> (i32, i32) {
    %c0_i32 = arith.constant 0 : i32
    %c0_i32_0 = arith.constant 0 : i32
    return %arg0, %c0_i32 : i32, i32
  }
  func.func @transform_1(%arg0: i32) -> (i32, i32) {
    %c0_i32 = arith.constant 0 : i32
    %c0_i32_0 = arith.constant 0 : i32
    %c0_i32_1 = arith.constant 0 : i32
    return %c0_i32, %c0_i32_0 : i32, i32
  }
  func.func @transform_2(%arg0: i32) -> (i32, i32) {
    %c0_i32 = arith.constant 0 : i32
    %c0_i32_0 = arith.constant 0 : i32
    %c0_i32_1 = arith.constant 0 : i32
    return %c0_i32, %c0_i32_0 : i32, i32
  }
  func.func @transform_3(%arg0: i32) -> (i32, i32) {
    %c0_i32 = arith.constant 0 : i32
    %c0_i32_0 = arith.constant 0 : i32
    %c0_i32_1 = arith.constant 0 : i32
    return %c0_i32, %c0_i32_0 : i32, i32
  }
  func.func @transform_5(%arg0: i32) -> (i32, i32, i32, i32) {
    %add3A = arith.constant 48 : i32
    %add3A_0 = arith.addi %add3A, %arg0 : i32
    %c0_i32 = arith.constant 0 : i32
    %c0_i32_1 = arith.constant 0 : i32
    %c0_i32_2 = arith.constant 0 : i32
    %c0_i32_3 = arith.constant 0 : i32
    return %add3A_0, %c0_i32, %c0_i32_1, %c0_i32_2 : i32, i32, i32, i32
  }
}

</mosaic_0001>

<sc_bundles>
// kernel: kernel.13.cloned.1.call-start
scs
__scs_entry_jumppad:
0x0: {  	(pc) =	sbr.rel $0x88, $3  }
0x1: {  	(tag) =	ssettag $0x0;
	lr =	simm.s32 $0x1  }
0x2: {  	[smem:$0x3F9D] =	sst lr;
	_ =	strace $0xD0000000  }
0x3: {  	_ = 	snop  }
0x4: {  	_ = 	snop  }
0x5: {  	_ = 	snop  }
0x6: {  	_ = 	snop  }
0x7: {  	_ = 	snop  }
__scs_overlays_trampoline_lowered:
0x8: {  	[smem:$0x3FAC] =	sst s0  }
0x9: {  	[smem:$0x3FAD] =	sst s1  }
0xa: {  	[smem:$0x3FAE] =	sst s2  }
0xb: {  	[smem:$0x3FAF] =	sst s3  }
0xc: {  	[smem:$0x3FB0] =	sst s4  }
0xd: {  	[smem:$0x3FB1] =	sst s5  }
0xe: {  	[smem:$0x3FB2] =	sst s6  }
0xf: {  	[smem:$0x3FB3] =	sst s7  }
0x10: {  	[smem:$0x3FB4] =	sst s8  }
0x11: {  	[smem:$0x3FB5] =	sst s9;
	s0 =	simm.s32 @!p0 $0x0  }
0x12: {  	s1 =	sld [smem:$0x3F9B];
	s0 =	simm.s32 @p0 $0x1  }
0x13: {  	[smem:$0x3FB6] =	sst s0;
	s0 =	simm.s32 @!p1 $0x0  }
0x14: {  	s2 =	sld [smem:$0x3F9A];
	s0 =	simm.s32 @p1 $0x1  }
0x15: {  	[smem:$0x3FB7] =	sst s0;
	s0 =	simm.s32 @!p2 $0x0  }
0x16: {  	s3 =	sld [smem:$0x3FDB];
	s0 =	simm.s32 @p2 $0x1  }
0x17: {  	s4 =	simm.s32 $0x1BF5;
	[smem:$0x3FB9] =	sst s0  }
0x18: {  	s0 =	sld [smem:$0x3F9C];
	_ =	swait.ge [sflag:s4], $0x0  }
0x19: {  	s7 =	sld [smem:$0x3F9D]  }
0x1a: {  	s8 =	sadd.s32 $0xFFFFE003, lr  }
0x1b: {  	s9 =	sadd.s32 $0xFFFFFEF7, lr;
	s5 =	simm.s32 $0xFFFFFFFF;
	p2 =	slt.u32 s8, $0xFFFFF086  }
0x1c: {  	p1 =	slt.u32 s9, $0xF7A;
	s5 =	simm.s32 @!p2 $0x0  }
0x1d: {  	s5 =	simm.s32 @p1 $0x1;
	p0 =	seq.s32 s7, s2  }
0x1e: {  	s7 =	smul.u32 @!p0 $0xF7A, s2;
	p2 =	seq.s32 @!p0 s5, $0x0  }
0x1f: {  	s9 =	smul.u32 $0xF7A, s1;
	s8 =	simm.s32 @!p0 $0x1BF5;
	p2 =	por !p2, p0  }
0x20: {  	[sflag:s8] =	ssyncset.s32 @!p0 $0xFFFFF086;
	s6 =	sadd.s32 @!p0 s3, s7;
	s7 =	simm.s32 @!p0 $0x108  }
0x21: {  	s3 =	sadd.s32 s3, s9;
	s6 =	sadd.s32 @!p0 $0x88, s6;
	s7 =	simm.s32 @p2 $0x1082  }
0x22: {  	[simem:s7], [sflag:s8] =	dma.local @!p0 [hbm:s6], $0xF7A  }
0x23: {  	s9 =	sor.u32 $0xD0000000, s2;
	s6 =	simm.s32 $0x108;
	_ =	swait.ge @!p0 [sflag:s8], $0x0  }
0x24: {  	s3 =	sadd.s32 $0x88, s3;
	s6 =	simm.s32 @!p1 $0x1082;
	[sflag:s4] =	ssyncset.s32 $0xFFFFF086  }
0x25: {  	[simem:s6], [sflag:s4] =	dma.local [hbm:s3], $0xF7A  }
0x26: {  	[smem:$0x3F9D] =	sst s1;
	(tag) =	ssettag s2;
	_ =	strace s9  }
0x27: {  	s1 =	sld [smem:$0x3FAD]  }
0x28: {  	s2 =	sld [smem:$0x3FAE]  }
0x29: {  	s4 =	sld [smem:$0x3FB0]  }
0x2a: {  	p0 =	seq.s32 s5, $0x0;
	s5 =	sld [smem:$0x3FB1]  }
0x2b: {  	s6 =	sld [smem:$0x3FB2]  }
0x2c: {  	s7 =	sld [smem:$0x3FB3]  }
0x2d: {  	s3 =	simm.s32 $0x108;
	s8 =	sld [smem:$0x3FB4]  }
0x2e: {  	s3 =	simm.s32 @!p0 $0x1082;
	s9 =	sld [smem:$0x3FB5]  }
0x2f: {  	lr =	sadd.s32 s0, s3;
	s0 =	sld [smem:$0x3FAC]  }
0x30: {  	s3 =	sld [smem:$0x3FAF]  }
0x31: {  	[smem:$0x3FB8] =	sst s10  }
0x32: {  	s10 =	sld [smem:$0x3FB6];
	_ =	sdelay $0x3  }
0x33: {  	p0 =	seq.s32 s10, $0x1;
	s10 =	sld [smem:$0x3FB8];
	_ =	sdelay $0x3  }
0x34: {  	[smem:$0x3FB8] =	sst s10  }
0x35: {  	s10 =	sld [smem:$0x3FB7];
	_ =	sdelay $0x3  }
0x36: {  	p1 =	seq.s32 s10, $0x1;
	s10 =	sld [smem:$0x3FB8];
	_ =	sdelay $0x3  }
0x37: {  	[smem:$0x3FB8] =	sst s10  }
0x38: {  	s10 =	sld [smem:$0x3FB9]  }
0x39: {  	_ = 	snop;
	(pc) =	sbr.ind lr, $3  }
0x3a: {  	_ = 	snop  }
0x3b: {  	_ = 	snop  }
0x3c: {  	p2 =	seq.s32 s10, $0x1;
	s10 =	sld [smem:$0x3FB8]  }
0x3d: {  	_ =	shalt  }
0x3e: {  	_ =	shalt  }
0x3f: {  	_ =	shalt  }
0x40: {  	_ =	shalt  }
0x41: {  	_ =	shalt  }
0x42: {  	_ =	shalt  }
0x43: {  	_ =	shalt  }
0x44: {  	_ =	shalt  }
0x45: {  	_ =	shalt  }
0x46: {  	_ =	shalt  }
0x47: {  	_ =	shalt  }
0x48: {  	_ =	shalt  }
0x49: {  	_ =	shalt  }
0x4a: {  	_ =	shalt  }
0x4b: {  	_ =	shalt  }
0x4c: {  	_ =	shalt  }
0x4d: {  	_ =	shalt  }
0x4e: {  	_ =	shalt  }
0x4f: {  	_ =	shalt  }
0x50: {  	_ =	shalt  }
0x51: {  	_ =	shalt  }
0x52: {  	_ =	shalt  }
0x53: {  	_ =	shalt  }
0x54: {  	_ =	shalt  }
0x55: {  	_ =	shalt  }
0x56: {  	_ =	shalt  }
0x57: {  	_ =	shalt  }
0x58: {  	_ =	shalt  }
0x59: {  	_ =	shalt  }
0x5a: {  	_ =	shalt  }
0x5b: {  	_ =	shalt  }
0x5c: {  	_ =	shalt  }
0x5d: {  	_ =	shalt  }
0x5e: {  	_ =	shalt  }
0x5f: {  	_ =	shalt  }
0x60: {  	_ =	shalt  }
0x61: {  	_ =	shalt  }
0x62: {  	_ =	shalt  }
0x63: {  	_ =	shalt  }
0x64: {  	_ =	shalt  }
0x65: {  	_ =	shalt  }
0x66: {  	_ =	shalt  }
0x67: {  	_ =	shalt  }
0x68: {  	_ =	shalt  }
0x69: {  	_ =	shalt  }
0x6a: {  	_ =	shalt  }
0x6b: {  	_ =	shalt  }
0x6c: {  	_ =	shalt  }
0x6d: {  	_ =	shalt  }
0x6e: {  	_ =	shalt  }
0x6f: {  	_ =	shalt  }
0x70: {  	_ =	shalt  }
0x71: {  	_ =	shalt  }
0x72: {  	_ =	shalt  }
0x73: {  	_ =	shalt  }
0x74: {  	_ =	shalt  }
0x75: {  	_ =	shalt  }
0x76: {  	_ =	shalt  }
0x77: {  	_ =	shalt  }
0x78: {  	_ =	shalt  }
0x79: {  	_ =	shalt  }
0x7a: {  	_ =	shalt  }
0x7b: {  	_ =	shalt  }
0x7c: {  	_ =	shalt  }
0x7d: {  	_ =	shalt  }
0x7e: {  	_ =	shalt  }
0x7f: {  	_ =	shalt  }
0x80: {  	_ =	shalt  }
0x81: {  	_ =	shalt  }
0x82: {  	_ =	shalt  }
0x83: {  	_ =	shalt  }
0x84: {  	_ =	shalt  }
0x85: {  	_ =	shalt  }
0x86: {  	_ =	shalt  }
0x87: {  	_ =	shalt  }
.Lfunc_end0:
.L_simem_size_0:
called_computation_lowered:
.L_overlay_start_0:
0x88: {  	s2 =	sld [smem:$0x3FD9]  }
0x89: {  	s3 =	sld [smem:$0x3FFE];
	_ =	sdelay $0x1  }
0x8a: {  	s1 =	srdreg.scid  }
0x8b: {  	s0 =	sand.u32 $0x1, s1  }
0x8c: {  	s17 =	sshll.u32 s0, $0xA;
	s2 =	sadd.s32 s3, s2  }
0x8d: {  	s2 =	sadd.s32 s2, s17  }
0x8e: {  	[smem:$0x3FC4] =	sst s2  }
0x8f: {  	_ = 	snop  }
0x90: {  	s2 =	sld [smem:$0x3FD0];
	(tm) =	ssettm $0x1  }
0x91: {  	s18 =	sld [smem:$0x3FFB];
	_ =	sdelay $0x3  }
0x92: {  	_ =	strace s18  }
0x93: {  	s3 =	sld [smem:$0x3FFC];
	_ =	sdelay $0x3  }
0x94: {  	_ =	strace s3  }
0x95: {  	s3 =	sld [smem:$0x3FFD];
	_ =	sdelay $0x3  }
0x96: {  	_ =	strace s3  }
0x97: {  	_ =	strace $0x8FFFFFFF  }
0x98: {  	s19 =	sld [smem:$0x3FDB];
	_ =	sdelay $0x1  }
0x99: {  	s4 =	simm.s32 $_scs_section_size  }
0x9a: {  	s5 =	simm.s32 $_size__tile_overlayer_lowered;
	s6 =	simm.s32 $_tile_overlayer_lowered  }
0x9b: {  	s22 =	simm.s32 $0x1BFF;
	s21 =	sshll.u32 s6, $0x1;
	s3 =	sadd.s32 s4, s19  }
0x9c: {  	s7 =	simm.s32 $0x0;
	s20 =	sshll.u32 s5, $0x1;
	s5 =	sadd.s32 s21, s3  }
0x9d: {  	[timem:s7], [sflag:s22] =	dma.local [hbm:s5], s20  }
0x9e: {  	_ =	swait.ge [sflag:s22], s20  }
0x9f: {  	s4 =	ssub.s32 $0x0, s20;
	[sflag:s22] =	ssyncset.done $0x0  }
0xa0: {  	[sflag:s22] =	ssyncadd.s32 s4;
	_ =	sdelay $0x1  }
0xa1: {  	s23 =	simm.s32 $0x1B8B  }
0xa2: {  	_ =	swait.ge [sflag:s23], $0x1  }
0xa3: {  	[sflag:s23] =	ssyncset.done $0x0  }
0xa4: {  	s25 =	simm.s32 $0x1B8E;
	s24 =	sld [smem:$0x3FFE];
	[sflag:s23] =	ssyncadd.s32 $0xFFFFFFFF  }
0xa5: {  	s26 =	simm.s32 $execute0_lowered;
	[smem:$0x3FD2] =	sst s25  }
0xa6: {  	s5 =	sshll.u32 s26, $0x1;
	_ =	strace $0x80000046;
	[dreg:$0x1] =	wrdreg $0xFFFFFFFF  }
0xa7: {  	s28 =	simm.s32 $_size_execute0_lowered;
	s3 =	sadd.s32 s3, s5;
	[dreg:$0x0] =	wrdreg $0x0  }
0xa8: {  	s5 =	sshll.u32 s28, $0x1;
	[dreg:$0x2] =	wrdreg s3  }
0xa9: {  	[dreg:$0x3] =	wrdreg s5  }
0xaa: {  	[dreg:$0x4] =	wrdreg $0xC0  }
0xab: {  	_ =	task [dreg:s7], $0x5FFFF  }
0xac: {  	[dreg:$0x1] =	wrdreg $0xFFFFFFFF  }
0xad: {  	[dreg:$0x0] =	wrdreg $0x60  }
0xae: {  	[dreg:$0x2] =	wrdreg s24  }
0xaf: {  	[dreg:$0x3] =	wrdreg s2  }
0xb0: {  	[dreg:$0x4] =	wrdreg $0x9  }
0xb1: {  	_ =	task.clear_ibuf [dreg:s7], $0x5FFFF;
	_ =	strace $0x90000046  }
0xb2: {  	s29 =	simm.s32 $0x9;
	_ =	strace $0x80000048  }
0xb3: {  	_ =	swait.ge [sflag:s29], $0x1  }
0xb4: {  	[sflag:s29] =	ssyncadd.s32 $0xFFFFFFFF  }
0xb5: {  	_ =	strace $0x90000048  }
0xb6: {  	_ =	sfence  }
0xb7: {  	s30 =	sld [smem:$0x0];
	_ =	sdelay $0x2  }
0xb8: {  	s31 =	sshll.u32 s1, $0xD;
	s1 =	sshrl.u32 s1, $0x2  }
0xb9: {  	s3 =	sand.u32 $0x4000, s31;
	s1 =	sadd.s32 s1, s30  }
0xba: {  	s0 =	sor.u32 s3, s0;
	s1 =	sshll.u32 s1, $0x11  }
0xbb: {  	s0 =	sor.u32 s1, s0  }
0xbc: {  	s0 =	sadd.s32 $0x8F2B, s0  }
0xbd: {  	[sflag:s0] =	ssyncadd.remote.s32 $0x1  }
0xbe: {  	_ =	sfence.sel $0xFFFF  }
0xbf: {  	[dreg:$0x0] =	wrdreg $0xFFFFFFFF;
	(pc) =	sbr.abs _section_cstart, $3  }
0xc0: {  	[dreg:$0x1] =	wrdreg $0xFFFFFFFF  }
0xc1: {  	_ =	task.clear_ibuf [dreg:s7], $0x2FFFF;
	_ =	strace $0x9FFFFFFF  }
0xc2: {  	(tm) =	ssettm $0x7FFFFFFF  }
0xc3: {  	_ =	shalt  }
tec
execute0_lowered:
.L_overlay_start_1:
0x0: {  	(tag) =	ssettag $0x1  }
0x1: {  	s1 =	srdreg.scid;
	s0 =	stileid.u32  }
0x2: {  	s1 =	sand.u32 $0x1, s1;
	s2 =	sshll.u32 s0, $0x1  }
0x3: {  	s2 =	sor.u32 s1, s2  }
0x4: {  	s2 =	smul.u32 $0x38, s2  }
0x5: {  	s8 =	rddreg [dreg:$0x0]  }
0x6: {  	s3 =	rddreg [dreg:$0x1];
	s4 =	smin.u32 s2, $0x608;
	s2 =	simm.s32 $0x0  }
0x7: {  	s11 =	simm.s32 $0x80;
	[smem:$0x7FF] =	sst s2  }
0x8: {  	s12 =	simm.s32 $0x900;
	_ =	strace $0x80000047;
	[dreg:$0x6] =	wrdreg s11  }
0x9: {  	s13 =	simm.s32 $0x1100;
	[dreg:$0x7] =	wrdreg s12  }
0xa: {  	s14 =	simm.s32 $0x1900;
	[dreg:$0x8] =	wrdreg s13  }
0xb: {  	s15 =	simm.s32 $0x2100;
	s16 =	simm.s32 $0x2500;
	[dreg:$0x9] =	wrdreg s14  }
0xc: {  	s17 =	simm.s32 $0x2D00;
	s18 =	simm.s32 $0x3500;
	[dreg:$0xa] =	wrdreg s15  }
0xd: {  	s19 =	simm.s32 $0x3D00;
	s21 =	simm.s32 $0x4500;
	[dreg:$0xb] =	wrdreg s16  }
0xe: {  	s22 =	simm.s32 $0x4900;
	s7 =	simm.s32 $0x5100;
	[dreg:$0xc] =	wrdreg s17  }
0xf: {  	s9 =	simm.s32 $0x5900;
	s23 =	simm.s32 $0x6100;
	[dreg:$0xd] =	wrdreg s18  }
0x10: {  	s10 =	simm.s32 $0x6900;
	s24 =	simm.s32 $0x6D00;
	[dreg:$0xe] =	wrdreg s19  }
0x11: {  	s25 =	simm.s32 $0x7500;
	s26 =	simm.s32 $0x7D00;
	[dreg:$0xf] =	wrdreg s21  }
0x12: {  	s28 =	simm.s32 $0xF100;
	s29 =	simm.s32 $0xF900;
	[dreg:$0x10] =	wrdreg s22  }
0x13: {  	s30 =	simm.s32 $0x1;
	s1 =	ssub.s32 $0x2, s1;
	[dreg:$0x11] =	wrdreg s7  }
0x14: {  	s31 =	simm.s32 $0x2;
	s20 =	sshrl.u32 s1, $0x1;
	[dreg:$0x12] =	wrdreg s9  }
0x15: {  	s1 =	ssub.s32 s1, s20;
	s4 =	sshrl.u32 s4, $0x3;
	[dreg:$0x13] =	wrdreg s23  }
0x16: {  	s20 =	simm.s32 $0xBD00;
	s5 =	sadd.s32 s4, s8;
	[dreg:$0x14] =	wrdreg s10  }
0x17: {  	s4 =	smul.u32 $0x480, s4;
	s7 =	sadd.s32 $0x3300, s8;
	[dreg:$0x15] =	wrdreg s24  }
0x18: {  	s9 =	smax.u32 s1, $0x1;
	s10 =	simm.s32 $0x4;
	[dreg:$0x16] =	wrdreg s25  }
0x19: {  	s11 =	simm.s32 $0x100;
	[dreg:$0x17] =	wrdreg s26;
	s13 =	simm.s32 $0x8D00  }
0x1a: {  	s14 =	simm.s32 $0x9100;
	s15 =	simm.s32 $0x9900;
	s16 =	simm.s32 $0xA100  }
0x1b: {  	s17 =	simm.s32 $0xA900;
	s18 =	simm.s32 $0xB100;
	s19 =	simm.s32 $0xB500  }
0x1c: {  	s21 =	simm.s32 $0xC500;
	s22 =	simm.s32 $0xCD00;
	s23 =	simm.s32 $0xD500  }
0x1d: {  	s24 =	simm.s32 $0xD900;
	s25 =	simm.s32 $0xE100;
	s6 =	sadd.s32 $0x26800, s5  }
0x1e: {  	s26 =	simm.s32 $0xE900;
	s5 =	sadd.s32 $0x26804, s5;
	[dreg:$0x3] =	wrdreg s6  }
0x1f: {  	v2 =	vlaneseq.u32;
	s1 =	simm.s32 $0x3;
	s3 =	sadd.s32 s3, s4;
	[dreg:$0x4] =	wrdreg s5  }
0x20: {  	vm0 =	vmmov $0xffff;
	vm1 =	vmmov $0xff;
	v1 =	vshrl.u32 v2, $0x3;
	s5 =	sadd.s32 $0x3100, s8;
	s6 =	sadd.s32 $0x3200, s8;
	s4 =	sadd.s32 $0x1200, s3  }
0x21: {  	v0 =	vand.u32 $0x7, v2;
	v2 =	vor.u32 $0x8, v2;
	v1 =	vmul.u32 $0x8, v1;
	[dreg:$0x5] =	wrdreg s4;
	s4 =	sadd.s32 $0x3000, s8;
	s8 =	sadd.s32 $0x3400, s8  }
.LBB2_1:
0x22: {  	s0 =	rddreg [dreg:$0x3]  }
0x23: {  	[tilespmem:s2], [sflag:$0x4] =	stream.linear.gather [hbm4b:s0+s2], $0x20, $0x38;
	[tilespmem:$0xFD00] =	vst v63  }
0x24: {  	_ =	swait.ge [sflag:s10], $0x20  }
0x25: {  	s0 =	rddreg [dreg:$0x4];
	[sflag:s10] =	ssyncset.done $0x0  }
0x26: {  	s12 =	rddreg [dreg:$0x6];
	[sflag:s10] =	ssyncadd.s32 $0xFFFFFFE0  }
0x27: {  	[tilespmem:s12], [sflag:$0x4] =	stream.linear.gather [hbm4b:s0+s2], $0x18, $0x38;
	[tilespmem:$0xFD00] =	vst v63  }
0x28: {  	_ =	swait.ge [sflag:s10], $0x18  }
0x29: {  	[sflag:s10] =	ssyncset.done $0x0  }
0x2a: {  	[sflag:s10] =	ssyncadd.s32 $0xFFFFFFE8  }
0x2b: {  	v3 =	vld [tilespmem:$0x0];
	_ =	sdelay $0x4  }
0x2c: {  	v4 =	vshrl.u32 v3, $0x3  }
0x2d: {  	v4 =	vmul.u32 $0x48, v4  }
0x2e: {  	v3 =	vand.u32 $0x7, v3  }
0x2f: {  	v3 =	vor.u32 v3, v4  }
0x30: {  	v4 =	vperm.xlane v3, v0;
	_ =	sdelay $0x1  }
0x31: {  	v4 =	vadd.s32 v1, v4;
	_ =	sdelay $0x4  }
0x32: {  	[tilespmem:s11], [sflag:$0x1] =	stream.indirect_vreg.gather [hbm4b:s4+s2], $0x80, v4, vm0, $0xb8;
	[tilespmem:$0xFD00] =	vst v63  }
0x33: {  	s0 =	rddreg [dreg:$0x7]  }
0x34: {  	[tilespmem:s0], [sflag:$0x1] =	stream.indirect_vreg.gather [hbm4b:s5+s2], $0x80, v4, vm0, $0xb8;
	[tilespmem:$0xFD00] =	vst v63  }
0x35: {  	s12 =	rddreg [dreg:$0x8];
	v3 =	vperm.xlane v3, v2  }
0x36: {  	[tilespmem:s12], [sflag:$0x1] =	stream.indirect_vreg.gather [hbm4b:s6+s2], $0x80, v4, vm0, $0xb8;
	[tilespmem:$0xFD00] =	vst v63  }
0x37: {  	v3 =	vadd.s32 v1, v3;
	s0 =	rddreg [dreg:$0x9]  }
0x38: {  	[tilespmem:s0], [sflag:$0x1] =	stream.indirect_vreg.gather [hbm4b:s7+s2], $0x80, v4, vm0, $0xb8;
	[tilespmem:$0xFD00] =	vst v63  }
0x39: {  	s12 =	rddreg [dreg:$0xa]  }
0x3a: {  	[tilespmem:s12], [sflag:$0x1] =	stream.indirect_vreg.gather [hbm4b:s8+s2], $0x80, v4, vm1, $0xb8;
	[tilespmem:$0xFD00] =	vst v63  }
0x3b: {  	s0 =	rddreg [dreg:$0xb]  }
0x3c: {  	[tilespmem:s0], [sflag:$0x1] =	stream.indirect_vreg.gather [hbm4b:s4+s2], $0x80, v3, vm0, $0xb8;
	[tilespmem:$0xFD00] =	vst v63  }
0x3d: {  	s12 =	rddreg [dreg:$0xc]  }
0x3e: {  	[tilespmem:s12], [sflag:$0x1] =	stream.indirect_vreg.gather [hbm4b:s5+s2], $0x80, v3, vm0, $0xb8;
	[tilespmem:$0xFD00] =	vst v63  }
0x3f: {  	s0 =	rddreg [dreg:$0xd]  }
0x40: {  	[tilespmem:s0], [sflag:$0x1] =	stream.indirect_vreg.gather [hbm4b:s6+s2], $0x80, v3, vm0, $0xb8;
	[tilespmem:$0xFD00] =	vst v63  }
0x41: {  	s12 =	rddreg [dreg:$0xe]  }
0x42: {  	[tilespmem:s12], [sflag:$0x1] =	stream.indirect_vreg.gather [hbm4b:s7+s2], $0x80, v3, vm0, $0xb8;
	[tilespmem:$0xFD00] =	vst v63  }
0x43: {  	s0 =	rddreg [dreg:$0xf]  }
0x44: {  	[tilespmem:s0], [sflag:$0x1] =	stream.indirect_vreg.gather [hbm4b:s8+s2], $0x80, v3, vm1, $0xb8;
	[tilespmem:$0xFD00] =	vst v63  }
0x45: {  	v3 =	vld [tilespmem:$0x10];
	_ =	sdelay $0x4  }
0x46: {  	v61 =	vshrl.u32 v3, $0x3  }
0x47: {  	v4 =	vmul.u32 $0x48, v61  }
0x48: {  	v3 =	vand.u32 $0x7, v3  }
0x49: {  	v3 =	vor.u32 v3, v4  }
0x4a: {  	v4 =	vperm.xlane v3, v0;
	_ =	sdelay $0x1  }
0x4b: {  	v4 =	vadd.s32 v1, v4;
	_ =	sdelay $0x3  }
0x4c: {  	s0 =	rddreg [dreg:$0x10]  }
0x4d: {  	[tilespmem:s0], [sflag:$0x1] =	stream.indirect_vreg.gather [hbm4b:s4+s2], $0x80, v4, vm0, $0xb8;
	[tilespmem:$0xFD00] =	vst v63  }
0x4e: {  	s12 =	rddreg [dreg:$0x11]  }
0x4f: {  	[tilespmem:s12], [sflag:$0x1] =	stream.indirect_vreg.gather [hbm4b:s5+s2], $0x80, v4, vm0, $0xb8;
	[tilespmem:$0xFD00] =	vst v63  }
0x50: {  	v3 =	vperm.xlane v3, v2;
	s0 =	rddreg [dreg:$0x12]  }
0x51: {  	[tilespmem:s0], [sflag:$0x1] =	stream.indirect_vreg.gather [hbm4b:s6+s2], $0x80, v4, vm0, $0xb8;
	[tilespmem:$0xFD00] =	vst v63  }
0x52: {  	v3 =	vadd.s32 v1, v3;
	s12 =	rddreg [dreg:$0x13]  }
0x53: {  	[tilespmem:s12], [sflag:$0x1] =	stream.indirect_vreg.gather [hbm4b:s7+s2], $0x80, v4, vm0, $0xb8;
	[tilespmem:$0xFD00] =	vst v63  }
0x54: {  	s0 =	rddreg [dreg:$0x14]  }
0x55: {  	[tilespmem:s0], [sflag:$0x1] =	stream.indirect_vreg.gather [hbm4b:s8+s2], $0x80, v4, vm1, $0xb8;
	[tilespmem:$0xFD00] =	vst v63  }
0x56: {  	s12 =	rddreg [dreg:$0x15]  }
0x57: {  	[tilespmem:s12], [sflag:$0x1] =	stream.indirect_vreg.gather [hbm4b:s4+s2], $0x80, v3, vm0, $0xb8;
	[tilespmem:$0xFD00] =	vst v63  }
0x58: {  	s0 =	rddreg [dreg:$0x16]  }
0x59: {  	[tilespmem:s0], [sflag:$0x1] =	stream.indirect_vreg.gather [hbm4b:s5+s2], $0x80, v3, vm0, $0xb8;
	[tilespmem:$0xFD00] =	vst v63  }
0x5a: {  	s12 =	rddreg [dreg:$0x17]  }
0x5b: {  	[tilespmem:s12], [sflag:$0x1] =	stream.indirect_vreg.gather [hbm4b:s6+s2], $0x80, v3, vm0, $0xb8;
	[tilespmem:$0xFD00] =	vst v63  }
0x5c: {  	s12 =	simm.s32 $0x8500  }
0x5d: {  	[tilespmem:s12], [sflag:$0x1] =	stream.indirect_vreg.gather [hbm4b:s7+s2], $0x80, v3, vm0, $0xb8;
	[tilespmem:$0xFD00] =	vst v63  }
0x5e: {  	_ = 	snop  }
0x5f: {  	[tilespmem:s13], [sflag:$0x1] =	stream.indirect_vreg.gather [hbm4b:s8+s2], $0x80, v3, vm1, $0xb8;
	[tilespmem:$0xFD00] =	vst v63  }
0x60: {  	v3 =	vld [tilespmem:$0x80];
	_ =	sdelay $0x4  }
0x61: {  	v62 =	vshrl.u32 v3, $0x3  }
0x62: {  	v4 =	vmul.u32 $0x48, v62  }
0x63: {  	v3 =	vand.u32 $0x7, v3  }
0x64: {  	v3 =	vor.u32 v3, v4  }
0x65: {  	v4 =	vperm.xlane v3, v0;
	_ =	sdelay $0x1  }
0x66: {  	v4 =	vadd.s32 v1, v4;
	_ =	sdelay $0x4  }
0x67: {  	[tilespmem:s14], [sflag:$0x2] =	stream.indirect_vreg.gather [hbm4b:s4+s2], $0x80, v4, vm0, $0xb8;
	[tilespmem:$0xFD00] =	vst v63  }
0x68: {  	_ = 	snop  }
0x69: {  	[tilespmem:s15], [sflag:$0x2] =	stream.indirect_vreg.gather [hbm4b:s5+s2], $0x80, v4, vm0, $0xb8;
	[tilespmem:$0xFD00] =	vst v63  }
0x6a: {  	v3 =	vperm.xlane v3, v2  }
0x6b: {  	[tilespmem:s16], [sflag:$0x2] =	stream.indirect_vreg.gather [hbm4b:s6+s2], $0x80, v4, vm0, $0xb8;
	[tilespmem:$0xFD00] =	vst v63  }
0x6c: {  	v3 =	vadd.s32 v1, v3  }
0x6d: {  	[tilespmem:s17], [sflag:$0x2] =	stream.indirect_vreg.gather [hbm4b:s7+s2], $0x80, v4, vm0, $0xb8;
	[tilespmem:$0xFD00] =	vst v63  }
0x6e: {  	_ = 	snop  }
0x6f: {  	[tilespmem:s18], [sflag:$0x2] =	stream.indirect_vreg.gather [hbm4b:s8+s2], $0x80, v4, vm1, $0xb8;
	[tilespmem:$0xFD00] =	vst v63  }
0x70: {  	_ = 	snop  }
0x71: {  	[tilespmem:s19], [sflag:$0x2] =	stream.indirect_vreg.gather [hbm4b:s4+s2], $0x80, v3, vm0, $0xb8;
	[tilespmem:$0xFD00] =	vst v63  }
0x72: {  	_ = 	snop  }
0x73: {  	[tilespmem:s20], [sflag:$0x2] =	stream.indirect_vreg.gather [hbm4b:s5+s2], $0x80, v3, vm0, $0xb8;
	[tilespmem:$0xFD00] =	vst v63  }
0x74: {  	_ = 	snop  }
0x75: {  	[tilespmem:s21], [sflag:$0x2] =	stream.indirect_vreg.gather [hbm4b:s6+s2], $0x80, v3, vm0, $0xb8;
	[tilespmem:$0xFD00] =	vst v63  }
0x76: {  	_ = 	snop  }
0x77: {  	[tilespmem:s22], [sflag:$0x2] =	stream.indirect_vreg.gather [hbm4b:s7+s2], $0x80, v3, vm0, $0xb8;
	[tilespmem:$0xFD00] =	vst v63  }
0x78: {  	_ = 	snop  }
0x79: {  	[tilespmem:s23], [sflag:$0x2] =	stream.indirect_vreg.gather [hbm4b:s8+s2], $0x80, v3, vm1, $0xb8;
	[tilespmem:$0xFD00] =	vst v63  }
0x7a: {  	v3 =	vld.msk [tilespmem:$0x90], $0xff;
	_ =	sdelay $0x4  }
0x7b: {  	v63 =	vshrl.u32 v3, $0x3  }
0x7c: {  	v4 =	vmul.u32 $0x48, v63  }
0x7d: {  	v3 =	vand.u32 $0x7, v3  }
0x7e: {  	v3 =	vor.u32 v3, v4  }
0x7f: {  	v3 =	vperm.xlane v3, v0;
	_ =	sdelay $0x1  }
0x80: {  	v3 =	vadd.s32 v1, v3;
	_ =	sdelay $0x4  }
0x81: {  	[tilespmem:s24], [sflag:$0x2] =	stream.indirect_vreg.gather [hbm4b:s4+s2], $0x80, v3, vm0, $0xb8;
	[tilespmem:$0xFD00] =	vst v63  }
0x82: {  	_ = 	snop  }
0x83: {  	[tilespmem:s25], [sflag:$0x2] =	stream.indirect_vreg.gather [hbm4b:s5+s2], $0x80, v3, vm0, $0xb8;
	[tilespmem:$0xFD00] =	vst v63  }
0x84: {  	_ = 	snop  }
0x85: {  	[tilespmem:s26], [sflag:$0x2] =	stream.indirect_vreg.gather [hbm4b:s6+s2], $0x80, v3, vm0, $0xb8;
	[tilespmem:$0xFD00] =	vst v63  }
0x86: {  	_ = 	snop  }
0x87: {  	[tilespmem:s28], [sflag:$0x2] =	stream.indirect_vreg.gather [hbm4b:s7+s2], $0x80, v3, vm0, $0xb8;
	[tilespmem:$0xFD00] =	vst v63  }
0x88: {  	_ = 	snop  }
0x89: {  	[tilespmem:s29], [sflag:$0x2] =	stream.indirect_vreg.gather [hbm4b:s8+s2], $0x80, v3, vm1, $0xb8;
	[tilespmem:$0xFD00] =	vst v63  }
0x8a: {  	_ =	swait.ge [sflag:s30], $0x9000  }
0x8b: {  	[sflag:s30] =	ssyncset.done $0x0  }
0x8c: {  	[sflag:s30] =	ssyncadd.s32 $0xFFFF7000  }
0x8d: {  	[hbm4b:s3+s2] =	stream.linear.scatter [tilespmem:s11], [sflag:$0x3], $0x9000, $0x38;
	[tilespmem:$0xFD00] =	vst v63  }
0x8e: {  	_ =	swait.ge [sflag:s31], $0x6C00  }
0x8f: {  	[sflag:s31] =	ssyncset.done $0x0  }
0x90: {  	s12 =	rddreg [dreg:$0x5];
	[sflag:s31] =	ssyncadd.s32 $0xFFFF9400  }
0x91: {  	[hbm4b:s12+s2] =	stream.linear.scatter [tilespmem:s14], [sflag:$0x3], $0x6C00, $0x38;
	[tilespmem:$0xFD00] =	vst v63  }
0x92: {  	p0 =	sne.s32 s9, $0x1;
	_ =	swait.ge [sflag:s1], $0x9000  }
.Ltmp0:
0x93: {  	[sflag:s1] =	ssyncset.done $0x0;
	(pc) =	sbr.rel @p0 .LBB2_1-.Ltmp0, $4  }
0x94: {  	[sflag:s1] =	ssyncadd.s32 $0xFFFF7000  }
0x95: {  	_ =	swait.ge [sflag:s1], $0x6C00  }
0x96: {  	[sflag:s1] =	ssyncset.done $0x0  }
0x97: {  	s9 =	sadd.s32 $0xFFFFFFFF, s9;
	[sflag:s1] =	ssyncadd.s32 $0xFFFF9400  }
0x98: {  	_ =	sfence.sel $0x180000  }
0x99: {  	[bflag:$0x0] =	sbarrier.arrive $0xFFFF  }
0x9a: {  	_ =	strace $0x90000047  }
0x9b: {  	s0 =	stileid.u32;
	[bflag:$0x2] =	sbarrier.arrive $0xFFFF  }
0x9c: {  	p0 =	sne.s32 s0, $0x0;
	s0 =	rddreg [dreg:$0x2]  }
0x9d: {  	s0 =	sadd.s32 @!p0 $0x100000, s0  }
0x9e: {  	[sflag:s0] =	ssyncadd.tile.s32 @!p0 $0x1;
	_ =	shalt  }
.Lfunc_end2:
_tile_overlayer_lowered:
.L_overlay_start_2:
0x9f: {  	(tag) =	ssettag $0x2  }
0xa0: {  	s0 =	rddreg [dreg:$0x0];
	s2 =	stileid.u32  }
0xa1: {  	s1 =	rddreg [dreg:$0x1];
	p0 =	sne.s32 s2, $0x0  }
0xa2: {  	s3 =	rddreg [dreg:$0x2];
	[bflag:$0x3] =	sbarrier.arrive $0xFFFF;
	s2 =	simm.s32 @!p0 $0x1C04  }
0xa3: {  	[timem:s3], [sflag:s2] =	dma.local @!p0 [hbm:s0], s1  }
0xa4: {  	s0 =	simm.s32 @!p0 $0x4  }
0xa5: {  	_ =	swait.ge @!p0 [sflag:s0], s1  }
0xa6: {  	s1 =	ssub.s32 @!p0 $0x0, s1;
	[sflag:s0] =	ssyncset.done @!p0 $0x0  }
0xa7: {  	[sflag:s0] =	ssyncadd.s32 @!p0 s1  }
0xa8: {  	[bflag:$0x3] =	sbarrier.arrive $0xFFFF  }
0xa9: {  	_ =	shalt  }

// kernel: kernel.16.cloned.1.call-start
scs
__scs_entry_jumppad:
0x0: {  	(pc) =	sbr.rel $0x88, $3  }
0x1: {  	(tag) =	ssettag $0x0;
	lr =	simm.s32 $0x1  }
0x2: {  	[smem:$0x3F9D] =	sst lr;
	_ =	strace $0xD0000000  }
0x3: {  	_ = 	snop  }
0x4: {  	_ = 	snop  }
0x5: {  	_ = 	snop  }
0x6: {  	_ = 	snop  }
0x7: {  	_ = 	snop  }
__scs_overlays_trampoline_lowered:
0x8: {  	[smem:$0x3FAC] =	sst s0  }
0x9: {  	[smem:$0x3FAD] =	sst s1  }
0xa: {  	[smem:$0x3FAE] =	sst s2  }
0xb: {  	[smem:$0x3FAF] =	sst s3  }
0xc: {  	[smem:$0x3FB0] =	sst s4  }
0xd: {  	[smem:$0x3FB1] =	sst s5  }
0xe: {  	[smem:$0x3FB2] =	sst s6  }
0xf: {  	[smem:$0x3FB3] =	sst s7  }
0x10: {  	[smem:$0x3FB4] =	sst s8  }
0x11: {  	[smem:$0x3FB5] =	sst s9;
	s0 =	simm.s32 @!p0 $0x0  }
0x12: {  	s1 =	sld [smem:$0x3F9B];
	s0 =	simm.s32 @p0 $0x1  }
0x13: {  	[smem:$0x3FB6] =	sst s0;
	s0 =	simm.s32 @!p1 $0x0  }
0x14: {  	s2 =	sld [smem:$0x3F9A];
	s0 =	simm.s32 @p1 $0x1  }
0x15: {  	[smem:$0x3FB7] =	sst s0;
	s0 =	simm.s32 @!p2 $0x0  }
0x16: {  	s3 =	sld [smem:$0x3FDB];
	s0 =	simm.s32 @p2 $0x1  }
0x17: {  	s4 =	simm.s32 $0x1BF5;
	[smem:$0x3FB9] =	sst s0  }
0x18: {  	s0 =	sld [smem:$0x3F9C];
	_ =	swait.ge [sflag:s4], $0x0  }
0x19: {  	s7 =	sld [smem:$0x3F9D]  }
0x1a: {  	s8 =	sadd.s32 $0xFFFFE003, lr  }
0x1b: {  	s9 =	sadd.s32 $0xFFFFFEF7, lr;
	s5 =	simm.s32 $0xFFFFFFFF;
	p2 =	slt.u32 s8, $0xFFFFF086  }
0x1c: {  	p1 =	slt.u32 s9, $0xF7A;
	s5 =	simm.s32 @!p2 $0x0  }
0x1d: {  	s5 =	simm.s32 @p1 $0x1;
	p0 =	seq.s32 s7, s2  }
0x1e: {  	s7 =	smul.u32 @!p0 $0xF7A, s2;
	p2 =	seq.s32 @!p0 s5, $0x0  }
0x1f: {  	s9 =	smul.u32 $0xF7A, s1;
	s8 =	simm.s32 @!p0 $0x1BF5;
	p2 =	por !p2, p0  }
0x20: {  	[sflag:s8] =	ssyncset.s32 @!p0 $0xFFFFF086;
	s6 =	sadd.s32 @!p0 s3, s7;
	s7 =	simm.s32 @!p0 $0x108  }
0x21: {  	s3 =	sadd.s32 s3, s9;
	s6 =	sadd.s32 @!p0 $0x88, s6;
	s7 =	simm.s32 @p2 $0x1082  }
0x22: {  	[simem:s7], [sflag:s8] =	dma.local @!p0 [hbm:s6], $0xF7A  }
0x23: {  	s9 =	sor.u32 $0xD0000000, s2;
	s6 =	simm.s32 $0x108;
	_ =	swait.ge @!p0 [sflag:s8], $0x0  }
0x24: {  	s3 =	sadd.s32 $0x88, s3;
	s6 =	simm.s32 @!p1 $0x1082;
	[sflag:s4] =	ssyncset.s32 $0xFFFFF086  }
0x25: {  	[simem:s6], [sflag:s4] =	dma.local [hbm:s3], $0xF7A  }
0x26: {  	[smem:$0x3F9D] =	sst s1;
	(tag) =	ssettag s2;
	_ =	strace s9  }
0x27: {  	s1 =	sld [smem:$0x3FAD]  }
0x28: {  	s2 =	sld [smem:$0x3FAE]  }
0x29: {  	s4 =	sld [smem:$0x3FB0]  }
0x2a: {  	p0 =	seq.s32 s5, $0x0;
	s5 =	sld [smem:$0x3FB1]  }
0x2b: {  	s6 =	sld [smem:$0x3FB2]  }
0x2c: {  	s7 =	sld [smem:$0x3FB3]  }
0x2d: {  	s3 =	simm.s32 $0x108;
	s8 =	sld [smem:$0x3FB4]  }
0x2e: {  	s3 =	simm.s32 @!p0 $0x1082;
	s9 =	sld [smem:$0x3FB5]  }
0x2f: {  	lr =	sadd.s32 s0, s3;
	s0 =	sld [smem:$0x3FAC]  }
0x30: {  	s3 =	sld [smem:$0x3FAF]  }
0x31: {  	[smem:$0x3FB8] =	sst s10  }
0x32: {  	s10 =	sld [smem:$0x3FB6];
	_ =	sdelay $0x3  }
0x33: {  	p0 =	seq.s32 s10, $0x1;
	s10 =	sld [smem:$0x3FB8];
	_ =	sdelay $0x3  }
0x34: {  	[smem:$0x3FB8] =	sst s10  }
0x35: {  	s10 =	sld [smem:$0x3FB7];
	_ =	sdelay $0x3  }
0x36: {  	p1 =	seq.s32 s10, $0x1;
	s10 =	sld [smem:$0x3FB8];
	_ =	sdelay $0x3  }
0x37: {  	[smem:$0x3FB8] =	sst s10  }
0x38: {  	s10 =	sld [smem:$0x3FB9]  }
0x39: {  	_ = 	snop;
	(pc) =	sbr.ind lr, $3  }
0x3a: {  	_ = 	snop  }
0x3b: {  	_ = 	snop  }
0x3c: {  	p2 =	seq.s32 s10, $0x1;
	s10 =	sld [smem:$0x3FB8]  }
0x3d: {  	_ =	shalt  }
0x3e: {  	_ =	shalt  }
0x3f: {  	_ =	shalt  }
0x40: {  	_ =	shalt  }
0x41: {  	_ =	shalt  }
0x42: {  	_ =	shalt  }
0x43: {  	_ =	shalt  }
0x44: {  	_ =	shalt  }
0x45: {  	_ =	shalt  }
0x46: {  	_ =	shalt  }
0x47: {  	_ =	shalt  }
0x48: {  	_ =	shalt  }
0x49: {  	_ =	shalt  }
0x4a: {  	_ =	shalt  }
0x4b: {  	_ =	shalt  }
0x4c: {  	_ =	shalt  }
0x4d: {  	_ =	shalt  }
0x4e: {  	_ =	shalt  }
0x4f: {  	_ =	shalt  }
0x50: {  	_ =	shalt  }
0x51: {  	_ =	shalt  }
0x52: {  	_ =	shalt  }
0x53: {  	_ =	shalt  }
0x54: {  	_ =	shalt  }
0x55: {  	_ =	shalt  }
0x56: {  	_ =	shalt  }
0x57: {  	_ =	shalt  }
0x58: {  	_ =	shalt  }
0x59: {  	_ =	shalt  }
0x5a: {  	_ =	shalt  }
0x5b: {  	_ =	shalt  }
0x5c: {  	_ =	shalt  }
0x5d: {  	_ =	shalt  }
0x5e: {  	_ =	shalt  }
0x5f: {  	_ =	shalt  }
0x60: {  	_ =	shalt  }
0x61: {  	_ =	shalt  }
0x62: {  	_ =	shalt  }
0x63: {  	_ =	shalt  }
0x64: {  	_ =	shalt  }
0x65: {  	_ =	shalt  }
0x66: {  	_ =	shalt  }
0x67: {  	_ =	shalt  }
0x68: {  	_ =	shalt  }
0x69: {  	_ =	shalt  }
0x6a: {  	_ =	shalt  }
0x6b: {  	_ =	shalt  }
0x6c: {  	_ =	shalt  }
0x6d: {  	_ =	shalt  }
0x6e: {  	_ =	shalt  }
0x6f: {  	_ =	shalt  }
0x70: {  	_ =	shalt  }
0x71: {  	_ =	shalt  }
0x72: {  	_ =	shalt  }
0x73: {  	_ =	shalt  }
0x74: {  	_ =	shalt  }
0x75: {  	_ =	shalt  }
0x76: {  	_ =	shalt  }
0x77: {  	_ =	shalt  }
0x78: {  	_ =	shalt  }
0x79: {  	_ =	shalt  }
0x7a: {  	_ =	shalt  }
0x7b: {  	_ =	shalt  }
0x7c: {  	_ =	shalt  }
0x7d: {  	_ =	shalt  }
0x7e: {  	_ =	shalt  }
0x7f: {  	_ =	shalt  }
0x80: {  	_ =	shalt  }
0x81: {  	_ =	shalt  }
0x82: {  	_ =	shalt  }
0x83: {  	_ =	shalt  }
0x84: {  	_ =	shalt  }
0x85: {  	_ =	shalt  }
0x86: {  	_ =	shalt  }
0x87: {  	_ =	shalt  }
.Lfunc_end0:
.L_simem_size_0:
called_computation.1_lowered:
.L_overlay_start_0:
0x88: {  	s2 =	sld [smem:$0x3FD9]  }
0x89: {  	s3 =	sld [smem:$0x3FFE];
	_ =	sdelay $0x1  }
0x8a: {  	s1 =	srdreg.scid  }
0x8b: {  	s0 =	sand.u32 $0x1, s1  }
0x8c: {  	s17 =	sshll.u32 s0, $0xA;
	s2 =	sadd.s32 s3, s2  }
0x8d: {  	s2 =	sadd.s32 s2, s17  }
0x8e: {  	[smem:$0x3FC4] =	sst s2  }
0x8f: {  	_ = 	snop  }
0x90: {  	(tm) =	ssettm $0x1  }
0x91: {  	s18 =	sld [smem:$0x3FFB];
	_ =	sdelay $0x3  }
0x92: {  	_ =	strace s18  }
0x93: {  	s2 =	sld [smem:$0x3FFC];
	_ =	sdelay $0x3  }
0x94: {  	_ =	strace s2  }
0x95: {  	s2 =	sld [smem:$0x3FFD];
	_ =	sdelay $0x3  }
0x96: {  	_ =	strace s2  }
0x97: {  	_ =	strace $0x8FFFFFFF  }
0x98: {  	s19 =	sld [smem:$0x3FDB];
	_ =	sdelay $0x1  }
0x99: {  	s20 =	simm.s32 $_scs_section_size  }
0x9a: {  	s4 =	simm.s32 $_size__tile_overlayer_lowered;
	s5 =	simm.s32 $_tile_overlayer_lowered  }
0x9b: {  	s6 =	simm.s32 $0x1BFF;
	s21 =	sshll.u32 s5, $0x1;
	s3 =	sadd.s32 s20, s19  }
0x9c: {  	s22 =	simm.s32 $0x0;
	s4 =	sshll.u32 s4, $0x1;
	s5 =	sadd.s32 s21, s3  }
0x9d: {  	[timem:s22], [sflag:s6] =	dma.local [hbm:s5], s4  }
0x9e: {  	_ =	swait.ge [sflag:s6], s4  }
0x9f: {  	s4 =	ssub.s32 $0x0, s4;
	[sflag:s6] =	ssyncset.done $0x0  }
0xa0: {  	[sflag:s6] =	ssyncadd.s32 s4;
	_ =	sdelay $0x1  }
0xa1: {  	s23 =	simm.s32 $0x1B8B  }
0xa2: {  	_ =	swait.ge [sflag:s23], $0x1  }
0xa3: {  	[sflag:s23] =	ssyncset.done $0x0  }
0xa4: {  	[sflag:s23] =	ssyncadd.s32 $0xFFFFFFFF  }
0xa5: {  	s4 =	sld [smem:$0x0]  }
0xa6: {  	s5 =	sand.u32 $0xFFFFFFFE, s1  }
0xa7: {  	p0 =	sne.s32 s1, s5  }
0xa8: {  	s5 =	sshll.u32 @p0 s5, $0xE  }
0xa9: {  	s5 =	sadd.s32 @p0 $0x11B8D, s5;
	s6 =	sshll.u32 @p0 s4, $0x11  }
0xaa: {  	s5 =	sor.u32 @p0 s6, s5  }
0xab: {  	[sflag:s5] =	ssyncadd.remote.s32 @p0 $0x1;
	_ =	sdelay $0x1  }
0xac: {  	s5 =	simm.s32 @p0 $0x1B8D  }
0xad: {  	_ =	swait.eq @p0 [sflag:s5], $0x1  }
0xae: {  	[sflag:s5] =	ssyncadd.s32 @p0 $0xFFFFFFFF  }
0xaf: {  	s6 =	sshll.u32 @!p0 s1, $0xE  }
0xb0: {  	s6 =	sor.u32 @!p0 $0x4000, s6;
	s5 =	simm.s32 @!p0 $0x1B8D  }
0xb1: {  	s4 =	sshll.u32 @!p0 s4, $0x11;
	s6 =	sadd.s32 @!p0 $0x11B8D, s6;
	_ =	swait.eq @!p0 [sflag:s5], $0x1  }
0xb2: {  	s4 =	sor.u32 @!p0 s4, s6;
	[sflag:s5] =	ssyncadd.s32 @!p0 $0xFFFFFFFF  }
0xb3: {  	s25 =	simm.s32 $0x1B8E;
	s24 =	sld [smem:$0x3FFE];
	[sflag:s4] =	ssyncadd.remote.s32 @!p0 $0x1  }
0xb4: {  	s26 =	simm.s32 $execute0_lowered;
	[smem:$0x3FD2] =	sst s25  }
0xb5: {  	s5 =	sshll.u32 s26, $0x1;
	_ =	strace $0x80000049;
	[dreg:$0x1] =	wrdreg $0xFFFFFFFF  }
0xb6: {  	s28 =	simm.s32 $_size_execute0_lowered;
	s3 =	sadd.s32 s3, s5;
	[dreg:$0x0] =	wrdreg $0x0  }
0xb7: {  	s5 =	sshll.u32 s28, $0x1;
	[dreg:$0x2] =	wrdreg s3  }
0xb8: {  	[dreg:$0x3] =	wrdreg s5  }
0xb9: {  	[dreg:$0x4] =	wrdreg $0xC0  }
0xba: {  	_ =	task [dreg:s22], $0x5FFFF  }
0xbb: {  	[dreg:$0x1] =	wrdreg $0xFFFFFFFF  }
0xbc: {  	[dreg:$0x0] =	wrdreg $0x60  }
0xbd: {  	[dreg:$0x2] =	wrdreg s24  }
0xbe: {  	[dreg:$0x3] =	wrdreg $0xA  }
0xbf: {  	_ =	task.clear_ibuf [dreg:s22], $0x4FFFF;
	_ =	strace $0x90000049  }
0xc0: {  	s29 =	simm.s32 $0xA;
	_ =	strace $0x8000004B  }
0xc1: {  	_ =	swait.ge [sflag:s29], $0x1  }
0xc2: {  	[sflag:s29] =	ssyncadd.s32 $0xFFFFFFFF  }
0xc3: {  	_ =	strace $0x9000004B  }
0xc4: {  	_ =	sfence  }
0xc5: {  	s30 =	sld [smem:$0x0];
	_ =	sdelay $0x2  }
0xc6: {  	s31 =	sshll.u32 s1, $0xD;
	s1 =	sshrl.u32 s1, $0x2  }
0xc7: {  	s4 =	sand.u32 $0x4000, s31;
	s1 =	sadd.s32 s1, s30  }
0xc8: {  	s0 =	sor.u32 s4, s0;
	s1 =	sshll.u32 s1, $0x11  }
0xc9: {  	s0 =	sor.u32 s1, s0  }
0xca: {  	s0 =	sadd.s32 $0x8F2B, s0  }
0xcb: {  	[sflag:s0] =	ssyncadd.remote.s32 $0x1  }
0xcc: {  	_ =	sfence.sel $0xFFFF  }
0xcd: {  	[dreg:$0x0] =	wrdreg $0xFFFFFFFF;
	(pc) =	sbr.abs _section_cstart, $3  }
0xce: {  	[dreg:$0x1] =	wrdreg $0xFFFFFFFF  }
0xcf: {  	_ =	task.clear_ibuf [dreg:s22], $0x2FFFF;
	_ =	strace $0x9FFFFFFF  }
0xd0: {  	(tm) =	ssettm $0x7FFFFFFF  }
0xd1: {  	_ =	shalt  }
tec
execute0_lowered:
.L_overlay_start_1:
0x0: {  	(tag) =	ssettag $0x1  }
0x1: {  	s1 =	srdreg.scid;
	s0 =	stileid.u32  }
0x2: {  	s1 =	sand.u32 $0x1, s1;
	s2 =	sshll.u32 s0, $0x1  }
0x3: {  	s2 =	sor.u32 s1, s2  }
0x4: {  	s2 =	smul.u32 $0x38, s2;
	_ =	sdelay $0x1  }
0x5: {  	s7 =	rddreg [dreg:$0x0];
	s3 =	smin.u32 s2, $0x608;
	s2 =	simm.s32 $0x0  }
0x6: {  	s12 =	simm.s32 $0x80;
	[smem:$0x7FF] =	sst s2  }
0x7: {  	s13 =	simm.s32 $0x900;
	_ =	strace $0x8000004A;
	[dreg:$0x6] =	wrdreg s12  }
0x8: {  	s14 =	simm.s32 $0x1100;
	[dreg:$0x7] =	wrdreg s13  }
0x9: {  	s15 =	simm.s32 $0x1900;
	s16 =	simm.s32 $0x2100;
	[dreg:$0x8] =	wrdreg s14  }
0xa: {  	s17 =	simm.s32 $0x2500;
	s18 =	simm.s32 $0x2D00;
	[dreg:$0x9] =	wrdreg s15  }
0xb: {  	s19 =	simm.s32 $0x3500;
	s20 =	simm.s32 $0x3D00;
	[dreg:$0xa] =	wrdreg s16  }
0xc: {  	s21 =	simm.s32 $0x4500;
	s23 =	simm.s32 $0x4900;
	[dreg:$0xb] =	wrdreg s17  }
0xd: {  	s24 =	simm.s32 $0x5100;
	s6 =	simm.s32 $0x5900;
	[dreg:$0xc] =	wrdreg s18  }
0xe: {  	s8 =	simm.s32 $0x6100;
	s25 =	simm.s32 $0x6900;
	[dreg:$0xd] =	wrdreg s19  }
0xf: {  	s9 =	simm.s32 $0x6D00;
	s26 =	simm.s32 $0x7500;
	[dreg:$0xe] =	wrdreg s20  }
0x10: {  	s10 =	simm.s32 $0x100;
	s28 =	simm.s32 $0xF100;
	[dreg:$0xf] =	wrdreg s21  }
0x11: {  	s29 =	simm.s32 $0xF900;
	s1 =	ssub.s32 $0x2, s1;
	[dreg:$0x10] =	wrdreg s23  }
0x12: {  	s30 =	simm.s32 $0x1;
	s22 =	sshrl.u32 s1, $0x1;
	[dreg:$0x11] =	wrdreg s24  }
0x13: {  	s31 =	simm.s32 $0x2;
	s1 =	ssub.s32 s1, s22;
	[dreg:$0x12] =	wrdreg s6  }
0x14: {  	s22 =	simm.s32 $0xCD00;
	s3 =	sshrl.u32 s3, $0x3;
	[dreg:$0x13] =	wrdreg s8  }
0x15: {  	s4 =	sadd.s32 s3, s7;
	s3 =	smul.u32 $0x480, s3;
	[dreg:$0x14] =	wrdreg s25  }
0x16: {  	s6 =	sadd.s32 $0x3300, s7;
	s8 =	smax.u32 s1, $0x1;
	[dreg:$0x15] =	wrdreg s9  }
0x17: {  	s9 =	simm.s32 $0x4;
	[dreg:$0x16] =	wrdreg s26;
	s12 =	simm.s32 $0x8500  }
0x18: {  	s13 =	simm.s32 $0x8D00;
	s14 =	simm.s32 $0x9100;
	s15 =	simm.s32 $0x9900  }
0x19: {  	s16 =	simm.s32 $0xA100;
	s17 =	simm.s32 $0xA900;
	s18 =	simm.s32 $0xB100  }
0x1a: {  	s19 =	simm.s32 $0xB500;
	s20 =	simm.s32 $0xBD00;
	s21 =	simm.s32 $0xC500  }
0x1b: {  	s23 =	simm.s32 $0xD500;
	s24 =	simm.s32 $0xD900;
	s25 =	simm.s32 $0xE100  }
0x1c: {  	s26 =	simm.s32 $0xE900;
	s1 =	simm.s32 $0x3;
	s5 =	sadd.s32 $0x26A00, s4  }
0x1d: {  	s4 =	sadd.s32 $0x26A04, s4;
	s3 =	sadd.s32 s3, s7;
	[dreg:$0x2] =	wrdreg s5  }
0x1e: {  	v2 =	vlaneseq.u32;
	[dreg:$0x3] =	wrdreg s4;
	s4 =	sadd.s32 $0x3100, s7;
	s11 =	sadd.s32 $0x26C00, s3  }
0x1f: {  	vm0 =	vmmov $0xffff;
	vm1 =	vmmov $0xff;
	v1 =	vshrl.u32 v2, $0x3;
	s5 =	sadd.s32 $0x3200, s7;
	s3 =	sadd.s32 $0x27E00, s3;
	[dreg:$0x4] =	wrdreg s11  }
0x20: {  	v0 =	vand.u32 $0x7, v2;
	v2 =	vor.u32 $0x8, v2;
	v1 =	vmul.u32 $0x8, v1;
	[dreg:$0x5] =	wrdreg s3;
	s3 =	sadd.s32 $0x3000, s7;
	s7 =	sadd.s32 $0x3400, s7  }
.LBB2_1:
0x21: {  	s0 =	rddreg [dreg:$0x2]  }
0x22: {  	[tilespmem:s2], [sflag:$0x4] =	stream.linear.gather [hbm4b:s0+s2], $0x20, $0x38;
	[tilespmem:$0xFD00] =	vst v63  }
0x23: {  	_ =	swait.ge [sflag:s9], $0x20  }
0x24: {  	s0 =	rddreg [dreg:$0x3];
	[sflag:s9] =	ssyncset.done $0x0  }
0x25: {  	s11 =	rddreg [dreg:$0x6];
	[sflag:s9] =	ssyncadd.s32 $0xFFFFFFE0  }
0x26: {  	[tilespmem:s11], [sflag:$0x4] =	stream.linear.gather [hbm4b:s0+s2], $0x18, $0x38;
	[tilespmem:$0xFD00] =	vst v63  }
0x27: {  	_ =	swait.ge [sflag:s9], $0x18  }
0x28: {  	[sflag:s9] =	ssyncset.done $0x0  }
0x29: {  	[sflag:s9] =	ssyncadd.s32 $0xFFFFFFE8  }
0x2a: {  	v3 =	vld [tilespmem:$0x0];
	_ =	sdelay $0x4  }
0x2b: {  	v4 =	vshrl.u32 v3, $0x3  }
0x2c: {  	v4 =	vmul.u32 $0x48, v4  }
0x2d: {  	v3 =	vand.u32 $0x7, v3  }
0x2e: {  	v3 =	vor.u32 v3, v4  }
0x2f: {  	v4 =	vperm.xlane v3, v0;
	_ =	sdelay $0x1  }
0x30: {  	v4 =	vadd.s32 v1, v4;
	_ =	sdelay $0x4  }
0x31: {  	[tilespmem:s10], [sflag:$0x1] =	stream.indirect_vreg.gather [hbm4b:s3+s2], $0x80, v4, vm0, $0xb8;
	[tilespmem:$0xFD00] =	vst v63  }
0x32: {  	s0 =	rddreg [dreg:$0x7]  }
0x33: {  	[tilespmem:s0], [sflag:$0x1] =	stream.indirect_vreg.gather [hbm4b:s4+s2], $0x80, v4, vm0, $0xb8;
	[tilespmem:$0xFD00] =	vst v63  }
0x34: {  	s11 =	rddreg [dreg:$0x8];
	v3 =	vperm.xlane v3, v2  }
0x35: {  	[tilespmem:s11], [sflag:$0x1] =	stream.indirect_vreg.gather [hbm4b:s5+s2], $0x80, v4, vm0, $0xb8;
	[tilespmem:$0xFD00] =	vst v63  }
0x36: {  	v3 =	vadd.s32 v1, v3;
	s0 =	rddreg [dreg:$0x9]  }
0x37: {  	[tilespmem:s0], [sflag:$0x1] =	stream.indirect_vreg.gather [hbm4b:s6+s2], $0x80, v4, vm0, $0xb8;
	[tilespmem:$0xFD00] =	vst v63  }
0x38: {  	s11 =	rddreg [dreg:$0xa]  }
0x39: {  	[tilespmem:s11], [sflag:$0x1] =	stream.indirect_vreg.gather [hbm4b:s7+s2], $0x80, v4, vm1, $0xb8;
	[tilespmem:$0xFD00] =	vst v63  }
0x3a: {  	s0 =	rddreg [dreg:$0xb]  }
0x3b: {  	[tilespmem:s0], [sflag:$0x1] =	stream.indirect_vreg.gather [hbm4b:s3+s2], $0x80, v3, vm0, $0xb8;
	[tilespmem:$0xFD00] =	vst v63  }
0x3c: {  	s11 =	rddreg [dreg:$0xc]  }
0x3d: {  	[tilespmem:s11], [sflag:$0x1] =	stream.indirect_vreg.gather [hbm4b:s4+s2], $0x80, v3, vm0, $0xb8;
	[tilespmem:$0xFD00] =	vst v63  }
0x3e: {  	s0 =	rddreg [dreg:$0xd]  }
0x3f: {  	[tilespmem:s0], [sflag:$0x1] =	stream.indirect_vreg.gather [hbm4b:s5+s2], $0x80, v3, vm0, $0xb8;
	[tilespmem:$0xFD00] =	vst v63  }
0x40: {  	s11 =	rddreg [dreg:$0xe]  }
0x41: {  	[tilespmem:s11], [sflag:$0x1] =	stream.indirect_vreg.gather [hbm4b:s6+s2], $0x80, v3, vm0, $0xb8;
	[tilespmem:$0xFD00] =	vst v63  }
0x42: {  	s0 =	rddreg [dreg:$0xf]  }
0x43: {  	[tilespmem:s0], [sflag:$0x1] =	stream.indirect_vreg.gather [hbm4b:s7+s2], $0x80, v3, vm1, $0xb8;
	[tilespmem:$0xFD00] =	vst v63  }
0x44: {  	v3 =	vld [tilespmem:$0x10];
	_ =	sdelay $0x4  }
0x45: {  	v61 =	vshrl.u32 v3, $0x3  }
0x46: {  	v4 =	vmul.u32 $0x48, v61  }
0x47: {  	v3 =	vand.u32 $0x7, v3  }
0x48: {  	v3 =	vor.u32 v3, v4  }
0x49: {  	v4 =	vperm.xlane v3, v0;
	_ =	sdelay $0x1  }
0x4a: {  	v4 =	vadd.s32 v1, v4;
	_ =	sdelay $0x3  }
0x4b: {  	s0 =	rddreg [dreg:$0x10]  }
0x4c: {  	[tilespmem:s0], [sflag:$0x1] =	stream.indirect_vreg.gather [hbm4b:s3+s2], $0x80, v4, vm0, $0xb8;
	[tilespmem:$0xFD00] =	vst v63  }
0x4d: {  	s11 =	rddreg [dreg:$0x11]  }
0x4e: {  	[tilespmem:s11], [sflag:$0x1] =	stream.indirect_vreg.gather [hbm4b:s4+s2], $0x80, v4, vm0, $0xb8;
	[tilespmem:$0xFD00] =	vst v63  }
0x4f: {  	v3 =	vperm.xlane v3, v2;
	s0 =	rddreg [dreg:$0x12]  }
0x50: {  	[tilespmem:s0], [sflag:$0x1] =	stream.indirect_vreg.gather [hbm4b:s5+s2], $0x80, v4, vm0, $0xb8;
	[tilespmem:$0xFD00] =	vst v63  }
0x51: {  	v3 =	vadd.s32 v1, v3;
	s11 =	rddreg [dreg:$0x13]  }
0x52: {  	[tilespmem:s11], [sflag:$0x1] =	stream.indirect_vreg.gather [hbm4b:s6+s2], $0x80, v4, vm0, $0xb8;
	[tilespmem:$0xFD00] =	vst v63  }
0x53: {  	s0 =	rddreg [dreg:$0x14]  }
0x54: {  	[tilespmem:s0], [sflag:$0x1] =	stream.indirect_vreg.gather [hbm4b:s7+s2], $0x80, v4, vm1, $0xb8;
	[tilespmem:$0xFD00] =	vst v63  }
0x55: {  	s11 =	rddreg [dreg:$0x15]  }
0x56: {  	[tilespmem:s11], [sflag:$0x1] =	stream.indirect_vreg.gather [hbm4b:s3+s2], $0x80, v3, vm0, $0xb8;
	[tilespmem:$0xFD00] =	vst v63  }
0x57: {  	s0 =	rddreg [dreg:$0x16]  }
0x58: {  	[tilespmem:s0], [sflag:$0x1] =	stream.indirect_vreg.gather [hbm4b:s4+s2], $0x80, v3, vm0, $0xb8;
	[tilespmem:$0xFD00] =	vst v63  }
0x59: {  	s11 =	simm.s32 $0x7D00  }
0x5a: {  	[tilespmem:s11], [sflag:$0x1] =	stream.indirect_vreg.gather [hbm4b:s5+s2], $0x80, v3, vm0, $0xb8;
	[tilespmem:$0xFD00] =	vst v63  }
0x5b: {  	_ = 	snop  }
0x5c: {  	[tilespmem:s12], [sflag:$0x1] =	stream.indirect_vreg.gather [hbm4b:s6+s2], $0x80, v3, vm0, $0xb8;
	[tilespmem:$0xFD00] =	vst v63  }
0x5d: {  	_ = 	snop  }
0x5e: {  	[tilespmem:s13], [sflag:$0x1] =	stream.indirect_vreg.gather [hbm4b:s7+s2], $0x80, v3, vm1, $0xb8;
	[tilespmem:$0xFD00] =	vst v63  }
0x5f: {  	v3 =	vld [tilespmem:$0x80];
	_ =	sdelay $0x4  }
0x60: {  	v62 =	vshrl.u32 v3, $0x3  }
0x61: {  	v4 =	vmul.u32 $0x48, v62  }
0x62: {  	v3 =	vand.u32 $0x7, v3  }
0x63: {  	v3 =	vor.u32 v3, v4  }
0x64: {  	v4 =	vperm.xlane v3, v0;
	_ =	sdelay $0x1  }
0x65: {  	v4 =	vadd.s32 v1, v4;
	_ =	sdelay $0x4  }
0x66: {  	[tilespmem:s14], [sflag:$0x2] =	stream.indirect_vreg.gather [hbm4b:s3+s2], $0x80, v4, vm0, $0xb8;
	[tilespmem:$0xFD00] =	vst v63  }
0x67: {  	_ = 	snop  }
0x68: {  	[tilespmem:s15], [sflag:$0x2] =	stream.indirect_vreg.gather [hbm4b:s4+s2], $0x80, v4, vm0, $0xb8;
	[tilespmem:$0xFD00] =	vst v63  }
0x69: {  	v3 =	vperm.xlane v3, v2  }
0x6a: {  	[tilespmem:s16], [sflag:$0x2] =	stream.indirect_vreg.gather [hbm4b:s5+s2], $0x80, v4, vm0, $0xb8;
	[tilespmem:$0xFD00] =	vst v63  }
0x6b: {  	v3 =	vadd.s32 v1, v3  }
0x6c: {  	[tilespmem:s17], [sflag:$0x2] =	stream.indirect_vreg.gather [hbm4b:s6+s2], $0x80, v4, vm0, $0xb8;
	[tilespmem:$0xFD00] =	vst v63  }
0x6d: {  	_ = 	snop  }
0x6e: {  	[tilespmem:s18], [sflag:$0x2] =	stream.indirect_vreg.gather [hbm4b:s7+s2], $0x80, v4, vm1, $0xb8;
	[tilespmem:$0xFD00] =	vst v63  }
0x6f: {  	_ = 	snop  }
0x70: {  	[tilespmem:s19], [sflag:$0x2] =	stream.indirect_vreg.gather [hbm4b:s3+s2], $0x80, v3, vm0, $0xb8;
	[tilespmem:$0xFD00] =	vst v63  }
0x71: {  	_ = 	snop  }
0x72: {  	[tilespmem:s20], [sflag:$0x2] =	stream.indirect_vreg.gather [hbm4b:s4+s2], $0x80, v3, vm0, $0xb8;
	[tilespmem:$0xFD00] =	vst v63  }
0x73: {  	_ = 	snop  }
0x74: {  	[tilespmem:s21], [sflag:$0x2] =	stream.indirect_vreg.gather [hbm4b:s5+s2], $0x80, v3, vm0, $0xb8;
	[tilespmem:$0xFD00] =	vst v63  }
0x75: {  	_ = 	snop  }
0x76: {  	[tilespmem:s22], [sflag:$0x2] =	stream.indirect_vreg.gather [hbm4b:s6+s2], $0x80, v3, vm0, $0xb8;
	[tilespmem:$0xFD00] =	vst v63  }
0x77: {  	_ = 	snop  }
0x78: {  	[tilespmem:s23], [sflag:$0x2] =	stream.indirect_vreg.gather [hbm4b:s7+s2], $0x80, v3, vm1, $0xb8;
	[tilespmem:$0xFD00] =	vst v63  }
0x79: {  	v3 =	vld.msk [tilespmem:$0x90], $0xff;
	_ =	sdelay $0x4  }
0x7a: {  	v63 =	vshrl.u32 v3, $0x3  }
0x7b: {  	v4 =	vmul.u32 $0x48, v63  }
0x7c: {  	v3 =	vand.u32 $0x7, v3  }
0x7d: {  	v3 =	vor.u32 v3, v4  }
0x7e: {  	v3 =	vperm.xlane v3, v0;
	_ =	sdelay $0x1  }
0x7f: {  	v3 =	vadd.s32 v1, v3;
	_ =	sdelay $0x4  }
0x80: {  	[tilespmem:s24], [sflag:$0x2] =	stream.indirect_vreg.gather [hbm4b:s3+s2], $0x80, v3, vm0, $0xb8;
	[tilespmem:$0xFD00] =	vst v63  }
0x81: {  	_ = 	snop  }
0x82: {  	[tilespmem:s25], [sflag:$0x2] =	stream.indirect_vreg.gather [hbm4b:s4+s2], $0x80, v3, vm0, $0xb8;
	[tilespmem:$0xFD00] =	vst v63  }
0x83: {  	_ = 	snop  }
0x84: {  	[tilespmem:s26], [sflag:$0x2] =	stream.indirect_vreg.gather [hbm4b:s5+s2], $0x80, v3, vm0, $0xb8;
	[tilespmem:$0xFD00] =	vst v63  }
0x85: {  	_ = 	snop  }
0x86: {  	[tilespmem:s28], [sflag:$0x2] =	stream.indirect_vreg.gather [hbm4b:s6+s2], $0x80, v3, vm0, $0xb8;
	[tilespmem:$0xFD00] =	vst v63  }
0x87: {  	_ = 	snop  }
0x88: {  	[tilespmem:s29], [sflag:$0x2] =	stream.indirect_vreg.gather [hbm4b:s7+s2], $0x80, v3, vm1, $0xb8;
	[tilespmem:$0xFD00] =	vst v63  }
0x89: {  	_ =	swait.ge [sflag:s30], $0x9000  }
0x8a: {  	[sflag:s30] =	ssyncset.done $0x0  }
0x8b: {  	s11 =	rddreg [dreg:$0x4];
	[sflag:s30] =	ssyncadd.s32 $0xFFFF7000  }
0x8c: {  	[hbm4b:s11+s2] =	stream.linear.scatter [tilespmem:s10], [sflag:$0x3], $0x9000, $0x38;
	[tilespmem:$0xFD00] =	vst v63  }
0x8d: {  	_ =	swait.ge [sflag:s31], $0x6C00  }
0x8e: {  	[sflag:s31] =	ssyncset.done $0x0  }
0x8f: {  	s11 =	rddreg [dreg:$0x5];
	[sflag:s31] =	ssyncadd.s32 $0xFFFF9400  }
0x90: {  	[hbm4b:s11+s2] =	stream.linear.scatter [tilespmem:s14], [sflag:$0x3], $0x6C00, $0x38;
	[tilespmem:$0xFD00] =	vst v63  }
0x91: {  	p0 =	sne.s32 s8, $0x1;
	_ =	swait.ge [sflag:s1], $0x9000  }
.Ltmp0:
0x92: {  	[sflag:s1] =	ssyncset.done $0x0;
	(pc) =	sbr.rel @p0 .LBB2_1-.Ltmp0, $4  }
0x93: {  	[sflag:s1] =	ssyncadd.s32 $0xFFFF7000  }
0x94: {  	_ =	swait.ge [sflag:s1], $0x6C00  }
0x95: {  	[sflag:s1] =	ssyncset.done $0x0  }
0x96: {  	s8 =	sadd.s32 $0xFFFFFFFF, s8;
	[sflag:s1] =	ssyncadd.s32 $0xFFFF9400  }
0x97: {  	_ =	sfence.sel $0x180000  }
0x98: {  	[bflag:$0x0] =	sbarrier.arrive $0xFFFF  }
0x99: {  	_ =	strace $0x9000004A  }
0x9a: {  	s0 =	stileid.u32;
	[bflag:$0x2] =	sbarrier.arrive $0xFFFF  }
0x9b: {  	p0 =	sne.s32 s0, $0x0;
	s0 =	rddreg [dreg:$0x1]  }
0x9c: {  	s0 =	sadd.s32 @!p0 $0x100000, s0  }
0x9d: {  	[sflag:s0] =	ssyncadd.tile.s32 @!p0 $0x1;
	_ =	shalt  }
.Lfunc_end2:
_tile_overlayer_lowered:
.L_overlay_start_2:
0x9e: {  	(tag) =	ssettag $0x2  }
0x9f: {  	s0 =	rddreg [dreg:$0x0];
	s2 =	stileid.u32  }
0xa0: {  	s1 =	rddreg [dreg:$0x1];
	p0 =	sne.s32 s2, $0x0  }
0xa1: {  	s3 =	rddreg [dreg:$0x2];
	[bflag:$0x3] =	sbarrier.arrive $0xFFFF;
	s2 =	simm.s32 @!p0 $0x1C04  }
0xa2: {  	[timem:s3], [sflag:s2] =	dma.local @!p0 [hbm:s0], s1  }
0xa3: {  	s0 =	simm.s32 @!p0 $0x4  }
0xa4: {  	_ =	swait.ge @!p0 [sflag:s0], s1  }
0xa5: {  	s1 =	ssub.s32 @!p0 $0x0, s1;
	[sflag:s0] =	ssyncset.done @!p0 $0x0  }
0xa6: {  	[sflag:s0] =	ssyncadd.s32 @!p0 s1  }
0xa7: {  	[bflag:$0x3] =	sbarrier.arrive $0xFFFF  }
0xa8: {  	_ =	shalt  }

// kernel: kernel.19.cloned.1.call-start
scs
__scs_entry_jumppad:
0x0: {  	(pc) =	sbr.rel $0x88, $3  }
0x1: {  	(tag) =	ssettag $0x0;
	lr =	simm.s32 $0x1  }
0x2: {  	[smem:$0x3F9D] =	sst lr;
	_ =	strace $0xD0000000  }
0x3: {  	_ = 	snop  }
0x4: {  	_ = 	snop  }
0x5: {  	_ = 	snop  }
0x6: {  	_ = 	snop  }
0x7: {  	_ = 	snop  }
__scs_overlays_trampoline_lowered:
0x8: {  	[smem:$0x3FAC] =	sst s0  }
0x9: {  	[smem:$0x3FAD] =	sst s1  }
0xa: {  	[smem:$0x3FAE] =	sst s2  }
0xb: {  	[smem:$0x3FAF] =	sst s3  }
0xc: {  	[smem:$0x3FB0] =	sst s4  }
0xd: {  	[smem:$0x3FB1] =	sst s5  }
0xe: {  	[smem:$0x3FB2] =	sst s6  }
0xf: {  	[smem:$0x3FB3] =	sst s7  }
0x10: {  	[smem:$0x3FB4] =	sst s8  }
0x11: {  	[smem:$0x3FB5] =	sst s9;
	s0 =	simm.s32 @!p0 $0x0  }
0x12: {  	s1 =	sld [smem:$0x3F9B];
	s0 =	simm.s32 @p0 $0x1  }
0x13: {  	[smem:$0x3FB6] =	sst s0;
	s0 =	simm.s32 @!p1 $0x0  }
0x14: {  	s2 =	sld [smem:$0x3F9A];
	s0 =	simm.s32 @p1 $0x1  }
0x15: {  	[smem:$0x3FB7] =	sst s0;
	s0 =	simm.s32 @!p2 $0x0  }
0x16: {  	s3 =	sld [smem:$0x3FDB];
	s0 =	simm.s32 @p2 $0x1  }
0x17: {  	s4 =	simm.s32 $0x1BF5;
	[smem:$0x3FB9] =	sst s0  }
0x18: {  	s0 =	sld [smem:$0x3F9C];
	_ =	swait.ge [sflag:s4], $0x0  }
0x19: {  	s7 =	sld [smem:$0x3F9D]  }
0x1a: {  	s8 =	sadd.s32 $0xFFFFE003, lr  }
0x1b: {  	s9 =	sadd.s32 $0xFFFFFEF7, lr;
	s5 =	simm.s32 $0xFFFFFFFF;
	p2 =	slt.u32 s8, $0xFFFFF086  }
0x1c: {  	p1 =	slt.u32 s9, $0xF7A;
	s5 =	simm.s32 @!p2 $0x0  }
0x1d: {  	s5 =	simm.s32 @p1 $0x1;
	p0 =	seq.s32 s7, s2  }
0x1e: {  	s7 =	smul.u32 @!p0 $0xF7A, s2;
	p2 =	seq.s32 @!p0 s5, $0x0  }
0x1f: {  	s9 =	smul.u32 $0xF7A, s1;
	s8 =	simm.s32 @!p0 $0x1BF5;
	p2 =	por !p2, p0  }
0x20: {  	[sflag:s8] =	ssyncset.s32 @!p0 $0xFFFFF086;
	s6 =	sadd.s32 @!p0 s3, s7;
	s7 =	simm.s32 @!p0 $0x108  }
0x21: {  	s3 =	sadd.s32 s3, s9;
	s6 =	sadd.s32 @!p0 $0x88, s6;
	s7 =	simm.s32 @p2 $0x1082  }
0x22: {  	[simem:s7], [sflag:s8] =	dma.local @!p0 [hbm:s6], $0xF7A  }
0x23: {  	s9 =	sor.u32 $0xD0000000, s2;
	s6 =	simm.s32 $0x108;
	_ =	swait.ge @!p0 [sflag:s8], $0x0  }
0x24: {  	s3 =	sadd.s32 $0x88, s3;
	s6 =	simm.s32 @!p1 $0x1082;
	[sflag:s4] =	ssyncset.s32 $0xFFFFF086  }
0x25: {  	[simem:s6], [sflag:s4] =	dma.local [hbm:s3], $0xF7A  }
0x26: {  	[smem:$0x3F9D] =	sst s1;
	(tag) =	ssettag s2;
	_ =	strace s9  }
0x27: {  	s1 =	sld [smem:$0x3FAD]  }
0x28: {  	s2 =	sld [smem:$0x3FAE]  }
0x29: {  	s4 =	sld [smem:$0x3FB0]  }
0x2a: {  	p0 =	seq.s32 s5, $0x0;
	s5 =	sld [smem:$0x3FB1]  }
0x2b: {  	s6 =	sld [smem:$0x3FB2]  }
0x2c: {  	s7 =	sld [smem:$0x3FB3]  }
0x2d: {  	s3 =	simm.s32 $0x108;
	s8 =	sld [smem:$0x3FB4]  }
0x2e: {  	s3 =	simm.s32 @!p0 $0x1082;
	s9 =	sld [smem:$0x3FB5]  }
0x2f: {  	lr =	sadd.s32 s0, s3;
	s0 =	sld [smem:$0x3FAC]  }
0x30: {  	s3 =	sld [smem:$0x3FAF]  }
0x31: {  	[smem:$0x3FB8] =	sst s10  }
0x32: {  	s10 =	sld [smem:$0x3FB6];
	_ =	sdelay $0x3  }
0x33: {  	p0 =	seq.s32 s10, $0x1;
	s10 =	sld [smem:$0x3FB8];
	_ =	sdelay $0x3  }
0x34: {  	[smem:$0x3FB8] =	sst s10  }
0x35: {  	s10 =	sld [smem:$0x3FB7];
	_ =	sdelay $0x3  }
0x36: {  	p1 =	seq.s32 s10, $0x1;
	s10 =	sld [smem:$0x3FB8];
	_ =	sdelay $0x3  }
0x37: {  	[smem:$0x3FB8] =	sst s10  }
0x38: {  	s10 =	sld [smem:$0x3FB9]  }
0x39: {  	_ = 	snop;
	(pc) =	sbr.ind lr, $3  }
0x3a: {  	_ = 	snop  }
0x3b: {  	_ = 	snop  }
0x3c: {  	p2 =	seq.s32 s10, $0x1;
	s10 =	sld [smem:$0x3FB8]  }
0x3d: {  	_ =	shalt  }
0x3e: {  	_ =	shalt  }
0x3f: {  	_ =	shalt  }
0x40: {  	_ =	shalt  }
0x41: {  	_ =	shalt  }
0x42: {  	_ =	shalt  }
0x43: {  	_ =	shalt  }
0x44: {  	_ =	shalt  }
0x45: {  	_ =	shalt  }
0x46: {  	_ =	shalt  }
0x47: {  	_ =	shalt  }
0x48: {  	_ =	shalt  }
0x49: {  	_ =	shalt  }
0x4a: {  	_ =	shalt  }
0x4b: {  	_ =	shalt  }
0x4c: {  	_ =	shalt  }
0x4d: {  	_ =	shalt  }
0x4e: {  	_ =	shalt  }
0x4f: {  	_ =	shalt  }
0x50: {  	_ =	shalt  }
0x51: {  	_ =	shalt  }
0x52: {  	_ =	shalt  }
0x53: {  	_ =	shalt  }
0x54: {  	_ =	shalt  }
0x55: {  	_ =	shalt  }
0x56: {  	_ =	shalt  }
0x57: {  	_ =	shalt  }
0x58: {  	_ =	shalt  }
0x59: {  	_ =	shalt  }
0x5a: {  	_ =	shalt  }
0x5b: {  	_ =	shalt  }
0x5c: {  	_ =	shalt  }
0x5d: {  	_ =	shalt  }
0x5e: {  	_ =	shalt  }
0x5f: {  	_ =	shalt  }
0x60: {  	_ =	shalt  }
0x61: {  	_ =	shalt  }
0x62: {  	_ =	shalt  }
0x63: {  	_ =	shalt  }
0x64: {  	_ =	shalt  }
0x65: {  	_ =	shalt  }
0x66: {  	_ =	shalt  }
0x67: {  	_ =	shalt  }
0x68: {  	_ =	shalt  }
0x69: {  	_ =	shalt  }
0x6a: {  	_ =	shalt  }
0x6b: {  	_ =	shalt  }
0x6c: {  	_ =	shalt  }
0x6d: {  	_ =	shalt  }
0x6e: {  	_ =	shalt  }
0x6f: {  	_ =	shalt  }
0x70: {  	_ =	shalt  }
0x71: {  	_ =	shalt  }
0x72: {  	_ =	shalt  }
0x73: {  	_ =	shalt  }
0x74: {  	_ =	shalt  }
0x75: {  	_ =	shalt  }
0x76: {  	_ =	shalt  }
0x77: {  	_ =	shalt  }
0x78: {  	_ =	shalt  }
0x79: {  	_ =	shalt  }
0x7a: {  	_ =	shalt  }
0x7b: {  	_ =	shalt  }
0x7c: {  	_ =	shalt  }
0x7d: {  	_ =	shalt  }
0x7e: {  	_ =	shalt  }
0x7f: {  	_ =	shalt  }
0x80: {  	_ =	shalt  }
0x81: {  	_ =	shalt  }
0x82: {  	_ =	shalt  }
0x83: {  	_ =	shalt  }
0x84: {  	_ =	shalt  }
0x85: {  	_ =	shalt  }
0x86: {  	_ =	shalt  }
0x87: {  	_ =	shalt  }
.Lfunc_end0:
.L_simem_size_0:
called_computation.2_lowered:
.L_overlay_start_0:
0x88: {  	s2 =	sld [smem:$0x3FD9]  }
0x89: {  	s3 =	sld [smem:$0x3FFE];
	_ =	sdelay $0x1  }
0x8a: {  	s1 =	srdreg.scid  }
0x8b: {  	s0 =	sand.u32 $0x1, s1  }
0x8c: {  	s17 =	sshll.u32 s0, $0xA;
	s2 =	sadd.s32 s3, s2  }
0x8d: {  	s2 =	sadd.s32 s2, s17  }
0x8e: {  	[smem:$0x3FC4] =	sst s2  }
0x8f: {  	_ = 	snop  }
0x90: {  	(tm) =	ssettm $0x1  }
0x91: {  	s18 =	sld [smem:$0x3FFB];
	_ =	sdelay $0x3  }
0x92: {  	_ =	strace s18  }
0x93: {  	s2 =	sld [smem:$0x3FFC];
	_ =	sdelay $0x3  }
0x94: {  	_ =	strace s2  }
0x95: {  	s2 =	sld [smem:$0x3FFD];
	_ =	sdelay $0x3  }
0x96: {  	_ =	strace s2  }
0x97: {  	_ =	strace $0x8FFFFFFF  }
0x98: {  	s19 =	sld [smem:$0x3FDB];
	_ =	sdelay $0x1  }
0x99: {  	s20 =	simm.s32 $_scs_section_size  }
0x9a: {  	s4 =	simm.s32 $_size__tile_overlayer_lowered;
	s5 =	simm.s32 $_tile_overlayer_lowered  }
0x9b: {  	s6 =	simm.s32 $0x1BFF;
	s21 =	sshll.u32 s5, $0x1;
	s3 =	sadd.s32 s20, s19  }
0x9c: {  	s22 =	simm.s32 $0x0;
	s4 =	sshll.u32 s4, $0x1;
	s5 =	sadd.s32 s21, s3  }
0x9d: {  	[timem:s22], [sflag:s6] =	dma.local [hbm:s5], s4  }
0x9e: {  	_ =	swait.ge [sflag:s6], s4  }
0x9f: {  	s4 =	ssub.s32 $0x0, s4;
	[sflag:s6] =	ssyncset.done $0x0  }
0xa0: {  	[sflag:s6] =	ssyncadd.s32 s4;
	_ =	sdelay $0x1  }
0xa1: {  	s23 =	simm.s32 $0x1B8B  }
0xa2: {  	_ =	swait.ge [sflag:s23], $0x1  }
0xa3: {  	[sflag:s23] =	ssyncset.done $0x0  }
0xa4: {  	[sflag:s23] =	ssyncadd.s32 $0xFFFFFFFF  }
0xa5: {  	s4 =	sld [smem:$0x0]  }
0xa6: {  	s5 =	sand.u32 $0xFFFFFFFE, s1  }
0xa7: {  	p0 =	sne.s32 s1, s5  }
0xa8: {  	s5 =	sshll.u32 @p0 s5, $0xE  }
0xa9: {  	s5 =	sadd.s32 @p0 $0x11B8D, s5;
	s6 =	sshll.u32 @p0 s4, $0x11  }
0xaa: {  	s5 =	sor.u32 @p0 s6, s5  }
0xab: {  	[sflag:s5] =	ssyncadd.remote.s32 @p0 $0x1;
	_ =	sdelay $0x1  }
0xac: {  	s5 =	simm.s32 @p0 $0x1B8D  }
0xad: {  	_ =	swait.eq @p0 [sflag:s5], $0x1  }
0xae: {  	[sflag:s5] =	ssyncadd.s32 @p0 $0xFFFFFFFF  }
0xaf: {  	s6 =	sshll.u32 @!p0 s1, $0xE  }
0xb0: {  	s6 =	sor.u32 @!p0 $0x4000, s6;
	s5 =	simm.s32 @!p0 $0x1B8D  }
0xb1: {  	s4 =	sshll.u32 @!p0 s4, $0x11;
	s6 =	sadd.s32 @!p0 $0x11B8D, s6;
	_ =	swait.eq @!p0 [sflag:s5], $0x1  }
0xb2: {  	s4 =	sor.u32 @!p0 s4, s6;
	[sflag:s5] =	ssyncadd.s32 @!p0 $0xFFFFFFFF  }
0xb3: {  	s25 =	simm.s32 $0x1B8E;
	s24 =	sld [smem:$0x3FFE];
	[sflag:s4] =	ssyncadd.remote.s32 @!p0 $0x1  }
0xb4: {  	s26 =	simm.s32 $execute0_lowered;
	[smem:$0x3FD2] =	sst s25  }
0xb5: {  	s5 =	sshll.u32 s26, $0x1;
	_ =	strace $0x8000004C;
	[dreg:$0x1] =	wrdreg $0xFFFFFFFF  }
0xb6: {  	s28 =	simm.s32 $_size_execute0_lowered;
	s3 =	sadd.s32 s3, s5;
	[dreg:$0x0] =	wrdreg $0x0  }
0xb7: {  	s5 =	sshll.u32 s28, $0x1;
	[dreg:$0x2] =	wrdreg s3  }
0xb8: {  	[dreg:$0x3] =	wrdreg s5  }
0xb9: {  	[dreg:$0x4] =	wrdreg $0xC0  }
0xba: {  	_ =	task [dreg:s22], $0x5FFFF  }
0xbb: {  	[dreg:$0x1] =	wrdreg $0xFFFFFFFF  }
0xbc: {  	[dreg:$0x0] =	wrdreg $0x60  }
0xbd: {  	[dreg:$0x2] =	wrdreg s24  }
0xbe: {  	[dreg:$0x3] =	wrdreg $0xB  }
0xbf: {  	_ =	task.clear_ibuf [dreg:s22], $0x4FFFF;
	_ =	strace $0x9000004C  }
0xc0: {  	s29 =	simm.s32 $0xB;
	_ =	strace $0x8000004E  }
0xc1: {  	_ =	swait.ge [sflag:s29], $0x1  }
0xc2: {  	[sflag:s29] =	ssyncadd.s32 $0xFFFFFFFF  }
0xc3: {  	_ =	strace $0x9000004E  }
0xc4: {  	_ =	sfence  }
0xc5: {  	s30 =	sld [smem:$0x0];
	_ =	sdelay $0x2  }
0xc6: {  	s31 =	sshll.u32 s1, $0xD;
	s1 =	sshrl.u32 s1, $0x2  }
0xc7: {  	s4 =	sand.u32 $0x4000, s31;
	s1 =	sadd.s32 s1, s30  }
0xc8: {  	s0 =	sor.u32 s4, s0;
	s1 =	sshll.u32 s1, $0x11  }
0xc9: {  	s0 =	sor.u32 s1, s0  }
0xca: {  	s0 =	sadd.s32 $0x8F2B, s0  }
0xcb: {  	[sflag:s0] =	ssyncadd.remote.s32 $0x1  }
0xcc: {  	_ =	sfence.sel $0xFFFF  }
0xcd: {  	[dreg:$0x0] =	wrdreg $0xFFFFFFFF;
	(pc) =	sbr.abs _section_cstart, $3  }
0xce: {  	[dreg:$0x1] =	wrdreg $0xFFFFFFFF  }
0xcf: {  	_ =	task.clear_ibuf [dreg:s22], $0x2FFFF;
	_ =	strace $0x9FFFFFFF  }
0xd0: {  	(tm) =	ssettm $0x7FFFFFFF  }
0xd1: {  	_ =	shalt  }
tec
execute0_lowered:
.L_overlay_start_1:
0x0: {  	(tag) =	ssettag $0x1  }
0x1: {  	s1 =	srdreg.scid;
	s0 =	stileid.u32  }
0x2: {  	s4 =	sand.u32 $0x1, s1;
	s2 =	sshll.u32 s0, $0x1  }
0x3: {  	s1 =	rddreg [dreg:$0x0];
	s3 =	sor.u32 s4, s2;
	s2 =	simm.s32 $0x0  }
0x4: {  	s25 =	simm.s32 $0x80;
	[smem:$0x7FF] =	sst s2  }
0x5: {  	s26 =	simm.s32 $0x900;
	_ =	strace $0x8000004D;
	[dreg:$0x6] =	wrdreg s25  }
0x6: {  	s0 =	simm.s32 $0x1100;
	[dreg:$0x7] =	wrdreg s26  }
0x7: {  	s9 =	simm.s32 $0x3500;
	[dreg:$0x8] =	wrdreg s0  }
0x8: {  	s10 =	simm.s32 $0x3D00;
	[dreg:$0xd] =	wrdreg s9  }
0x9: {  	s11 =	simm.s32 $0x4500;
	[dreg:$0xe] =	wrdreg s10  }
0xa: {  	s12 =	simm.s32 $0x4900;
	[dreg:$0xf] =	wrdreg s11  }
0xb: {  	s13 =	simm.s32 $0x5100;
	[dreg:$0x10] =	wrdreg s12  }
0xc: {  	s14 =	simm.s32 $0x5900;
	[dreg:$0x11] =	wrdreg s13  }
0xd: {  	s15 =	simm.s32 $0x6100;
	[dreg:$0x12] =	wrdreg s14  }
0xe: {  	s16 =	simm.s32 $0x6900;
	[dreg:$0x13] =	wrdreg s15  }
0xf: {  	s17 =	simm.s32 $0x6D00;
	[dreg:$0x14] =	wrdreg s16  }
0x10: {  	s18 =	simm.s32 $0x7500;
	[dreg:$0x15] =	wrdreg s17  }
0x11: {  	s19 =	simm.s32 $0x7D00;
	[dreg:$0x16] =	wrdreg s18  }
0x12: {  	s20 =	simm.s32 $0x8500;
	[dreg:$0x17] =	wrdreg s19  }
0x13: {  	s21 =	simm.s32 $0x8D00;
	[dreg:$0x18] =	wrdreg s20  }
0x14: {  	s22 =	simm.s32 $0x9100;
	[dreg:$0x19] =	wrdreg s21  }
0x15: {  	s23 =	simm.s32 $0x9900;
	[dreg:$0x1a] =	wrdreg s22  }
0x16: {  	[dreg:$0x1b] =	wrdreg s23;
	s25 =	simm.s32 $0xA900  }
0x17: {  	s26 =	simm.s32 $0xB100;
	[dreg:$0x1d] =	wrdreg s25  }
0x18: {  	s0 =	simm.s32 $0xB500;
	[dreg:$0x1e] =	wrdreg s26  }
0x19: {  	s9 =	simm.s32 $0xD900;
	[dreg:$0x1f] =	wrdreg s0  }
0x1a: {  	s28 =	simm.s32 $0x1C900;
	s10 =	simm.s32 $0xE100;
	[smem:$0x7ED] =	sst s9  }
0x1b: {  	s29 =	simm.s32 $0x1D100;
	s11 =	simm.s32 $0xE900;
	[smem:$0x7EE] =	sst s10  }
0x1c: {  	s30 =	simm.s32 $0x1;
	s12 =	simm.s32 $0xF100;
	[smem:$0x7EF] =	sst s11  }
0x1d: {  	s31 =	simm.s32 $0x2;
	s13 =	simm.s32 $0xF900;
	[smem:$0x7F0] =	sst s12  }
0x1e: {  	s5 =	sadd.s32 $0x5F000, s1;
	s14 =	simm.s32 $0x10500;
	[smem:$0x7F1] =	sst s13  }
0x1f: {  	s6 =	sadd.s32 $0x5F600, s1;
	s15 =	simm.s32 $0x10D00;
	[smem:$0x7F2] =	sst s14  }
0x20: {  	s4 =	ssub.s32 $0x2, s4;
	s17 =	simm.s32 $0x11500;
	[smem:$0x7F3] =	sst s15  }
0x21: {  	s3 =	smul.u32 $0x68, s3;
	s19 =	simm.s32 $0x11D00;
	[smem:$0x7F4] =	sst s17  }
0x22: {  	s16 =	sshrl.u32 s4, $0x1;
	s20 =	simm.s32 $0x12100;
	[smem:$0x7F5] =	sst s19  }
0x23: {  	s21 =	simm.s32 $0x12900;
	s22 =	simm.s32 $0x13900;
	[smem:$0x7F6] =	sst s20  }
0x24: {  	s23 =	simm.s32 $0x14100;
	s3 =	smin.u32 s3, $0xC18;
	[smem:$0x7F7] =	sst s21  }
0x25: {  	s18 =	ssub.s32 s4, s16;
	s4 =	sadd.s32 $0x3100, s1;
	[smem:$0x7F9] =	sst s22  }
0x26: {  	s9 =	simm.s32 $0x13100;
	[smem:$0x7FA] =	sst s23;
	s10 =	simm.s32 $0x100  }
0x27: {  	s25 =	simm.s32 $0x14D00;
	s11 =	simm.s32 $0xFD00;
	s26 =	simm.s32 $0x15500  }
0x28: {  	s13 =	simm.s32 $0x16500;
	s14 =	simm.s32 $0x16900;
	s15 =	simm.s32 $0x17100  }
0x29: {  	s16 =	simm.s32 $0x17900;
	s17 =	simm.s32 $0x18100;
	[smem:$0x7F8] =	sst s9  }
0x2a: {  	s7 =	sshrl.u32 s3, $0x3;
	s3 =	sadd.s32 $0x38, s3;
	[smem:$0x7FC] =	sst s25  }
0x2b: {  	[smem:$0x7FD] =	sst s26;
	s8 =	sadd.s32 s5, s7;
	s3 =	sshrl.u32 s3, $0x3  }
0x2c: {  	s7 =	smul.u32 $0x480, s7;
	[dreg:$0x2] =	wrdreg s8;
	s5 =	sadd.s32 s5, s3  }
0x2d: {  	s19 =	simm.s32 $0x18D00;
	s8 =	simm.s32 $0x2D00;
	[dreg:$0x3] =	wrdreg s5  }
0x2e: {  	s20 =	simm.s32 $0x19500;
	s24 =	sadd.s32 s6, s7;
	[dreg:$0xc] =	wrdreg s8  }
0x2f: {  	s21 =	simm.s32 $0x19D00;
	s5 =	simm.s32 $0x1900;
	[dreg:$0x4] =	wrdreg s24  }
0x30: {  	s3 =	smul.u32 $0x480, s3;
	s7 =	simm.s32 $0x2500;
	[dreg:$0x9] =	wrdreg s5  }
0x31: {  	s22 =	simm.s32 $0x1A500;
	s8 =	simm.s32 $0xD500;
	[dreg:$0xb] =	wrdreg s7  }
0x32: {  	s23 =	simm.s32 $0x1AD00;
	s3 =	sadd.s32 s6, s3;
	[smem:$0x7EC] =	sst s8  }
0x33: {  	s9 =	simm.s32 $0x4;
	s6 =	simm.s32 $0x2100;
	[dreg:$0x5] =	wrdreg s3  }
0x34: {  	s25 =	simm.s32 $0x1B900;
	s24 =	simm.s32 $0xA100;
	[dreg:$0xa] =	wrdreg s6  }
0x35: {  	s26 =	simm.s32 $0x1C100;
	s5 =	simm.s32 $0xBD00;
	[dreg:$0x1c] =	wrdreg s24  }
0x36: {  	s7 =	simm.s32 $0xCD00;
	s8 =	smax.u32 s18, $0x1;
	[smem:$0x7E9] =	sst s5  }
0x37: {  	s18 =	simm.s32 $0x18900;
	s6 =	simm.s32 $0xC500;
	[smem:$0x7EB] =	sst s7  }
0x38: {  	v2 =	vlaneseq.u32;
	s3 =	sadd.s32 $0x3000, s1;
	s5 =	sadd.s32 $0x3200, s1;
	s7 =	sadd.s32 $0x3400, s1  }
0x39: {  	vm0 =	vmmov $0xffff;
	vm1 =	vmmov $0xff;
	v1 =	vshrl.u32 v2, $0x3;
	s24 =	simm.s32 $0x14500;
	[smem:$0x7EA] =	sst s6;
	s6 =	sadd.s32 $0x3300, s1  }
0x3a: {  	v0 =	vand.u32 $0x7, v2;
	v2 =	vor.u32 $0x8, v2;
	v1 =	vmul.u32 $0x8, v1;
	[smem:$0x7FB] =	sst s24;
	s24 =	simm.s32 $0x1B100;
	s1 =	simm.s32 $0x3  }
.LBB2_1:
0x3b: {  	s0 =	rddreg [dreg:$0x2]  }
0x3c: {  	[tilespmem:s2], [sflag:$0x4] =	stream.linear.gather [hbm4b:s0+s2], $0x38, $0x38;
	[tilespmem:$0x1D500] =	vst v63  }
0x3d: {  	_ =	swait.ge [sflag:s9], $0x38  }
0x3e: {  	s0 =	rddreg [dreg:$0x3];
	[sflag:s9] =	ssyncset.done $0x0  }
0x3f: {  	s12 =	rddreg [dreg:$0x6];
	[sflag:s9] =	ssyncadd.s32 $0xFFFFFFC8  }
0x40: {  	[tilespmem:s12], [sflag:$0x4] =	stream.linear.gather [hbm4b:s0+s2], $0x30, $0x38;
	[tilespmem:$0x1D500] =	vst v63  }
0x41: {  	_ =	swait.ge [sflag:s9], $0x30  }
0x42: {  	[sflag:s9] =	ssyncset.done $0x0  }
0x43: {  	[sflag:s9] =	ssyncadd.s32 $0xFFFFFFD0  }
0x44: {  	v3 =	vld [tilespmem:$0x0];
	_ =	sdelay $0x4  }
0x45: {  	v4 =	vshrl.u32 v3, $0x3  }
0x46: {  	v4 =	vmul.u32 $0x48, v4  }
0x47: {  	v3 =	vand.u32 $0x7, v3  }
0x48: {  	v3 =	vor.u32 v3, v4  }
0x49: {  	v4 =	vperm.xlane v3, v0;
	_ =	sdelay $0x1  }
0x4a: {  	v4 =	vadd.s32 v1, v4;
	_ =	sdelay $0x4  }
0x4b: {  	[tilespmem:s10], [sflag:$0x1] =	stream.indirect_vreg.gather [hbm4b:s3+s2], $0x80, v4, vm0, $0xb8;
	[tilespmem:$0x1D500] =	vst v63  }
0x4c: {  	s0 =	rddreg [dreg:$0x7]  }
0x4d: {  	[tilespmem:s0], [sflag:$0x1] =	stream.indirect_vreg.gather [hbm4b:s4+s2], $0x80, v4, vm0, $0xb8;
	[tilespmem:$0x1D500] =	vst v63  }
0x4e: {  	s12 =	rddreg [dreg:$0x8];
	v3 =	vperm.xlane v3, v2  }
0x4f: {  	[tilespmem:s12], [sflag:$0x1] =	stream.indirect_vreg.gather [hbm4b:s5+s2], $0x80, v4, vm0, $0xb8;
	[tilespmem:$0x1D500] =	vst v63  }
0x50: {  	v3 =	vadd.s32 v1, v3;
	s0 =	rddreg [dreg:$0x9]  }
0x51: {  	[tilespmem:s0], [sflag:$0x1] =	stream.indirect_vreg.gather [hbm4b:s6+s2], $0x80, v4, vm0, $0xb8;
	[tilespmem:$0x1D500] =	vst v63  }
0x52: {  	s12 =	rddreg [dreg:$0xa]  }
0x53: {  	[tilespmem:s12], [sflag:$0x1] =	stream.indirect_vreg.gather [hbm4b:s7+s2], $0x80, v4, vm1, $0xb8;
	[tilespmem:$0x1D500] =	vst v63  }
0x54: {  	s0 =	rddreg [dreg:$0xb]  }
0x55: {  	[tilespmem:s0], [sflag:$0x1] =	stream.indirect_vreg.gather [hbm4b:s3+s2], $0x80, v3, vm0, $0xb8;
	[tilespmem:$0x1D500] =	vst v63  }
0x56: {  	s12 =	rddreg [dreg:$0xc]  }
0x57: {  	[tilespmem:s12], [sflag:$0x1] =	stream.indirect_vreg.gather [hbm4b:s4+s2], $0x80, v3, vm0, $0xb8;
	[tilespmem:$0x1D500] =	vst v63  }
0x58: {  	s0 =	rddreg [dreg:$0xd]  }
0x59: {  	[tilespmem:s0], [sflag:$0x1] =	stream.indirect_vreg.gather [hbm4b:s5+s2], $0x80, v3, vm0, $0xb8;
	[tilespmem:$0x1D500] =	vst v63  }
0x5a: {  	s12 =	rddreg [dreg:$0xe]  }
0x5b: {  	[tilespmem:s12], [sflag:$0x1] =	stream.indirect_vreg.gather [hbm4b:s6+s2], $0x80, v3, vm0, $0xb8;
	[tilespmem:$0x1D500] =	vst v63  }
0x5c: {  	s0 =	rddreg [dreg:$0xf]  }
0x5d: {  	[tilespmem:s0], [sflag:$0x1] =	stream.indirect_vreg.gather [hbm4b:s7+s2], $0x80, v3, vm1, $0xb8;
	[tilespmem:$0x1D500] =	vst v63  }
0x5e: {  	v3 =	vld [tilespmem:$0x10];
	_ =	sdelay $0x4  }
0x5f: {  	v58 =	vshrl.u32 v3, $0x3  }
0x60: {  	v4 =	vmul.u32 $0x48, v58  }
0x61: {  	v3 =	vand.u32 $0x7, v3  }
0x62: {  	v3 =	vor.u32 v3, v4  }
0x63: {  	v4 =	vperm.xlane v3, v0;
	_ =	sdelay $0x1  }
0x64: {  	v4 =	vadd.s32 v1, v4;
	_ =	sdelay $0x3  }
0x65: {  	s0 =	rddreg [dreg:$0x10]  }
0x66: {  	[tilespmem:s0], [sflag:$0x1] =	stream.indirect_vreg.gather [hbm4b:s3+s2], $0x80, v4, vm0, $0xb8;
	[tilespmem:$0x1D500] =	vst v63  }
0x67: {  	s12 =	rddreg [dreg:$0x11]  }
0x68: {  	[tilespmem:s12], [sflag:$0x1] =	stream.indirect_vreg.gather [hbm4b:s4+s2], $0x80, v4, vm0, $0xb8;
	[tilespmem:$0x1D500] =	vst v63  }
0x69: {  	v3 =	vperm.xlane v3, v2;
	s0 =	rddreg [dreg:$0x12]  }
0x6a: {  	[tilespmem:s0], [sflag:$0x1] =	stream.indirect_vreg.gather [hbm4b:s5+s2], $0x80, v4, vm0, $0xb8;
	[tilespmem:$0x1D500] =	vst v63  }
0x6b: {  	v3 =	vadd.s32 v1, v3;
	s12 =	rddreg [dreg:$0x13]  }
0x6c: {  	[tilespmem:s12], [sflag:$0x1] =	stream.indirect_vreg.gather [hbm4b:s6+s2], $0x80, v4, vm0, $0xb8;
	[tilespmem:$0x1D500] =	vst v63  }
0x6d: {  	s0 =	rddreg [dreg:$0x14]  }
0x6e: {  	[tilespmem:s0], [sflag:$0x1] =	stream.indirect_vreg.gather [hbm4b:s7+s2], $0x80, v4, vm1, $0xb8;
	[tilespmem:$0x1D500] =	vst v63  }
0x6f: {  	s12 =	rddreg [dreg:$0x15]  }
0x70: {  	[tilespmem:s12], [sflag:$0x1] =	stream.indirect_vreg.gather [hbm4b:s3+s2], $0x80, v3, vm0, $0xb8;
	[tilespmem:$0x1D500] =	vst v63  }
0x71: {  	s0 =	rddreg [dreg:$0x16]  }
0x72: {  	[tilespmem:s0], [sflag:$0x1] =	stream.indirect_vreg.gather [hbm4b:s4+s2], $0x80, v3, vm0, $0xb8;
	[tilespmem:$0x1D500] =	vst v63  }
0x73: {  	s12 =	rddreg [dreg:$0x17]  }
0x74: {  	[tilespmem:s12], [sflag:$0x1] =	stream.indirect_vreg.gather [hbm4b:s5+s2], $0x80, v3, vm0, $0xb8;
	[tilespmem:$0x1D500] =	vst v63  }
0x75: {  	s0 =	rddreg [dreg:$0x18]  }
0x76: {  	[tilespmem:s0], [sflag:$0x1] =	stream.indirect_vreg.gather [hbm4b:s6+s2], $0x80, v3, vm0, $0xb8;
	[tilespmem:$0x1D500] =	vst v63  }
0x77: {  	s12 =	rddreg [dreg:$0x19]  }
0x78: {  	[tilespmem:s12], [sflag:$0x1] =	stream.indirect_vreg.gather [hbm4b:s7+s2], $0x80, v3, vm1, $0xb8;
	[tilespmem:$0x1D500] =	vst v63  }
0x79: {  	v3 =	vld [tilespmem:$0x20];
	_ =	sdelay $0x4  }
0x7a: {  	v59 =	vshrl.u32 v3, $0x3  }
0x7b: {  	v4 =	vmul.u32 $0x48, v59  }
0x7c: {  	v3 =	vand.u32 $0x7, v3  }
0x7d: {  	v3 =	vor.u32 v3, v4  }
0x7e: {  	v4 =	vperm.xlane v3, v0;
	_ =	sdelay $0x1  }
0x7f: {  	v4 =	vadd.s32 v1, v4;
	_ =	sdelay $0x2  }
0x80: {  	s0 =	rddreg [dreg:$0x1a]  }
0x81: {  	s12 =	rddreg [dreg:$0x1b]  }
0x82: {  	[tilespmem:s0], [sflag:$0x1] =	stream.indirect_vreg.gather [hbm4b:s3+s2], $0x80, v4, vm0, $0xb8;
	[tilespmem:$0x1D500] =	vst v63  }
0x83: {  	s0 =	rddreg [dreg:$0x1c]  }
0x84: {  	[tilespmem:s12], [sflag:$0x1] =	stream.indirect_vreg.gather [hbm4b:s4+s2], $0x80, v4, vm0, $0xb8;
	[tilespmem:$0x1D500] =	vst v63  }
0x85: {  	v3 =	vperm.xlane v3, v2;
	s12 =	rddreg [dreg:$0x1d]  }
0x86: {  	[tilespmem:s0], [sflag:$0x1] =	stream.indirect_vreg.gather [hbm4b:s5+s2], $0x80, v4, vm0, $0xb8;
	[tilespmem:$0x1D500] =	vst v63  }
0x87: {  	v3 =	vadd.s32 v1, v3;
	s0 =	rddreg [dreg:$0x1e]  }
0x88: {  	[tilespmem:s12], [sflag:$0x1] =	stream.indirect_vreg.gather [hbm4b:s6+s2], $0x80, v4, vm0, $0xb8;
	[tilespmem:$0x1D500] =	vst v63  }
0x89: {  	s12 =	rddreg [dreg:$0x1f]  }
0x8a: {  	[tilespmem:s0], [sflag:$0x1] =	stream.indirect_vreg.gather [hbm4b:s7+s2], $0x80, v4, vm1, $0xb8;
	[tilespmem:$0x1D500] =	vst v63  }
0x8b: {  	s0 =	sld [smem:$0x7E9]  }
0x8c: {  	[tilespmem:s12], [sflag:$0x1] =	stream.indirect_vreg.gather [hbm4b:s3+s2], $0x80, v3, vm0, $0xb8;
	[tilespmem:$0x1D500] =	vst v63  }
0x8d: {  	s12 =	sld [smem:$0x7EA]  }
0x8e: {  	[tilespmem:s0], [sflag:$0x1] =	stream.indirect_vreg.gather [hbm4b:s4+s2], $0x80, v3, vm0, $0xb8;
	[tilespmem:$0x1D500] =	vst v63  }
0x8f: {  	s0 =	sld [smem:$0x7EB]  }
0x90: {  	[tilespmem:s12], [sflag:$0x1] =	stream.indirect_vreg.gather [hbm4b:s5+s2], $0x80, v3, vm0, $0xb8;
	[tilespmem:$0x1D500] =	vst v63  }
0x91: {  	s12 =	sld [smem:$0x7EC]  }
0x92: {  	[tilespmem:s0], [sflag:$0x1] =	stream.indirect_vreg.gather [hbm4b:s6+s2], $0x80, v3, vm0, $0xb8;
	[tilespmem:$0x1D500] =	vst v63  }
0x93: {  	_ = 	snop  }
0x94: {  	[tilespmem:s12], [sflag:$0x1] =	stream.indirect_vreg.gather [hbm4b:s7+s2], $0x80, v3, vm1, $0xb8;
	[tilespmem:$0x1D500] =	vst v63  }
0x95: {  	v3 =	vld.msk [tilespmem:$0x30], $0xff;
	_ =	sdelay $0x4  }
0x96: {  	v60 =	vshrl.u32 v3, $0x3  }
0x97: {  	v4 =	vmul.u32 $0x48, v60  }
0x98: {  	v3 =	vand.u32 $0x7, v3  }
0x99: {  	v3 =	vor.u32 v3, v4  }
0x9a: {  	v3 =	vperm.xlane v3, v0;
	_ =	sdelay $0x1  }
0x9b: {  	v3 =	vadd.s32 v1, v3;
	_ =	sdelay $0x1  }
0x9c: {  	s0 =	sld [smem:$0x7ED];
	_ =	sdelay $0x1  }
0x9d: {  	s12 =	sld [smem:$0x7EE]  }
0x9e: {  	[tilespmem:s0], [sflag:$0x1] =	stream.indirect_vreg.gather [hbm4b:s3+s2], $0x80, v3, vm0, $0xb8;
	[tilespmem:$0x1D500] =	vst v63  }
0x9f: {  	s0 =	sld [smem:$0x7EF]  }
0xa0: {  	[tilespmem:s12], [sflag:$0x1] =	stream.indirect_vreg.gather [hbm4b:s4+s2], $0x80, v3, vm0, $0xb8;
	[tilespmem:$0x1D500] =	vst v63  }
0xa1: {  	s12 =	sld [smem:$0x7F0]  }
0xa2: {  	[tilespmem:s0], [sflag:$0x1] =	stream.indirect_vreg.gather [hbm4b:s5+s2], $0x80, v3, vm0, $0xb8;
	[tilespmem:$0x1D500] =	vst v63  }
0xa3: {  	s0 =	sld [smem:$0x7F1]  }
0xa4: {  	[tilespmem:s12], [sflag:$0x1] =	stream.indirect_vreg.gather [hbm4b:s6+s2], $0x80, v3, vm0, $0xb8;
	[tilespmem:$0x1D500] =	vst v63  }
0xa5: {  	_ = 	snop  }
0xa6: {  	[tilespmem:s0], [sflag:$0x1] =	stream.indirect_vreg.gather [hbm4b:s7+s2], $0x80, v3, vm1, $0xb8;
	[tilespmem:$0x1D500] =	vst v63  }
0xa7: {  	v3 =	vld [tilespmem:$0x80];
	_ =	sdelay $0x4  }
0xa8: {  	v61 =	vshrl.u32 v3, $0x3  }
0xa9: {  	v4 =	vmul.u32 $0x48, v61  }
0xaa: {  	v3 =	vand.u32 $0x7, v3  }
0xab: {  	v3 =	vor.u32 v3, v4  }
0xac: {  	v4 =	vperm.xlane v3, v0;
	_ =	sdelay $0x1  }
0xad: {  	v4 =	vadd.s32 v1, v4;
	_ =	sdelay $0x3  }
0xae: {  	s0 =	sld [smem:$0x7F2]  }
0xaf: {  	[tilespmem:s11], [sflag:$0x2] =	stream.indirect_vreg.gather [hbm4b:s3+s2], $0x80, v4, vm0, $0xb8;
	[tilespmem:$0x1D500] =	vst v63  }
0xb0: {  	s12 =	sld [smem:$0x7F3]  }
0xb1: {  	[tilespmem:s0], [sflag:$0x2] =	stream.indirect_vreg.gather [hbm4b:s4+s2], $0x80, v4, vm0, $0xb8;
	[tilespmem:$0x1D500] =	vst v63  }
0xb2: {  	v3 =	vperm.xlane v3, v2;
	s0 =	sld [smem:$0x7F4]  }
0xb3: {  	[tilespmem:s12], [sflag:$0x2] =	stream.indirect_vreg.gather [hbm4b:s5+s2], $0x80, v4, vm0, $0xb8;
	[tilespmem:$0x1D500] =	vst v63  }
0xb4: {  	v3 =	vadd.s32 v1, v3;
	s12 =	sld [smem:$0x7F5]  }
0xb5: {  	[tilespmem:s0], [sflag:$0x2] =	stream.indirect_vreg.gather [hbm4b:s6+s2], $0x80, v4, vm0, $0xb8;
	[tilespmem:$0x1D500] =	vst v63  }
0xb6: {  	s0 =	sld [smem:$0x7F6]  }
0xb7: {  	[tilespmem:s12], [sflag:$0x2] =	stream.indirect_vreg.gather [hbm4b:s7+s2], $0x80, v4, vm1, $0xb8;
	[tilespmem:$0x1D500] =	vst v63  }
0xb8: {  	s12 =	sld [smem:$0x7F7]  }
0xb9: {  	[tilespmem:s0], [sflag:$0x2] =	stream.indirect_vreg.gather [hbm4b:s3+s2], $0x80, v3, vm0, $0xb8;
	[tilespmem:$0x1D500] =	vst v63  }
0xba: {  	s0 =	sld [smem:$0x7F8]  }
0xbb: {  	[tilespmem:s12], [sflag:$0x2] =	stream.indirect_vreg.gather [hbm4b:s4+s2], $0x80, v3, vm0, $0xb8;
	[tilespmem:$0x1D500] =	vst v63  }
0xbc: {  	s12 =	sld [smem:$0x7F9]  }
0xbd: {  	[tilespmem:s0], [sflag:$0x2] =	stream.indirect_vreg.gather [hbm4b:s5+s2], $0x80, v3, vm0, $0xb8;
	[tilespmem:$0x1D500] =	vst v63  }
0xbe: {  	s0 =	sld [smem:$0x7FA]  }
0xbf: {  	[tilespmem:s12], [sflag:$0x2] =	stream.indirect_vreg.gather [hbm4b:s6+s2], $0x80, v3, vm0, $0xb8;
	[tilespmem:$0x1D500] =	vst v63  }
0xc0: {  	_ = 	snop  }
0xc1: {  	[tilespmem:s0], [sflag:$0x2] =	stream.indirect_vreg.gather [hbm4b:s7+s2], $0x80, v3, vm1, $0xb8;
	[tilespmem:$0x1D500] =	vst v63  }
0xc2: {  	v3 =	vld [tilespmem:$0x90];
	_ =	sdelay $0x4  }
0xc3: {  	v62 =	vshrl.u32 v3, $0x3  }
0xc4: {  	v4 =	vmul.u32 $0x48, v62  }
0xc5: {  	v3 =	vand.u32 $0x7, v3  }
0xc6: {  	v3 =	vor.u32 v3, v4  }
0xc7: {  	v4 =	vperm.xlane v3, v0;
	_ =	sdelay $0x1  }
0xc8: {  	v4 =	vadd.s32 v1, v4;
	_ =	sdelay $0x1  }
0xc9: {  	s0 =	sld [smem:$0x7FB];
	_ =	sdelay $0x1  }
0xca: {  	s12 =	sld [smem:$0x7FC]  }
0xcb: {  	[tilespmem:s0], [sflag:$0x2] =	stream.indirect_vreg.gather [hbm4b:s3+s2], $0x80, v4, vm0, $0xb8;
	[tilespmem:$0x1D500] =	vst v63  }
0xcc: {  	s0 =	sld [smem:$0x7FD]  }
0xcd: {  	[tilespmem:s12], [sflag:$0x2] =	stream.indirect_vreg.gather [hbm4b:s4+s2], $0x80, v4, vm0, $0xb8;
	[tilespmem:$0x1D500] =	vst v63  }
0xce: {  	v3 =	vperm.xlane v3, v2  }
0xcf: {  	[tilespmem:s0], [sflag:$0x2] =	stream.indirect_vreg.gather [hbm4b:s5+s2], $0x80, v4, vm0, $0xb8;
	[tilespmem:$0x1D500] =	vst v63  }
0xd0: {  	v3 =	vadd.s32 v1, v3;
	s12 =	simm.s32 $0x15D00  }
0xd1: {  	[tilespmem:s12], [sflag:$0x2] =	stream.indirect_vreg.gather [hbm4b:s6+s2], $0x80, v4, vm0, $0xb8;
	[tilespmem:$0x1D500] =	vst v63  }
0xd2: {  	_ = 	snop  }
0xd3: {  	[tilespmem:s13], [sflag:$0x2] =	stream.indirect_vreg.gather [hbm4b:s7+s2], $0x80, v4, vm1, $0xb8;
	[tilespmem:$0x1D500] =	vst v63  }
0xd4: {  	_ = 	snop  }
0xd5: {  	[tilespmem:s14], [sflag:$0x2] =	stream.indirect_vreg.gather [hbm4b:s3+s2], $0x80, v3, vm0, $0xb8;
	[tilespmem:$0x1D500] =	vst v63  }
0xd6: {  	_ = 	snop  }
0xd7: {  	[tilespmem:s15], [sflag:$0x2] =	stream.indirect_vreg.gather [hbm4b:s4+s2], $0x80, v3, vm0, $0xb8;
	[tilespmem:$0x1D500] =	vst v63  }
0xd8: {  	_ = 	snop  }
0xd9: {  	[tilespmem:s16], [sflag:$0x2] =	stream.indirect_vreg.gather [hbm4b:s5+s2], $0x80, v3, vm0, $0xb8;
	[tilespmem:$0x1D500] =	vst v63  }
0xda: {  	_ = 	snop  }
0xdb: {  	[tilespmem:s17], [sflag:$0x2] =	stream.indirect_vreg.gather [hbm4b:s6+s2], $0x80, v3, vm0, $0xb8;
	[tilespmem:$0x1D500] =	vst v63  }
0xdc: {  	_ = 	snop  }
0xdd: {  	[tilespmem:s18], [sflag:$0x2] =	stream.indirect_vreg.gather [hbm4b:s7+s2], $0x80, v3, vm1, $0xb8;
	[tilespmem:$0x1D500] =	vst v63  }
0xde: {  	v3 =	vld [tilespmem:$0xA0];
	_ =	sdelay $0x4  }
0xdf: {  	v63 =	vshrl.u32 v3, $0x3  }
0xe0: {  	v4 =	vmul.u32 $0x48, v63  }
0xe1: {  	v3 =	vand.u32 $0x7, v3  }
0xe2: {  	v3 =	vor.u32 v3, v4  }
0xe3: {  	v4 =	vperm.xlane v3, v0;
	_ =	sdelay $0x1  }
0xe4: {  	v4 =	vadd.s32 v1, v4;
	_ =	sdelay $0x4  }
0xe5: {  	[tilespmem:s19], [sflag:$0x2] =	stream.indirect_vreg.gather [hbm4b:s3+s2], $0x80, v4, vm0, $0xb8;
	[tilespmem:$0x1D500] =	vst v63  }
0xe6: {  	_ = 	snop  }
0xe7: {  	[tilespmem:s20], [sflag:$0x2] =	stream.indirect_vreg.gather [hbm4b:s4+s2], $0x80, v4, vm0, $0xb8;
	[tilespmem:$0x1D500] =	vst v63  }
0xe8: {  	v3 =	vperm.xlane v3, v2  }
0xe9: {  	[tilespmem:s21], [sflag:$0x2] =	stream.indirect_vreg.gather [hbm4b:s5+s2], $0x80, v4, vm0, $0xb8;
	[tilespmem:$0x1D500] =	vst v63  }
0xea: {  	v3 =	vadd.s32 v1, v3  }
0xeb: {  	[tilespmem:s22], [sflag:$0x2] =	stream.indirect_vreg.gather [hbm4b:s6+s2], $0x80, v4, vm0, $0xb8;
	[tilespmem:$0x1D500] =	vst v63  }
0xec: {  	_ = 	snop  }
0xed: {  	[tilespmem:s23], [sflag:$0x2] =	stream.indirect_vreg.gather [hbm4b:s7+s2], $0x80, v4, vm1, $0xb8;
	[tilespmem:$0x1D500] =	vst v63  }
0xee: {  	_ = 	snop  }
0xef: {  	[tilespmem:s24], [sflag:$0x2] =	stream.indirect_vreg.gather [hbm4b:s3+s2], $0x80, v3, vm0, $0xb8;
	[tilespmem:$0x1D500] =	vst v63  }
0xf0: {  	_ = 	snop  }
0xf1: {  	[tilespmem:s25], [sflag:$0x2] =	stream.indirect_vreg.gather [hbm4b:s4+s2], $0x80, v3, vm0, $0xb8;
	[tilespmem:$0x1D500] =	vst v63  }
0xf2: {  	_ = 	snop  }
0xf3: {  	[tilespmem:s26], [sflag:$0x2] =	stream.indirect_vreg.gather [hbm4b:s5+s2], $0x80, v3, vm0, $0xb8;
	[tilespmem:$0x1D500] =	vst v63  }
0xf4: {  	_ = 	snop  }
0xf5: {  	[tilespmem:s28], [sflag:$0x2] =	stream.indirect_vreg.gather [hbm4b:s6+s2], $0x80, v3, vm0, $0xb8;
	[tilespmem:$0x1D500] =	vst v63  }
0xf6: {  	_ = 	snop  }
0xf7: {  	[tilespmem:s29], [sflag:$0x2] =	stream.indirect_vreg.gather [hbm4b:s7+s2], $0x80, v3, vm1, $0xb8;
	[tilespmem:$0x1D500] =	vst v63  }
0xf8: {  	_ =	swait.ge [sflag:s30], $0xFC00  }
0xf9: {  	[sflag:s30] =	ssyncset.done $0x0  }
0xfa: {  	s12 =	rddreg [dreg:$0x4];
	[sflag:s30] =	ssyncadd.s32 $0xFFFF0400  }
0xfb: {  	[hbm4b:s12+s2] =	stream.linear.scatter [tilespmem:s10], [sflag:$0x3], $0xFC00, $0x38;
	[tilespmem:$0x1D500] =	vst v63  }
0xfc: {  	_ =	swait.ge [sflag:s31], $0xD800  }
0xfd: {  	[sflag:s31] =	ssyncset.done $0x0  }
0xfe: {  	s12 =	rddreg [dreg:$0x5];
	[sflag:s31] =	ssyncadd.s32 $0xFFFF2800  }
0xff: {  	[hbm4b:s12+s2] =	stream.linear.scatter [tilespmem:s11], [sflag:$0x3], $0xD800, $0x38;
	[tilespmem:$0x1D500] =	vst v63  }
0x100: {  	p0 =	sne.s32 s8, $0x1;
	_ =	swait.ge [sflag:s1], $0xFC00  }
.Ltmp0:
0x101: {  	[sflag:s1] =	ssyncset.done $0x0;
	(pc) =	sbr.rel @p0 .LBB2_1-.Ltmp0, $4  }
0x102: {  	[sflag:s1] =	ssyncadd.s32 $0xFFFF0400  }
0x103: {  	_ =	swait.ge [sflag:s1], $0xD800  }
0x104: {  	[sflag:s1] =	ssyncset.done $0x0  }
0x105: {  	s8 =	sadd.s32 $0xFFFFFFFF, s8;
	[sflag:s1] =	ssyncadd.s32 $0xFFFF2800  }
0x106: {  	_ =	sfence.sel $0x180000  }
0x107: {  	[bflag:$0x0] =	sbarrier.arrive $0xFFFF  }
0x108: {  	_ =	strace $0x9000004D  }
0x109: {  	s0 =	stileid.u32;
	[bflag:$0x2] =	sbarrier.arrive $0xFFFF  }
0x10a: {  	p0 =	sne.s32 s0, $0x0;
	s0 =	rddreg [dreg:$0x1]  }
0x10b: {  	s0 =	sadd.s32 @!p0 $0x100000, s0  }
0x10c: {  	[sflag:s0] =	ssyncadd.tile.s32 @!p0 $0x1;
	_ =	shalt  }
.Lfunc_end2:
_tile_overlayer_lowered:
.L_overlay_start_2:
0x10d: {  	(tag) =	ssettag $0x2  }
0x10e: {  	s0 =	rddreg [dreg:$0x0];
	s2 =	stileid.u32  }
0x10f: {  	s1 =	rddreg [dreg:$0x1];
	p0 =	sne.s32 s2, $0x0  }
0x110: {  	s3 =	rddreg [dreg:$0x2];
	[bflag:$0x3] =	sbarrier.arrive $0xFFFF;
	s2 =	simm.s32 @!p0 $0x1C04  }
0x111: {  	[timem:s3], [sflag:s2] =	dma.local @!p0 [hbm:s0], s1  }
0x112: {  	s0 =	simm.s32 @!p0 $0x4  }
0x113: {  	_ =	swait.ge @!p0 [sflag:s0], s1  }
0x114: {  	s1 =	ssub.s32 @!p0 $0x0, s1;
	[sflag:s0] =	ssyncset.done @!p0 $0x0  }
0x115: {  	[sflag:s0] =	ssyncadd.s32 @!p0 s1  }
0x116: {  	[bflag:$0x3] =	sbarrier.arrive $0xFFFF  }
0x117: {  	_ =	shalt  }

// kernel: kernel.22.cloned.1.call-start
scs
__scs_entry_jumppad:
0x0: {  	(pc) =	sbr.rel $0x88, $3  }
0x1: {  	(tag) =	ssettag $0x0;
	lr =	simm.s32 $0x1  }
0x2: {  	[smem:$0x3F9D] =	sst lr;
	_ =	strace $0xD0000000  }
0x3: {  	_ = 	snop  }
0x4: {  	_ = 	snop  }
0x5: {  	_ = 	snop  }
0x6: {  	_ = 	snop  }
0x7: {  	_ = 	snop  }
__scs_overlays_trampoline_lowered:
0x8: {  	[smem:$0x3FAC] =	sst s0  }
0x9: {  	[smem:$0x3FAD] =	sst s1  }
0xa: {  	[smem:$0x3FAE] =	sst s2  }
0xb: {  	[smem:$0x3FAF] =	sst s3  }
0xc: {  	[smem:$0x3FB0] =	sst s4  }
0xd: {  	[smem:$0x3FB1] =	sst s5  }
0xe: {  	[smem:$0x3FB2] =	sst s6  }
0xf: {  	[smem:$0x3FB3] =	sst s7  }
0x10: {  	[smem:$0x3FB4] =	sst s8  }
0x11: {  	[smem:$0x3FB5] =	sst s9;
	s0 =	simm.s32 @!p0 $0x0  }
0x12: {  	s1 =	sld [smem:$0x3F9B];
	s0 =	simm.s32 @p0 $0x1  }
0x13: {  	[smem:$0x3FB6] =	sst s0;
	s0 =	simm.s32 @!p1 $0x0  }
0x14: {  	s2 =	sld [smem:$0x3F9A];
	s0 =	simm.s32 @p1 $0x1  }
0x15: {  	[smem:$0x3FB7] =	sst s0;
	s0 =	simm.s32 @!p2 $0x0  }
0x16: {  	s3 =	sld [smem:$0x3FDB];
	s0 =	simm.s32 @p2 $0x1  }
0x17: {  	s4 =	simm.s32 $0x1BF5;
	[smem:$0x3FB9] =	sst s0  }
0x18: {  	s0 =	sld [smem:$0x3F9C];
	_ =	swait.ge [sflag:s4], $0x0  }
0x19: {  	s7 =	sld [smem:$0x3F9D]  }
0x1a: {  	s8 =	sadd.s32 $0xFFFFE003, lr  }
0x1b: {  	s9 =	sadd.s32 $0xFFFFFEF7, lr;
	s5 =	simm.s32 $0xFFFFFFFF;
	p2 =	slt.u32 s8, $0xFFFFF086  }
0x1c: {  	p1 =	slt.u32 s9, $0xF7A;
	s5 =	simm.s32 @!p2 $0x0  }
0x1d: {  	s5 =	simm.s32 @p1 $0x1;
	p0 =	seq.s32 s7, s2  }
0x1e: {  	s7 =	smul.u32 @!p0 $0xF7A, s2;
	p2 =	seq.s32 @!p0 s5, $0x0  }
0x1f: {  	s9 =	smul.u32 $0xF7A, s1;
	s8 =	simm.s32 @!p0 $0x1BF5;
	p2 =	por !p2, p0  }
0x20: {  	[sflag:s8] =	ssyncset.s32 @!p0 $0xFFFFF086;
	s6 =	sadd.s32 @!p0 s3, s7;
	s7 =	simm.s32 @!p0 $0x108  }
0x21: {  	s3 =	sadd.s32 s3, s9;
	s6 =	sadd.s32 @!p0 $0x88, s6;
	s7 =	simm.s32 @p2 $0x1082  }
0x22: {  	[simem:s7], [sflag:s8] =	dma.local @!p0 [hbm:s6], $0xF7A  }
0x23: {  	s9 =	sor.u32 $0xD0000000, s2;
	s6 =	simm.s32 $0x108;
	_ =	swait.ge @!p0 [sflag:s8], $0x0  }
0x24: {  	s3 =	sadd.s32 $0x88, s3;
	s6 =	simm.s32 @!p1 $0x1082;
	[sflag:s4] =	ssyncset.s32 $0xFFFFF086  }
0x25: {  	[simem:s6], [sflag:s4] =	dma.local [hbm:s3], $0xF7A  }
0x26: {  	[smem:$0x3F9D] =	sst s1;
	(tag) =	ssettag s2;
	_ =	strace s9  }
0x27: {  	s1 =	sld [smem:$0x3FAD]  }
0x28: {  	s2 =	sld [smem:$0x3FAE]  }
0x29: {  	s4 =	sld [smem:$0x3FB0]  }
0x2a: {  	p0 =	seq.s32 s5, $0x0;
	s5 =	sld [smem:$0x3FB1]  }
0x2b: {  	s6 =	sld [smem:$0x3FB2]  }
0x2c: {  	s7 =	sld [smem:$0x3FB3]  }
0x2d: {  	s3 =	simm.s32 $0x108;
	s8 =	sld [smem:$0x3FB4]  }
0x2e: {  	s3 =	simm.s32 @!p0 $0x1082;
	s9 =	sld [smem:$0x3FB5]  }
0x2f: {  	lr =	sadd.s32 s0, s3;
	s0 =	sld [smem:$0x3FAC]  }
0x30: {  	s3 =	sld [smem:$0x3FAF]  }
0x31: {  	[smem:$0x3FB8] =	sst s10  }
0x32: {  	s10 =	sld [smem:$0x3FB6];
	_ =	sdelay $0x3  }
0x33: {  	p0 =	seq.s32 s10, $0x1;
	s10 =	sld [smem:$0x3FB8];
	_ =	sdelay $0x3  }
0x34: {  	[smem:$0x3FB8] =	sst s10  }
0x35: {  	s10 =	sld [smem:$0x3FB7];
	_ =	sdelay $0x3  }
0x36: {  	p1 =	seq.s32 s10, $0x1;
	s10 =	sld [smem:$0x3FB8];
	_ =	sdelay $0x3  }
0x37: {  	[smem:$0x3FB8] =	sst s10  }
0x38: {  	s10 =	sld [smem:$0x3FB9]  }
0x39: {  	_ = 	snop;
	(pc) =	sbr.ind lr, $3  }
0x3a: {  	_ = 	snop  }
0x3b: {  	_ = 	snop  }
0x3c: {  	p2 =	seq.s32 s10, $0x1;
	s10 =	sld [smem:$0x3FB8]  }
0x3d: {  	_ =	shalt  }
0x3e: {  	_ =	shalt  }
0x3f: {  	_ =	shalt  }
0x40: {  	_ =	shalt  }
0x41: {  	_ =	shalt  }
0x42: {  	_ =	shalt  }
0x43: {  	_ =	shalt  }
0x44: {  	_ =	shalt  }
0x45: {  	_ =	shalt  }
0x46: {  	_ =	shalt  }
0x47: {  	_ =	shalt  }
0x48: {  	_ =	shalt  }
0x49: {  	_ =	shalt  }
0x4a: {  	_ =	shalt  }
0x4b: {  	_ =	shalt  }
0x4c: {  	_ =	shalt  }
0x4d: {  	_ =	shalt  }
0x4e: {  	_ =	shalt  }
0x4f: {  	_ =	shalt  }
0x50: {  	_ =	shalt  }
0x51: {  	_ =	shalt  }
0x52: {  	_ =	shalt  }
0x53: {  	_ =	shalt  }
0x54: {  	_ =	shalt  }
0x55: {  	_ =	shalt  }
0x56: {  	_ =	shalt  }
0x57: {  	_ =	shalt  }
0x58: {  	_ =	shalt  }
0x59: {  	_ =	shalt  }
0x5a: {  	_ =	shalt  }
0x5b: {  	_ =	shalt  }
0x5c: {  	_ =	shalt  }
0x5d: {  	_ =	shalt  }
0x5e: {  	_ =	shalt  }
0x5f: {  	_ =	shalt  }
0x60: {  	_ =	shalt  }
0x61: {  	_ =	shalt  }
0x62: {  	_ =	shalt  }
0x63: {  	_ =	shalt  }
0x64: {  	_ =	shalt  }
0x65: {  	_ =	shalt  }
0x66: {  	_ =	shalt  }
0x67: {  	_ =	shalt  }
0x68: {  	_ =	shalt  }
0x69: {  	_ =	shalt  }
0x6a: {  	_ =	shalt  }
0x6b: {  	_ =	shalt  }
0x6c: {  	_ =	shalt  }
0x6d: {  	_ =	shalt  }
0x6e: {  	_ =	shalt  }
0x6f: {  	_ =	shalt  }
0x70: {  	_ =	shalt  }
0x71: {  	_ =	shalt  }
0x72: {  	_ =	shalt  }
0x73: {  	_ =	shalt  }
0x74: {  	_ =	shalt  }
0x75: {  	_ =	shalt  }
0x76: {  	_ =	shalt  }
0x77: {  	_ =	shalt  }
0x78: {  	_ =	shalt  }
0x79: {  	_ =	shalt  }
0x7a: {  	_ =	shalt  }
0x7b: {  	_ =	shalt  }
0x7c: {  	_ =	shalt  }
0x7d: {  	_ =	shalt  }
0x7e: {  	_ =	shalt  }
0x7f: {  	_ =	shalt  }
0x80: {  	_ =	shalt  }
0x81: {  	_ =	shalt  }
0x82: {  	_ =	shalt  }
0x83: {  	_ =	shalt  }
0x84: {  	_ =	shalt  }
0x85: {  	_ =	shalt  }
0x86: {  	_ =	shalt  }
0x87: {  	_ =	shalt  }
.Lfunc_end0:
.L_simem_size_0:
called_computation.3_lowered:
.L_overlay_start_0:
0x88: {  	s2 =	sld [smem:$0x3FD9]  }
0x89: {  	s3 =	sld [smem:$0x3FFE];
	_ =	sdelay $0x1  }
0x8a: {  	s1 =	srdreg.scid  }
0x8b: {  	s0 =	sand.u32 $0x1, s1  }
0x8c: {  	s17 =	sshll.u32 s0, $0xA;
	s2 =	sadd.s32 s3, s2  }
0x8d: {  	s2 =	sadd.s32 s2, s17  }
0x8e: {  	[smem:$0x3FC4] =	sst s2  }
0x8f: {  	_ = 	snop  }
0x90: {  	(tm) =	ssettm $0x1  }
0x91: {  	s18 =	sld [smem:$0x3FFB];
	_ =	sdelay $0x3  }
0x92: {  	_ =	strace s18  }
0x93: {  	s2 =	sld [smem:$0x3FFC];
	_ =	sdelay $0x3  }
0x94: {  	_ =	strace s2  }
0x95: {  	s2 =	sld [smem:$0x3FFD];
	_ =	sdelay $0x3  }
0x96: {  	_ =	strace s2  }
0x97: {  	_ =	strace $0x8FFFFFFF  }
0x98: {  	s19 =	sld [smem:$0x3FDB];
	_ =	sdelay $0x1  }
0x99: {  	s20 =	simm.s32 $_scs_section_size  }
0x9a: {  	s4 =	simm.s32 $_size__tile_overlayer_lowered;
	s5 =	simm.s32 $_tile_overlayer_lowered  }
0x9b: {  	s6 =	simm.s32 $0x1BFF;
	s21 =	sshll.u32 s5, $0x1;
	s3 =	sadd.s32 s20, s19  }
0x9c: {  	s22 =	simm.s32 $0x0;
	s4 =	sshll.u32 s4, $0x1;
	s5 =	sadd.s32 s21, s3  }
0x9d: {  	[timem:s22], [sflag:s6] =	dma.local [hbm:s5], s4  }
0x9e: {  	_ =	swait.ge [sflag:s6], s4  }
0x9f: {  	s4 =	ssub.s32 $0x0, s4;
	[sflag:s6] =	ssyncset.done $0x0  }
0xa0: {  	[sflag:s6] =	ssyncadd.s32 s4;
	_ =	sdelay $0x1  }
0xa1: {  	s23 =	simm.s32 $0x1B8B  }
0xa2: {  	_ =	swait.ge [sflag:s23], $0x1  }
0xa3: {  	[sflag:s23] =	ssyncset.done $0x0  }
0xa4: {  	[sflag:s23] =	ssyncadd.s32 $0xFFFFFFFF  }
0xa5: {  	s4 =	sld [smem:$0x0]  }
0xa6: {  	s5 =	sand.u32 $0xFFFFFFFE, s1  }
0xa7: {  	p0 =	sne.s32 s1, s5  }
0xa8: {  	s5 =	sshll.u32 @p0 s5, $0xE  }
0xa9: {  	s5 =	sadd.s32 @p0 $0x11B8D, s5;
	s6 =	sshll.u32 @p0 s4, $0x11  }
0xaa: {  	s5 =	sor.u32 @p0 s6, s5  }
0xab: {  	[sflag:s5] =	ssyncadd.remote.s32 @p0 $0x1;
	_ =	sdelay $0x1  }
0xac: {  	s5 =	simm.s32 @p0 $0x1B8D  }
0xad: {  	_ =	swait.eq @p0 [sflag:s5], $0x1  }
0xae: {  	[sflag:s5] =	ssyncadd.s32 @p0 $0xFFFFFFFF  }
0xaf: {  	s6 =	sshll.u32 @!p0 s1, $0xE  }
0xb0: {  	s6 =	sor.u32 @!p0 $0x4000, s6;
	s5 =	simm.s32 @!p0 $0x1B8D  }
0xb1: {  	s4 =	sshll.u32 @!p0 s4, $0x11;
	s6 =	sadd.s32 @!p0 $0x11B8D, s6;
	_ =	swait.eq @!p0 [sflag:s5], $0x1  }
0xb2: {  	s4 =	sor.u32 @!p0 s4, s6;
	[sflag:s5] =	ssyncadd.s32 @!p0 $0xFFFFFFFF  }
0xb3: {  	s25 =	simm.s32 $0x1B8E;
	s24 =	sld [smem:$0x3FFE];
	[sflag:s4] =	ssyncadd.remote.s32 @!p0 $0x1  }
0xb4: {  	s26 =	simm.s32 $execute0_lowered;
	[smem:$0x3FD2] =	sst s25  }
0xb5: {  	s5 =	sshll.u32 s26, $0x1;
	_ =	strace $0x8000004F;
	[dreg:$0x1] =	wrdreg $0xFFFFFFFF  }
0xb6: {  	s28 =	simm.s32 $_size_execute0_lowered;
	s3 =	sadd.s32 s3, s5;
	[dreg:$0x0] =	wrdreg $0x0  }
0xb7: {  	s5 =	sshll.u32 s28, $0x1;
	[dreg:$0x2] =	wrdreg s3  }
0xb8: {  	[dreg:$0x3] =	wrdreg s5  }
0xb9: {  	[dreg:$0x4] =	wrdreg $0xC0  }
0xba: {  	_ =	task [dreg:s22], $0x5FFFF  }
0xbb: {  	[dreg:$0x1] =	wrdreg $0xFFFFFFFF  }
0xbc: {  	[dreg:$0x0] =	wrdreg $0x60  }
0xbd: {  	[dreg:$0x2] =	wrdreg s24  }
0xbe: {  	[dreg:$0x3] =	wrdreg $0xC  }
0xbf: {  	_ =	task.clear_ibuf [dreg:s22], $0x4FFFF;
	_ =	strace $0x9000004F  }
0xc0: {  	s29 =	simm.s32 $0xC;
	_ =	strace $0x80000051  }
0xc1: {  	_ =	swait.ge [sflag:s29], $0x1  }
0xc2: {  	[sflag:s29] =	ssyncadd.s32 $0xFFFFFFFF  }
0xc3: {  	_ =	strace $0x90000051  }
0xc4: {  	_ =	sfence  }
0xc5: {  	s30 =	sld [smem:$0x0];
	_ =	sdelay $0x2  }
0xc6: {  	s31 =	sshll.u32 s1, $0xD;
	s1 =	sshrl.u32 s1, $0x2  }
0xc7: {  	s4 =	sand.u32 $0x4000, s31;
	s1 =	sadd.s32 s1, s30  }
0xc8: {  	s0 =	sor.u32 s4, s0;
	s1 =	sshll.u32 s1, $0x11  }
0xc9: {  	s0 =	sor.u32 s1, s0  }
0xca: {  	s0 =	sadd.s32 $0x8F2B, s0  }
0xcb: {  	[sflag:s0] =	ssyncadd.remote.s32 $0x1  }
0xcc: {  	_ =	sfence.sel $0xFFFF  }
0xcd: {  	[dreg:$0x0] =	wrdreg $0xFFFFFFFF;
	(pc) =	sbr.abs _section_cstart, $3  }
0xce: {  	[dreg:$0x1] =	wrdreg $0xFFFFFFFF  }
0xcf: {  	_ =	task.clear_ibuf [dreg:s22], $0x2FFFF;
	_ =	strace $0x9FFFFFFF  }
0xd0: {  	(tm) =	ssettm $0x7FFFFFFF  }
0xd1: {  	_ =	shalt  }
tec
execute0_lowered:
.L_overlay_start_1:
0x0: {  	(tag) =	ssettag $0x1  }
0x1: {  	s1 =	srdreg.scid;
	s0 =	stileid.u32  }
0x2: {  	s4 =	sand.u32 $0x1, s1;
	s2 =	sshll.u32 s0, $0x1  }
0x3: {  	s1 =	rddreg [dreg:$0x0];
	s3 =	sor.u32 s4, s2;
	s2 =	simm.s32 $0x0  }
0x4: {  	s25 =	simm.s32 $0x80;
	[smem:$0x7FF] =	sst s2  }
0x5: {  	s26 =	simm.s32 $0x900;
	_ =	strace $0x80000050;
	[dreg:$0x6] =	wrdreg s25  }
0x6: {  	s0 =	simm.s32 $0x1100;
	[dreg:$0x7] =	wrdreg s26  }
0x7: {  	s9 =	simm.s32 $0x3500;
	[dreg:$0x8] =	wrdreg s0  }
0x8: {  	s10 =	simm.s32 $0x3D00;
	[dreg:$0xd] =	wrdreg s9  }
0x9: {  	s11 =	simm.s32 $0x4500;
	[dreg:$0xe] =	wrdreg s10  }
0xa: {  	s12 =	simm.s32 $0x4900;
	[dreg:$0xf] =	wrdreg s11  }
0xb: {  	s13 =	simm.s32 $0x5100;
	[dreg:$0x10] =	wrdreg s12  }
0xc: {  	s14 =	simm.s32 $0x5900;
	[dreg:$0x11] =	wrdreg s13  }
0xd: {  	s15 =	simm.s32 $0x6100;
	[dreg:$0x12] =	wrdreg s14  }
0xe: {  	s16 =	simm.s32 $0x6900;
	[dreg:$0x13] =	wrdreg s15  }
0xf: {  	s17 =	simm.s32 $0x6D00;
	[dreg:$0x14] =	wrdreg s16  }
0x10: {  	s18 =	simm.s32 $0x7500;
	[dreg:$0x15] =	wrdreg s17  }
0x11: {  	s19 =	simm.s32 $0x7D00;
	[dreg:$0x16] =	wrdreg s18  }
0x12: {  	s20 =	simm.s32 $0x8500;
	[dreg:$0x17] =	wrdreg s19  }
0x13: {  	s21 =	simm.s32 $0x8D00;
	[dreg:$0x18] =	wrdreg s20  }
0x14: {  	s22 =	simm.s32 $0x9100;
	[dreg:$0x19] =	wrdreg s21  }
0x15: {  	s23 =	simm.s32 $0x9900;
	[dreg:$0x1a] =	wrdreg s22  }
0x16: {  	[dreg:$0x1b] =	wrdreg s23;
	s25 =	simm.s32 $0xA900  }
0x17: {  	s26 =	simm.s32 $0xB100;
	[dreg:$0x1d] =	wrdreg s25  }
0x18: {  	s0 =	simm.s32 $0xB500;
	[dreg:$0x1e] =	wrdreg s26  }
0x19: {  	s9 =	simm.s32 $0xD900;
	[dreg:$0x1f] =	wrdreg s0  }
0x1a: {  	s28 =	simm.s32 $0x1C900;
	s10 =	simm.s32 $0xE100;
	[smem:$0x7ED] =	sst s9  }
0x1b: {  	s29 =	simm.s32 $0x1D100;
	s11 =	simm.s32 $0xE900;
	[smem:$0x7EE] =	sst s10  }
0x1c: {  	s30 =	simm.s32 $0x1;
	s12 =	simm.s32 $0xF100;
	[smem:$0x7EF] =	sst s11  }
0x1d: {  	s31 =	simm.s32 $0x2;
	s13 =	simm.s32 $0xF900;
	[smem:$0x7F0] =	sst s12  }
0x1e: {  	s5 =	sadd.s32 $0x5F200, s1;
	s14 =	simm.s32 $0x10500;
	[smem:$0x7F1] =	sst s13  }
0x1f: {  	s6 =	sadd.s32 $0xCFE00, s1;
	s15 =	simm.s32 $0x10D00;
	[smem:$0x7F2] =	sst s14  }
0x20: {  	s4 =	ssub.s32 $0x2, s4;
	s17 =	simm.s32 $0x11500;
	[smem:$0x7F3] =	sst s15  }
0x21: {  	s3 =	smul.u32 $0x68, s3;
	s19 =	simm.s32 $0x11D00;
	[smem:$0x7F4] =	sst s17  }
0x22: {  	s16 =	sshrl.u32 s4, $0x1;
	s20 =	simm.s32 $0x12100;
	[smem:$0x7F5] =	sst s19  }
0x23: {  	s21 =	simm.s32 $0x12900;
	s22 =	simm.s32 $0x13900;
	[smem:$0x7F6] =	sst s20  }
0x24: {  	s23 =	simm.s32 $0x14100;
	s3 =	smin.u32 s3, $0xC18;
	[smem:$0x7F7] =	sst s21  }
0x25: {  	s18 =	ssub.s32 s4, s16;
	s4 =	sadd.s32 $0x3100, s1;
	[smem:$0x7F9] =	sst s22  }
0x26: {  	s9 =	simm.s32 $0x13100;
	[smem:$0x7FA] =	sst s23;
	s10 =	simm.s32 $0x100  }
0x27: {  	s25 =	simm.s32 $0x14D00;
	s11 =	simm.s32 $0xFD00;
	s26 =	simm.s32 $0x15500  }
0x28: {  	s13 =	simm.s32 $0x16500;
	s14 =	simm.s32 $0x16900;
	s15 =	simm.s32 $0x17100  }
0x29: {  	s16 =	simm.s32 $0x17900;
	s17 =	simm.s32 $0x18100;
	[smem:$0x7F8] =	sst s9  }
0x2a: {  	s7 =	sshrl.u32 s3, $0x3;
	s3 =	sadd.s32 $0x38, s3;
	[smem:$0x7FC] =	sst s25  }
0x2b: {  	[smem:$0x7FD] =	sst s26;
	s8 =	sadd.s32 s5, s7;
	s3 =	sshrl.u32 s3, $0x3  }
0x2c: {  	s7 =	smul.u32 $0x480, s7;
	[dreg:$0x2] =	wrdreg s8;
	s5 =	sadd.s32 s5, s3  }
0x2d: {  	s19 =	simm.s32 $0x18D00;
	s8 =	simm.s32 $0x2D00;
	[dreg:$0x3] =	wrdreg s5  }
0x2e: {  	s20 =	simm.s32 $0x19500;
	s24 =	sadd.s32 s6, s7;
	[dreg:$0xc] =	wrdreg s8  }
0x2f: {  	s21 =	simm.s32 $0x19D00;
	s5 =	simm.s32 $0x1900;
	[dreg:$0x4] =	wrdreg s24  }
0x30: {  	s3 =	smul.u32 $0x480, s3;
	s7 =	simm.s32 $0x2500;
	[dreg:$0x9] =	wrdreg s5  }
0x31: {  	s22 =	simm.s32 $0x1A500;
	s8 =	simm.s32 $0xD500;
	[dreg:$0xb] =	wrdreg s7  }
0x32: {  	s23 =	simm.s32 $0x1AD00;
	s3 =	sadd.s32 s6, s3;
	[smem:$0x7EC] =	sst s8  }
0x33: {  	s9 =	simm.s32 $0x4;
	s6 =	simm.s32 $0x2100;
	[dreg:$0x5] =	wrdreg s3  }
0x34: {  	s25 =	simm.s32 $0x1B900;
	s24 =	simm.s32 $0xA100;
	[dreg:$0xa] =	wrdreg s6  }
0x35: {  	s26 =	simm.s32 $0x1C100;
	s5 =	simm.s32 $0xBD00;
	[dreg:$0x1c] =	wrdreg s24  }
0x36: {  	s7 =	simm.s32 $0xCD00;
	s8 =	smax.u32 s18, $0x1;
	[smem:$0x7E9] =	sst s5  }
0x37: {  	s18 =	simm.s32 $0x18900;
	s6 =	simm.s32 $0xC500;
	[smem:$0x7EB] =	sst s7  }
0x38: {  	v2 =	vlaneseq.u32;
	s3 =	sadd.s32 $0x3000, s1;
	s5 =	sadd.s32 $0x3200, s1;
	s7 =	sadd.s32 $0x3400, s1  }
0x39: {  	vm0 =	vmmov $0xffff;
	vm1 =	vmmov $0xff;
	v1 =	vshrl.u32 v2, $0x3;
	s24 =	simm.s32 $0x14500;
	[smem:$0x7EA] =	sst s6;
	s6 =	sadd.s32 $0x3300, s1  }
0x3a: {  	v0 =	vand.u32 $0x7, v2;
	v2 =	vor.u32 $0x8, v2;
	v1 =	vmul.u32 $0x8, v1;
	[smem:$0x7FB] =	sst s24;
	s24 =	simm.s32 $0x1B100;
	s1 =	simm.s32 $0x3  }
.LBB2_1:
0x3b: {  	s0 =	rddreg [dreg:$0x2]  }
0x3c: {  	[tilespmem:s2], [sflag:$0x4] =	stream.linear.gather [hbm4b:s0+s2], $0x38, $0x38;
	[tilespmem:$0x1D500] =	vst v63  }
0x3d: {  	_ =	swait.ge [sflag:s9], $0x38  }
0x3e: {  	s0 =	rddreg [dreg:$0x3];
	[sflag:s9] =	ssyncset.done $0x0  }
0x3f: {  	s12 =	rddreg [dreg:$0x6];
	[sflag:s9] =	ssyncadd.s32 $0xFFFFFFC8  }
0x40: {  	[tilespmem:s12], [sflag:$0x4] =	stream.linear.gather [hbm4b:s0+s2], $0x30, $0x38;
	[tilespmem:$0x1D500] =	vst v63  }
0x41: {  	_ =	swait.ge [sflag:s9], $0x30  }
0x42: {  	[sflag:s9] =	ssyncset.done $0x0  }
0x43: {  	[sflag:s9] =	ssyncadd.s32 $0xFFFFFFD0  }
0x44: {  	v3 =	vld [tilespmem:$0x0];
	_ =	sdelay $0x4  }
0x45: {  	v4 =	vshrl.u32 v3, $0x3  }
0x46: {  	v4 =	vmul.u32 $0x48, v4  }
0x47: {  	v3 =	vand.u32 $0x7, v3  }
0x48: {  	v3 =	vor.u32 v3, v4  }
0x49: {  	v4 =	vperm.xlane v3, v0;
	_ =	sdelay $0x1  }
0x4a: {  	v4 =	vadd.s32 v1, v4;
	_ =	sdelay $0x4  }
0x4b: {  	[tilespmem:s10], [sflag:$0x1] =	stream.indirect_vreg.gather [hbm4b:s3+s2], $0x80, v4, vm0, $0xb8;
	[tilespmem:$0x1D500] =	vst v63  }
0x4c: {  	s0 =	rddreg [dreg:$0x7]  }
0x4d: {  	[tilespmem:s0], [sflag:$0x1] =	stream.indirect_vreg.gather [hbm4b:s4+s2], $0x80, v4, vm0, $0xb8;
	[tilespmem:$0x1D500] =	vst v63  }
0x4e: {  	s12 =	rddreg [dreg:$0x8];
	v3 =	vperm.xlane v3, v2  }
0x4f: {  	[tilespmem:s12], [sflag:$0x1] =	stream.indirect_vreg.gather [hbm4b:s5+s2], $0x80, v4, vm0, $0xb8;
	[tilespmem:$0x1D500] =	vst v63  }
0x50: {  	v3 =	vadd.s32 v1, v3;
	s0 =	rddreg [dreg:$0x9]  }
0x51: {  	[tilespmem:s0], [sflag:$0x1] =	stream.indirect_vreg.gather [hbm4b:s6+s2], $0x80, v4, vm0, $0xb8;
	[tilespmem:$0x1D500] =	vst v63  }
0x52: {  	s12 =	rddreg [dreg:$0xa]  }
0x53: {  	[tilespmem:s12], [sflag:$0x1] =	stream.indirect_vreg.gather [hbm4b:s7+s2], $0x80, v4, vm1, $0xb8;
	[tilespmem:$0x1D500] =	vst v63  }
0x54: {  	s0 =	rddreg [dreg:$0xb]  }
0x55: {  	[tilespmem:s0], [sflag:$0x1] =	stream.indirect_vreg.gather [hbm4b:s3+s2], $0x80, v3, vm0, $0xb8;
	[tilespmem:$0x1D500] =	vst v63  }
0x56: {  	s12 =	rddreg [dreg:$0xc]  }
0x57: {  	[tilespmem:s12], [sflag:$0x1] =	stream.indirect_vreg.gather [hbm4b:s4+s2], $0x80, v3, vm0, $0xb8;
	[tilespmem:$0x1D500] =	vst v63  }
0x58: {  	s0 =	rddreg [dreg:$0xd]  }
0x59: {  	[tilespmem:s0], [sflag:$0x1] =	stream.indirect_vreg.gather [hbm4b:s5+s2], $0x80, v3, vm0, $0xb8;
	[tilespmem:$0x1D500] =	vst v63  }
0x5a: {  	s12 =	rddreg [dreg:$0xe]  }
0x5b: {  	[tilespmem:s12], [sflag:$0x1] =	stream.indirect_vreg.gather [hbm4b:s6+s2], $0x80, v3, vm0, $0xb8;
	[tilespmem:$0x1D500] =	vst v63  }
0x5c: {  	s0 =	rddreg [dreg:$0xf]  }
0x5d: {  	[tilespmem:s0], [sflag:$0x1] =	stream.indirect_vreg.gather [hbm4b:s7+s2], $0x80, v3, vm1, $0xb8;
	[tilespmem:$0x1D500] =	vst v63  }
0x5e: {  	v3 =	vld [tilespmem:$0x10];
	_ =	sdelay $0x4  }
0x5f: {  	v58 =	vshrl.u32 v3, $0x3  }
0x60: {  	v4 =	vmul.u32 $0x48, v58  }
0x61: {  	v3 =	vand.u32 $0x7, v3  }
0x62: {  	v3 =	vor.u32 v3, v4  }
0x63: {  	v4 =	vperm.xlane v3, v0;
	_ =	sdelay $0x1  }
0x64: {  	v4 =	vadd.s32 v1, v4;
	_ =	sdelay $0x3  }
0x65: {  	s0 =	rddreg [dreg:$0x10]  }
0x66: {  	[tilespmem:s0], [sflag:$0x1] =	stream.indirect_vreg.gather [hbm4b:s3+s2], $0x80, v4, vm0, $0xb8;
	[tilespmem:$0x1D500] =	vst v63  }
0x67: {  	s12 =	rddreg [dreg:$0x11]  }
0x68: {  	[tilespmem:s12], [sflag:$0x1] =	stream.indirect_vreg.gather [hbm4b:s4+s2], $0x80, v4, vm0, $0xb8;
	[tilespmem:$0x1D500] =	vst v63  }
0x69: {  	v3 =	vperm.xlane v3, v2;
	s0 =	rddreg [dreg:$0x12]  }
0x6a: {  	[tilespmem:s0], [sflag:$0x1] =	stream.indirect_vreg.gather [hbm4b:s5+s2], $0x80, v4, vm0, $0xb8;
	[tilespmem:$0x1D500] =	vst v63  }
0x6b: {  	v3 =	vadd.s32 v1, v3;
	s12 =	rddreg [dreg:$0x13]  }
0x6c: {  	[tilespmem:s12], [sflag:$0x1] =	stream.indirect_vreg.gather [hbm4b:s6+s2], $0x80, v4, vm0, $0xb8;
	[tilespmem:$0x1D500] =	vst v63  }
0x6d: {  	s0 =	rddreg [dreg:$0x14]  }
0x6e: {  	[tilespmem:s0], [sflag:$0x1] =	stream.indirect_vreg.gather [hbm4b:s7+s2], $0x80, v4, vm1, $0xb8;
	[tilespmem:$0x1D500] =	vst v63  }
0x6f: {  	s12 =	rddreg [dreg:$0x15]  }
0x70: {  	[tilespmem:s12], [sflag:$0x1] =	stream.indirect_vreg.gather [hbm4b:s3+s2], $0x80, v3, vm0, $0xb8;
	[tilespmem:$0x1D500] =	vst v63  }
0x71: {  	s0 =	rddreg [dreg:$0x16]  }
0x72: {  	[tilespmem:s0], [sflag:$0x1] =	stream.indirect_vreg.gather [hbm4b:s4+s2], $0x80, v3, vm0, $0xb8;
	[tilespmem:$0x1D500] =	vst v63  }
0x73: {  	s12 =	rddreg [dreg:$0x17]  }
0x74: {  	[tilespmem:s12], [sflag:$0x1] =	stream.indirect_vreg.gather [hbm4b:s5+s2], $0x80, v3, vm0, $0xb8;
	[tilespmem:$0x1D500] =	vst v63  }
0x75: {  	s0 =	rddreg [dreg:$0x18]  }
0x76: {  	[tilespmem:s0], [sflag:$0x1] =	stream.indirect_vreg.gather [hbm4b:s6+s2], $0x80, v3, vm0, $0xb8;
	[tilespmem:$0x1D500] =	vst v63  }
0x77: {  	s12 =	rddreg [dreg:$0x19]  }
0x78: {  	[tilespmem:s12], [sflag:$0x1] =	stream.indirect_vreg.gather [hbm4b:s7+s2], $0x80, v3, vm1, $0xb8;
	[tilespmem:$0x1D500] =	vst v63  }
0x79: {  	v3 =	vld [tilespmem:$0x20];
	_ =	sdelay $0x4  }
0x7a: {  	v59 =	vshrl.u32 v3, $0x3  }
0x7b: {  	v4 =	vmul.u32 $0x48, v59  }
0x7c: {  	v3 =	vand.u32 $0x7, v3  }
0x7d: {  	v3 =	vor.u32 v3, v4  }
0x7e: {  	v4 =	vperm.xlane v3, v0;
	_ =	sdelay $0x1  }
0x7f: {  	v4 =	vadd.s32 v1, v4;
	_ =	sdelay $0x2  }
0x80: {  	s0 =	rddreg [dreg:$0x1a]  }
0x81: {  	s12 =	rddreg [dreg:$0x1b]  }
0x82: {  	[tilespmem:s0], [sflag:$0x1] =	stream.indirect_vreg.gather [hbm4b:s3+s2], $0x80, v4, vm0, $0xb8;
	[tilespmem:$0x1D500] =	vst v63  }
0x83: {  	s0 =	rddreg [dreg:$0x1c]  }
0x84: {  	[tilespmem:s12], [sflag:$0x1] =	stream.indirect_vreg.gather [hbm4b:s4+s2], $0x80, v4, vm0, $0xb8;
	[tilespmem:$0x1D500] =	vst v63  }
0x85: {  	v3 =	vperm.xlane v3, v2;
	s12 =	rddreg [dreg:$0x1d]  }
0x86: {  	[tilespmem:s0], [sflag:$0x1] =	stream.indirect_vreg.gather [hbm4b:s5+s2], $0x80, v4, vm0, $0xb8;
	[tilespmem:$0x1D500] =	vst v63  }
0x87: {  	v3 =	vadd.s32 v1, v3;
	s0 =	rddreg [dreg:$0x1e]  }
0x88: {  	[tilespmem:s12], [sflag:$0x1] =	stream.indirect_vreg.gather [hbm4b:s6+s2], $0x80, v4, vm0, $0xb8;
	[tilespmem:$0x1D500] =	vst v63  }
0x89: {  	s12 =	rddreg [dreg:$0x1f]  }
0x8a: {  	[tilespmem:s0], [sflag:$0x1] =	stream.indirect_vreg.gather [hbm4b:s7+s2], $0x80, v4, vm1, $0xb8;
	[tilespmem:$0x1D500] =	vst v63  }
0x8b: {  	s0 =	sld [smem:$0x7E9]  }
0x8c: {  	[tilespmem:s12], [sflag:$0x1] =	stream.indirect_vreg.gather [hbm4b:s3+s2], $0x80, v3, vm0, $0xb8;
	[tilespmem:$0x1D500] =	vst v63  }
0x8d: {  	s12 =	sld [smem:$0x7EA]  }
0x8e: {  	[tilespmem:s0], [sflag:$0x1] =	stream.indirect_vreg.gather [hbm4b:s4+s2], $0x80, v3, vm0, $0xb8;
	[tilespmem:$0x1D500] =	vst v63  }
0x8f: {  	s0 =	sld [smem:$0x7EB]  }
0x90: {  	[tilespmem:s12], [sflag:$0x1] =	stream.indirect_vreg.gather [hbm4b:s5+s2], $0x80, v3, vm0, $0xb8;
	[tilespmem:$0x1D500] =	vst v63  }
0x91: {  	s12 =	sld [smem:$0x7EC]  }
0x92: {  	[tilespmem:s0], [sflag:$0x1] =	stream.indirect_vreg.gather [hbm4b:s6+s2], $0x80, v3, vm0, $0xb8;
	[tilespmem:$0x1D500] =	vst v63  }
0x93: {  	_ = 	snop  }
0x94: {  	[tilespmem:s12], [sflag:$0x1] =	stream.indirect_vreg.gather [hbm4b:s7+s2], $0x80, v3, vm1, $0xb8;
	[tilespmem:$0x1D500] =	vst v63  }
0x95: {  	v3 =	vld.msk [tilespmem:$0x30], $0xff;
	_ =	sdelay $0x4  }
0x96: {  	v60 =	vshrl.u32 v3, $0x3  }
0x97: {  	v4 =	vmul.u32 $0x48, v60  }
0x98: {  	v3 =	vand.u32 $0x7, v3  }
0x99: {  	v3 =	vor.u32 v3, v4  }
0x9a: {  	v3 =	vperm.xlane v3, v0;
	_ =	sdelay $0x1  }
0x9b: {  	v3 =	vadd.s32 v1, v3;
	_ =	sdelay $0x1  }
0x9c: {  	s0 =	sld [smem:$0x7ED];
	_ =	sdelay $0x1  }
0x9d: {  	s12 =	sld [smem:$0x7EE]  }
0x9e: {  	[tilespmem:s0], [sflag:$0x1] =	stream.indirect_vreg.gather [hbm4b:s3+s2], $0x80, v3, vm0, $0xb8;
	[tilespmem:$0x1D500] =	vst v63  }
0x9f: {  	s0 =	sld [smem:$0x7EF]  }
0xa0: {  	[tilespmem:s12], [sflag:$0x1] =	stream.indirect_vreg.gather [hbm4b:s4+s2], $0x80, v3, vm0, $0xb8;
	[tilespmem:$0x1D500] =	vst v63  }
0xa1: {  	s12 =	sld [smem:$0x7F0]  }
0xa2: {  	[tilespmem:s0], [sflag:$0x1] =	stream.indirect_vreg.gather [hbm4b:s5+s2], $0x80, v3, vm0, $0xb8;
	[tilespmem:$0x1D500] =	vst v63  }
0xa3: {  	s0 =	sld [smem:$0x7F1]  }
0xa4: {  	[tilespmem:s12], [sflag:$0x1] =	stream.indirect_vreg.gather [hbm4b:s6+s2], $0x80, v3, vm0, $0xb8;
	[tilespmem:$0x1D500] =	vst v63  }
0xa5: {  	_ = 	snop  }
0xa6: {  	[tilespmem:s0], [sflag:$0x1] =	stream.indirect_vreg.gather [hbm4b:s7+s2], $0x80, v3, vm1, $0xb8;
	[tilespmem:$0x1D500] =	vst v63  }
0xa7: {  	v3 =	vld [tilespmem:$0x80];
	_ =	sdelay $0x4  }
0xa8: {  	v61 =	vshrl.u32 v3, $0x3  }
0xa9: {  	v4 =	vmul.u32 $0x48, v61  }
0xaa: {  	v3 =	vand.u32 $0x7, v3  }
0xab: {  	v3 =	vor.u32 v3, v4  }
0xac: {  	v4 =	vperm.xlane v3, v0;
	_ =	sdelay $0x1  }
0xad: {  	v4 =	vadd.s32 v1, v4;
	_ =	sdelay $0x3  }
0xae: {  	s0 =	sld [smem:$0x7F2]  }
0xaf: {  	[tilespmem:s11], [sflag:$0x2] =	stream.indirect_vreg.gather [hbm4b:s3+s2], $0x80, v4, vm0, $0xb8;
	[tilespmem:$0x1D500] =	vst v63  }
0xb0: {  	s12 =	sld [smem:$0x7F3]  }
0xb1: {  	[tilespmem:s0], [sflag:$0x2] =	stream.indirect_vreg.gather [hbm4b:s4+s2], $0x80, v4, vm0, $0xb8;
	[tilespmem:$0x1D500] =	vst v63  }
0xb2: {  	v3 =	vperm.xlane v3, v2;
	s0 =	sld [smem:$0x7F4]  }
0xb3: {  	[tilespmem:s12], [sflag:$0x2] =	stream.indirect_vreg.gather [hbm4b:s5+s2], $0x80, v4, vm0, $0xb8;
	[tilespmem:$0x1D500] =	vst v63  }
0xb4: {  	v3 =	vadd.s32 v1, v3;
	s12 =	sld [smem:$0x7F5]  }
0xb5: {  	[tilespmem:s0], [sflag:$0x2] =	stream.indirect_vreg.gather [hbm4b:s6+s2], $0x80, v4, vm0, $0xb8;
	[tilespmem:$0x1D500] =	vst v63  }
0xb6: {  	s0 =	sld [smem:$0x7F6]  }
0xb7: {  	[tilespmem:s12], [sflag:$0x2] =	stream.indirect_vreg.gather [hbm4b:s7+s2], $0x80, v4, vm1, $0xb8;
	[tilespmem:$0x1D500] =	vst v63  }
0xb8: {  	s12 =	sld [smem:$0x7F7]  }
0xb9: {  	[tilespmem:s0], [sflag:$0x2] =	stream.indirect_vreg.gather [hbm4b:s3+s2], $0x80, v3, vm0, $0xb8;
	[tilespmem:$0x1D500] =	vst v63  }
0xba: {  	s0 =	sld [smem:$0x7F8]  }
0xbb: {  	[tilespmem:s12], [sflag:$0x2] =	stream.indirect_vreg.gather [hbm4b:s4+s2], $0x80, v3, vm0, $0xb8;
	[tilespmem:$0x1D500] =	vst v63  }
0xbc: {  	s12 =	sld [smem:$0x7F9]  }
0xbd: {  	[tilespmem:s0], [sflag:$0x2] =	stream.indirect_vreg.gather [hbm4b:s5+s2], $0x80, v3, vm0, $0xb8;
	[tilespmem:$0x1D500] =	vst v63  }
0xbe: {  	s0 =	sld [smem:$0x7FA]  }
0xbf: {  	[tilespmem:s12], [sflag:$0x2] =	stream.indirect_vreg.gather [hbm4b:s6+s2], $0x80, v3, vm0, $0xb8;
	[tilespmem:$0x1D500] =	vst v63  }
0xc0: {  	_ = 	snop  }
0xc1: {  	[tilespmem:s0], [sflag:$0x2] =	stream.indirect_vreg.gather [hbm4b:s7+s2], $0x80, v3, vm1, $0xb8;
	[tilespmem:$0x1D500] =	vst v63  }
0xc2: {  	v3 =	vld [tilespmem:$0x90];
	_ =	sdelay $0x4  }
0xc3: {  	v62 =	vshrl.u32 v3, $0x3  }
0xc4: {  	v4 =	vmul.u32 $0x48, v62  }
0xc5: {  	v3 =	vand.u32 $0x7, v3  }
0xc6: {  	v3 =	vor.u32 v3, v4  }
0xc7: {  	v4 =	vperm.xlane v3, v0;
	_ =	sdelay $0x1  }
0xc8: {  	v4 =	vadd.s32 v1, v4;
	_ =	sdelay $0x1  }
0xc9: {  	s0 =	sld [smem:$0x7FB];
	_ =	sdelay $0x1  }
0xca: {  	s12 =	sld [smem:$0x7FC]  }
0xcb: {  	[tilespmem:s0], [sflag:$0x2] =	stream.indirect_vreg.gather [hbm4b:s3+s2], $0x80, v4, vm0, $0xb8;
	[tilespmem:$0x1D500] =	vst v63  }
0xcc: {  	s0 =	sld [smem:$0x7FD]  }
0xcd: {  	[tilespmem:s12], [sflag:$0x2] =	stream.indirect_vreg.gather [hbm4b:s4+s2], $0x80, v4, vm0, $0xb8;
	[tilespmem:$0x1D500] =	vst v63  }
0xce: {  	v3 =	vperm.xlane v3, v2  }
0xcf: {  	[tilespmem:s0], [sflag:$0x2] =	stream.indirect_vreg.gather [hbm4b:s5+s2], $0x80, v4, vm0, $0xb8;
	[tilespmem:$0x1D500] =	vst v63  }
0xd0: {  	v3 =	vadd.s32 v1, v3;
	s12 =	simm.s32 $0x15D00  }
0xd1: {  	[tilespmem:s12], [sflag:$0x2] =	stream.indirect_vreg.gather [hbm4b:s6+s2], $0x80, v4, vm0, $0xb8;
	[tilespmem:$0x1D500] =	vst v63  }
0xd2: {  	_ = 	snop  }
0xd3: {  	[tilespmem:s13], [sflag:$0x2] =	stream.indirect_vreg.gather [hbm4b:s7+s2], $0x80, v4, vm1, $0xb8;
	[tilespmem:$0x1D500] =	vst v63  }
0xd4: {  	_ = 	snop  }
0xd5: {  	[tilespmem:s14], [sflag:$0x2] =	stream.indirect_vreg.gather [hbm4b:s3+s2], $0x80, v3, vm0, $0xb8;
	[tilespmem:$0x1D500] =	vst v63  }
0xd6: {  	_ = 	snop  }
0xd7: {  	[tilespmem:s15], [sflag:$0x2] =	stream.indirect_vreg.gather [hbm4b:s4+s2], $0x80, v3, vm0, $0xb8;
	[tilespmem:$0x1D500] =	vst v63  }
0xd8: {  	_ = 	snop  }
0xd9: {  	[tilespmem:s16], [sflag:$0x2] =	stream.indirect_vreg.gather [hbm4b:s5+s2], $0x80, v3, vm0, $0xb8;
	[tilespmem:$0x1D500] =	vst v63  }
0xda: {  	_ = 	snop  }
0xdb: {  	[tilespmem:s17], [sflag:$0x2] =	stream.indirect_vreg.gather [hbm4b:s6+s2], $0x80, v3, vm0, $0xb8;
	[tilespmem:$0x1D500] =	vst v63  }
0xdc: {  	_ = 	snop  }
0xdd: {  	[tilespmem:s18], [sflag:$0x2] =	stream.indirect_vreg.gather [hbm4b:s7+s2], $0x80, v3, vm1, $0xb8;
	[tilespmem:$0x1D500] =	vst v63  }
0xde: {  	v3 =	vld [tilespmem:$0xA0];
	_ =	sdelay $0x4  }
0xdf: {  	v63 =	vshrl.u32 v3, $0x3  }
0xe0: {  	v4 =	vmul.u32 $0x48, v63  }
0xe1: {  	v3 =	vand.u32 $0x7, v3  }
0xe2: {  	v3 =	vor.u32 v3, v4  }
0xe3: {  	v4 =	vperm.xlane v3, v0;
	_ =	sdelay $0x1  }
0xe4: {  	v4 =	vadd.s32 v1, v4;
	_ =	sdelay $0x4  }
0xe5: {  	[tilespmem:s19], [sflag:$0x2] =	stream.indirect_vreg.gather [hbm4b:s3+s2], $0x80, v4, vm0, $0xb8;
	[tilespmem:$0x1D500] =	vst v63  }
0xe6: {  	_ = 	snop  }
0xe7: {  	[tilespmem:s20], [sflag:$0x2] =	stream.indirect_vreg.gather [hbm4b:s4+s2], $0x80, v4, vm0, $0xb8;
	[tilespmem:$0x1D500] =	vst v63  }
0xe8: {  	v3 =	vperm.xlane v3, v2  }
0xe9: {  	[tilespmem:s21], [sflag:$0x2] =	stream.indirect_vreg.gather [hbm4b:s5+s2], $0x80, v4, vm0, $0xb8;
	[tilespmem:$0x1D500] =	vst v63  }
0xea: {  	v3 =	vadd.s32 v1, v3  }
0xeb: {  	[tilespmem:s22], [sflag:$0x2] =	stream.indirect_vreg.gather [hbm4b:s6+s2], $0x80, v4, vm0, $0xb8;
	[tilespmem:$0x1D500] =	vst v63  }
0xec: {  	_ = 	snop  }
0xed: {  	[tilespmem:s23], [sflag:$0x2] =	stream.indirect_vreg.gather [hbm4b:s7+s2], $0x80, v4, vm1, $0xb8;
	[tilespmem:$0x1D500] =	vst v63  }
0xee: {  	_ = 	snop  }
0xef: {  	[tilespmem:s24], [sflag:$0x2] =	stream.indirect_vreg.gather [hbm4b:s3+s2], $0x80, v3, vm0, $0xb8;
	[tilespmem:$0x1D500] =	vst v63  }
0xf0: {  	_ = 	snop  }
0xf1: {  	[tilespmem:s25], [sflag:$0x2] =	stream.indirect_vreg.gather [hbm4b:s4+s2], $0x80, v3, vm0, $0xb8;
	[tilespmem:$0x1D500] =	vst v63  }
0xf2: {  	_ = 	snop  }
0xf3: {  	[tilespmem:s26], [sflag:$0x2] =	stream.indirect_vreg.gather [hbm4b:s5+s2], $0x80, v3, vm0, $0xb8;
	[tilespmem:$0x1D500] =	vst v63  }
0xf4: {  	_ = 	snop  }
0xf5: {  	[tilespmem:s28], [sflag:$0x2] =	stream.indirect_vreg.gather [hbm4b:s6+s2], $0x80, v3, vm0, $0xb8;
	[tilespmem:$0x1D500] =	vst v63  }
0xf6: {  	_ = 	snop  }
0xf7: {  	[tilespmem:s29], [sflag:$0x2] =	stream.indirect_vreg.gather [hbm4b:s7+s2], $0x80, v3, vm1, $0xb8;
	[tilespmem:$0x1D500] =	vst v63  }
0xf8: {  	_ =	swait.ge [sflag:s30], $0xFC00  }
0xf9: {  	[sflag:s30] =	ssyncset.done $0x0  }
0xfa: {  	s12 =	rddreg [dreg:$0x4];
	[sflag:s30] =	ssyncadd.s32 $0xFFFF0400  }
0xfb: {  	[hbm4b:s12+s2] =	stream.linear.scatter [tilespmem:s10], [sflag:$0x3], $0xFC00, $0x38;
	[tilespmem:$0x1D500] =	vst v63  }
0xfc: {  	_ =	swait.ge [sflag:s31], $0xD800  }
0xfd: {  	[sflag:s31] =	ssyncset.done $0x0  }
0xfe: {  	s12 =	rddreg [dreg:$0x5];
	[sflag:s31] =	ssyncadd.s32 $0xFFFF2800  }
0xff: {  	[hbm4b:s12+s2] =	stream.linear.scatter [tilespmem:s11], [sflag:$0x3], $0xD800, $0x38;
	[tilespmem:$0x1D500] =	vst v63  }
0x100: {  	p0 =	sne.s32 s8, $0x1;
	_ =	swait.ge [sflag:s1], $0xFC00  }
.Ltmp0:
0x101: {  	[sflag:s1] =	ssyncset.done $0x0;
	(pc) =	sbr.rel @p0 .LBB2_1-.Ltmp0, $4  }
0x102: {  	[sflag:s1] =	ssyncadd.s32 $0xFFFF0400  }
0x103: {  	_ =	swait.ge [sflag:s1], $0xD800  }
0x104: {  	[sflag:s1] =	ssyncset.done $0x0  }
0x105: {  	s8 =	sadd.s32 $0xFFFFFFFF, s8;
	[sflag:s1] =	ssyncadd.s32 $0xFFFF2800  }
0x106: {  	_ =	sfence.sel $0x180000  }
0x107: {  	[bflag:$0x0] =	sbarrier.arrive $0xFFFF  }
0x108: {  	_ =	strace $0x90000050  }
0x109: {  	s0 =	stileid.u32;
	[bflag:$0x2] =	sbarrier.arrive $0xFFFF  }
0x10a: {  	p0 =	sne.s32 s0, $0x0;
	s0 =	rddreg [dreg:$0x1]  }
0x10b: {  	s0 =	sadd.s32 @!p0 $0x100000, s0  }
0x10c: {  	[sflag:s0] =	ssyncadd.tile.s32 @!p0 $0x1;
	_ =	shalt  }
.Lfunc_end2:
_tile_overlayer_lowered:
.L_overlay_start_2:
0x10d: {  	(tag) =	ssettag $0x2  }
0x10e: {  	s0 =	rddreg [dreg:$0x0];
	s2 =	stileid.u32  }
0x10f: {  	s1 =	rddreg [dreg:$0x1];
	p0 =	sne.s32 s2, $0x0  }
0x110: {  	s3 =	rddreg [dreg:$0x2];
	[bflag:$0x3] =	sbarrier.arrive $0xFFFF;
	s2 =	simm.s32 @!p0 $0x1C04  }
0x111: {  	[timem:s3], [sflag:s2] =	dma.local @!p0 [hbm:s0], s1  }
0x112: {  	s0 =	simm.s32 @!p0 $0x4  }
0x113: {  	_ =	swait.ge @!p0 [sflag:s0], s1  }
0x114: {  	s1 =	ssub.s32 @!p0 $0x0, s1;
	[sflag:s0] =	ssyncset.done @!p0 $0x0  }
0x115: {  	[sflag:s0] =	ssyncadd.s32 @!p0 s1  }
0x116: {  	[bflag:$0x3] =	sbarrier.arrive $0xFFFF  }
0x117: {  	_ =	shalt  }

// kernel: kernel.25.cloned.1.call-start
scs
__scs_entry_jumppad:
0x0: {  	(pc) =	sbr.rel $0x88, $3  }
0x1: {  	(tag) =	ssettag $0x0;
	lr =	simm.s32 $0x1  }
0x2: {  	[smem:$0x3F9D] =	sst lr;
	_ =	strace $0xD0000000  }
0x3: {  	_ = 	snop  }
0x4: {  	_ = 	snop  }
0x5: {  	_ = 	snop  }
0x6: {  	_ = 	snop  }
0x7: {  	_ = 	snop  }
__scs_overlays_trampoline_lowered:
0x8: {  	[smem:$0x3FAC] =	sst s0  }
0x9: {  	[smem:$0x3FAD] =	sst s1  }
0xa: {  	[smem:$0x3FAE] =	sst s2  }
0xb: {  	[smem:$0x3FAF] =	sst s3  }
0xc: {  	[smem:$0x3FB0] =	sst s4  }
0xd: {  	[smem:$0x3FB1] =	sst s5  }
0xe: {  	[smem:$0x3FB2] =	sst s6  }
0xf: {  	[smem:$0x3FB3] =	sst s7  }
0x10: {  	[smem:$0x3FB4] =	sst s8  }
0x11: {  	[smem:$0x3FB5] =	sst s9;
	s0 =	simm.s32 @!p0 $0x0  }
0x12: {  	s1 =	sld [smem:$0x3F9B];
	s0 =	simm.s32 @p0 $0x1  }
0x13: {  	[smem:$0x3FB6] =	sst s0;
	s0 =	simm.s32 @!p1 $0x0  }
0x14: {  	s2 =	sld [smem:$0x3F9A];
	s0 =	simm.s32 @p1 $0x1  }
0x15: {  	[smem:$0x3FB7] =	sst s0;
	s0 =	simm.s32 @!p2 $0x0  }
0x16: {  	s3 =	sld [smem:$0x3FDB];
	s0 =	simm.s32 @p2 $0x1  }
0x17: {  	s4 =	simm.s32 $0x1BF5;
	[smem:$0x3FB9] =	sst s0  }
0x18: {  	s0 =	sld [smem:$0x3F9C];
	_ =	swait.ge [sflag:s4], $0x0  }
0x19: {  	s7 =	sld [smem:$0x3F9D]  }
0x1a: {  	s8 =	sadd.s32 $0xFFFFE003, lr  }
0x1b: {  	s9 =	sadd.s32 $0xFFFFFEF7, lr;
	s5 =	simm.s32 $0xFFFFFFFF;
	p2 =	slt.u32 s8, $0xFFFFF086  }
0x1c: {  	p1 =	slt.u32 s9, $0xF7A;
	s5 =	simm.s32 @!p2 $0x0  }
0x1d: {  	s5 =	simm.s32 @p1 $0x1;
	p0 =	seq.s32 s7, s2  }
0x1e: {  	s7 =	smul.u32 @!p0 $0xF7A, s2;
	p2 =	seq.s32 @!p0 s5, $0x0  }
0x1f: {  	s9 =	smul.u32 $0xF7A, s1;
	s8 =	simm.s32 @!p0 $0x1BF5;
	p2 =	por !p2, p0  }
0x20: {  	[sflag:s8] =	ssyncset.s32 @!p0 $0xFFFFF086;
	s6 =	sadd.s32 @!p0 s3, s7;
	s7 =	simm.s32 @!p0 $0x108  }
0x21: {  	s3 =	sadd.s32 s3, s9;
	s6 =	sadd.s32 @!p0 $0x88, s6;
	s7 =	simm.s32 @p2 $0x1082  }
0x22: {  	[simem:s7], [sflag:s8] =	dma.local @!p0 [hbm:s6], $0xF7A  }
0x23: {  	s9 =	sor.u32 $0xD0000000, s2;
	s6 =	simm.s32 $0x108;
	_ =	swait.ge @!p0 [sflag:s8], $0x0  }
0x24: {  	s3 =	sadd.s32 $0x88, s3;
	s6 =	simm.s32 @!p1 $0x1082;
	[sflag:s4] =	ssyncset.s32 $0xFFFFF086  }
0x25: {  	[simem:s6], [sflag:s4] =	dma.local [hbm:s3], $0xF7A  }
0x26: {  	[smem:$0x3F9D] =	sst s1;
	(tag) =	ssettag s2;
	_ =	strace s9  }
0x27: {  	s1 =	sld [smem:$0x3FAD]  }
0x28: {  	s2 =	sld [smem:$0x3FAE]  }
0x29: {  	s4 =	sld [smem:$0x3FB0]  }
0x2a: {  	p0 =	seq.s32 s5, $0x0;
	s5 =	sld [smem:$0x3FB1]  }
0x2b: {  	s6 =	sld [smem:$0x3FB2]  }
0x2c: {  	s7 =	sld [smem:$0x3FB3]  }
0x2d: {  	s3 =	simm.s32 $0x108;
	s8 =	sld [smem:$0x3FB4]  }
0x2e: {  	s3 =	simm.s32 @!p0 $0x1082;
	s9 =	sld [smem:$0x3FB5]  }
0x2f: {  	lr =	sadd.s32 s0, s3;
	s0 =	sld [smem:$0x3FAC]  }
0x30: {  	s3 =	sld [smem:$0x3FAF]  }
0x31: {  	[smem:$0x3FB8] =	sst s10  }
0x32: {  	s10 =	sld [smem:$0x3FB6];
	_ =	sdelay $0x3  }
0x33: {  	p0 =	seq.s32 s10, $0x1;
	s10 =	sld [smem:$0x3FB8];
	_ =	sdelay $0x3  }
0x34: {  	[smem:$0x3FB8] =	sst s10  }
0x35: {  	s10 =	sld [smem:$0x3FB7];
	_ =	sdelay $0x3  }
0x36: {  	p1 =	seq.s32 s10, $0x1;
	s10 =	sld [smem:$0x3FB8];
	_ =	sdelay $0x3  }
0x37: {  	[smem:$0x3FB8] =	sst s10  }
0x38: {  	s10 =	sld [smem:$0x3FB9]  }
0x39: {  	_ = 	snop;
	(pc) =	sbr.ind lr, $3  }
0x3a: {  	_ = 	snop  }
0x3b: {  	_ = 	snop  }
0x3c: {  	p2 =	seq.s32 s10, $0x1;
	s10 =	sld [smem:$0x3FB8]  }
0x3d: {  	_ =	shalt  }
0x3e: {  	_ =	shalt  }
0x3f: {  	_ =	shalt  }
0x40: {  	_ =	shalt  }
0x41: {  	_ =	shalt  }
0x42: {  	_ =	shalt  }
0x43: {  	_ =	shalt  }
0x44: {  	_ =	shalt  }
0x45: {  	_ =	shalt  }
0x46: {  	_ =	shalt  }
0x47: {  	_ =	shalt  }
0x48: {  	_ =	shalt  }
0x49: {  	_ =	shalt  }
0x4a: {  	_ =	shalt  }
0x4b: {  	_ =	shalt  }
0x4c: {  	_ =	shalt  }
0x4d: {  	_ =	shalt  }
0x4e: {  	_ =	shalt  }
0x4f: {  	_ =	shalt  }
0x50: {  	_ =	shalt  }
0x51: {  	_ =	shalt  }
0x52: {  	_ =	shalt  }
0x53: {  	_ =	shalt  }
0x54: {  	_ =	shalt  }
0x55: {  	_ =	shalt  }
0x56: {  	_ =	shalt  }
0x57: {  	_ =	shalt  }
0x58: {  	_ =	shalt  }
0x59: {  	_ =	shalt  }
0x5a: {  	_ =	shalt  }
0x5b: {  	_ =	shalt  }
0x5c: {  	_ =	shalt  }
0x5d: {  	_ =	shalt  }
0x5e: {  	_ =	shalt  }
0x5f: {  	_ =	shalt  }
0x60: {  	_ =	shalt  }
0x61: {  	_ =	shalt  }
0x62: {  	_ =	shalt  }
0x63: {  	_ =	shalt  }
0x64: {  	_ =	shalt  }
0x65: {  	_ =	shalt  }
0x66: {  	_ =	shalt  }
0x67: {  	_ =	shalt  }
0x68: {  	_ =	shalt  }
0x69: {  	_ =	shalt  }
0x6a: {  	_ =	shalt  }
0x6b: {  	_ =	shalt  }
0x6c: {  	_ =	shalt  }
0x6d: {  	_ =	shalt  }
0x6e: {  	_ =	shalt  }
0x6f: {  	_ =	shalt  }
0x70: {  	_ =	shalt  }
0x71: {  	_ =	shalt  }
0x72: {  	_ =	shalt  }
0x73: {  	_ =	shalt  }
0x74: {  	_ =	shalt  }
0x75: {  	_ =	shalt  }
0x76: {  	_ =	shalt  }
0x77: {  	_ =	shalt  }
0x78: {  	_ =	shalt  }
0x79: {  	_ =	shalt  }
0x7a: {  	_ =	shalt  }
0x7b: {  	_ =	shalt  }
0x7c: {  	_ =	shalt  }
0x7d: {  	_ =	shalt  }
0x7e: {  	_ =	shalt  }
0x7f: {  	_ =	shalt  }
0x80: {  	_ =	shalt  }
0x81: {  	_ =	shalt  }
0x82: {  	_ =	shalt  }
0x83: {  	_ =	shalt  }
0x84: {  	_ =	shalt  }
0x85: {  	_ =	shalt  }
0x86: {  	_ =	shalt  }
0x87: {  	_ =	shalt  }
.Lfunc_end0:
.L_simem_size_0:
called_computation.4_lowered:
.L_overlay_start_0:
0x88: {  	s2 =	sld [smem:$0x3FD9]  }
0x89: {  	s3 =	sld [smem:$0x3FFE];
	_ =	sdelay $0x1  }
0x8a: {  	s1 =	srdreg.scid  }
0x8b: {  	s0 =	sand.u32 $0x1, s1  }
0x8c: {  	s17 =	sshll.u32 s0, $0xA;
	s2 =	sadd.s32 s3, s2  }
0x8d: {  	s2 =	sadd.s32 s2, s17  }
0x8e: {  	[smem:$0x3FC4] =	sst s2  }
0x8f: {  	_ = 	snop  }
0x90: {  	(tm) =	ssettm $0x1  }
0x91: {  	s18 =	sld [smem:$0x3FFB];
	_ =	sdelay $0x3  }
0x92: {  	_ =	strace s18  }
0x93: {  	s2 =	sld [smem:$0x3FFC];
	_ =	sdelay $0x3  }
0x94: {  	_ =	strace s2  }
0x95: {  	s2 =	sld [smem:$0x3FFD];
	_ =	sdelay $0x3  }
0x96: {  	_ =	strace s2  }
0x97: {  	_ =	strace $0x8FFFFFFF  }
0x98: {  	s19 =	sld [smem:$0x3FDB];
	_ =	sdelay $0x1  }
0x99: {  	s20 =	simm.s32 $_scs_section_size  }
0x9a: {  	s4 =	simm.s32 $_size__tile_overlayer_lowered;
	s5 =	simm.s32 $_tile_overlayer_lowered  }
0x9b: {  	s6 =	simm.s32 $0x1BFF;
	s21 =	sshll.u32 s5, $0x1;
	s3 =	sadd.s32 s20, s19  }
0x9c: {  	s22 =	simm.s32 $0x0;
	s4 =	sshll.u32 s4, $0x1;
	s5 =	sadd.s32 s21, s3  }
0x9d: {  	[timem:s22], [sflag:s6] =	dma.local [hbm:s5], s4  }
0x9e: {  	_ =	swait.ge [sflag:s6], s4  }
0x9f: {  	s4 =	ssub.s32 $0x0, s4;
	[sflag:s6] =	ssyncset.done $0x0  }
0xa0: {  	[sflag:s6] =	ssyncadd.s32 s4;
	_ =	sdelay $0x1  }
0xa1: {  	s23 =	simm.s32 $0x1B8B  }
0xa2: {  	_ =	swait.ge [sflag:s23], $0x1  }
0xa3: {  	[sflag:s23] =	ssyncset.done $0x0  }
0xa4: {  	[sflag:s23] =	ssyncadd.s32 $0xFFFFFFFF  }
0xa5: {  	s4 =	sld [smem:$0x0]  }
0xa6: {  	s5 =	sand.u32 $0xFFFFFFFE, s1  }
0xa7: {  	p0 =	sne.s32 s1, s5  }
0xa8: {  	s5 =	sshll.u32 @p0 s5, $0xE  }
0xa9: {  	s5 =	sadd.s32 @p0 $0x11B8D, s5;
	s6 =	sshll.u32 @p0 s4, $0x11  }
0xaa: {  	s5 =	sor.u32 @p0 s6, s5  }
0xab: {  	[sflag:s5] =	ssyncadd.remote.s32 @p0 $0x1;
	_ =	sdelay $0x1  }
0xac: {  	s5 =	simm.s32 @p0 $0x1B8D  }
0xad: {  	_ =	swait.eq @p0 [sflag:s5], $0x1  }
0xae: {  	[sflag:s5] =	ssyncadd.s32 @p0 $0xFFFFFFFF  }
0xaf: {  	s6 =	sshll.u32 @!p0 s1, $0xE  }
0xb0: {  	s6 =	sor.u32 @!p0 $0x4000, s6;
	s5 =	simm.s32 @!p0 $0x1B8D  }
0xb1: {  	s4 =	sshll.u32 @!p0 s4, $0x11;
	s6 =	sadd.s32 @!p0 $0x11B8D, s6;
	_ =	swait.eq @!p0 [sflag:s5], $0x1  }
0xb2: {  	s4 =	sor.u32 @!p0 s4, s6;
	[sflag:s5] =	ssyncadd.s32 @!p0 $0xFFFFFFFF  }
0xb3: {  	s25 =	simm.s32 $0x1B8E;
	s24 =	sld [smem:$0x3FFE];
	[sflag:s4] =	ssyncadd.remote.s32 @!p0 $0x1  }
0xb4: {  	s26 =	simm.s32 $execute0_lowered;
	[smem:$0x3FD2] =	sst s25  }
0xb5: {  	s5 =	sshll.u32 s26, $0x1;
	_ =	strace $0x80000052;
	[dreg:$0x1] =	wrdreg $0xFFFFFFFF  }
0xb6: {  	s28 =	simm.s32 $_size_execute0_lowered;
	s3 =	sadd.s32 s3, s5;
	[dreg:$0x0] =	wrdreg $0x0  }
0xb7: {  	s5 =	sshll.u32 s28, $0x1;
	[dreg:$0x2] =	wrdreg s3  }
0xb8: {  	[dreg:$0x3] =	wrdreg s5  }
0xb9: {  	[dreg:$0x4] =	wrdreg $0xC0  }
0xba: {  	_ =	task [dreg:s22], $0x5FFFF  }
0xbb: {  	[dreg:$0x1] =	wrdreg $0xFFFFFFFF  }
0xbc: {  	[dreg:$0x0] =	wrdreg $0x60  }
0xbd: {  	[dreg:$0x2] =	wrdreg s24  }
0xbe: {  	[dreg:$0x3] =	wrdreg $0xD  }
0xbf: {  	_ =	task.clear_ibuf [dreg:s22], $0x4FFFF;
	_ =	strace $0x90000052  }
0xc0: {  	s29 =	simm.s32 $0xD;
	_ =	strace $0x80000054  }
0xc1: {  	_ =	swait.ge [sflag:s29], $0x1  }
0xc2: {  	[sflag:s29] =	ssyncadd.s32 $0xFFFFFFFF  }
0xc3: {  	_ =	strace $0x90000054  }
0xc4: {  	_ =	sfence  }
0xc5: {  	s30 =	sld [smem:$0x0];
	_ =	sdelay $0x2  }
0xc6: {  	s31 =	sshll.u32 s1, $0xD;
	s1 =	sshrl.u32 s1, $0x2  }
0xc7: {  	s4 =	sand.u32 $0x4000, s31;
	s1 =	sadd.s32 s1, s30  }
0xc8: {  	s0 =	sor.u32 s4, s0;
	s1 =	sshll.u32 s1, $0x11  }
0xc9: {  	s0 =	sor.u32 s1, s0  }
0xca: {  	s0 =	sadd.s32 $0x8F2B, s0  }
0xcb: {  	[sflag:s0] =	ssyncadd.remote.s32 $0x1  }
0xcc: {  	_ =	sfence.sel $0xFFFF  }
0xcd: {  	[dreg:$0x0] =	wrdreg $0xFFFFFFFF;
	(pc) =	sbr.abs _section_cstart, $3  }
0xce: {  	[dreg:$0x1] =	wrdreg $0xFFFFFFFF  }
0xcf: {  	_ =	task.clear_ibuf [dreg:s22], $0x2FFFF;
	_ =	strace $0x9FFFFFFF  }
0xd0: {  	(tm) =	ssettm $0x7FFFFFFF  }
0xd1: {  	_ =	shalt  }
tec
execute0_lowered:
.L_overlay_start_1:
0x0: {  	(tag) =	ssettag $0x1  }
0x1: {  	s1 =	srdreg.scid;
	s0 =	stileid.u32  }
0x2: {  	s4 =	sand.u32 $0x1, s1;
	s2 =	sshll.u32 s0, $0x1  }
0x3: {  	s1 =	rddreg [dreg:$0x0];
	s3 =	sor.u32 s4, s2;
	s2 =	simm.s32 $0x0  }
0x4: {  	s25 =	simm.s32 $0x80;
	[smem:$0x7FF] =	sst s2  }
0x5: {  	s26 =	simm.s32 $0x900;
	_ =	strace $0x80000053;
	[dreg:$0x6] =	wrdreg s25  }
0x6: {  	s0 =	simm.s32 $0x1100;
	[dreg:$0x7] =	wrdreg s26  }
0x7: {  	s9 =	simm.s32 $0x3500;
	[dreg:$0x8] =	wrdreg s0  }
0x8: {  	s10 =	simm.s32 $0x3D00;
	[dreg:$0xd] =	wrdreg s9  }
0x9: {  	s11 =	simm.s32 $0x4500;
	[dreg:$0xe] =	wrdreg s10  }
0xa: {  	s12 =	simm.s32 $0x4900;
	[dreg:$0xf] =	wrdreg s11  }
0xb: {  	s13 =	simm.s32 $0x5100;
	[dreg:$0x10] =	wrdreg s12  }
0xc: {  	s14 =	simm.s32 $0x5900;
	[dreg:$0x11] =	wrdreg s13  }
0xd: {  	s15 =	simm.s32 $0x6100;
	[dreg:$0x12] =	wrdreg s14  }
0xe: {  	s16 =	simm.s32 $0x6900;
	[dreg:$0x13] =	wrdreg s15  }
0xf: {  	s17 =	simm.s32 $0x6D00;
	[dreg:$0x14] =	wrdreg s16  }
0x10: {  	s18 =	simm.s32 $0x7500;
	[dreg:$0x15] =	wrdreg s17  }
0x11: {  	s19 =	simm.s32 $0x7D00;
	[dreg:$0x16] =	wrdreg s18  }
0x12: {  	s20 =	simm.s32 $0x8500;
	[dreg:$0x17] =	wrdreg s19  }
0x13: {  	s21 =	simm.s32 $0x8D00;
	[dreg:$0x18] =	wrdreg s20  }
0x14: {  	s22 =	simm.s32 $0x9100;
	[dreg:$0x19] =	wrdreg s21  }
0x15: {  	s23 =	simm.s32 $0x9900;
	[dreg:$0x1a] =	wrdreg s22  }
0x16: {  	[dreg:$0x1b] =	wrdreg s23;
	s25 =	simm.s32 $0xA900  }
0x17: {  	s26 =	simm.s32 $0xB100;
	[dreg:$0x1d] =	wrdreg s25  }
0x18: {  	s0 =	simm.s32 $0xB500;
	[dreg:$0x1e] =	wrdreg s26  }
0x19: {  	s9 =	simm.s32 $0xD900;
	[dreg:$0x1f] =	wrdreg s0  }
0x1a: {  	s28 =	simm.s32 $0x1C900;
	s10 =	simm.s32 $0xE100;
	[smem:$0x7ED] =	sst s9  }
0x1b: {  	s29 =	simm.s32 $0x1D100;
	s11 =	simm.s32 $0xE900;
	[smem:$0x7EE] =	sst s10  }
0x1c: {  	s30 =	simm.s32 $0x1;
	s12 =	simm.s32 $0xF100;
	[smem:$0x7EF] =	sst s11  }
0x1d: {  	s31 =	simm.s32 $0x2;
	s13 =	simm.s32 $0xF900;
	[smem:$0x7F0] =	sst s12  }
0x1e: {  	s5 =	sadd.s32 $0x5F400, s1;
	s14 =	simm.s32 $0x10500;
	[smem:$0x7F1] =	sst s13  }
0x1f: {  	s6 =	sadd.s32 $0x140600, s1;
	s15 =	simm.s32 $0x10D00;
	[smem:$0x7F2] =	sst s14  }
0x20: {  	s4 =	ssub.s32 $0x2, s4;
	s17 =	simm.s32 $0x11500;
	[smem:$0x7F3] =	sst s15  }
0x21: {  	s3 =	smul.u32 $0x68, s3;
	s19 =	simm.s32 $0x11D00;
	[smem:$0x7F4] =	sst s17  }
0x22: {  	s16 =	sshrl.u32 s4, $0x1;
	s20 =	simm.s32 $0x12100;
	[smem:$0x7F5] =	sst s19  }
0x23: {  	s21 =	simm.s32 $0x12900;
	s22 =	simm.s32 $0x13900;
	[smem:$0x7F6] =	sst s20  }
0x24: {  	s23 =	simm.s32 $0x14100;
	s3 =	smin.u32 s3, $0xC18;
	[smem:$0x7F7] =	sst s21  }
0x25: {  	s18 =	ssub.s32 s4, s16;
	s4 =	sadd.s32 $0x3100, s1;
	[smem:$0x7F9] =	sst s22  }
0x26: {  	s9 =	simm.s32 $0x13100;
	[smem:$0x7FA] =	sst s23;
	s10 =	simm.s32 $0x100  }
0x27: {  	s25 =	simm.s32 $0x14D00;
	s11 =	simm.s32 $0xFD00;
	s26 =	simm.s32 $0x15500  }
0x28: {  	s13 =	simm.s32 $0x16500;
	s14 =	simm.s32 $0x16900;
	s15 =	simm.s32 $0x17100  }
0x29: {  	s16 =	simm.s32 $0x17900;
	s17 =	simm.s32 $0x18100;
	[smem:$0x7F8] =	sst s9  }
0x2a: {  	s7 =	sshrl.u32 s3, $0x3;
	s3 =	sadd.s32 $0x38, s3;
	[smem:$0x7FC] =	sst s25  }
0x2b: {  	[smem:$0x7FD] =	sst s26;
	s8 =	sadd.s32 s5, s7;
	s3 =	sshrl.u32 s3, $0x3  }
0x2c: {  	s7 =	smul.u32 $0x480, s7;
	[dreg:$0x2] =	wrdreg s8;
	s5 =	sadd.s32 s5, s3  }
0x2d: {  	s19 =	simm.s32 $0x18D00;
	s8 =	simm.s32 $0x2D00;
	[dreg:$0x3] =	wrdreg s5  }
0x2e: {  	s20 =	simm.s32 $0x19500;
	s24 =	sadd.s32 s6, s7;
	[dreg:$0xc] =	wrdreg s8  }
0x2f: {  	s21 =	simm.s32 $0x19D00;
	s5 =	simm.s32 $0x1900;
	[dreg:$0x4] =	wrdreg s24  }
0x30: {  	s3 =	smul.u32 $0x480, s3;
	s7 =	simm.s32 $0x2500;
	[dreg:$0x9] =	wrdreg s5  }
0x31: {  	s22 =	simm.s32 $0x1A500;
	s8 =	simm.s32 $0xD500;
	[dreg:$0xb] =	wrdreg s7  }
0x32: {  	s23 =	simm.s32 $0x1AD00;
	s3 =	sadd.s32 s6, s3;
	[smem:$0x7EC] =	sst s8  }
0x33: {  	s9 =	simm.s32 $0x4;
	s6 =	simm.s32 $0x2100;
	[dreg:$0x5] =	wrdreg s3  }
0x34: {  	s25 =	simm.s32 $0x1B900;
	s24 =	simm.s32 $0xA100;
	[dreg:$0xa] =	wrdreg s6  }
0x35: {  	s26 =	simm.s32 $0x1C100;
	s5 =	simm.s32 $0xBD00;
	[dreg:$0x1c] =	wrdreg s24  }
0x36: {  	s7 =	simm.s32 $0xCD00;
	s8 =	smax.u32 s18, $0x1;
	[smem:$0x7E9] =	sst s5  }
0x37: {  	s18 =	simm.s32 $0x18900;
	s6 =	simm.s32 $0xC500;
	[smem:$0x7EB] =	sst s7  }
0x38: {  	v2 =	vlaneseq.u32;
	s3 =	sadd.s32 $0x3000, s1;
	s5 =	sadd.s32 $0x3200, s1;
	s7 =	sadd.s32 $0x3400, s1  }
0x39: {  	vm0 =	vmmov $0xffff;
	vm1 =	vmmov $0xff;
	v1 =	vshrl.u32 v2, $0x3;
	s24 =	simm.s32 $0x14500;
	[smem:$0x7EA] =	sst s6;
	s6 =	sadd.s32 $0x3300, s1  }
0x3a: {  	v0 =	vand.u32 $0x7, v2;
	v2 =	vor.u32 $0x8, v2;
	v1 =	vmul.u32 $0x8, v1;
	[smem:$0x7FB] =	sst s24;
	s24 =	simm.s32 $0x1B100;
	s1 =	simm.s32 $0x3  }
.LBB2_1:
0x3b: {  	s0 =	rddreg [dreg:$0x2]  }
0x3c: {  	[tilespmem:s2], [sflag:$0x4] =	stream.linear.gather [hbm4b:s0+s2], $0x38, $0x38;
	[tilespmem:$0x1D500] =	vst v63  }
0x3d: {  	_ =	swait.ge [sflag:s9], $0x38  }
0x3e: {  	s0 =	rddreg [dreg:$0x3];
	[sflag:s9] =	ssyncset.done $0x0  }
0x3f: {  	s12 =	rddreg [dreg:$0x6];
	[sflag:s9] =	ssyncadd.s32 $0xFFFFFFC8  }
0x40: {  	[tilespmem:s12], [sflag:$0x4] =	stream.linear.gather [hbm4b:s0+s2], $0x30, $0x38;
	[tilespmem:$0x1D500] =	vst v63  }
0x41: {  	_ =	swait.ge [sflag:s9], $0x30  }
0x42: {  	[sflag:s9] =	ssyncset.done $0x0  }
0x43: {  	[sflag:s9] =	ssyncadd.s32 $0xFFFFFFD0  }
0x44: {  	v3 =	vld [tilespmem:$0x0];
	_ =	sdelay $0x4  }
0x45: {  	v4 =	vshrl.u32 v3, $0x3  }
0x46: {  	v4 =	vmul.u32 $0x48, v4  }
0x47: {  	v3 =	vand.u32 $0x7, v3  }
0x48: {  	v3 =	vor.u32 v3, v4  }
0x49: {  	v4 =	vperm.xlane v3, v0;
	_ =	sdelay $0x1  }
0x4a: {  	v4 =	vadd.s32 v1, v4;
	_ =	sdelay $0x4  }
0x4b: {  	[tilespmem:s10], [sflag:$0x1] =	stream.indirect_vreg.gather [hbm4b:s3+s2], $0x80, v4, vm0, $0xb8;
	[tilespmem:$0x1D500] =	vst v63  }
0x4c: {  	s0 =	rddreg [dreg:$0x7]  }
0x4d: {  	[tilespmem:s0], [sflag:$0x1] =	stream.indirect_vreg.gather [hbm4b:s4+s2], $0x80, v4, vm0, $0xb8;
	[tilespmem:$0x1D500] =	vst v63  }
0x4e: {  	s12 =	rddreg [dreg:$0x8];
	v3 =	vperm.xlane v3, v2  }
0x4f: {  	[tilespmem:s12], [sflag:$0x1] =	stream.indirect_vreg.gather [hbm4b:s5+s2], $0x80, v4, vm0, $0xb8;
	[tilespmem:$0x1D500] =	vst v63  }
0x50: {  	v3 =	vadd.s32 v1, v3;
	s0 =	rddreg [dreg:$0x9]  }
0x51: {  	[tilespmem:s0], [sflag:$0x1] =	stream.indirect_vreg.gather [hbm4b:s6+s2], $0x80, v4, vm0, $0xb8;
	[tilespmem:$0x1D500] =	vst v63  }
0x52: {  	s12 =	rddreg [dreg:$0xa]  }
0x53: {  	[tilespmem:s12], [sflag:$0x1] =	stream.indirect_vreg.gather [hbm4b:s7+s2], $0x80, v4, vm1, $0xb8;
	[tilespmem:$0x1D500] =	vst v63  }
0x54: {  	s0 =	rddreg [dreg:$0xb]  }
0x55: {  	[tilespmem:s0], [sflag:$0x1] =	stream.indirect_vreg.gather [hbm4b:s3+s2], $0x80, v3, vm0, $0xb8;
	[tilespmem:$0x1D500] =	vst v63  }
0x56: {  	s12 =	rddreg [dreg:$0xc]  }
0x57: {  	[tilespmem:s12], [sflag:$0x1] =	stream.indirect_vreg.gather [hbm4b:s4+s2], $0x80, v3, vm0, $0xb8;
	[tilespmem:$0x1D500] =	vst v63  }
0x58: {  	s0 =	rddreg [dreg:$0xd]  }
0x59: {  	[tilespmem:s0], [sflag:$0x1] =	stream.indirect_vreg.gather [hbm4b:s5+s2], $0x80, v3, vm0, $0xb8;
	[tilespmem:$0x1D500] =	vst v63  }
0x5a: {  	s12 =	rddreg [dreg:$0xe]  }
0x5b: {  	[tilespmem:s12], [sflag:$0x1] =	stream.indirect_vreg.gather [hbm4b:s6+s2], $0x80, v3, vm0, $0xb8;
	[tilespmem:$0x1D500] =	vst v63  }
0x5c: {  	s0 =	rddreg [dreg:$0xf]  }
0x5d: {  	[tilespmem:s0], [sflag:$0x1] =	stream.indirect_vreg.gather [hbm4b:s7+s2], $0x80, v3, vm1, $0xb8;
	[tilespmem:$0x1D500] =	vst v63  }
0x5e: {  	v3 =	vld [tilespmem:$0x10];
	_ =	sdelay $0x4  }
0x5f: {  	v58 =	vshrl.u32 v3, $0x3  }
0x60: {  	v4 =	vmul.u32 $0x48, v58  }
0x61: {  	v3 =	vand.u32 $0x7, v3  }
0x62: {  	v3 =	vor.u32 v3, v4  }
0x63: {  	v4 =	vperm.xlane v3, v0;
	_ =	sdelay $0x1  }
0x64: {  	v4 =	vadd.s32 v1, v4;
	_ =	sdelay $0x3  }
0x65: {  	s0 =	rddreg [dreg:$0x10]  }
0x66: {  	[tilespmem:s0], [sflag:$0x1] =	stream.indirect_vreg.gather [hbm4b:s3+s2], $0x80, v4, vm0, $0xb8;
	[tilespmem:$0x1D500] =	vst v63  }
0x67: {  	s12 =	rddreg [dreg:$0x11]  }
0x68: {  	[tilespmem:s12], [sflag:$0x1] =	stream.indirect_vreg.gather [hbm4b:s4+s2], $0x80, v4, vm0, $0xb8;
	[tilespmem:$0x1D500] =	vst v63  }
0x69: {  	v3 =	vperm.xlane v3, v2;
	s0 =	rddreg [dreg:$0x12]  }
0x6a: {  	[tilespmem:s0], [sflag:$0x1] =	stream.indirect_vreg.gather [hbm4b:s5+s2], $0x80, v4, vm0, $0xb8;
	[tilespmem:$0x1D500] =	vst v63  }
0x6b: {  	v3 =	vadd.s32 v1, v3;
	s12 =	rddreg [dreg:$0x13]  }
0x6c: {  	[tilespmem:s12], [sflag:$0x1] =	stream.indirect_vreg.gather [hbm4b:s6+s2], $0x80, v4, vm0, $0xb8;
	[tilespmem:$0x1D500] =	vst v63  }
0x6d: {  	s0 =	rddreg [dreg:$0x14]  }
0x6e: {  	[tilespmem:s0], [sflag:$0x1] =	stream.indirect_vreg.gather [hbm4b:s7+s2], $0x80, v4, vm1, $0xb8;
	[tilespmem:$0x1D500] =	vst v63  }
0x6f: {  	s12 =	rddreg [dreg:$0x15]  }
0x70: {  	[tilespmem:s12], [sflag:$0x1] =	stream.indirect_vreg.gather [hbm4b:s3+s2], $0x80, v3, vm0, $0xb8;
	[tilespmem:$0x1D500] =	vst v63  }
0x71: {  	s0 =	rddreg [dreg:$0x16]  }
0x72: {  	[tilespmem:s0], [sflag:$0x1] =	stream.indirect_vreg.gather [hbm4b:s4+s2], $0x80, v3, vm0, $0xb8;
	[tilespmem:$0x1D500] =	vst v63  }
0x73: {  	s12 =	rddreg [dreg:$0x17]  }
0x74: {  	[tilespmem:s12], [sflag:$0x1] =	stream.indirect_vreg.gather [hbm4b:s5+s2], $0x80, v3, vm0, $0xb8;
	[tilespmem:$0x1D500] =	vst v63  }
0x75: {  	s0 =	rddreg [dreg:$0x18]  }
0x76: {  	[tilespmem:s0], [sflag:$0x1] =	stream.indirect_vreg.gather [hbm4b:s6+s2], $0x80, v3, vm0, $0xb8;
	[tilespmem:$0x1D500] =	vst v63  }
0x77: {  	s12 =	rddreg [dreg:$0x19]  }
0x78: {  	[tilespmem:s12], [sflag:$0x1] =	stream.indirect_vreg.gather [hbm4b:s7+s2], $0x80, v3, vm1, $0xb8;
	[tilespmem:$0x1D500] =	vst v63  }
0x79: {  	v3 =	vld [tilespmem:$0x20];
	_ =	sdelay $0x4  }
0x7a: {  	v59 =	vshrl.u32 v3, $0x3  }
0x7b: {  	v4 =	vmul.u32 $0x48, v59  }
0x7c: {  	v3 =	vand.u32 $0x7, v3  }
0x7d: {  	v3 =	vor.u32 v3, v4  }
0x7e: {  	v4 =	vperm.xlane v3, v0;
	_ =	sdelay $0x1  }
0x7f: {  	v4 =	vadd.s32 v1, v4;
	_ =	sdelay $0x2  }
0x80: {  	s0 =	rddreg [dreg:$0x1a]  }
0x81: {  	s12 =	rddreg [dreg:$0x1b]  }
0x82: {  	[tilespmem:s0], [sflag:$0x1] =	stream.indirect_vreg.gather [hbm4b:s3+s2], $0x80, v4, vm0, $0xb8;
	[tilespmem:$0x1D500] =	vst v63  }
0x83: {  	s0 =	rddreg [dreg:$0x1c]  }
0x84: {  	[tilespmem:s12], [sflag:$0x1] =	stream.indirect_vreg.gather [hbm4b:s4+s2], $0x80, v4, vm0, $0xb8;
	[tilespmem:$0x1D500] =	vst v63  }
0x85: {  	v3 =	vperm.xlane v3, v2;
	s12 =	rddreg [dreg:$0x1d]  }
0x86: {  	[tilespmem:s0], [sflag:$0x1] =	stream.indirect_vreg.gather [hbm4b:s5+s2], $0x80, v4, vm0, $0xb8;
	[tilespmem:$0x1D500] =	vst v63  }
0x87: {  	v3 =	vadd.s32 v1, v3;
	s0 =	rddreg [dreg:$0x1e]  }
0x88: {  	[tilespmem:s12], [sflag:$0x1] =	stream.indirect_vreg.gather [hbm4b:s6+s2], $0x80, v4, vm0, $0xb8;
	[tilespmem:$0x1D500] =	vst v63  }
0x89: {  	s12 =	rddreg [dreg:$0x1f]  }
0x8a: {  	[tilespmem:s0], [sflag:$0x1] =	stream.indirect_vreg.gather [hbm4b:s7+s2], $0x80, v4, vm1, $0xb8;
	[tilespmem:$0x1D500] =	vst v63  }
0x8b: {  	s0 =	sld [smem:$0x7E9]  }
0x8c: {  	[tilespmem:s12], [sflag:$0x1] =	stream.indirect_vreg.gather [hbm4b:s3+s2], $0x80, v3, vm0, $0xb8;
	[tilespmem:$0x1D500] =	vst v63  }
0x8d: {  	s12 =	sld [smem:$0x7EA]  }
0x8e: {  	[tilespmem:s0], [sflag:$0x1] =	stream.indirect_vreg.gather [hbm4b:s4+s2], $0x80, v3, vm0, $0xb8;
	[tilespmem:$0x1D500] =	vst v63  }
0x8f: {  	s0 =	sld [smem:$0x7EB]  }
0x90: {  	[tilespmem:s12], [sflag:$0x1] =	stream.indirect_vreg.gather [hbm4b:s5+s2], $0x80, v3, vm0, $0xb8;
	[tilespmem:$0x1D500] =	vst v63  }
0x91: {  	s12 =	sld [smem:$0x7EC]  }
0x92: {  	[tilespmem:s0], [sflag:$0x1] =	stream.indirect_vreg.gather [hbm4b:s6+s2], $0x80, v3, vm0, $0xb8;
	[tilespmem:$0x1D500] =	vst v63  }
0x93: {  	_ = 	snop  }
0x94: {  	[tilespmem:s12], [sflag:$0x1] =	stream.indirect_vreg.gather [hbm4b:s7+s2], $0x80, v3, vm1, $0xb8;
	[tilespmem:$0x1D500] =	vst v63  }
0x95: {  	v3 =	vld.msk [tilespmem:$0x30], $0xff;
	_ =	sdelay $0x4  }
0x96: {  	v60 =	vshrl.u32 v3, $0x3  }
0x97: {  	v4 =	vmul.u32 $0x48, v60  }
0x98: {  	v3 =	vand.u32 $0x7, v3  }
0x99: {  	v3 =	vor.u32 v3, v4  }
0x9a: {  	v3 =	vperm.xlane v3, v0;
	_ =	sdelay $0x1  }
0x9b: {  	v3 =	vadd.s32 v1, v3;
	_ =	sdelay $0x1  }
0x9c: {  	s0 =	sld [smem:$0x7ED];
	_ =	sdelay $0x1  }
0x9d: {  	s12 =	sld [smem:$0x7EE]  }
0x9e: {  	[tilespmem:s0], [sflag:$0x1] =	stream.indirect_vreg.gather [hbm4b:s3+s2], $0x80, v3, vm0, $0xb8;
	[tilespmem:$0x1D500] =	vst v63  }
0x9f: {  	s0 =	sld [smem:$0x7EF]  }
0xa0: {  	[tilespmem:s12], [sflag:$0x1] =	stream.indirect_vreg.gather [hbm4b:s4+s2], $0x80, v3, vm0, $0xb8;
	[tilespmem:$0x1D500] =	vst v63  }
0xa1: {  	s12 =	sld [smem:$0x7F0]  }
0xa2: {  	[tilespmem:s0], [sflag:$0x1] =	stream.indirect_vreg.gather [hbm4b:s5+s2], $0x80, v3, vm0, $0xb8;
	[tilespmem:$0x1D500] =	vst v63  }
0xa3: {  	s0 =	sld [smem:$0x7F1]  }
0xa4: {  	[tilespmem:s12], [sflag:$0x1] =	stream.indirect_vreg.gather [hbm4b:s6+s2], $0x80, v3, vm0, $0xb8;
	[tilespmem:$0x1D500] =	vst v63  }
0xa5: {  	_ = 	snop  }
0xa6: {  	[tilespmem:s0], [sflag:$0x1] =	stream.indirect_vreg.gather [hbm4b:s7+s2], $0x80, v3, vm1, $0xb8;
	[tilespmem:$0x1D500] =	vst v63  }
0xa7: {  	v3 =	vld [tilespmem:$0x80];
	_ =	sdelay $0x4  }
0xa8: {  	v61 =	vshrl.u32 v3, $0x3  }
0xa9: {  	v4 =	vmul.u32 $0x48, v61  }
0xaa: {  	v3 =	vand.u32 $0x7, v3  }
0xab: {  	v3 =	vor.u32 v3, v4  }
0xac: {  	v4 =	vperm.xlane v3, v0;
	_ =	sdelay $0x1  }
0xad: {  	v4 =	vadd.s32 v1, v4;
	_ =	sdelay $0x3  }
0xae: {  	s0 =	sld [smem:$0x7F2]  }
0xaf: {  	[tilespmem:s11], [sflag:$0x2] =	stream.indirect_vreg.gather [hbm4b:s3+s2], $0x80, v4, vm0, $0xb8;
	[tilespmem:$0x1D500] =	vst v63  }
0xb0: {  	s12 =	sld [smem:$0x7F3]  }
0xb1: {  	[tilespmem:s0], [sflag:$0x2] =	stream.indirect_vreg.gather [hbm4b:s4+s2], $0x80, v4, vm0, $0xb8;
	[tilespmem:$0x1D500] =	vst v63  }
0xb2: {  	v3 =	vperm.xlane v3, v2;
	s0 =	sld [smem:$0x7F4]  }
0xb3: {  	[tilespmem:s12], [sflag:$0x2] =	stream.indirect_vreg.gather [hbm4b:s5+s2], $0x80, v4, vm0, $0xb8;
	[tilespmem:$0x1D500] =	vst v63  }
0xb4: {  	v3 =	vadd.s32 v1, v3;
	s12 =	sld [smem:$0x7F5]  }
0xb5: {  	[tilespmem:s0], [sflag:$0x2] =	stream.indirect_vreg.gather [hbm4b:s6+s2], $0x80, v4, vm0, $0xb8;
	[tilespmem:$0x1D500] =	vst v63  }
0xb6: {  	s0 =	sld [smem:$0x7F6]  }
0xb7: {  	[tilespmem:s12], [sflag:$0x2] =	stream.indirect_vreg.gather [hbm4b:s7+s2], $0x80, v4, vm1, $0xb8;
	[tilespmem:$0x1D500] =	vst v63  }
0xb8: {  	s12 =	sld [smem:$0x7F7]  }
0xb9: {  	[tilespmem:s0], [sflag:$0x2] =	stream.indirect_vreg.gather [hbm4b:s3+s2], $0x80, v3, vm0, $0xb8;
	[tilespmem:$0x1D500] =	vst v63  }
0xba: {  	s0 =	sld [smem:$0x7F8]  }
0xbb: {  	[tilespmem:s12], [sflag:$0x2] =	stream.indirect_vreg.gather [hbm4b:s4+s2], $0x80, v3, vm0, $0xb8;
	[tilespmem:$0x1D500] =	vst v63  }
0xbc: {  	s12 =	sld [smem:$0x7F9]  }
0xbd: {  	[tilespmem:s0], [sflag:$0x2] =	stream.indirect_vreg.gather [hbm4b:s5+s2], $0x80, v3, vm0, $0xb8;
	[tilespmem:$0x1D500] =	vst v63  }
0xbe: {  	s0 =	sld [smem:$0x7FA]  }
0xbf: {  	[tilespmem:s12], [sflag:$0x2] =	stream.indirect_vreg.gather [hbm4b:s6+s2], $0x80, v3, vm0, $0xb8;
	[tilespmem:$0x1D500] =	vst v63  }
0xc0: {  	_ = 	snop  }
0xc1: {  	[tilespmem:s0], [sflag:$0x2] =	stream.indirect_vreg.gather [hbm4b:s7+s2], $0x80, v3, vm1, $0xb8;
	[tilespmem:$0x1D500] =	vst v63  }
0xc2: {  	v3 =	vld [tilespmem:$0x90];
	_ =	sdelay $0x4  }
0xc3: {  	v62 =	vshrl.u32 v3, $0x3  }
0xc4: {  	v4 =	vmul.u32 $0x48, v62  }
0xc5: {  	v3 =	vand.u32 $0x7, v3  }
0xc6: {  	v3 =	vor.u32 v3, v4  }
0xc7: {  	v4 =	vperm.xlane v3, v0;
	_ =	sdelay $0x1  }
0xc8: {  	v4 =	vadd.s32 v1, v4;
	_ =	sdelay $0x1  }
0xc9: {  	s0 =	sld [smem:$0x7FB];
	_ =	sdelay $0x1  }
0xca: {  	s12 =	sld [smem:$0x7FC]  }
0xcb: {  	[tilespmem:s0], [sflag:$0x2] =	stream.indirect_vreg.gather [hbm4b:s3+s2], $0x80, v4, vm0, $0xb8;
	[tilespmem:$0x1D500] =	vst v63  }
0xcc: {  	s0 =	sld [smem:$0x7FD]  }
0xcd: {  	[tilespmem:s12], [sflag:$0x2] =	stream.indirect_vreg.gather [hbm4b:s4+s2], $0x80, v4, vm0, $0xb8;
	[tilespmem:$0x1D500] =	vst v63  }
0xce: {  	v3 =	vperm.xlane v3, v2  }
0xcf: {  	[tilespmem:s0], [sflag:$0x2] =	stream.indirect_vreg.gather [hbm4b:s5+s2], $0x80, v4, vm0, $0xb8;
	[tilespmem:$0x1D500] =	vst v63  }
0xd0: {  	v3 =	vadd.s32 v1, v3;
	s12 =	simm.s32 $0x15D00  }
0xd1: {  	[tilespmem:s12], [sflag:$0x2] =	stream.indirect_vreg.gather [hbm4b:s6+s2], $0x80, v4, vm0, $0xb8;
	[tilespmem:$0x1D500] =	vst v63  }
0xd2: {  	_ = 	snop  }
0xd3: {  	[tilespmem:s13], [sflag:$0x2] =	stream.indirect_vreg.gather [hbm4b:s7+s2], $0x80, v4, vm1, $0xb8;
	[tilespmem:$0x1D500] =	vst v63  }
0xd4: {  	_ = 	snop  }
0xd5: {  	[tilespmem:s14], [sflag:$0x2] =	stream.indirect_vreg.gather [hbm4b:s3+s2], $0x80, v3, vm0, $0xb8;
	[tilespmem:$0x1D500] =	vst v63  }
0xd6: {  	_ = 	snop  }
0xd7: {  	[tilespmem:s15], [sflag:$0x2] =	stream.indirect_vreg.gather [hbm4b:s4+s2], $0x80, v3, vm0, $0xb8;
	[tilespmem:$0x1D500] =	vst v63  }
0xd8: {  	_ = 	snop  }
0xd9: {  	[tilespmem:s16], [sflag:$0x2] =	stream.indirect_vreg.gather [hbm4b:s5+s2], $0x80, v3, vm0, $0xb8;
	[tilespmem:$0x1D500] =	vst v63  }
0xda: {  	_ = 	snop  }
0xdb: {  	[tilespmem:s17], [sflag:$0x2] =	stream.indirect_vreg.gather [hbm4b:s6+s2], $0x80, v3, vm0, $0xb8;
	[tilespmem:$0x1D500] =	vst v63  }
0xdc: {  	_ = 	snop  }
0xdd: {  	[tilespmem:s18], [sflag:$0x2] =	stream.indirect_vreg.gather [hbm4b:s7+s2], $0x80, v3, vm1, $0xb8;
	[tilespmem:$0x1D500] =	vst v63  }
0xde: {  	v3 =	vld [tilespmem:$0xA0];
	_ =	sdelay $0x4  }
0xdf: {  	v63 =	vshrl.u32 v3, $0x3  }
0xe0: {  	v4 =	vmul.u32 $0x48, v63  }
0xe1: {  	v3 =	vand.u32 $0x7, v3  }
0xe2: {  	v3 =	vor.u32 v3, v4  }
0xe3: {  	v4 =	vperm.xlane v3, v0;
	_ =	sdelay $0x1  }
0xe4: {  	v4 =	vadd.s32 v1, v4;
	_ =	sdelay $0x4  }
0xe5: {  	[tilespmem:s19], [sflag:$0x2] =	stream.indirect_vreg.gather [hbm4b:s3+s2], $0x80, v4, vm0, $0xb8;
	[tilespmem:$0x1D500] =	vst v63  }
0xe6: {  	_ = 	snop  }
0xe7: {  	[tilespmem:s20], [sflag:$0x2] =	stream.indirect_vreg.gather [hbm4b:s4+s2], $0x80, v4, vm0, $0xb8;
	[tilespmem:$0x1D500] =	vst v63  }
0xe8: {  	v3 =	vperm.xlane v3, v2  }
0xe9: {  	[tilespmem:s21], [sflag:$0x2] =	stream.indirect_vreg.gather [hbm4b:s5+s2], $0x80, v4, vm0, $0xb8;
	[tilespmem:$0x1D500] =	vst v63  }
0xea: {  	v3 =	vadd.s32 v1, v3  }
0xeb: {  	[tilespmem:s22], [sflag:$0x2] =	stream.indirect_vreg.gather [hbm4b:s6+s2], $0x80, v4, vm0, $0xb8;
	[tilespmem:$0x1D500] =	vst v63  }
0xec: {  	_ = 	snop  }
0xed: {  	[tilespmem:s23], [sflag:$0x2] =	stream.indirect_vreg.gather [hbm4b:s7+s2], $0x80, v4, vm1, $0xb8;
	[tilespmem:$0x1D500] =	vst v63  }
0xee: {  	_ = 	snop  }
0xef: {  	[tilespmem:s24], [sflag:$0x2] =	stream.indirect_vreg.gather [hbm4b:s3+s2], $0x80, v3, vm0, $0xb8;
	[tilespmem:$0x1D500] =	vst v63  }
0xf0: {  	_ = 	snop  }
0xf1: {  	[tilespmem:s25], [sflag:$0x2] =	stream.indirect_vreg.gather [hbm4b:s4+s2], $0x80, v3, vm0, $0xb8;
	[tilespmem:$0x1D500] =	vst v63  }
0xf2: {  	_ = 	snop  }
0xf3: {  	[tilespmem:s26], [sflag:$0x2] =	stream.indirect_vreg.gather [hbm4b:s5+s2], $0x80, v3, vm0, $0xb8;
	[tilespmem:$0x1D500] =	vst v63  }
0xf4: {  	_ = 	snop  }
0xf5: {  	[tilespmem:s28], [sflag:$0x2] =	stream.indirect_vreg.gather [hbm4b:s6+s2], $0x80, v3, vm0, $0xb8;
	[tilespmem:$0x1D500] =	vst v63  }
0xf6: {  	_ = 	snop  }
0xf7: {  	[tilespmem:s29], [sflag:$0x2] =	stream.indirect_vreg.gather [hbm4b:s7+s2], $0x80, v3, vm1, $0xb8;
	[tilespmem:$0x1D500] =	vst v63  }
0xf8: {  	_ =	swait.ge [sflag:s30], $0xFC00  }
0xf9: {  	[sflag:s30] =	ssyncset.done $0x0  }
0xfa: {  	s12 =	rddreg [dreg:$0x4];
	[sflag:s30] =	ssyncadd.s32 $0xFFFF0400  }
0xfb: {  	[hbm4b:s12+s2] =	stream.linear.scatter [tilespmem:s10], [sflag:$0x3], $0xFC00, $0x38;
	[tilespmem:$0x1D500] =	vst v63  }
0xfc: {  	_ =	swait.ge [sflag:s31], $0xD800  }
0xfd: {  	[sflag:s31] =	ssyncset.done $0x0  }
0xfe: {  	s12 =	rddreg [dreg:$0x5];
	[sflag:s31] =	ssyncadd.s32 $0xFFFF2800  }
0xff: {  	[hbm4b:s12+s2] =	stream.linear.scatter [tilespmem:s11], [sflag:$0x3], $0xD800, $0x38;
	[tilespmem:$0x1D500] =	vst v63  }
0x100: {  	p0 =	sne.s32 s8, $0x1;
	_ =	swait.ge [sflag:s1], $0xFC00  }
.Ltmp0:
0x101: {  	[sflag:s1] =	ssyncset.done $0x0;
	(pc) =	sbr.rel @p0 .LBB2_1-.Ltmp0, $4  }
0x102: {  	[sflag:s1] =	ssyncadd.s32 $0xFFFF0400  }
0x103: {  	_ =	swait.ge [sflag:s1], $0xD800  }
0x104: {  	[sflag:s1] =	ssyncset.done $0x0  }
0x105: {  	s8 =	sadd.s32 $0xFFFFFFFF, s8;
	[sflag:s1] =	ssyncadd.s32 $0xFFFF2800  }
0x106: {  	_ =	sfence.sel $0x180000  }
0x107: {  	[bflag:$0x0] =	sbarrier.arrive $0xFFFF  }
0x108: {  	_ =	strace $0x90000053  }
0x109: {  	s0 =	stileid.u32;
	[bflag:$0x2] =	sbarrier.arrive $0xFFFF  }
0x10a: {  	p0 =	sne.s32 s0, $0x0;
	s0 =	rddreg [dreg:$0x1]  }
0x10b: {  	s0 =	sadd.s32 @!p0 $0x100000, s0  }
0x10c: {  	[sflag:s0] =	ssyncadd.tile.s32 @!p0 $0x1;
	_ =	shalt  }
.Lfunc_end2:
_tile_overlayer_lowered:
.L_overlay_start_2:
0x10d: {  	(tag) =	ssettag $0x2  }
0x10e: {  	s0 =	rddreg [dreg:$0x0];
	s2 =	stileid.u32  }
0x10f: {  	s1 =	rddreg [dreg:$0x1];
	p0 =	sne.s32 s2, $0x0  }
0x110: {  	s3 =	rddreg [dreg:$0x2];
	[bflag:$0x3] =	sbarrier.arrive $0xFFFF;
	s2 =	simm.s32 @!p0 $0x1C04  }
0x111: {  	[timem:s3], [sflag:s2] =	dma.local @!p0 [hbm:s0], s1  }
0x112: {  	s0 =	simm.s32 @!p0 $0x4  }
0x113: {  	_ =	swait.ge @!p0 [sflag:s0], s1  }
0x114: {  	s1 =	ssub.s32 @!p0 $0x0, s1;
	[sflag:s0] =	ssyncset.done @!p0 $0x0  }
0x115: {  	[sflag:s0] =	ssyncadd.s32 @!p0 s1  }
0x116: {  	[bflag:$0x3] =	sbarrier.arrive $0xFFFF  }
0x117: {  	_ =	shalt  }

</sc_bundles>
